<compile_context>
chip_gen: v7x
topology: tpu7x:2x2x1
jax: 0.10.2.dev20260603
libtpu: 0.0.44.dev20260713+nightly
codegen_flags: <defaults>
</compile_context>

<pallas_src>
import functools

import jax
import jax.numpy as jnp
from jax import lax
from jax.experimental import pallas as pl
from jax.experimental.pallas import tpu as pltpu
from jax.experimental.pallas import tpu_sc as plsc

N = 50000
E = 800000
G = 16
D_IN = 128
D_H = 64
D_NODE = 6
D_GLOBAL = 4

DUMP = 176
TROWS = N + DUMP
EPAD = 819200
CHUNK = 320
GSZ = 8 * CHUNK
NITER = (EPAD // 16) // (8 * CHUNK)
ZROWS = TROWS // 16
OROWS = 3128

def _sc_mesh():
    return plsc.VectorSubcoreMesh(core_axis_name="c", subcore_axis_name="s",
                                  num_cores=2, num_subcores=16)


@functools.cache
def _deg_kernel():
    @functools.partial(
        pl.kernel,
        mesh=_sc_mesh(),
        compiler_params=pltpu.CompilerParams(use_tc_tiling_on_sc=False),
        out_type=jax.ShapeDtypeStruct((2, N, 8), jnp.float32),
        scratch_types=[
            pltpu.VMEM((1024,), jnp.int32),
            pltpu.VMEM((1024, 8), jnp.float32),
            pltpu.VMEM_SHARED((TROWS, 8), jnp.float32),
        ],
    )
    def deg(dst_hbm, ones_hbm, z8_hbm, out_hbm, didx, ones_v, table):
        c = lax.axis_index("c")
        s = lax.axis_index("s")
        pltpu.sync_copy(z8_hbm, table.at[pl.ds(s * ZROWS, ZROWS)])
        pltpu.sync_copy(ones_hbm, ones_v)
        plsc.subcore_barrier()

        def chunk(k, carry):
            eb = c * (EPAD // 2) + s * (EPAD // 32) + k * 1024
            pltpu.sync_copy(dst_hbm.at[pl.ds(eb, 1024)], didx)
            pltpu.sync_copy(ones_v, table.at[didx], add=True)
            return carry

        lax.fori_loop(0, 25, chunk, 0)
        plsc.subcore_barrier()
        off = pl.multiple_of(jnp.minimum(s * OROWS, N - OROWS), 8)
        pltpu.sync_copy(table.at[pl.ds(off, OROWS)],
                        out_hbm.at[c, pl.ds(off, OROWS)])

    return deg


@functools.cache
def _scatter_kernel():
    @functools.partial(
        pl.kernel,
        mesh=_sc_mesh(),
        compiler_params=pltpu.CompilerParams(use_tc_tiling_on_sc=False),
        out_type=jax.ShapeDtypeStruct((2, N, 32), jnp.float32),
        scratch_types=[
            pltpu.VMEM((GSZ,), jnp.int32),
            pltpu.VMEM((GSZ,), jnp.int32),
            pltpu.VMEM((CHUNK, 32), jnp.float32),
            pltpu.VMEM((CHUNK, 32), jnp.float32),
            pltpu.VMEM_SHARED((TROWS, 32), jnp.float32),
            pltpu.SemaphoreType.DMA,
            pltpu.SemaphoreType.DMA,
            pltpu.SemaphoreType.DMA,
            pltpu.SemaphoreType.DMA,
        ],
    )
    def scatter(u_hbm, sd_hbm, z32_hbm, out_hbm,
                sdA, sdB, rows0, rows1, table, semA, semB, sem0, sem1):
        c = lax.axis_index("c")
        s = lax.axis_index("s")
        sdbase = c * (2 * EPAD) + s * (2 * (EPAD // 16))
        rows = (rows0, rows1)
        gsem = (sem0, sem1)

        def sidx(buf, q):
            return buf.at[pl.ds(q * 2 * CHUNK, CHUNK)]

        def didx(buf, q):
            return buf.at[pl.ds(q * 2 * CHUNK + CHUNK, CHUNK)]

        pltpu.sync_copy(sd_hbm.at[pl.ds(sdbase, GSZ)], sdA)
        pltpu.async_copy(u_hbm.at[sidx(sdA, 0)], rows0, sem0)
        pltpu.sync_copy(z32_hbm, table.at[pl.ds(s * ZROWS, ZROWS)])
        plsc.subcore_barrier()

        def iter_body(t, carry):
            goff = sdbase + t * 2 * GSZ
            pltpu.async_copy(sd_hbm.at[pl.ds(goff + GSZ, GSZ)], sdB, semB)
            for q in range(4):
                slot, nslot = q % 2, (q + 1) % 2
                if q < 3:
                    pltpu.async_copy(u_hbm.at[sidx(sdA, q + 1)],
                                     rows[nslot], gsem[nslot])
                else:
                    pltpu.make_async_copy(
                        sd_hbm.at[pl.ds(goff + GSZ, GSZ)], sdB, semB).wait()
                    pltpu.async_copy(u_hbm.at[sidx(sdB, 0)],
                                     rows[nslot], gsem[nslot])
                pltpu.make_async_copy(u_hbm.at[sidx(sdA, q)],
                                      rows[slot], gsem[slot]).wait()
                pltpu.sync_copy(rows[slot], table.at[didx(sdA, q)], add=True)

            @pl.when(t < NITER - 1)
            def _():
                pltpu.async_copy(sd_hbm.at[pl.ds(goff + 2 * GSZ, GSZ)],
                                 sdA, semA)

            for q in range(4):
                slot, nslot = q % 2, (q + 1) % 2
                if q < 3:
                    pltpu.async_copy(u_hbm.at[sidx(sdB, q + 1)],
                                     rows[nslot], gsem[nslot])
                else:
                    @pl.when(t < NITER - 1)
                    def _():
                        pltpu.make_async_copy(
                            sd_hbm.at[pl.ds(goff + 2 * GSZ, GSZ)],
                            sdA, semA).wait()
                        pltpu.async_copy(u_hbm.at[sidx(sdA, 0)],
                                         rows[nslot], gsem[nslot])
                pltpu.make_async_copy(u_hbm.at[sidx(sdB, q)],
                                      rows[slot], gsem[slot]).wait()
                pltpu.sync_copy(rows[slot], table.at[didx(sdB, q)], add=True)
            return carry

        lax.fori_loop(0, NITER, iter_body, 0)
        plsc.subcore_barrier()
        off = pl.multiple_of(jnp.minimum(s * OROWS, N - OROWS), 8)
        pltpu.sync_copy(table.at[pl.ds(off, OROWS)],
                        out_hbm.at[c, pl.ds(off, OROWS)])

    return scatter


BLK = 400
GRID = N // BLK


def _prep_body(x_ref, dp_ref, we_ref, be_ref, w0_ref, u_ref, dis_ref):
    deg = 1.0 + dp_ref[0][:, 0:1] + dp_ref[1][:, 0:1]
    dis = lax.rsqrt(deg)
    h = jnp.maximum(
        jnp.dot(x_ref[...], we_ref[...], preferred_element_type=jnp.float32)
        + be_ref[...], 0.0)
    un = dis * jnp.dot(h, w0_ref[...], preferred_element_type=jnp.float32)
    u_ref[0] = un[:, :32]
    u_ref[1] = un[:, 32:]
    dis_ref[...] = dis


def _tc_prep(x, degp, W_enc, be, Wc0):
    return pl.pallas_call(
        _prep_body,
        grid=(GRID,),
        in_specs=[
            pl.BlockSpec((BLK, D_IN), lambda i: (i, 0)),
            pl.BlockSpec((2, BLK, 8), lambda i: (0, i, 0)),
            pl.BlockSpec((D_IN, D_H), lambda i: (0, 0)),
            pl.BlockSpec((1, D_H), lambda i: (0, 0)),
            pl.BlockSpec((D_H, D_H), lambda i: (0, 0)),
        ],
        out_specs=[
            pl.BlockSpec((2, BLK, 32), lambda i: (0, i, 0)),
            pl.BlockSpec((BLK, 1), lambda i: (i, 0)),
        ],
        out_shape=[
            jax.ShapeDtypeStruct((2, N, 32), jnp.float32),
            jax.ShapeDtypeStruct((N, 1), jnp.float32),
        ],
    )(x, degp, W_enc, be, Wc0)


def _layer_body(a_ref, u_ref, dis_ref, b_ref, w_ref, un_ref):
    su = jnp.concatenate([a_ref[0] + u_ref[0], a_ref[1] + u_ref[1]], axis=1)
    dis = dis_ref[...]
    h = jnp.maximum(dis * su + b_ref[...], 0.0)
    un = dis * jnp.dot(h, w_ref[...], preferred_element_type=jnp.float32)
    un_ref[0] = un[:, :32]
    un_ref[1] = un[:, 32:]


def _tc_layer(a, u, dis, b_prev, W_next):
    return pl.pallas_call(
        _layer_body,
        grid=(GRID,),
        in_specs=[
            pl.BlockSpec((2, BLK, 32), lambda i: (0, i, 0)),
            pl.BlockSpec((2, BLK, 32), lambda i: (0, i, 0)),
            pl.BlockSpec((BLK, 1), lambda i: (i, 0)),
            pl.BlockSpec((1, D_H), lambda i: (0, 0)),
            pl.BlockSpec((D_H, D_H), lambda i: (0, 0)),
        ],
        out_specs=pl.BlockSpec((2, BLK, 32), lambda i: (0, i, 0)),
        out_shape=jax.ShapeDtypeStruct((2, N, 32), jnp.float32),
    )(a, u, dis, b_prev, W_next)


def _final_body(a_ref, u_ref, dis_ref, b_ref, wn_ref, bn_ref, batch_ref,
                wg1_ref, bg1_ref, wg2_ref, bg2_ref, pn_ref, pg_ref,
                sums, counts):
    i = pl.program_id(0)
    su = jnp.concatenate([a_ref[0] + u_ref[0], a_ref[1] + u_ref[1]], axis=1)
    dis = dis_ref[...]
    h = jnp.maximum(dis * su + b_ref[...], 0.0)
    pn_ref[...] = (jnp.dot(h, wn_ref[...], preferred_element_type=jnp.float32)
                   + bn_ref[...])
    onehot = (batch_ref[...] ==
              lax.broadcasted_iota(jnp.int32, (BLK, G), 1)).astype(jnp.float32)
    s_inc = lax.dot_general(onehot, h, (((0,), (0,)), ((), ())),
                            preferred_element_type=jnp.float32)
    c_inc = lax.dot_general(onehot, jnp.ones((BLK, 1), jnp.float32),
                            (((0,), (0,)), ((), ())),
                            preferred_element_type=jnp.float32)

    @pl.when(i == 0)
    def _():
        sums[...] = jnp.zeros_like(sums)
        counts[...] = jnp.zeros_like(counts)

    sums[...] += s_inc
    counts[...] += c_inc

    @pl.when(i == GRID - 1)
    def _():
        emb = sums[...] / jnp.maximum(counts[...], 1.0)
        g = jnp.maximum(
            jnp.dot(emb, wg1_ref[...], preferred_element_type=jnp.float32)
            + bg1_ref[...], 0.0)
        pg_ref[...] = (jnp.dot(g, wg2_ref[...],
                               preferred_element_type=jnp.float32)
                       + bg2_ref[...])


def _tc_final(a, u, dis, b3, W_node, bn, batch2d, Wg1, bg1r, Wg2, bg2r):
    return pl.pallas_call(
        _final_body,
        grid=(GRID,),
        in_specs=[
            pl.BlockSpec((2, BLK, 32), lambda i: (0, i, 0)),
            pl.BlockSpec((2, BLK, 32), lambda i: (0, i, 0)),
            pl.BlockSpec((BLK, 1), lambda i: (i, 0)),
            pl.BlockSpec((1, D_H), lambda i: (0, 0)),
            pl.BlockSpec((D_H, D_NODE), lambda i: (0, 0)),
            pl.BlockSpec((1, D_NODE), lambda i: (0, 0)),
            pl.BlockSpec((BLK, 1), lambda i: (i, 0)),
            pl.BlockSpec((D_H, D_H), lambda i: (0, 0)),
            pl.BlockSpec((1, D_H), lambda i: (0, 0)),
            pl.BlockSpec((D_H, D_GLOBAL), lambda i: (0, 0)),
            pl.BlockSpec((1, D_GLOBAL), lambda i: (0, 0)),
        ],
        out_specs=[
            pl.BlockSpec((BLK, D_NODE), lambda i: (i, 0)),
            pl.BlockSpec((G, D_GLOBAL), lambda i: (0, 0)),
        ],
        out_shape=[
            jax.ShapeDtypeStruct((N, D_NODE), jnp.float32),
            jax.ShapeDtypeStruct((G, D_GLOBAL), jnp.float32),
        ],
        scratch_shapes=[
            pltpu.VMEM((G, D_H), jnp.float32),
            pltpu.VMEM((G, 1), jnp.float32),
        ],
    )(a, u, dis, b3, W_node, bn, batch2d, Wg1, bg1r, Wg2, bg2r)


def kernel(x, edge_index, batch, W_enc, b_enc, Wc0, bc0, Wc1, bc1, Wc2, bc2,
           Wc3, bc3, W_node, b_node, Wg1, bg1, Wg2, bg2):
    f32 = jnp.float32
    src = edge_index[0]
    dst = edge_index[1]
    pad = EPAD - E
    srcp = jnp.concatenate([src, jnp.zeros((pad,), jnp.int32)])
    dstp = jnp.concatenate(
        [dst, N + (jnp.arange(pad, dtype=jnp.int32) % DUMP)])
    s4 = srcp.reshape(16, NITER * 2, 4, 1, CHUNK)
    d4 = dstp.reshape(16, NITER * 2, 4, 1, CHUNK)
    sd_all = jnp.concatenate([
        jnp.concatenate([s4, d4], axis=3).reshape(-1),
        jnp.concatenate([s4 + N, d4], axis=3).reshape(-1)])
    dst1d = dstp
    ones8 = jnp.ones((1024, 8), f32)
    z8 = jnp.zeros((ZROWS, 8), f32)
    z32 = jnp.zeros((ZROWS, 32), f32)
    batch2d = batch.reshape(N, 1)
    be = b_enc.reshape(1, D_H)
    b0 = bc0.reshape(1, D_H)
    b1 = bc1.reshape(1, D_H)
    b2 = bc2.reshape(1, D_H)
    b3 = bc3.reshape(1, D_H)
    bn = b_node.reshape(1, D_NODE)
    bg1r = bg1.reshape(1, D_H)
    bg2r = bg2.reshape(1, D_GLOBAL)

    degp = _deg_kernel()(dst1d, ones8, z8)
    u, dis = _tc_prep(x, degp, W_enc, be, Wc0)
    a = _scatter_kernel()(u.reshape(2 * N, 32), sd_all, z32)
    u = _tc_layer(a, u, dis, b0, Wc1)
    a = _scatter_kernel()(u.reshape(2 * N, 32), sd_all, z32)
    u = _tc_layer(a, u, dis, b1, Wc2)
    a = _scatter_kernel()(u.reshape(2 * N, 32), sd_all, z32)
    u = _tc_layer(a, u, dis, b2, Wc3)
    a = _scatter_kernel()(u.reshape(2 * N, 32), sd_all, z32)
    pred_node, pred_global = _tc_final(a, u, dis, b3, W_node, bn, batch2d,
                                       Wg1, bg1r, Wg2, bg2r)
    return (pred_node, pred_global)

# --- scband reference (transcript-rebuilt; emitter-appended) ---
"""Pipeline reference for scband-fallback-surrogate-gnn-73873437491768 (READ-ONLY COPY).

The authoritative reference and input builder live on the scoring server;
editing this copy changes nothing except your own understanding.
"""

import jax, jax.numpy as jnp
import numpy as np

N = 50000
E = 800000
NUM_GRAPHS = 16
D_IN = 128
D_H = 64
D_NODE = 6
D_GLOBAL = 4


def setup_inputs(seed: int = 0) -> dict:
    key = jax.random.key(seed)
    ks = jax.random.split(key, 20)
    x = jax.random.normal(ks[0], (N, D_IN), dtype=jnp.float32)
    edge_index = jax.random.randint(ks[1], (2, E), 0, N, dtype=jnp.int32)
    batch = jnp.sort(jax.random.randint(ks[2], (N,), 0, NUM_GRAPHS, dtype=jnp.int32))
    def lin(k, fan_in, fan_out):
        s = 1.0 / np.sqrt(fan_in)
        return jax.random.uniform(k, (fan_in, fan_out), jnp.float32, -s, s)
    inp = {
        'x': x,
        'edge_index': edge_index,
        'batch': batch,
        'W_enc': lin(ks[3], D_IN, D_H),
        'b_enc': jnp.zeros((D_H,), jnp.float32),
        'Wc0': lin(ks[4], D_H, D_H), 'bc0': jnp.zeros((D_H,), jnp.float32),
        'Wc1': lin(ks[5], D_H, D_H), 'bc1': jnp.zeros((D_H,), jnp.float32),
        'Wc2': lin(ks[6], D_H, D_H), 'bc2': jnp.zeros((D_H,), jnp.float32),
        'Wc3': lin(ks[7], D_H, D_H), 'bc3': jnp.zeros((D_H,), jnp.float32),
        'W_node': lin(ks[8], D_H, D_NODE), 'b_node': jnp.zeros((D_NODE,), jnp.float32),
        'Wg1': lin(ks[9], D_H, D_H), 'bg1': jnp.zeros((D_H,), jnp.float32),
        'Wg2': lin(ks[10], D_H, D_GLOBAL), 'bg2': jnp.zeros((D_GLOBAL,), jnp.float32),
    }
    return inp


def _gcn_conv(h, src, dst, W, b):
    # PyG GCNConv with add_self_loops=True, symmetric normalization
    n = h.shape[0]
    loop = jnp.arange(n, dtype=src.dtype)
    s = jnp.concatenate([src, loop])
    d = jnp.concatenate([dst, loop])
    deg = jnp.zeros((n,), h.dtype).at[d].add(1.0)
    deg_inv_sqrt = jnp.where(deg > 0, jax.lax.rsqrt(jnp.maximum(deg, 1e-12)), 0.0)
    norm = deg_inv_sqrt[s] * deg_inv_sqrt[d]
    hw = h @ W
    msg = hw[s] * norm[:, None]
    out = jnp.zeros_like(hw).at[d].add(msg)
    return out + b


def reference(x, edge_index, batch, W_enc, b_enc, Wc0, bc0, Wc1, bc1, Wc2, bc2, Wc3, bc3, W_node, b_node, Wg1, bg1, Wg2, bg2):
    src, dst = edge_index[0], edge_index[1]
    h = jax.nn.relu(x @ W_enc + b_enc)
    for W, b in ((Wc0, bc0), (Wc1, bc1), (Wc2, bc2), (Wc3, bc3)):
        h = jax.nn.relu(_gcn_conv(h, src, dst, W, b))
    pred_node = h @ W_node + b_node
    sums = jax.ops.segment_sum(h, batch, num_segments=NUM_GRAPHS)
    counts = jax.ops.segment_sum(jnp.ones((h.shape[0], 1), h.dtype), batch, num_segments=NUM_GRAPHS)
    graph_emb = sums / jnp.maximum(counts, 1.0)
    g = jax.nn.relu(graph_emb @ Wg1 + bg1)
    pred_global = g @ Wg2 + bg2
    return (pred_node, pred_global)

if __name__ == "__main__":
    import jax
    _d = setup_inputs()
    print(jax.jit(kernel)(*tuple(_d.values())))

</pallas_src>

<mosaic_0001>
#map = affine_map<(d0, d1) -> (0, 0)>
#map1 = affine_map<(d0, d1) -> (0)>
#map2 = affine_map<(d0, d1) -> (0, 0, 0)>
module attributes {stable_mosaic.version = 14 : i64} {
  func.func @scatter(%arg0: i32, %arg1: i32, %arg2: memref<100000x32xf32, #tpu.memory_space<hbm>>, %arg3: memref<3276800xi32, #tpu.memory_space<hbm>>, %arg4: memref<3136x32xf32, #tpu.memory_space<hbm>>, %arg5: memref<2x50000x32xf32, #tpu.memory_space<hbm>>, %arg6: memref<2560xi32, #tpu.memory_space<vmem>>, %arg7: memref<2560xi32, #tpu.memory_space<vmem>>, %arg8: memref<320x32xf32, #tpu.memory_space<vmem>>, %arg9: memref<320x32xf32, #tpu.memory_space<vmem>>, %arg10: memref<50176x32xf32, #tpu.memory_space<vmem_shared>>, %arg11: memref<!tpu.dma_semaphore, #tpu.memory_space<semaphore_mem>>, %arg12: memref<!tpu.dma_semaphore, #tpu.memory_space<semaphore_mem>>, %arg13: memref<!tpu.dma_semaphore, #tpu.memory_space<semaphore_mem>>, %arg14: memref<!tpu.dma_semaphore, #tpu.memory_space<semaphore_mem>>) attributes {dimension_semantics = [#tpu.dimension_semantics<core_parallel>, #tpu.dimension_semantics<subcore_parallel>], iteration_bounds = array<i64: 2, 16>, scalar_prefetch = 0 : i64, scratch_operands = 9 : i64, tpu.core_type = #tpu.core_type<sc_vector_subcore>, window_params = [{transform_indices = #map}, {transform_indices = #map1}, {transform_indices = #map}, {transform_indices = #map2}]} {
    %mul3A = arith.constant 1638400 : i32
    %mul3A_0 = arith.muli %arg0, %mul3A : i32
    %mul3A_1 = arith.constant 102400 : i32
    %mul3A_2 = arith.muli %arg1, %mul3A_1 : i32
    %add3A = arith.addi %mul3A_0, %mul3A_2 : i32
    "tpu.region"() ({
      %run_scoped3A = tpu.sem_alloc : memref<!tpu.dma_semaphore, #tpu.memory_space<semaphore_mem>>
      %dma_start3A_18 = tpu.memref_slice %arg3[%add3A] : memref<3276800xi32, #tpu.memory_space<hbm>> -> memref<2560xi32, #tpu.memory_space<hbm>>
      %dma_start3A_19 = tpu.memref_slice %arg3[%add3A] : memref<3276800xi32, #tpu.memory_space<hbm>> -> memref<2560xi32, #tpu.memory_space<hbm>>
      tpu.enqueue_dma source(%dma_start3A_19 : memref<2560xi32, #tpu.memory_space<hbm>>) target(%arg6 : memref<2560xi32, #tpu.memory_space<vmem>>) target_semaphore(%run_scoped3A : memref<!tpu.dma_semaphore, #tpu.memory_space<semaphore_mem>>)
      %dma_wait3A = tpu.memref_slice %arg3[%add3A] : memref<3276800xi32, #tpu.memory_space<hbm>> -> memref<2560xi32, #tpu.memory_space<hbm>>
      %dma_wait3A_20 = tpu.memref_slice %arg3[%add3A] : memref<3276800xi32, #tpu.memory_space<hbm>> -> memref<2560xi32, #tpu.memory_space<hbm>>
      tpu.wait_dma2 semaphore(%run_scoped3A : memref<!tpu.dma_semaphore, #tpu.memory_space<semaphore_mem>>) src(%dma_wait3A_20 : memref<2560xi32, #tpu.memory_space<hbm>>) dst(%arg6 : memref<2560xi32, #tpu.memory_space<vmem>>)
      tpu.yield
    }) : () -> ()
    %dma_start3A = arith.constant 0 : i32
    %dma_start3A_3 = tpu.memref_slice %arg6[%dma_start3A] : memref<2560xi32, #tpu.memory_space<vmem>> -> memref<320xi32, #tpu.memory_space<vmem>>
    %dma_start3A_4 = arith.constant 0 : i32
    %dma_start3A_5 = arith.constant 0 : i32
    %dma_start3A_6 = tpu.memref_slice %arg2[%dma_start3A_4, %dma_start3A_5] : memref<100000x32xf32, #tpu.memory_space<hbm>> -> memref<100000x32xf32, #tpu.memory_space<hbm>>
    tpu.enqueue_indirect_dma source(%dma_start3A_6 : memref<100000x32xf32, #tpu.memory_space<hbm>>) target(%arg8 : memref<320x32xf32, #tpu.memory_space<vmem>>) offsets(%dma_start3A_3 : memref<320xi32, #tpu.memory_space<vmem>>) semaphore(%arg13 : memref<!tpu.dma_semaphore, #tpu.memory_space<semaphore_mem>>)
    %mul3A_7 = arith.constant 3136 : i32
    %mul3A_8 = arith.muli %arg1, %mul3A_7 : i32
    "tpu.region"() ({
      %run_scoped3A = tpu.sem_alloc : memref<!tpu.dma_semaphore, #tpu.memory_space<semaphore_mem>>
      %dma_start3A_18 = arith.constant 0 : i32
      %dma_start3A_19 = tpu.memref_slice %arg10[%mul3A_8, %dma_start3A_18] : memref<50176x32xf32, #tpu.memory_space<vmem_shared>> -> memref<3136x32xf32, #tpu.memory_space<vmem_shared>>
      tpu.enqueue_dma source(%arg4 : memref<3136x32xf32, #tpu.memory_space<hbm>>) target(%dma_start3A_19 : memref<3136x32xf32, #tpu.memory_space<vmem_shared>>) target_semaphore(%run_scoped3A : memref<!tpu.dma_semaphore, #tpu.memory_space<semaphore_mem>>)
      %dma_wait3A = arith.constant 0 : i32
      %dma_wait3A_20 = tpu.memref_slice %arg10[%mul3A_8, %dma_wait3A] : memref<50176x32xf32, #tpu.memory_space<vmem_shared>> -> memref<3136x32xf32, #tpu.memory_space<vmem_shared>>
      tpu.wait_dma2 semaphore(%run_scoped3A : memref<!tpu.dma_semaphore, #tpu.memory_space<semaphore_mem>>) src(%arg4 : memref<3136x32xf32, #tpu.memory_space<hbm>>) dst(%dma_wait3A_20 : memref<3136x32xf32, #tpu.memory_space<vmem_shared>>)
      tpu.yield
    }) : () -> ()
    %barrier3A = arith.constant 0 : index
    tpu.barrier barrier_id(%barrier3A)
    %scan3A = arith.constant 0 : i32
    %scan3A_9 = arith.constant 0 : i32
    %scan3A_10 = arith.constant 20 : i32
    %scan3A_11 = arith.addi %scan3A_9, %scan3A_10 : i32
    %scan3A_12 = arith.constant 1 : i32
    scf.for %scan3A_18 = %scan3A_9 to %scan3A_11 step %scan3A_12  : i32 {
      %mul3A_19 = arith.constant 2 : i32
      %mul3A_20 = arith.muli %scan3A_18, %mul3A_19 : i32
      %mul3A_21 = arith.constant 2560 : i32
      %mul3A_22 = arith.muli %mul3A_20, %mul3A_21 : i32
      %add3A_23 = arith.addi %add3A, %mul3A_22 : i32
      %add3A_24 = arith.constant 2560 : i32
      %add3A_25 = arith.addi %add3A_23, %add3A_24 : i32
      %dma_start3A_26 = tpu.memref_slice %arg3[%add3A_25] : memref<3276800xi32, #tpu.memory_space<hbm>> -> memref<2560xi32, #tpu.memory_space<hbm>>
      %dma_start3A_27 = tpu.memref_slice %arg3[%add3A_25] : memref<3276800xi32, #tpu.memory_space<hbm>> -> memref<2560xi32, #tpu.memory_space<hbm>>
      tpu.enqueue_dma source(%dma_start3A_27 : memref<2560xi32, #tpu.memory_space<hbm>>) target(%arg7 : memref<2560xi32, #tpu.memory_space<vmem>>) target_semaphore(%arg12 : memref<!tpu.dma_semaphore, #tpu.memory_space<semaphore_mem>>)
      %dma_start3A_28 = arith.constant 640 : i32
      %dma_start3A_29 = tpu.memref_slice %arg6[%dma_start3A_28] : memref<2560xi32, #tpu.memory_space<vmem>> -> memref<320xi32, #tpu.memory_space<vmem>>
      %dma_start3A_30 = arith.constant 0 : i32
      %dma_start3A_31 = arith.constant 0 : i32
      %dma_start3A_32 = tpu.memref_slice %arg2[%dma_start3A_30, %dma_start3A_31] : memref<100000x32xf32, #tpu.memory_space<hbm>> -> memref<100000x32xf32, #tpu.memory_space<hbm>>
      tpu.enqueue_indirect_dma source(%dma_start3A_32 : memref<100000x32xf32, #tpu.memory_space<hbm>>) target(%arg9 : memref<320x32xf32, #tpu.memory_space<vmem>>) offsets(%dma_start3A_29 : memref<320xi32, #tpu.memory_space<vmem>>) semaphore(%arg14 : memref<!tpu.dma_semaphore, #tpu.memory_space<semaphore_mem>>)
      %dma_wait3A = arith.constant 0 : i32
      %dma_wait3A_33 = tpu.memref_slice %arg6[%dma_wait3A] : memref<2560xi32, #tpu.memory_space<vmem>> -> memref<320xi32, #tpu.memory_space<vmem>>
      %dma_wait3A_34 = arith.constant 0 : i32
      %dma_wait3A_35 = arith.constant 0 : i32
      %dma_wait3A_36 = tpu.memref_slice %arg2[%dma_wait3A_34, %dma_wait3A_35] : memref<100000x32xf32, #tpu.memory_space<hbm>> -> memref<100000x32xf32, #tpu.memory_space<hbm>>
      tpu.wait_indirect_dma semaphore(%arg13 : memref<!tpu.dma_semaphore, #tpu.memory_space<semaphore_mem>>) src(%dma_wait3A_36 : memref<100000x32xf32, #tpu.memory_space<hbm>>) dst(%arg8 : memref<320x32xf32, #tpu.memory_space<vmem>>)
      "tpu.region"() ({
        %run_scoped3A = tpu.sem_alloc : memref<!tpu.dma_semaphore, #tpu.memory_space<semaphore_mem>>
        %dma_start3A_113 = arith.constant 320 : i32
        %dma_start3A_114 = tpu.memref_slice %arg6[%dma_start3A_113] : memref<2560xi32, #tpu.memory_space<vmem>> -> memref<320xi32, #tpu.memory_space<vmem>>
        %dma_start3A_115 = arith.constant 0 : i32
        %dma_start3A_116 = arith.constant 0 : i32
        %dma_start3A_117 = tpu.memref_slice %arg10[%dma_start3A_115, %dma_start3A_116] : memref<50176x32xf32, #tpu.memory_space<vmem_shared>> -> memref<50176x32xf32, #tpu.memory_space<vmem_shared>>
        tpu.enqueue_indirect_dma source(%arg8 : memref<320x32xf32, #tpu.memory_space<vmem>>) target(%dma_start3A_117 : memref<50176x32xf32, #tpu.memory_space<vmem_shared>>) offsets(%dma_start3A_114 : memref<320xi32, #tpu.memory_space<vmem>>) semaphore(%run_scoped3A : memref<!tpu.dma_semaphore, #tpu.memory_space<semaphore_mem>>) {add = true}
        %dma_wait3A_118 = arith.constant 320 : i32
        %dma_wait3A_119 = tpu.memref_slice %arg6[%dma_wait3A_118] : memref<2560xi32, #tpu.memory_space<vmem>> -> memref<320xi32, #tpu.memory_space<vmem>>
        %dma_wait3A_120 = arith.constant 0 : i32
        %dma_wait3A_121 = arith.constant 0 : i32
        %dma_wait3A_122 = tpu.memref_slice %arg10[%dma_wait3A_120, %dma_wait3A_121] : memref<50176x32xf32, #tpu.memory_space<vmem_shared>> -> memref<50176x32xf32, #tpu.memory_space<vmem_shared>>
        tpu.wait_indirect_dma semaphore(%run_scoped3A : memref<!tpu.dma_semaphore, #tpu.memory_space<semaphore_mem>>) src(%arg8 : memref<320x32xf32, #tpu.memory_space<vmem>>) dst(%dma_wait3A_122 : memref<50176x32xf32, #tpu.memory_space<vmem_shared>>)
        tpu.yield
      }) : () -> ()
      %dma_start3A_37 = arith.constant 1280 : i32
      %dma_start3A_38 = tpu.memref_slice %arg6[%dma_start3A_37] : memref<2560xi32, #tpu.memory_space<vmem>> -> memref<320xi32, #tpu.memory_space<vmem>>
      %dma_start3A_39 = arith.constant 0 : i32
      %dma_start3A_40 = arith.constant 0 : i32
      %dma_start3A_41 = tpu.memref_slice %arg2[%dma_start3A_39, %dma_start3A_40] : memref<100000x32xf32, #tpu.memory_space<hbm>> -> memref<100000x32xf32, #tpu.memory_space<hbm>>
      tpu.enqueue_indirect_dma source(%dma_start3A_41 : memref<100000x32xf32, #tpu.memory_space<hbm>>) target(%arg8 : memref<320x32xf32, #tpu.memory_space<vmem>>) offsets(%dma_start3A_38 : memref<320xi32, #tpu.memory_space<vmem>>) semaphore(%arg13 : memref<!tpu.dma_semaphore, #tpu.memory_space<semaphore_mem>>)
      %dma_wait3A_42 = arith.constant 640 : i32
      %dma_wait3A_43 = tpu.memref_slice %arg6[%dma_wait3A_42] : memref<2560xi32, #tpu.memory_space<vmem>> -> memref<320xi32, #tpu.memory_space<vmem>>
      %dma_wait3A_44 = arith.constant 0 : i32
      %dma_wait3A_45 = arith.constant 0 : i32
      %dma_wait3A_46 = tpu.memref_slice %arg2[%dma_wait3A_44, %dma_wait3A_45] : memref<100000x32xf32, #tpu.memory_space<hbm>> -> memref<100000x32xf32, #tpu.memory_space<hbm>>
      tpu.wait_indirect_dma semaphore(%arg14 : memref<!tpu.dma_semaphore, #tpu.memory_space<semaphore_mem>>) src(%dma_wait3A_46 : memref<100000x32xf32, #tpu.memory_space<hbm>>) dst(%arg9 : memref<320x32xf32, #tpu.memory_space<vmem>>)
      "tpu.region"() ({
        %run_scoped3A = tpu.sem_alloc : memref<!tpu.dma_semaphore, #tpu.memory_space<semaphore_mem>>
        %dma_start3A_113 = arith.constant 960 : i32
        %dma_start3A_114 = tpu.memref_slice %arg6[%dma_start3A_113] : memref<2560xi32, #tpu.memory_space<vmem>> -> memref<320xi32, #tpu.memory_space<vmem>>
        %dma_start3A_115 = arith.constant 0 : i32
        %dma_start3A_116 = arith.constant 0 : i32
        %dma_start3A_117 = tpu.memref_slice %arg10[%dma_start3A_115, %dma_start3A_116] : memref<50176x32xf32, #tpu.memory_space<vmem_shared>> -> memref<50176x32xf32, #tpu.memory_space<vmem_shared>>
        tpu.enqueue_indirect_dma source(%arg9 : memref<320x32xf32, #tpu.memory_space<vmem>>) target(%dma_start3A_117 : memref<50176x32xf32, #tpu.memory_space<vmem_shared>>) offsets(%dma_start3A_114 : memref<320xi32, #tpu.memory_space<vmem>>) semaphore(%run_scoped3A : memref<!tpu.dma_semaphore, #tpu.memory_space<semaphore_mem>>) {add = true}
        %dma_wait3A_118 = arith.constant 960 : i32
        %dma_wait3A_119 = tpu.memref_slice %arg6[%dma_wait3A_118] : memref<2560xi32, #tpu.memory_space<vmem>> -> memref<320xi32, #tpu.memory_space<vmem>>
        %dma_wait3A_120 = arith.constant 0 : i32
        %dma_wait3A_121 = arith.constant 0 : i32
        %dma_wait3A_122 = tpu.memref_slice %arg10[%dma_wait3A_120, %dma_wait3A_121] : memref<50176x32xf32, #tpu.memory_space<vmem_shared>> -> memref<50176x32xf32, #tpu.memory_space<vmem_shared>>
        tpu.wait_indirect_dma semaphore(%run_scoped3A : memref<!tpu.dma_semaphore, #tpu.memory_space<semaphore_mem>>) src(%arg9 : memref<320x32xf32, #tpu.memory_space<vmem>>) dst(%dma_wait3A_122 : memref<50176x32xf32, #tpu.memory_space<vmem_shared>>)
        tpu.yield
      }) : () -> ()
      %dma_start3A_47 = arith.constant 1920 : i32
      %dma_start3A_48 = tpu.memref_slice %arg6[%dma_start3A_47] : memref<2560xi32, #tpu.memory_space<vmem>> -> memref<320xi32, #tpu.memory_space<vmem>>
      %dma_start3A_49 = arith.constant 0 : i32
      %dma_start3A_50 = arith.constant 0 : i32
      %dma_start3A_51 = tpu.memref_slice %arg2[%dma_start3A_49, %dma_start3A_50] : memref<100000x32xf32, #tpu.memory_space<hbm>> -> memref<100000x32xf32, #tpu.memory_space<hbm>>
      tpu.enqueue_indirect_dma source(%dma_start3A_51 : memref<100000x32xf32, #tpu.memory_space<hbm>>) target(%arg9 : memref<320x32xf32, #tpu.memory_space<vmem>>) offsets(%dma_start3A_48 : memref<320xi32, #tpu.memory_space<vmem>>) semaphore(%arg14 : memref<!tpu.dma_semaphore, #tpu.memory_space<semaphore_mem>>)
      %dma_wait3A_52 = arith.constant 1280 : i32
      %dma_wait3A_53 = tpu.memref_slice %arg6[%dma_wait3A_52] : memref<2560xi32, #tpu.memory_space<vmem>> -> memref<320xi32, #tpu.memory_space<vmem>>
      %dma_wait3A_54 = arith.constant 0 : i32
      %dma_wait3A_55 = arith.constant 0 : i32
      %dma_wait3A_56 = tpu.memref_slice %arg2[%dma_wait3A_54, %dma_wait3A_55] : memref<100000x32xf32, #tpu.memory_space<hbm>> -> memref<100000x32xf32, #tpu.memory_space<hbm>>
      tpu.wait_indirect_dma semaphore(%arg13 : memref<!tpu.dma_semaphore, #tpu.memory_space<semaphore_mem>>) src(%dma_wait3A_56 : memref<100000x32xf32, #tpu.memory_space<hbm>>) dst(%arg8 : memref<320x32xf32, #tpu.memory_space<vmem>>)
      "tpu.region"() ({
        %run_scoped3A = tpu.sem_alloc : memref<!tpu.dma_semaphore, #tpu.memory_space<semaphore_mem>>
        %dma_start3A_113 = arith.constant 1600 : i32
        %dma_start3A_114 = tpu.memref_slice %arg6[%dma_start3A_113] : memref<2560xi32, #tpu.memory_space<vmem>> -> memref<320xi32, #tpu.memory_space<vmem>>
        %dma_start3A_115 = arith.constant 0 : i32
        %dma_start3A_116 = arith.constant 0 : i32
        %dma_start3A_117 = tpu.memref_slice %arg10[%dma_start3A_115, %dma_start3A_116] : memref<50176x32xf32, #tpu.memory_space<vmem_shared>> -> memref<50176x32xf32, #tpu.memory_space<vmem_shared>>
        tpu.enqueue_indirect_dma source(%arg8 : memref<320x32xf32, #tpu.memory_space<vmem>>) target(%dma_start3A_117 : memref<50176x32xf32, #tpu.memory_space<vmem_shared>>) offsets(%dma_start3A_114 : memref<320xi32, #tpu.memory_space<vmem>>) semaphore(%run_scoped3A : memref<!tpu.dma_semaphore, #tpu.memory_space<semaphore_mem>>) {add = true}
        %dma_wait3A_118 = arith.constant 1600 : i32
        %dma_wait3A_119 = tpu.memref_slice %arg6[%dma_wait3A_118] : memref<2560xi32, #tpu.memory_space<vmem>> -> memref<320xi32, #tpu.memory_space<vmem>>
        %dma_wait3A_120 = arith.constant 0 : i32
        %dma_wait3A_121 = arith.constant 0 : i32
        %dma_wait3A_122 = tpu.memref_slice %arg10[%dma_wait3A_120, %dma_wait3A_121] : memref<50176x32xf32, #tpu.memory_space<vmem_shared>> -> memref<50176x32xf32, #tpu.memory_space<vmem_shared>>
        tpu.wait_indirect_dma semaphore(%run_scoped3A : memref<!tpu.dma_semaphore, #tpu.memory_space<semaphore_mem>>) src(%arg8 : memref<320x32xf32, #tpu.memory_space<vmem>>) dst(%dma_wait3A_122 : memref<50176x32xf32, #tpu.memory_space<vmem_shared>>)
        tpu.yield
      }) : () -> ()
      %add3A_57 = arith.constant 2560 : i32
      %add3A_58 = arith.addi %add3A_23, %add3A_57 : i32
      %dma_wait3A_59 = tpu.memref_slice %arg3[%add3A_58] : memref<3276800xi32, #tpu.memory_space<hbm>> -> memref<2560xi32, #tpu.memory_space<hbm>>
      %dma_wait3A_60 = tpu.memref_slice %arg3[%add3A_58] : memref<3276800xi32, #tpu.memory_space<hbm>> -> memref<2560xi32, #tpu.memory_space<hbm>>
      tpu.wait_dma2 semaphore(%arg12 : memref<!tpu.dma_semaphore, #tpu.memory_space<semaphore_mem>>) src(%dma_wait3A_60 : memref<2560xi32, #tpu.memory_space<hbm>>) dst(%arg7 : memref<2560xi32, #tpu.memory_space<vmem>>)
      %dma_start3A_61 = arith.constant 0 : i32
      %dma_start3A_62 = tpu.memref_slice %arg7[%dma_start3A_61] : memref<2560xi32, #tpu.memory_space<vmem>> -> memref<320xi32, #tpu.memory_space<vmem>>
      %dma_start3A_63 = arith.constant 0 : i32
      %dma_start3A_64 = arith.constant 0 : i32
      %dma_start3A_65 = tpu.memref_slice %arg2[%dma_start3A_63, %dma_start3A_64] : memref<100000x32xf32, #tpu.memory_space<hbm>> -> memref<100000x32xf32, #tpu.memory_space<hbm>>
      tpu.enqueue_indirect_dma source(%dma_start3A_65 : memref<100000x32xf32, #tpu.memory_space<hbm>>) target(%arg8 : memref<320x32xf32, #tpu.memory_space<vmem>>) offsets(%dma_start3A_62 : memref<320xi32, #tpu.memory_space<vmem>>) semaphore(%arg13 : memref<!tpu.dma_semaphore, #tpu.memory_space<semaphore_mem>>)
      %dma_wait3A_66 = arith.constant 1920 : i32
      %dma_wait3A_67 = tpu.memref_slice %arg6[%dma_wait3A_66] : memref<2560xi32, #tpu.memory_space<vmem>> -> memref<320xi32, #tpu.memory_space<vmem>>
      %dma_wait3A_68 = arith.constant 0 : i32
      %dma_wait3A_69 = arith.constant 0 : i32
      %dma_wait3A_70 = tpu.memref_slice %arg2[%dma_wait3A_68, %dma_wait3A_69] : memref<100000x32xf32, #tpu.memory_space<hbm>> -> memref<100000x32xf32, #tpu.memory_space<hbm>>
      tpu.wait_indirect_dma semaphore(%arg14 : memref<!tpu.dma_semaphore, #tpu.memory_space<semaphore_mem>>) src(%dma_wait3A_70 : memref<100000x32xf32, #tpu.memory_space<hbm>>) dst(%arg9 : memref<320x32xf32, #tpu.memory_space<vmem>>)
      "tpu.region"() ({
        %run_scoped3A = tpu.sem_alloc : memref<!tpu.dma_semaphore, #tpu.memory_space<semaphore_mem>>
        %dma_start3A_113 = arith.constant 2240 : i32
        %dma_start3A_114 = tpu.memref_slice %arg6[%dma_start3A_113] : memref<2560xi32, #tpu.memory_space<vmem>> -> memref<320xi32, #tpu.memory_space<vmem>>
        %dma_start3A_115 = arith.constant 0 : i32
        %dma_start3A_116 = arith.constant 0 : i32
        %dma_start3A_117 = tpu.memref_slice %arg10[%dma_start3A_115, %dma_start3A_116] : memref<50176x32xf32, #tpu.memory_space<vmem_shared>> -> memref<50176x32xf32, #tpu.memory_space<vmem_shared>>
        tpu.enqueue_indirect_dma source(%arg9 : memref<320x32xf32, #tpu.memory_space<vmem>>) target(%dma_start3A_117 : memref<50176x32xf32, #tpu.memory_space<vmem_shared>>) offsets(%dma_start3A_114 : memref<320xi32, #tpu.memory_space<vmem>>) semaphore(%run_scoped3A : memref<!tpu.dma_semaphore, #tpu.memory_space<semaphore_mem>>) {add = true}
        %dma_wait3A_118 = arith.constant 2240 : i32
        %dma_wait3A_119 = tpu.memref_slice %arg6[%dma_wait3A_118] : memref<2560xi32, #tpu.memory_space<vmem>> -> memref<320xi32, #tpu.memory_space<vmem>>
        %dma_wait3A_120 = arith.constant 0 : i32
        %dma_wait3A_121 = arith.constant 0 : i32
        %dma_wait3A_122 = tpu.memref_slice %arg10[%dma_wait3A_120, %dma_wait3A_121] : memref<50176x32xf32, #tpu.memory_space<vmem_shared>> -> memref<50176x32xf32, #tpu.memory_space<vmem_shared>>
        tpu.wait_indirect_dma semaphore(%run_scoped3A : memref<!tpu.dma_semaphore, #tpu.memory_space<semaphore_mem>>) src(%arg9 : memref<320x32xf32, #tpu.memory_space<vmem>>) dst(%dma_wait3A_122 : memref<50176x32xf32, #tpu.memory_space<vmem_shared>>)
        tpu.yield
      }) : () -> ()
      %lt3A = arith.constant 19 : i32
      %lt3A_71 = arith.cmpi slt, %scan3A_18, %lt3A : i32
      %convert_element_type3A = arith.extui %lt3A_71 : i1 to i32
      %cond3A = arith.constant 0 : i32
      %cond3A_72 = arith.cmpi ne, %convert_element_type3A, %cond3A : i32
      scf.if %cond3A_72 {
        %add3A_113 = arith.constant 5120 : i32
        %add3A_114 = arith.addi %add3A_23, %add3A_113 : i32
        %dma_start3A_115 = tpu.memref_slice %arg3[%add3A_114] : memref<3276800xi32, #tpu.memory_space<hbm>> -> memref<2560xi32, #tpu.memory_space<hbm>>
        %dma_start3A_116 = tpu.memref_slice %arg3[%add3A_114] : memref<3276800xi32, #tpu.memory_space<hbm>> -> memref<2560xi32, #tpu.memory_space<hbm>>
        tpu.enqueue_dma source(%dma_start3A_116 : memref<2560xi32, #tpu.memory_space<hbm>>) target(%arg6 : memref<2560xi32, #tpu.memory_space<vmem>>) target_semaphore(%arg11 : memref<!tpu.dma_semaphore, #tpu.memory_space<semaphore_mem>>)
      } else {
      }
      %dma_start3A_73 = arith.constant 640 : i32
      %dma_start3A_74 = tpu.memref_slice %arg7[%dma_start3A_73] : memref<2560xi32, #tpu.memory_space<vmem>> -> memref<320xi32, #tpu.memory_space<vmem>>
      %dma_start3A_75 = arith.constant 0 : i32
      %dma_start3A_76 = arith.constant 0 : i32
      %dma_start3A_77 = tpu.memref_slice %arg2[%dma_start3A_75, %dma_start3A_76] : memref<100000x32xf32, #tpu.memory_space<hbm>> -> memref<100000x32xf32, #tpu.memory_space<hbm>>
      tpu.enqueue_indirect_dma source(%dma_start3A_77 : memref<100000x32xf32, #tpu.memory_space<hbm>>) target(%arg9 : memref<320x32xf32, #tpu.memory_space<vmem>>) offsets(%dma_start3A_74 : memref<320xi32, #tpu.memory_space<vmem>>) semaphore(%arg14 : memref<!tpu.dma_semaphore, #tpu.memory_space<semaphore_mem>>)
      %dma_wait3A_78 = arith.constant 0 : i32
      %dma_wait3A_79 = tpu.memref_slice %arg7[%dma_wait3A_78] : memref<2560xi32, #tpu.memory_space<vmem>> -> memref<320xi32, #tpu.memory_space<vmem>>
      %dma_wait3A_80 = arith.constant 0 : i32
      %dma_wait3A_81 = arith.constant 0 : i32
      %dma_wait3A_82 = tpu.memref_slice %arg2[%dma_wait3A_80, %dma_wait3A_81] : memref<100000x32xf32, #tpu.memory_space<hbm>> -> memref<100000x32xf32, #tpu.memory_space<hbm>>
      tpu.wait_indirect_dma semaphore(%arg13 : memref<!tpu.dma_semaphore, #tpu.memory_space<semaphore_mem>>) src(%dma_wait3A_82 : memref<100000x32xf32, #tpu.memory_space<hbm>>) dst(%arg8 : memref<320x32xf32, #tpu.memory_space<vmem>>)
      "tpu.region"() ({
        %run_scoped3A = tpu.sem_alloc : memref<!tpu.dma_semaphore, #tpu.memory_space<semaphore_mem>>
        %dma_start3A_113 = arith.constant 320 : i32
        %dma_start3A_114 = tpu.memref_slice %arg7[%dma_start3A_113] : memref<2560xi32, #tpu.memory_space<vmem>> -> memref<320xi32, #tpu.memory_space<vmem>>
        %dma_start3A_115 = arith.constant 0 : i32
        %dma_start3A_116 = arith.constant 0 : i32
        %dma_start3A_117 = tpu.memref_slice %arg10[%dma_start3A_115, %dma_start3A_116] : memref<50176x32xf32, #tpu.memory_space<vmem_shared>> -> memref<50176x32xf32, #tpu.memory_space<vmem_shared>>
        tpu.enqueue_indirect_dma source(%arg8 : memref<320x32xf32, #tpu.memory_space<vmem>>) target(%dma_start3A_117 : memref<50176x32xf32, #tpu.memory_space<vmem_shared>>) offsets(%dma_start3A_114 : memref<320xi32, #tpu.memory_space<vmem>>) semaphore(%run_scoped3A : memref<!tpu.dma_semaphore, #tpu.memory_space<semaphore_mem>>) {add = true}
        %dma_wait3A_118 = arith.constant 320 : i32
        %dma_wait3A_119 = tpu.memref_slice %arg7[%dma_wait3A_118] : memref<2560xi32, #tpu.memory_space<vmem>> -> memref<320xi32, #tpu.memory_space<vmem>>
        %dma_wait3A_120 = arith.constant 0 : i32
        %dma_wait3A_121 = arith.constant 0 : i32
        %dma_wait3A_122 = tpu.memref_slice %arg10[%dma_wait3A_120, %dma_wait3A_121] : memref<50176x32xf32, #tpu.memory_space<vmem_shared>> -> memref<50176x32xf32, #tpu.memory_space<vmem_shared>>
        tpu.wait_indirect_dma semaphore(%run_scoped3A : memref<!tpu.dma_semaphore, #tpu.memory_space<semaphore_mem>>) src(%arg8 : memref<320x32xf32, #tpu.memory_space<vmem>>) dst(%dma_wait3A_122 : memref<50176x32xf32, #tpu.memory_space<vmem_shared>>)
        tpu.yield
      }) : () -> ()
      %dma_start3A_83 = arith.constant 1280 : i32
      %dma_start3A_84 = tpu.memref_slice %arg7[%dma_start3A_83] : memref<2560xi32, #tpu.memory_space<vmem>> -> memref<320xi32, #tpu.memory_space<vmem>>
      %dma_start3A_85 = arith.constant 0 : i32
      %dma_start3A_86 = arith.constant 0 : i32
      %dma_start3A_87 = tpu.memref_slice %arg2[%dma_start3A_85, %dma_start3A_86] : memref<100000x32xf32, #tpu.memory_space<hbm>> -> memref<100000x32xf32, #tpu.memory_space<hbm>>
      tpu.enqueue_indirect_dma source(%dma_start3A_87 : memref<100000x32xf32, #tpu.memory_space<hbm>>) target(%arg8 : memref<320x32xf32, #tpu.memory_space<vmem>>) offsets(%dma_start3A_84 : memref<320xi32, #tpu.memory_space<vmem>>) semaphore(%arg13 : memref<!tpu.dma_semaphore, #tpu.memory_space<semaphore_mem>>)
      %dma_wait3A_88 = arith.constant 640 : i32
      %dma_wait3A_89 = tpu.memref_slice %arg7[%dma_wait3A_88] : memref<2560xi32, #tpu.memory_space<vmem>> -> memref<320xi32, #tpu.memory_space<vmem>>
      %dma_wait3A_90 = arith.constant 0 : i32
      %dma_wait3A_91 = arith.constant 0 : i32
      %dma_wait3A_92 = tpu.memref_slice %arg2[%dma_wait3A_90, %dma_wait3A_91] : memref<100000x32xf32, #tpu.memory_space<hbm>> -> memref<100000x32xf32, #tpu.memory_space<hbm>>
      tpu.wait_indirect_dma semaphore(%arg14 : memref<!tpu.dma_semaphore, #tpu.memory_space<semaphore_mem>>) src(%dma_wait3A_92 : memref<100000x32xf32, #tpu.memory_space<hbm>>) dst(%arg9 : memref<320x32xf32, #tpu.memory_space<vmem>>)
      "tpu.region"() ({
        %run_scoped3A = tpu.sem_alloc : memref<!tpu.dma_semaphore, #tpu.memory_space<semaphore_mem>>
        %dma_start3A_113 = arith.constant 960 : i32
        %dma_start3A_114 = tpu.memref_slice %arg7[%dma_start3A_113] : memref<2560xi32, #tpu.memory_space<vmem>> -> memref<320xi32, #tpu.memory_space<vmem>>
        %dma_start3A_115 = arith.constant 0 : i32
        %dma_start3A_116 = arith.constant 0 : i32
        %dma_start3A_117 = tpu.memref_slice %arg10[%dma_start3A_115, %dma_start3A_116] : memref<50176x32xf32, #tpu.memory_space<vmem_shared>> -> memref<50176x32xf32, #tpu.memory_space<vmem_shared>>
        tpu.enqueue_indirect_dma source(%arg9 : memref<320x32xf32, #tpu.memory_space<vmem>>) target(%dma_start3A_117 : memref<50176x32xf32, #tpu.memory_space<vmem_shared>>) offsets(%dma_start3A_114 : memref<320xi32, #tpu.memory_space<vmem>>) semaphore(%run_scoped3A : memref<!tpu.dma_semaphore, #tpu.memory_space<semaphore_mem>>) {add = true}
        %dma_wait3A_118 = arith.constant 960 : i32
        %dma_wait3A_119 = tpu.memref_slice %arg7[%dma_wait3A_118] : memref<2560xi32, #tpu.memory_space<vmem>> -> memref<320xi32, #tpu.memory_space<vmem>>
        %dma_wait3A_120 = arith.constant 0 : i32
        %dma_wait3A_121 = arith.constant 0 : i32
        %dma_wait3A_122 = tpu.memref_slice %arg10[%dma_wait3A_120, %dma_wait3A_121] : memref<50176x32xf32, #tpu.memory_space<vmem_shared>> -> memref<50176x32xf32, #tpu.memory_space<vmem_shared>>
        tpu.wait_indirect_dma semaphore(%run_scoped3A : memref<!tpu.dma_semaphore, #tpu.memory_space<semaphore_mem>>) src(%arg9 : memref<320x32xf32, #tpu.memory_space<vmem>>) dst(%dma_wait3A_122 : memref<50176x32xf32, #tpu.memory_space<vmem_shared>>)
        tpu.yield
      }) : () -> ()
      %dma_start3A_93 = arith.constant 1920 : i32
      %dma_start3A_94 = tpu.memref_slice %arg7[%dma_start3A_93] : memref<2560xi32, #tpu.memory_space<vmem>> -> memref<320xi32, #tpu.memory_space<vmem>>
      %dma_start3A_95 = arith.constant 0 : i32
      %dma_start3A_96 = arith.constant 0 : i32
      %dma_start3A_97 = tpu.memref_slice %arg2[%dma_start3A_95, %dma_start3A_96] : memref<100000x32xf32, #tpu.memory_space<hbm>> -> memref<100000x32xf32, #tpu.memory_space<hbm>>
      tpu.enqueue_indirect_dma source(%dma_start3A_97 : memref<100000x32xf32, #tpu.memory_space<hbm>>) target(%arg9 : memref<320x32xf32, #tpu.memory_space<vmem>>) offsets(%dma_start3A_94 : memref<320xi32, #tpu.memory_space<vmem>>) semaphore(%arg14 : memref<!tpu.dma_semaphore, #tpu.memory_space<semaphore_mem>>)
      %dma_wait3A_98 = arith.constant 1280 : i32
      %dma_wait3A_99 = tpu.memref_slice %arg7[%dma_wait3A_98] : memref<2560xi32, #tpu.memory_space<vmem>> -> memref<320xi32, #tpu.memory_space<vmem>>
      %dma_wait3A_100 = arith.constant 0 : i32
      %dma_wait3A_101 = arith.constant 0 : i32
      %dma_wait3A_102 = tpu.memref_slice %arg2[%dma_wait3A_100, %dma_wait3A_101] : memref<100000x32xf32, #tpu.memory_space<hbm>> -> memref<100000x32xf32, #tpu.memory_space<hbm>>
      tpu.wait_indirect_dma semaphore(%arg13 : memref<!tpu.dma_semaphore, #tpu.memory_space<semaphore_mem>>) src(%dma_wait3A_102 : memref<100000x32xf32, #tpu.memory_space<hbm>>) dst(%arg8 : memref<320x32xf32, #tpu.memory_space<vmem>>)
      "tpu.region"() ({
        %run_scoped3A = tpu.sem_alloc : memref<!tpu.dma_semaphore, #tpu.memory_space<semaphore_mem>>
        %dma_start3A_113 = arith.constant 1600 : i32
        %dma_start3A_114 = tpu.memref_slice %arg7[%dma_start3A_113] : memref<2560xi32, #tpu.memory_space<vmem>> -> memref<320xi32, #tpu.memory_space<vmem>>
        %dma_start3A_115 = arith.constant 0 : i32
        %dma_start3A_116 = arith.constant 0 : i32
        %dma_start3A_117 = tpu.memref_slice %arg10[%dma_start3A_115, %dma_start3A_116] : memref<50176x32xf32, #tpu.memory_space<vmem_shared>> -> memref<50176x32xf32, #tpu.memory_space<vmem_shared>>
        tpu.enqueue_indirect_dma source(%arg8 : memref<320x32xf32, #tpu.memory_space<vmem>>) target(%dma_start3A_117 : memref<50176x32xf32, #tpu.memory_space<vmem_shared>>) offsets(%dma_start3A_114 : memref<320xi32, #tpu.memory_space<vmem>>) semaphore(%run_scoped3A : memref<!tpu.dma_semaphore, #tpu.memory_space<semaphore_mem>>) {add = true}
        %dma_wait3A_118 = arith.constant 1600 : i32
        %dma_wait3A_119 = tpu.memref_slice %arg7[%dma_wait3A_118] : memref<2560xi32, #tpu.memory_space<vmem>> -> memref<320xi32, #tpu.memory_space<vmem>>
        %dma_wait3A_120 = arith.constant 0 : i32
        %dma_wait3A_121 = arith.constant 0 : i32
        %dma_wait3A_122 = tpu.memref_slice %arg10[%dma_wait3A_120, %dma_wait3A_121] : memref<50176x32xf32, #tpu.memory_space<vmem_shared>> -> memref<50176x32xf32, #tpu.memory_space<vmem_shared>>
        tpu.wait_indirect_dma semaphore(%run_scoped3A : memref<!tpu.dma_semaphore, #tpu.memory_space<semaphore_mem>>) src(%arg8 : memref<320x32xf32, #tpu.memory_space<vmem>>) dst(%dma_wait3A_122 : memref<50176x32xf32, #tpu.memory_space<vmem_shared>>)
        tpu.yield
      }) : () -> ()
      %lt3A_103 = arith.constant 19 : i32
      %lt3A_104 = arith.cmpi slt, %scan3A_18, %lt3A_103 : i32
      %convert_element_type3A_105 = arith.extui %lt3A_104 : i1 to i32
      %cond3A_106 = arith.constant 0 : i32
      %cond3A_107 = arith.cmpi ne, %convert_element_type3A_105, %cond3A_106 : i32
      scf.if %cond3A_107 {
        %add3A_113 = arith.constant 5120 : i32
        %add3A_114 = arith.addi %add3A_23, %add3A_113 : i32
        %dma_wait3A_115 = tpu.memref_slice %arg3[%add3A_114] : memref<3276800xi32, #tpu.memory_space<hbm>> -> memref<2560xi32, #tpu.memory_space<hbm>>
        %dma_wait3A_116 = tpu.memref_slice %arg3[%add3A_114] : memref<3276800xi32, #tpu.memory_space<hbm>> -> memref<2560xi32, #tpu.memory_space<hbm>>
        tpu.wait_dma2 semaphore(%arg11 : memref<!tpu.dma_semaphore, #tpu.memory_space<semaphore_mem>>) src(%dma_wait3A_116 : memref<2560xi32, #tpu.memory_space<hbm>>) dst(%arg6 : memref<2560xi32, #tpu.memory_space<vmem>>)
        %dma_start3A_117 = arith.constant 0 : i32
        %dma_start3A_118 = tpu.memref_slice %arg6[%dma_start3A_117] : memref<2560xi32, #tpu.memory_space<vmem>> -> memref<320xi32, #tpu.memory_space<vmem>>
        %dma_start3A_119 = arith.constant 0 : i32
        %dma_start3A_120 = arith.constant 0 : i32
        %dma_start3A_121 = tpu.memref_slice %arg2[%dma_start3A_119, %dma_start3A_120] : memref<100000x32xf32, #tpu.memory_space<hbm>> -> memref<100000x32xf32, #tpu.memory_space<hbm>>
        tpu.enqueue_indirect_dma source(%dma_start3A_121 : memref<100000x32xf32, #tpu.memory_space<hbm>>) target(%arg8 : memref<320x32xf32, #tpu.memory_space<vmem>>) offsets(%dma_start3A_118 : memref<320xi32, #tpu.memory_space<vmem>>) semaphore(%arg13 : memref<!tpu.dma_semaphore, #tpu.memory_space<semaphore_mem>>)
      } else {
      }
      %dma_wait3A_108 = arith.constant 1920 : i32
      %dma_wait3A_109 = tpu.memref_slice %arg7[%dma_wait3A_108] : memref<2560xi32, #tpu.memory_space<vmem>> -> memref<320xi32, #tpu.memory_space<vmem>>
      %dma_wait3A_110 = arith.constant 0 : i32
      %dma_wait3A_111 = arith.constant 0 : i32
      %dma_wait3A_112 = tpu.memref_slice %arg2[%dma_wait3A_110, %dma_wait3A_111] : memref<100000x32xf32, #tpu.memory_space<hbm>> -> memref<100000x32xf32, #tpu.memory_space<hbm>>
      tpu.wait_indirect_dma semaphore(%arg14 : memref<!tpu.dma_semaphore, #tpu.memory_space<semaphore_mem>>) src(%dma_wait3A_112 : memref<100000x32xf32, #tpu.memory_space<hbm>>) dst(%arg9 : memref<320x32xf32, #tpu.memory_space<vmem>>)
      "tpu.region"() ({
        %run_scoped3A = tpu.sem_alloc : memref<!tpu.dma_semaphore, #tpu.memory_space<semaphore_mem>>
        %dma_start3A_113 = arith.constant 2240 : i32
        %dma_start3A_114 = tpu.memref_slice %arg7[%dma_start3A_113] : memref<2560xi32, #tpu.memory_space<vmem>> -> memref<320xi32, #tpu.memory_space<vmem>>
        %dma_start3A_115 = arith.constant 0 : i32
        %dma_start3A_116 = arith.constant 0 : i32
        %dma_start3A_117 = tpu.memref_slice %arg10[%dma_start3A_115, %dma_start3A_116] : memref<50176x32xf32, #tpu.memory_space<vmem_shared>> -> memref<50176x32xf32, #tpu.memory_space<vmem_shared>>
        tpu.enqueue_indirect_dma source(%arg9 : memref<320x32xf32, #tpu.memory_space<vmem>>) target(%dma_start3A_117 : memref<50176x32xf32, #tpu.memory_space<vmem_shared>>) offsets(%dma_start3A_114 : memref<320xi32, #tpu.memory_space<vmem>>) semaphore(%run_scoped3A : memref<!tpu.dma_semaphore, #tpu.memory_space<semaphore_mem>>) {add = true}
        %dma_wait3A_118 = arith.constant 2240 : i32
        %dma_wait3A_119 = tpu.memref_slice %arg7[%dma_wait3A_118] : memref<2560xi32, #tpu.memory_space<vmem>> -> memref<320xi32, #tpu.memory_space<vmem>>
        %dma_wait3A_120 = arith.constant 0 : i32
        %dma_wait3A_121 = arith.constant 0 : i32
        %dma_wait3A_122 = tpu.memref_slice %arg10[%dma_wait3A_120, %dma_wait3A_121] : memref<50176x32xf32, #tpu.memory_space<vmem_shared>> -> memref<50176x32xf32, #tpu.memory_space<vmem_shared>>
        tpu.wait_indirect_dma semaphore(%run_scoped3A : memref<!tpu.dma_semaphore, #tpu.memory_space<semaphore_mem>>) src(%arg9 : memref<320x32xf32, #tpu.memory_space<vmem>>) dst(%dma_wait3A_122 : memref<50176x32xf32, #tpu.memory_space<vmem_shared>>)
        tpu.yield
      }) : () -> ()
    }
    %scan3A_13 = arith.constant 20 : i32
    %barrier3A_14 = arith.constant 0 : index
    tpu.barrier barrier_id(%barrier3A_14)
    %mul3A_15 = arith.constant 3128 : i32
    %mul3A_16 = arith.muli %arg1, %mul3A_15 : i32
    %min3A = arith.constant 46872 : i32
    %min3A_17 = arith.minsi %mul3A_16, %min3A : i32
    %multiple_of3A = tpu.assume_multiple %min3A_17, 8 : i32
    "tpu.region"() ({
      %run_scoped3A = tpu.sem_alloc : memref<!tpu.dma_semaphore, #tpu.memory_space<semaphore_mem>>
      %dma_start3A_18 = arith.constant 0 : i32
      %dma_start3A_19 = tpu.memref_slice %arg5[%arg0, %multiple_of3A, %dma_start3A_18] : memref<2x50000x32xf32, #tpu.memory_space<hbm>> -> memref<1x3128x32xf32, #tpu.memory_space<hbm>>
      %dma_start3A_20 = tpu.memref_squeeze %dma_start3A_19 : memref<1x3128x32xf32, #tpu.memory_space<hbm>> -> memref<3128x32xf32, #tpu.memory_space<hbm>>
      %dma_start3A_21 = arith.constant 0 : i32
      %dma_start3A_22 = tpu.memref_slice %arg10[%multiple_of3A, %dma_start3A_21] : memref<50176x32xf32, #tpu.memory_space<vmem_shared>> -> memref<3128x32xf32, #tpu.memory_space<vmem_shared>>
      tpu.enqueue_dma source(%dma_start3A_22 : memref<3128x32xf32, #tpu.memory_space<vmem_shared>>) target(%dma_start3A_20 : memref<3128x32xf32, #tpu.memory_space<hbm>>) target_semaphore(%run_scoped3A : memref<!tpu.dma_semaphore, #tpu.memory_space<semaphore_mem>>)
      %dma_wait3A = arith.constant 0 : i32
      %dma_wait3A_23 = tpu.memref_slice %arg5[%arg0, %multiple_of3A, %dma_wait3A] : memref<2x50000x32xf32, #tpu.memory_space<hbm>> -> memref<1x3128x32xf32, #tpu.memory_space<hbm>>
      %dma_wait3A_24 = tpu.memref_squeeze %dma_wait3A_23 : memref<1x3128x32xf32, #tpu.memory_space<hbm>> -> memref<3128x32xf32, #tpu.memory_space<hbm>>
      %dma_wait3A_25 = arith.constant 0 : i32
      %dma_wait3A_26 = tpu.memref_slice %arg10[%multiple_of3A, %dma_wait3A_25] : memref<50176x32xf32, #tpu.memory_space<vmem_shared>> -> memref<3128x32xf32, #tpu.memory_space<vmem_shared>>
      tpu.wait_dma2 semaphore(%run_scoped3A : memref<!tpu.dma_semaphore, #tpu.memory_space<semaphore_mem>>) src(%dma_wait3A_26 : memref<3128x32xf32, #tpu.memory_space<vmem_shared>>) dst(%dma_wait3A_24 : memref<3128x32xf32, #tpu.memory_space<hbm>>)
      tpu.yield
    }) : () -> ()
    return
  }
}

#map = affine_map<(d0, d1) -> (0, 0)>
#map1 = affine_map<(d0, d1) -> (0)>
#map2 = affine_map<(d0, d1) -> (0, 0, 0)>
module attributes {stable_mosaic.version = 14 : i64} {
  func.func @scatter(%arg0: i32, %arg1: i32, %arg2: memref<100000x32xf32, #tpu.memory_space<hbm>>, %arg3: memref<3276800xi32, #tpu.memory_space<hbm>>, %arg4: memref<3136x32xf32, #tpu.memory_space<hbm>>, %arg5: memref<2x50000x32xf32, #tpu.memory_space<hbm>>, %arg6: memref<2560xi32, #tpu.memory_space<vmem>>, %arg7: memref<2560xi32, #tpu.memory_space<vmem>>, %arg8: memref<320x32xf32, #tpu.memory_space<vmem>>, %arg9: memref<320x32xf32, #tpu.memory_space<vmem>>, %arg10: memref<50176x32xf32, #tpu.memory_space<vmem_shared>>, %arg11: memref<!tpu.dma_semaphore, #tpu.memory_space<semaphore_mem>>, %arg12: memref<!tpu.dma_semaphore, #tpu.memory_space<semaphore_mem>>, %arg13: memref<!tpu.dma_semaphore, #tpu.memory_space<semaphore_mem>>, %arg14: memref<!tpu.dma_semaphore, #tpu.memory_space<semaphore_mem>>) attributes {dimension_semantics = [#tpu.dimension_semantics<core_parallel>, #tpu.dimension_semantics<subcore_parallel>], iteration_bounds = array<i64: 2, 16>, scalar_prefetch = 0 : i64, scratch_operands = 9 : i64, tpu.core_type = #tpu.core_type<sc_vector_subcore>, window_params = [{transform_indices = #map}, {transform_indices = #map1}, {transform_indices = #map}, {transform_indices = #map2}]} {
    %mul3A = arith.constant 1638400 : i32
    %mul3A_0 = arith.muli %arg0, %mul3A : i32
    %mul3A_1 = arith.constant 102400 : i32
    %mul3A_2 = arith.muli %arg1, %mul3A_1 : i32
    %add3A = arith.addi %mul3A_0, %mul3A_2 : i32
    "tpu.region"() ({
      %run_scoped3A = tpu.sem_alloc : memref<!tpu.dma_semaphore, #tpu.memory_space<semaphore_mem>>
      %dma_start3A_18 = tpu.memref_slice %arg3[%add3A] : memref<3276800xi32, #tpu.memory_space<hbm>> -> memref<2560xi32, #tpu.memory_space<hbm>>
      %dma_start3A_19 = tpu.memref_slice %arg3[%add3A] : memref<3276800xi32, #tpu.memory_space<hbm>> -> memref<2560xi32, #tpu.memory_space<hbm>>
      tpu.enqueue_dma source(%dma_start3A_19 : memref<2560xi32, #tpu.memory_space<hbm>>) target(%arg6 : memref<2560xi32, #tpu.memory_space<vmem>>) target_semaphore(%run_scoped3A : memref<!tpu.dma_semaphore, #tpu.memory_space<semaphore_mem>>)
      %dma_wait3A = tpu.memref_slice %arg3[%add3A] : memref<3276800xi32, #tpu.memory_space<hbm>> -> memref<2560xi32, #tpu.memory_space<hbm>>
      %dma_wait3A_20 = tpu.memref_slice %arg3[%add3A] : memref<3276800xi32, #tpu.memory_space<hbm>> -> memref<2560xi32, #tpu.memory_space<hbm>>
      tpu.wait_dma2 semaphore(%run_scoped3A : memref<!tpu.dma_semaphore, #tpu.memory_space<semaphore_mem>>) src(%dma_wait3A_20 : memref<2560xi32, #tpu.memory_space<hbm>>) dst(%arg6 : memref<2560xi32, #tpu.memory_space<vmem>>)
      tpu.yield
    }) : () -> ()
    %dma_start3A = arith.constant 0 : i32
    %dma_start3A_3 = tpu.memref_slice %arg6[%dma_start3A] : memref<2560xi32, #tpu.memory_space<vmem>> -> memref<320xi32, #tpu.memory_space<vmem>>
    %dma_start3A_4 = arith.constant 0 : i32
    %dma_start3A_5 = arith.constant 0 : i32
    %dma_start3A_6 = tpu.memref_slice %arg2[%dma_start3A_4, %dma_start3A_5] : memref<100000x32xf32, #tpu.memory_space<hbm>> -> memref<100000x32xf32, #tpu.memory_space<hbm>>
    tpu.enqueue_indirect_dma source(%dma_start3A_6 : memref<100000x32xf32, #tpu.memory_space<hbm>>) target(%arg8 : memref<320x32xf32, #tpu.memory_space<vmem>>) offsets(%dma_start3A_3 : memref<320xi32, #tpu.memory_space<vmem>>) semaphore(%arg13 : memref<!tpu.dma_semaphore, #tpu.memory_space<semaphore_mem>>)
    %mul3A_7 = arith.constant 3136 : i32
    %mul3A_8 = arith.muli %arg1, %mul3A_7 : i32
    "tpu.region"() ({
      %run_scoped3A = tpu.sem_alloc : memref<!tpu.dma_semaphore, #tpu.memory_space<semaphore_mem>>
      %dma_start3A_18 = arith.constant 0 : i32
      %dma_start3A_19 = tpu.memref_slice %arg10[%mul3A_8, %dma_start3A_18] : memref<50176x32xf32, #tpu.memory_space<vmem_shared>> -> memref<3136x32xf32, #tpu.memory_space<vmem_shared>>
      tpu.enqueue_dma source(%arg4 : memref<3136x32xf32, #tpu.memory_space<hbm>>) target(%dma_start3A_19 : memref<3136x32xf32, #tpu.memory_space<vmem_shared>>) target_semaphore(%run_scoped3A : memref<!tpu.dma_semaphore, #tpu.memory_space<semaphore_mem>>)
      %dma_wait3A = arith.constant 0 : i32
      %dma_wait3A_20 = tpu.memref_slice %arg10[%mul3A_8, %dma_wait3A] : memref<50176x32xf32, #tpu.memory_space<vmem_shared>> -> memref<3136x32xf32, #tpu.memory_space<vmem_shared>>
      tpu.wait_dma2 semaphore(%run_scoped3A : memref<!tpu.dma_semaphore, #tpu.memory_space<semaphore_mem>>) src(%arg4 : memref<3136x32xf32, #tpu.memory_space<hbm>>) dst(%dma_wait3A_20 : memref<3136x32xf32, #tpu.memory_space<vmem_shared>>)
      tpu.yield
    }) : () -> ()
    %barrier3A = arith.constant 0 : index
    tpu.barrier barrier_id(%barrier3A)
    %scan3A = arith.constant 0 : i32
    %scan3A_9 = arith.constant 0 : i32
    %scan3A_10 = arith.constant 20 : i32
    %scan3A_11 = arith.addi %scan3A_9, %scan3A_10 : i32
    %scan3A_12 = arith.constant 1 : i32
    scf.for %scan3A_18 = %scan3A_9 to %scan3A_11 step %scan3A_12  : i32 {
      %mul3A_19 = arith.constant 2 : i32
      %mul3A_20 = arith.muli %scan3A_18, %mul3A_19 : i32
      %mul3A_21 = arith.constant 2560 : i32
      %mul3A_22 = arith.muli %mul3A_20, %mul3A_21 : i32
      %add3A_23 = arith.addi %add3A, %mul3A_22 : i32
      %add3A_24 = arith.constant 2560 : i32
      %add3A_25 = arith.addi %add3A_23, %add3A_24 : i32
      %dma_start3A_26 = tpu.memref_slice %arg3[%add3A_25] : memref<3276800xi32, #tpu.memory_space<hbm>> -> memref<2560xi32, #tpu.memory_space<hbm>>
      %dma_start3A_27 = tpu.memref_slice %arg3[%add3A_25] : memref<3276800xi32, #tpu.memory_space<hbm>> -> memref<2560xi32, #tpu.memory_space<hbm>>
      tpu.enqueue_dma source(%dma_start3A_27 : memref<2560xi32, #tpu.memory_space<hbm>>) target(%arg7 : memref<2560xi32, #tpu.memory_space<vmem>>) target_semaphore(%arg12 : memref<!tpu.dma_semaphore, #tpu.memory_space<semaphore_mem>>)
      %dma_start3A_28 = arith.constant 640 : i32
      %dma_start3A_29 = tpu.memref_slice %arg6[%dma_start3A_28] : memref<2560xi32, #tpu.memory_space<vmem>> -> memref<320xi32, #tpu.memory_space<vmem>>
      %dma_start3A_30 = arith.constant 0 : i32
      %dma_start3A_31 = arith.constant 0 : i32
      %dma_start3A_32 = tpu.memref_slice %arg2[%dma_start3A_30, %dma_start3A_31] : memref<100000x32xf32, #tpu.memory_space<hbm>> -> memref<100000x32xf32, #tpu.memory_space<hbm>>
      tpu.enqueue_indirect_dma source(%dma_start3A_32 : memref<100000x32xf32, #tpu.memory_space<hbm>>) target(%arg9 : memref<320x32xf32, #tpu.memory_space<vmem>>) offsets(%dma_start3A_29 : memref<320xi32, #tpu.memory_space<vmem>>) semaphore(%arg14 : memref<!tpu.dma_semaphore, #tpu.memory_space<semaphore_mem>>)
      %dma_wait3A = arith.constant 0 : i32
      %dma_wait3A_33 = tpu.memref_slice %arg6[%dma_wait3A] : memref<2560xi32, #tpu.memory_space<vmem>> -> memref<320xi32, #tpu.memory_space<vmem>>
      %dma_wait3A_34 = arith.constant 0 : i32
      %dma_wait3A_35 = arith.constant 0 : i32
      %dma_wait3A_36 = tpu.memref_slice %arg2[%dma_wait3A_34, %dma_wait3A_35] : memref<100000x32xf32, #tpu.memory_space<hbm>> -> memref<100000x32xf32, #tpu.memory_space<hbm>>
      tpu.wait_indirect_dma semaphore(%arg13 : memref<!tpu.dma_semaphore, #tpu.memory_space<semaphore_mem>>) src(%dma_wait3A_36 : memref<100000x32xf32, #tpu.memory_space<hbm>>) dst(%arg8 : memref<320x32xf32, #tpu.memory_space<vmem>>)
      "tpu.region"() ({
        %run_scoped3A = tpu.sem_alloc : memref<!tpu.dma_semaphore, #tpu.memory_space<semaphore_mem>>
        %dma_start3A_113 = arith.constant 320 : i32
        %dma_start3A_114 = tpu.memref_slice %arg6[%dma_start3A_113] : memref<2560xi32, #tpu.memory_space<vmem>> -> memref<320xi32, #tpu.memory_space<vmem>>
        %dma_start3A_115 = arith.constant 0 : i32
        %dma_start3A_116 = arith.constant 0 : i32
        %dma_start3A_117 = tpu.memref_slice %arg10[%dma_start3A_115, %dma_start3A_116] : memref<50176x32xf32, #tpu.memory_space<vmem_shared>> -> memref<50176x32xf32, #tpu.memory_space<vmem_shared>>
        tpu.enqueue_indirect_dma source(%arg8 : memref<320x32xf32, #tpu.memory_space<vmem>>) target(%dma_start3A_117 : memref<50176x32xf32, #tpu.memory_space<vmem_shared>>) offsets(%dma_start3A_114 : memref<320xi32, #tpu.memory_space<vmem>>) semaphore(%run_scoped3A : memref<!tpu.dma_semaphore, #tpu.memory_space<semaphore_mem>>) {add = true}
        %dma_wait3A_118 = arith.constant 320 : i32
        %dma_wait3A_119 = tpu.memref_slice %arg6[%dma_wait3A_118] : memref<2560xi32, #tpu.memory_space<vmem>> -> memref<320xi32, #tpu.memory_space<vmem>>
        %dma_wait3A_120 = arith.constant 0 : i32
        %dma_wait3A_121 = arith.constant 0 : i32
        %dma_wait3A_122 = tpu.memref_slice %arg10[%dma_wait3A_120, %dma_wait3A_121] : memref<50176x32xf32, #tpu.memory_space<vmem_shared>> -> memref<50176x32xf32, #tpu.memory_space<vmem_shared>>
        tpu.wait_indirect_dma semaphore(%run_scoped3A : memref<!tpu.dma_semaphore, #tpu.memory_space<semaphore_mem>>) src(%arg8 : memref<320x32xf32, #tpu.memory_space<vmem>>) dst(%dma_wait3A_122 : memref<50176x32xf32, #tpu.memory_space<vmem_shared>>)
        tpu.yield
      }) : () -> ()
      %dma_start3A_37 = arith.constant 1280 : i32
      %dma_start3A_38 = tpu.memref_slice %arg6[%dma_start3A_37] : memref<2560xi32, #tpu.memory_space<vmem>> -> memref<320xi32, #tpu.memory_space<vmem>>
      %dma_start3A_39 = arith.constant 0 : i32
      %dma_start3A_40 = arith.constant 0 : i32
      %dma_start3A_41 = tpu.memref_slice %arg2[%dma_start3A_39, %dma_start3A_40] : memref<100000x32xf32, #tpu.memory_space<hbm>> -> memref<100000x32xf32, #tpu.memory_space<hbm>>
      tpu.enqueue_indirect_dma source(%dma_start3A_41 : memref<100000x32xf32, #tpu.memory_space<hbm>>) target(%arg8 : memref<320x32xf32, #tpu.memory_space<vmem>>) offsets(%dma_start3A_38 : memref<320xi32, #tpu.memory_space<vmem>>) semaphore(%arg13 : memref<!tpu.dma_semaphore, #tpu.memory_space<semaphore_mem>>)
      %dma_wait3A_42 = arith.constant 640 : i32
      %dma_wait3A_43 = tpu.memref_slice %arg6[%dma_wait3A_42] : memref<2560xi32, #tpu.memory_space<vmem>> -> memref<320xi32, #tpu.memory_space<vmem>>
      %dma_wait3A_44 = arith.constant 0 : i32
      %dma_wait3A_45 = arith.constant 0 : i32
      %dma_wait3A_46 = tpu.memref_slice %arg2[%dma_wait3A_44, %dma_wait3A_45] : memref<100000x32xf32, #tpu.memory_space<hbm>> -> memref<100000x32xf32, #tpu.memory_space<hbm>>
      tpu.wait_indirect_dma semaphore(%arg14 : memref<!tpu.dma_semaphore, #tpu.memory_space<semaphore_mem>>) src(%dma_wait3A_46 : memref<100000x32xf32, #tpu.memory_space<hbm>>) dst(%arg9 : memref<320x32xf32, #tpu.memory_space<vmem>>)
      "tpu.region"() ({
        %run_scoped3A = tpu.sem_alloc : memref<!tpu.dma_semaphore, #tpu.memory_space<semaphore_mem>>
        %dma_start3A_113 = arith.constant 960 : i32
        %dma_start3A_114 = tpu.memref_slice %arg6[%dma_start3A_113] : memref<2560xi32, #tpu.memory_space<vmem>> -> memref<320xi32, #tpu.memory_space<vmem>>
        %dma_start3A_115 = arith.constant 0 : i32
        %dma_start3A_116 = arith.constant 0 : i32
        %dma_start3A_117 = tpu.memref_slice %arg10[%dma_start3A_115, %dma_start3A_116] : memref<50176x32xf32, #tpu.memory_space<vmem_shared>> -> memref<50176x32xf32, #tpu.memory_space<vmem_shared>>
        tpu.enqueue_indirect_dma source(%arg9 : memref<320x32xf32, #tpu.memory_space<vmem>>) target(%dma_start3A_117 : memref<50176x32xf32, #tpu.memory_space<vmem_shared>>) offsets(%dma_start3A_114 : memref<320xi32, #tpu.memory_space<vmem>>) semaphore(%run_scoped3A : memref<!tpu.dma_semaphore, #tpu.memory_space<semaphore_mem>>) {add = true}
        %dma_wait3A_118 = arith.constant 960 : i32
        %dma_wait3A_119 = tpu.memref_slice %arg6[%dma_wait3A_118] : memref<2560xi32, #tpu.memory_space<vmem>> -> memref<320xi32, #tpu.memory_space<vmem>>
        %dma_wait3A_120 = arith.constant 0 : i32
        %dma_wait3A_121 = arith.constant 0 : i32
        %dma_wait3A_122 = tpu.memref_slice %arg10[%dma_wait3A_120, %dma_wait3A_121] : memref<50176x32xf32, #tpu.memory_space<vmem_shared>> -> memref<50176x32xf32, #tpu.memory_space<vmem_shared>>
        tpu.wait_indirect_dma semaphore(%run_scoped3A : memref<!tpu.dma_semaphore, #tpu.memory_space<semaphore_mem>>) src(%arg9 : memref<320x32xf32, #tpu.memory_space<vmem>>) dst(%dma_wait3A_122 : memref<50176x32xf32, #tpu.memory_space<vmem_shared>>)
        tpu.yield
      }) : () -> ()
      %dma_start3A_47 = arith.constant 1920 : i32
      %dma_start3A_48 = tpu.memref_slice %arg6[%dma_start3A_47] : memref<2560xi32, #tpu.memory_space<vmem>> -> memref<320xi32, #tpu.memory_space<vmem>>
      %dma_start3A_49 = arith.constant 0 : i32
      %dma_start3A_50 = arith.constant 0 : i32
      %dma_start3A_51 = tpu.memref_slice %arg2[%dma_start3A_49, %dma_start3A_50] : memref<100000x32xf32, #tpu.memory_space<hbm>> -> memref<100000x32xf32, #tpu.memory_space<hbm>>
      tpu.enqueue_indirect_dma source(%dma_start3A_51 : memref<100000x32xf32, #tpu.memory_space<hbm>>) target(%arg9 : memref<320x32xf32, #tpu.memory_space<vmem>>) offsets(%dma_start3A_48 : memref<320xi32, #tpu.memory_space<vmem>>) semaphore(%arg14 : memref<!tpu.dma_semaphore, #tpu.memory_space<semaphore_mem>>)
      %dma_wait3A_52 = arith.constant 1280 : i32
      %dma_wait3A_53 = tpu.memref_slice %arg6[%dma_wait3A_52] : memref<2560xi32, #tpu.memory_space<vmem>> -> memref<320xi32, #tpu.memory_space<vmem>>
      %dma_wait3A_54 = arith.constant 0 : i32
      %dma_wait3A_55 = arith.constant 0 : i32
      %dma_wait3A_56 = tpu.memref_slice %arg2[%dma_wait3A_54, %dma_wait3A_55] : memref<100000x32xf32, #tpu.memory_space<hbm>> -> memref<100000x32xf32, #tpu.memory_space<hbm>>
      tpu.wait_indirect_dma semaphore(%arg13 : memref<!tpu.dma_semaphore, #tpu.memory_space<semaphore_mem>>) src(%dma_wait3A_56 : memref<100000x32xf32, #tpu.memory_space<hbm>>) dst(%arg8 : memref<320x32xf32, #tpu.memory_space<vmem>>)
      "tpu.region"() ({
        %run_scoped3A = tpu.sem_alloc : memref<!tpu.dma_semaphore, #tpu.memory_space<semaphore_mem>>
        %dma_start3A_113 = arith.constant 1600 : i32
        %dma_start3A_114 = tpu.memref_slice %arg6[%dma_start3A_113] : memref<2560xi32, #tpu.memory_space<vmem>> -> memref<320xi32, #tpu.memory_space<vmem>>
        %dma_start3A_115 = arith.constant 0 : i32
        %dma_start3A_116 = arith.constant 0 : i32
        %dma_start3A_117 = tpu.memref_slice %arg10[%dma_start3A_115, %dma_start3A_116] : memref<50176x32xf32, #tpu.memory_space<vmem_shared>> -> memref<50176x32xf32, #tpu.memory_space<vmem_shared>>
        tpu.enqueue_indirect_dma source(%arg8 : memref<320x32xf32, #tpu.memory_space<vmem>>) target(%dma_start3A_117 : memref<50176x32xf32, #tpu.memory_space<vmem_shared>>) offsets(%dma_start3A_114 : memref<320xi32, #tpu.memory_space<vmem>>) semaphore(%run_scoped3A : memref<!tpu.dma_semaphore, #tpu.memory_space<semaphore_mem>>) {add = true}
        %dma_wait3A_118 = arith.constant 1600 : i32
        %dma_wait3A_119 = tpu.memref_slice %arg6[%dma_wait3A_118] : memref<2560xi32, #tpu.memory_space<vmem>> -> memref<320xi32, #tpu.memory_space<vmem>>
        %dma_wait3A_120 = arith.constant 0 : i32
        %dma_wait3A_121 = arith.constant 0 : i32
        %dma_wait3A_122 = tpu.memref_slice %arg10[%dma_wait3A_120, %dma_wait3A_121] : memref<50176x32xf32, #tpu.memory_space<vmem_shared>> -> memref<50176x32xf32, #tpu.memory_space<vmem_shared>>
        tpu.wait_indirect_dma semaphore(%run_scoped3A : memref<!tpu.dma_semaphore, #tpu.memory_space<semaphore_mem>>) src(%arg8 : memref<320x32xf32, #tpu.memory_space<vmem>>) dst(%dma_wait3A_122 : memref<50176x32xf32, #tpu.memory_space<vmem_shared>>)
        tpu.yield
      }) : () -> ()
      %add3A_57 = arith.constant 2560 : i32
      %add3A_58 = arith.addi %add3A_23, %add3A_57 : i32
      %dma_wait3A_59 = tpu.memref_slice %arg3[%add3A_58] : memref<3276800xi32, #tpu.memory_space<hbm>> -> memref<2560xi32, #tpu.memory_space<hbm>>
      %dma_wait3A_60 = tpu.memref_slice %arg3[%add3A_58] : memref<3276800xi32, #tpu.memory_space<hbm>> -> memref<2560xi32, #tpu.memory_space<hbm>>
      tpu.wait_dma2 semaphore(%arg12 : memref<!tpu.dma_semaphore, #tpu.memory_space<semaphore_mem>>) src(%dma_wait3A_60 : memref<2560xi32, #tpu.memory_space<hbm>>) dst(%arg7 : memref<2560xi32, #tpu.memory_space<vmem>>)
      %dma_start3A_61 = arith.constant 0 : i32
      %dma_start3A_62 = tpu.memref_slice %arg7[%dma_start3A_61] : memref<2560xi32, #tpu.memory_space<vmem>> -> memref<320xi32, #tpu.memory_space<vmem>>
      %dma_start3A_63 = arith.constant 0 : i32
      %dma_start3A_64 = arith.constant 0 : i32
      %dma_start3A_65 = tpu.memref_slice %arg2[%dma_start3A_63, %dma_start3A_64] : memref<100000x32xf32, #tpu.memory_space<hbm>> -> memref<100000x32xf32, #tpu.memory_space<hbm>>
      tpu.enqueue_indirect_dma source(%dma_start3A_65 : memref<100000x32xf32, #tpu.memory_space<hbm>>) target(%arg8 : memref<320x32xf32, #tpu.memory_space<vmem>>) offsets(%dma_start3A_62 : memref<320xi32, #tpu.memory_space<vmem>>) semaphore(%arg13 : memref<!tpu.dma_semaphore, #tpu.memory_space<semaphore_mem>>)
      %dma_wait3A_66 = arith.constant 1920 : i32
      %dma_wait3A_67 = tpu.memref_slice %arg6[%dma_wait3A_66] : memref<2560xi32, #tpu.memory_space<vmem>> -> memref<320xi32, #tpu.memory_space<vmem>>
      %dma_wait3A_68 = arith.constant 0 : i32
      %dma_wait3A_69 = arith.constant 0 : i32
      %dma_wait3A_70 = tpu.memref_slice %arg2[%dma_wait3A_68, %dma_wait3A_69] : memref<100000x32xf32, #tpu.memory_space<hbm>> -> memref<100000x32xf32, #tpu.memory_space<hbm>>
      tpu.wait_indirect_dma semaphore(%arg14 : memref<!tpu.dma_semaphore, #tpu.memory_space<semaphore_mem>>) src(%dma_wait3A_70 : memref<100000x32xf32, #tpu.memory_space<hbm>>) dst(%arg9 : memref<320x32xf32, #tpu.memory_space<vmem>>)
      "tpu.region"() ({
        %run_scoped3A = tpu.sem_alloc : memref<!tpu.dma_semaphore, #tpu.memory_space<semaphore_mem>>
        %dma_start3A_113 = arith.constant 2240 : i32
        %dma_start3A_114 = tpu.memref_slice %arg6[%dma_start3A_113] : memref<2560xi32, #tpu.memory_space<vmem>> -> memref<320xi32, #tpu.memory_space<vmem>>
        %dma_start3A_115 = arith.constant 0 : i32
        %dma_start3A_116 = arith.constant 0 : i32
        %dma_start3A_117 = tpu.memref_slice %arg10[%dma_start3A_115, %dma_start3A_116] : memref<50176x32xf32, #tpu.memory_space<vmem_shared>> -> memref<50176x32xf32, #tpu.memory_space<vmem_shared>>
        tpu.enqueue_indirect_dma source(%arg9 : memref<320x32xf32, #tpu.memory_space<vmem>>) target(%dma_start3A_117 : memref<50176x32xf32, #tpu.memory_space<vmem_shared>>) offsets(%dma_start3A_114 : memref<320xi32, #tpu.memory_space<vmem>>) semaphore(%run_scoped3A : memref<!tpu.dma_semaphore, #tpu.memory_space<semaphore_mem>>) {add = true}
        %dma_wait3A_118 = arith.constant 2240 : i32
        %dma_wait3A_119 = tpu.memref_slice %arg6[%dma_wait3A_118] : memref<2560xi32, #tpu.memory_space<vmem>> -> memref<320xi32, #tpu.memory_space<vmem>>
        %dma_wait3A_120 = arith.constant 0 : i32
        %dma_wait3A_121 = arith.constant 0 : i32
        %dma_wait3A_122 = tpu.memref_slice %arg10[%dma_wait3A_120, %dma_wait3A_121] : memref<50176x32xf32, #tpu.memory_space<vmem_shared>> -> memref<50176x32xf32, #tpu.memory_space<vmem_shared>>
        tpu.wait_indirect_dma semaphore(%run_scoped3A : memref<!tpu.dma_semaphore, #tpu.memory_space<semaphore_mem>>) src(%arg9 : memref<320x32xf32, #tpu.memory_space<vmem>>) dst(%dma_wait3A_122 : memref<50176x32xf32, #tpu.memory_space<vmem_shared>>)
        tpu.yield
      }) : () -> ()
      %lt3A = arith.constant 19 : i32
      %lt3A_71 = arith.cmpi slt, %scan3A_18, %lt3A : i32
      %convert_element_type3A = arith.extui %lt3A_71 : i1 to i32
      %cond3A = arith.constant 0 : i32
      %cond3A_72 = arith.cmpi ne, %convert_element_type3A, %cond3A : i32
      scf.if %cond3A_72 {
        %add3A_113 = arith.constant 5120 : i32
        %add3A_114 = arith.addi %add3A_23, %add3A_113 : i32
        %dma_start3A_115 = tpu.memref_slice %arg3[%add3A_114] : memref<3276800xi32, #tpu.memory_space<hbm>> -> memref<2560xi32, #tpu.memory_space<hbm>>
        %dma_start3A_116 = tpu.memref_slice %arg3[%add3A_114] : memref<3276800xi32, #tpu.memory_space<hbm>> -> memref<2560xi32, #tpu.memory_space<hbm>>
        tpu.enqueue_dma source(%dma_start3A_116 : memref<2560xi32, #tpu.memory_space<hbm>>) target(%arg6 : memref<2560xi32, #tpu.memory_space<vmem>>) target_semaphore(%arg11 : memref<!tpu.dma_semaphore, #tpu.memory_space<semaphore_mem>>)
      } else {
      }
      %dma_start3A_73 = arith.constant 640 : i32
      %dma_start3A_74 = tpu.memref_slice %arg7[%dma_start3A_73] : memref<2560xi32, #tpu.memory_space<vmem>> -> memref<320xi32, #tpu.memory_space<vmem>>
      %dma_start3A_75 = arith.constant 0 : i32
      %dma_start3A_76 = arith.constant 0 : i32
      %dma_start3A_77 = tpu.memref_slice %arg2[%dma_start3A_75, %dma_start3A_76] : memref<100000x32xf32, #tpu.memory_space<hbm>> -> memref<100000x32xf32, #tpu.memory_space<hbm>>
      tpu.enqueue_indirect_dma source(%dma_start3A_77 : memref<100000x32xf32, #tpu.memory_space<hbm>>) target(%arg9 : memref<320x32xf32, #tpu.memory_space<vmem>>) offsets(%dma_start3A_74 : memref<320xi32, #tpu.memory_space<vmem>>) semaphore(%arg14 : memref<!tpu.dma_semaphore, #tpu.memory_space<semaphore_mem>>)
      %dma_wait3A_78 = arith.constant 0 : i32
      %dma_wait3A_79 = tpu.memref_slice %arg7[%dma_wait3A_78] : memref<2560xi32, #tpu.memory_space<vmem>> -> memref<320xi32, #tpu.memory_space<vmem>>
      %dma_wait3A_80 = arith.constant 0 : i32
      %dma_wait3A_81 = arith.constant 0 : i32
      %dma_wait3A_82 = tpu.memref_slice %arg2[%dma_wait3A_80, %dma_wait3A_81] : memref<100000x32xf32, #tpu.memory_space<hbm>> -> memref<100000x32xf32, #tpu.memory_space<hbm>>
      tpu.wait_indirect_dma semaphore(%arg13 : memref<!tpu.dma_semaphore, #tpu.memory_space<semaphore_mem>>) src(%dma_wait3A_82 : memref<100000x32xf32, #tpu.memory_space<hbm>>) dst(%arg8 : memref<320x32xf32, #tpu.memory_space<vmem>>)
      "tpu.region"() ({
        %run_scoped3A = tpu.sem_alloc : memref<!tpu.dma_semaphore, #tpu.memory_space<semaphore_mem>>
        %dma_start3A_113 = arith.constant 320 : i32
        %dma_start3A_114 = tpu.memref_slice %arg7[%dma_start3A_113] : memref<2560xi32, #tpu.memory_space<vmem>> -> memref<320xi32, #tpu.memory_space<vmem>>
        %dma_start3A_115 = arith.constant 0 : i32
        %dma_start3A_116 = arith.constant 0 : i32
        %dma_start3A_117 = tpu.memref_slice %arg10[%dma_start3A_115, %dma_start3A_116] : memref<50176x32xf32, #tpu.memory_space<vmem_shared>> -> memref<50176x32xf32, #tpu.memory_space<vmem_shared>>
        tpu.enqueue_indirect_dma source(%arg8 : memref<320x32xf32, #tpu.memory_space<vmem>>) target(%dma_start3A_117 : memref<50176x32xf32, #tpu.memory_space<vmem_shared>>) offsets(%dma_start3A_114 : memref<320xi32, #tpu.memory_space<vmem>>) semaphore(%run_scoped3A : memref<!tpu.dma_semaphore, #tpu.memory_space<semaphore_mem>>) {add = true}
        %dma_wait3A_118 = arith.constant 320 : i32
        %dma_wait3A_119 = tpu.memref_slice %arg7[%dma_wait3A_118] : memref<2560xi32, #tpu.memory_space<vmem>> -> memref<320xi32, #tpu.memory_space<vmem>>
        %dma_wait3A_120 = arith.constant 0 : i32
        %dma_wait3A_121 = arith.constant 0 : i32
        %dma_wait3A_122 = tpu.memref_slice %arg10[%dma_wait3A_120, %dma_wait3A_121] : memref<50176x32xf32, #tpu.memory_space<vmem_shared>> -> memref<50176x32xf32, #tpu.memory_space<vmem_shared>>
        tpu.wait_indirect_dma semaphore(%run_scoped3A : memref<!tpu.dma_semaphore, #tpu.memory_space<semaphore_mem>>) src(%arg8 : memref<320x32xf32, #tpu.memory_space<vmem>>) dst(%dma_wait3A_122 : memref<50176x32xf32, #tpu.memory_space<vmem_shared>>)
        tpu.yield
      }) : () -> ()
      %dma_start3A_83 = arith.constant 1280 : i32
      %dma_start3A_84 = tpu.memref_slice %arg7[%dma_start3A_83] : memref<2560xi32, #tpu.memory_space<vmem>> -> memref<320xi32, #tpu.memory_space<vmem>>
      %dma_start3A_85 = arith.constant 0 : i32
      %dma_start3A_86 = arith.constant 0 : i32
      %dma_start3A_87 = tpu.memref_slice %arg2[%dma_start3A_85, %dma_start3A_86] : memref<100000x32xf32, #tpu.memory_space<hbm>> -> memref<100000x32xf32, #tpu.memory_space<hbm>>
      tpu.enqueue_indirect_dma source(%dma_start3A_87 : memref<100000x32xf32, #tpu.memory_space<hbm>>) target(%arg8 : memref<320x32xf32, #tpu.memory_space<vmem>>) offsets(%dma_start3A_84 : memref<320xi32, #tpu.memory_space<vmem>>) semaphore(%arg13 : memref<!tpu.dma_semaphore, #tpu.memory_space<semaphore_mem>>)
      %dma_wait3A_88 = arith.constant 640 : i32
      %dma_wait3A_89 = tpu.memref_slice %arg7[%dma_wait3A_88] : memref<2560xi32, #tpu.memory_space<vmem>> -> memref<320xi32, #tpu.memory_space<vmem>>
      %dma_wait3A_90 = arith.constant 0 : i32
      %dma_wait3A_91 = arith.constant 0 : i32
      %dma_wait3A_92 = tpu.memref_slice %arg2[%dma_wait3A_90, %dma_wait3A_91] : memref<100000x32xf32, #tpu.memory_space<hbm>> -> memref<100000x32xf32, #tpu.memory_space<hbm>>
      tpu.wait_indirect_dma semaphore(%arg14 : memref<!tpu.dma_semaphore, #tpu.memory_space<semaphore_mem>>) src(%dma_wait3A_92 : memref<100000x32xf32, #tpu.memory_space<hbm>>) dst(%arg9 : memref<320x32xf32, #tpu.memory_space<vmem>>)
      "tpu.region"() ({
        %run_scoped3A = tpu.sem_alloc : memref<!tpu.dma_semaphore, #tpu.memory_space<semaphore_mem>>
        %dma_start3A_113 = arith.constant 960 : i32
        %dma_start3A_114 = tpu.memref_slice %arg7[%dma_start3A_113] : memref<2560xi32, #tpu.memory_space<vmem>> -> memref<320xi32, #tpu.memory_space<vmem>>
        %dma_start3A_115 = arith.constant 0 : i32
        %dma_start3A_116 = arith.constant 0 : i32
        %dma_start3A_117 = tpu.memref_slice %arg10[%dma_start3A_115, %dma_start3A_116] : memref<50176x32xf32, #tpu.memory_space<vmem_shared>> -> memref<50176x32xf32, #tpu.memory_space<vmem_shared>>
        tpu.enqueue_indirect_dma source(%arg9 : memref<320x32xf32, #tpu.memory_space<vmem>>) target(%dma_start3A_117 : memref<50176x32xf32, #tpu.memory_space<vmem_shared>>) offsets(%dma_start3A_114 : memref<320xi32, #tpu.memory_space<vmem>>) semaphore(%run_scoped3A : memref<!tpu.dma_semaphore, #tpu.memory_space<semaphore_mem>>) {add = true}
        %dma_wait3A_118 = arith.constant 960 : i32
        %dma_wait3A_119 = tpu.memref_slice %arg7[%dma_wait3A_118] : memref<2560xi32, #tpu.memory_space<vmem>> -> memref<320xi32, #tpu.memory_space<vmem>>
        %dma_wait3A_120 = arith.constant 0 : i32
        %dma_wait3A_121 = arith.constant 0 : i32
        %dma_wait3A_122 = tpu.memref_slice %arg10[%dma_wait3A_120, %dma_wait3A_121] : memref<50176x32xf32, #tpu.memory_space<vmem_shared>> -> memref<50176x32xf32, #tpu.memory_space<vmem_shared>>
        tpu.wait_indirect_dma semaphore(%run_scoped3A : memref<!tpu.dma_semaphore, #tpu.memory_space<semaphore_mem>>) src(%arg9 : memref<320x32xf32, #tpu.memory_space<vmem>>) dst(%dma_wait3A_122 : memref<50176x32xf32, #tpu.memory_space<vmem_shared>>)
        tpu.yield
      }) : () -> ()
      %dma_start3A_93 = arith.constant 1920 : i32
      %dma_start3A_94 = tpu.memref_slice %arg7[%dma_start3A_93] : memref<2560xi32, #tpu.memory_space<vmem>> -> memref<320xi32, #tpu.memory_space<vmem>>
      %dma_start3A_95 = arith.constant 0 : i32
      %dma_start3A_96 = arith.constant 0 : i32
      %dma_start3A_97 = tpu.memref_slice %arg2[%dma_start3A_95, %dma_start3A_96] : memref<100000x32xf32, #tpu.memory_space<hbm>> -> memref<100000x32xf32, #tpu.memory_space<hbm>>
      tpu.enqueue_indirect_dma source(%dma_start3A_97 : memref<100000x32xf32, #tpu.memory_space<hbm>>) target(%arg9 : memref<320x32xf32, #tpu.memory_space<vmem>>) offsets(%dma_start3A_94 : memref<320xi32, #tpu.memory_space<vmem>>) semaphore(%arg14 : memref<!tpu.dma_semaphore, #tpu.memory_space<semaphore_mem>>)
      %dma_wait3A_98 = arith.constant 1280 : i32
      %dma_wait3A_99 = tpu.memref_slice %arg7[%dma_wait3A_98] : memref<2560xi32, #tpu.memory_space<vmem>> -> memref<320xi32, #tpu.memory_space<vmem>>
      %dma_wait3A_100 = arith.constant 0 : i32
      %dma_wait3A_101 = arith.constant 0 : i32
      %dma_wait3A_102 = tpu.memref_slice %arg2[%dma_wait3A_100, %dma_wait3A_101] : memref<100000x32xf32, #tpu.memory_space<hbm>> -> memref<100000x32xf32, #tpu.memory_space<hbm>>
      tpu.wait_indirect_dma semaphore(%arg13 : memref<!tpu.dma_semaphore, #tpu.memory_space<semaphore_mem>>) src(%dma_wait3A_102 : memref<100000x32xf32, #tpu.memory_space<hbm>>) dst(%arg8 : memref<320x32xf32, #tpu.memory_space<vmem>>)
      "tpu.region"() ({
        %run_scoped3A = tpu.sem_alloc : memref<!tpu.dma_semaphore, #tpu.memory_space<semaphore_mem>>
        %dma_start3A_113 = arith.constant 1600 : i32
        %dma_start3A_114 = tpu.memref_slice %arg7[%dma_start3A_113] : memref<2560xi32, #tpu.memory_space<vmem>> -> memref<320xi32, #tpu.memory_space<vmem>>
        %dma_start3A_115 = arith.constant 0 : i32
        %dma_start3A_116 = arith.constant 0 : i32
        %dma_start3A_117 = tpu.memref_slice %arg10[%dma_start3A_115, %dma_start3A_116] : memref<50176x32xf32, #tpu.memory_space<vmem_shared>> -> memref<50176x32xf32, #tpu.memory_space<vmem_shared>>
        tpu.enqueue_indirect_dma source(%arg8 : memref<320x32xf32, #tpu.memory_space<vmem>>) target(%dma_start3A_117 : memref<50176x32xf32, #tpu.memory_space<vmem_shared>>) offsets(%dma_start3A_114 : memref<320xi32, #tpu.memory_space<vmem>>) semaphore(%run_scoped3A : memref<!tpu.dma_semaphore, #tpu.memory_space<semaphore_mem>>) {add = true}
        %dma_wait3A_118 = arith.constant 1600 : i32
        %dma_wait3A_119 = tpu.memref_slice %arg7[%dma_wait3A_118] : memref<2560xi32, #tpu.memory_space<vmem>> -> memref<320xi32, #tpu.memory_space<vmem>>
        %dma_wait3A_120 = arith.constant 0 : i32
        %dma_wait3A_121 = arith.constant 0 : i32
        %dma_wait3A_122 = tpu.memref_slice %arg10[%dma_wait3A_120, %dma_wait3A_121] : memref<50176x32xf32, #tpu.memory_space<vmem_shared>> -> memref<50176x32xf32, #tpu.memory_space<vmem_shared>>
        tpu.wait_indirect_dma semaphore(%run_scoped3A : memref<!tpu.dma_semaphore, #tpu.memory_space<semaphore_mem>>) src(%arg8 : memref<320x32xf32, #tpu.memory_space<vmem>>) dst(%dma_wait3A_122 : memref<50176x32xf32, #tpu.memory_space<vmem_shared>>)
        tpu.yield
      }) : () -> ()
      %lt3A_103 = arith.constant 19 : i32
      %lt3A_104 = arith.cmpi slt, %scan3A_18, %lt3A_103 : i32
      %convert_element_type3A_105 = arith.extui %lt3A_104 : i1 to i32
      %cond3A_106 = arith.constant 0 : i32
      %cond3A_107 = arith.cmpi ne, %convert_element_type3A_105, %cond3A_106 : i32
      scf.if %cond3A_107 {
        %add3A_113 = arith.constant 5120 : i32
        %add3A_114 = arith.addi %add3A_23, %add3A_113 : i32
        %dma_wait3A_115 = tpu.memref_slice %arg3[%add3A_114] : memref<3276800xi32, #tpu.memory_space<hbm>> -> memref<2560xi32, #tpu.memory_space<hbm>>
        %dma_wait3A_116 = tpu.memref_slice %arg3[%add3A_114] : memref<3276800xi32, #tpu.memory_space<hbm>> -> memref<2560xi32, #tpu.memory_space<hbm>>
        tpu.wait_dma2 semaphore(%arg11 : memref<!tpu.dma_semaphore, #tpu.memory_space<semaphore_mem>>) src(%dma_wait3A_116 : memref<2560xi32, #tpu.memory_space<hbm>>) dst(%arg6 : memref<2560xi32, #tpu.memory_space<vmem>>)
        %dma_start3A_117 = arith.constant 0 : i32
        %dma_start3A_118 = tpu.memref_slice %arg6[%dma_start3A_117] : memref<2560xi32, #tpu.memory_space<vmem>> -> memref<320xi32, #tpu.memory_space<vmem>>
        %dma_start3A_119 = arith.constant 0 : i32
        %dma_start3A_120 = arith.constant 0 : i32
        %dma_start3A_121 = tpu.memref_slice %arg2[%dma_start3A_119, %dma_start3A_120] : memref<100000x32xf32, #tpu.memory_space<hbm>> -> memref<100000x32xf32, #tpu.memory_space<hbm>>
        tpu.enqueue_indirect_dma source(%dma_start3A_121 : memref<100000x32xf32, #tpu.memory_space<hbm>>) target(%arg8 : memref<320x32xf32, #tpu.memory_space<vmem>>) offsets(%dma_start3A_118 : memref<320xi32, #tpu.memory_space<vmem>>) semaphore(%arg13 : memref<!tpu.dma_semaphore, #tpu.memory_space<semaphore_mem>>)
      } else {
      }
      %dma_wait3A_108 = arith.constant 1920 : i32
      %dma_wait3A_109 = tpu.memref_slice %arg7[%dma_wait3A_108] : memref<2560xi32, #tpu.memory_space<vmem>> -> memref<320xi32, #tpu.memory_space<vmem>>
      %dma_wait3A_110 = arith.constant 0 : i32
      %dma_wait3A_111 = arith.constant 0 : i32
      %dma_wait3A_112 = tpu.memref_slice %arg2[%dma_wait3A_110, %dma_wait3A_111] : memref<100000x32xf32, #tpu.memory_space<hbm>> -> memref<100000x32xf32, #tpu.memory_space<hbm>>
      tpu.wait_indirect_dma semaphore(%arg14 : memref<!tpu.dma_semaphore, #tpu.memory_space<semaphore_mem>>) src(%dma_wait3A_112 : memref<100000x32xf32, #tpu.memory_space<hbm>>) dst(%arg9 : memref<320x32xf32, #tpu.memory_space<vmem>>)
      "tpu.region"() ({
        %run_scoped3A = tpu.sem_alloc : memref<!tpu.dma_semaphore, #tpu.memory_space<semaphore_mem>>
        %dma_start3A_113 = arith.constant 2240 : i32
        %dma_start3A_114 = tpu.memref_slice %arg7[%dma_start3A_113] : memref<2560xi32, #tpu.memory_space<vmem>> -> memref<320xi32, #tpu.memory_space<vmem>>
        %dma_start3A_115 = arith.constant 0 : i32
        %dma_start3A_116 = arith.constant 0 : i32
        %dma_start3A_117 = tpu.memref_slice %arg10[%dma_start3A_115, %dma_start3A_116] : memref<50176x32xf32, #tpu.memory_space<vmem_shared>> -> memref<50176x32xf32, #tpu.memory_space<vmem_shared>>
        tpu.enqueue_indirect_dma source(%arg9 : memref<320x32xf32, #tpu.memory_space<vmem>>) target(%dma_start3A_117 : memref<50176x32xf32, #tpu.memory_space<vmem_shared>>) offsets(%dma_start3A_114 : memref<320xi32, #tpu.memory_space<vmem>>) semaphore(%run_scoped3A : memref<!tpu.dma_semaphore, #tpu.memory_space<semaphore_mem>>) {add = true}
        %dma_wait3A_118 = arith.constant 2240 : i32
        %dma_wait3A_119 = tpu.memref_slice %arg7[%dma_wait3A_118] : memref<2560xi32, #tpu.memory_space<vmem>> -> memref<320xi32, #tpu.memory_space<vmem>>
        %dma_wait3A_120 = arith.constant 0 : i32
        %dma_wait3A_121 = arith.constant 0 : i32
        %dma_wait3A_122 = tpu.memref_slice %arg10[%dma_wait3A_120, %dma_wait3A_121] : memref<50176x32xf32, #tpu.memory_space<vmem_shared>> -> memref<50176x32xf32, #tpu.memory_space<vmem_shared>>
        tpu.wait_indirect_dma semaphore(%run_scoped3A : memref<!tpu.dma_semaphore, #tpu.memory_space<semaphore_mem>>) src(%arg9 : memref<320x32xf32, #tpu.memory_space<vmem>>) dst(%dma_wait3A_122 : memref<50176x32xf32, #tpu.memory_space<vmem_shared>>)
        tpu.yield
      }) : () -> ()
    }
    %scan3A_13 = arith.constant 20 : i32
    %barrier3A_14 = arith.constant 0 : index
    tpu.barrier barrier_id(%barrier3A_14)
    %mul3A_15 = arith.constant 3128 : i32
    %mul3A_16 = arith.muli %arg1, %mul3A_15 : i32
    %min3A = arith.constant 46872 : i32
    %min3A_17 = arith.minsi %mul3A_16, %min3A : i32
    %multiple_of3A = tpu.assume_multiple %min3A_17, 8 : i32
    "tpu.region"() ({
      %run_scoped3A = tpu.sem_alloc : memref<!tpu.dma_semaphore, #tpu.memory_space<semaphore_mem>>
      %dma_start3A_18 = arith.constant 0 : i32
      %dma_start3A_19 = tpu.memref_slice %arg5[%arg0, %multiple_of3A, %dma_start3A_18] : memref<2x50000x32xf32, #tpu.memory_space<hbm>> -> memref<1x3128x32xf32, #tpu.memory_space<hbm>>
      %dma_start3A_20 = tpu.memref_squeeze %dma_start3A_19 : memref<1x3128x32xf32, #tpu.memory_space<hbm>> -> memref<3128x32xf32, #tpu.memory_space<hbm>>
      %dma_start3A_21 = arith.constant 0 : i32
      %dma_start3A_22 = tpu.memref_slice %arg10[%multiple_of3A, %dma_start3A_21] : memref<50176x32xf32, #tpu.memory_space<vmem_shared>> -> memref<3128x32xf32, #tpu.memory_space<vmem_shared>>
      tpu.enqueue_dma source(%dma_start3A_22 : memref<3128x32xf32, #tpu.memory_space<vmem_shared>>) target(%dma_start3A_20 : memref<3128x32xf32, #tpu.memory_space<hbm>>) target_semaphore(%run_scoped3A : memref<!tpu.dma_semaphore, #tpu.memory_space<semaphore_mem>>)
      %dma_wait3A = arith.constant 0 : i32
      %dma_wait3A_23 = tpu.memref_slice %arg5[%arg0, %multiple_of3A, %dma_wait3A] : memref<2x50000x32xf32, #tpu.memory_space<hbm>> -> memref<1x3128x32xf32, #tpu.memory_space<hbm>>
      %dma_wait3A_24 = tpu.memref_squeeze %dma_wait3A_23 : memref<1x3128x32xf32, #tpu.memory_space<hbm>> -> memref<3128x32xf32, #tpu.memory_space<hbm>>
      %dma_wait3A_25 = arith.constant 0 : i32
      %dma_wait3A_26 = tpu.memref_slice %arg10[%multiple_of3A, %dma_wait3A_25] : memref<50176x32xf32, #tpu.memory_space<vmem_shared>> -> memref<3128x32xf32, #tpu.memory_space<vmem_shared>>
      tpu.wait_dma2 semaphore(%run_scoped3A : memref<!tpu.dma_semaphore, #tpu.memory_space<semaphore_mem>>) src(%dma_wait3A_26 : memref<3128x32xf32, #tpu.memory_space<vmem_shared>>) dst(%dma_wait3A_24 : memref<3128x32xf32, #tpu.memory_space<hbm>>)
      tpu.yield
    }) : () -> ()
    return
  }
}

#map = affine_map<(d0, d1) -> (0)>
#map1 = affine_map<(d0, d1) -> (0, 0)>
#map2 = affine_map<(d0, d1) -> (0, 0, 0)>
module attributes {stable_mosaic.version = 14 : i64} {
  func.func @deg(%arg0: i32, %arg1: i32, %arg2: memref<819200xi32, #tpu.memory_space<hbm>>, %arg3: memref<1024x8xf32, #tpu.memory_space<hbm>>, %arg4: memref<3136x8xf32, #tpu.memory_space<hbm>>, %arg5: memref<2x50000x8xf32, #tpu.memory_space<hbm>>, %arg6: memref<1024xi32, #tpu.memory_space<vmem>>, %arg7: memref<1024x8xf32, #tpu.memory_space<vmem>>, %arg8: memref<50176x8xf32, #tpu.memory_space<vmem_shared>>) attributes {dimension_semantics = [#tpu.dimension_semantics<core_parallel>, #tpu.dimension_semantics<subcore_parallel>], iteration_bounds = array<i64: 2, 16>, scalar_prefetch = 0 : i64, scratch_operands = 3 : i64, tpu.core_type = #tpu.core_type<sc_vector_subcore>, window_params = [{transform_indices = #map}, {transform_indices = #map1}, {transform_indices = #map1}, {transform_indices = #map2}]} {
    %mul3A = arith.constant 3136 : i32
    %mul3A_0 = arith.muli %arg1, %mul3A : i32
    "tpu.region"() ({
      %run_scoped3A = tpu.sem_alloc : memref<!tpu.dma_semaphore, #tpu.memory_space<semaphore_mem>>
      %dma_start3A = arith.constant 0 : i32
      %dma_start3A_10 = tpu.memref_slice %arg8[%mul3A_0, %dma_start3A] : memref<50176x8xf32, #tpu.memory_space<vmem_shared>> -> memref<3136x8xf32, #tpu.memory_space<vmem_shared>>
      tpu.enqueue_dma source(%arg4 : memref<3136x8xf32, #tpu.memory_space<hbm>>) target(%dma_start3A_10 : memref<3136x8xf32, #tpu.memory_space<vmem_shared>>) target_semaphore(%run_scoped3A : memref<!tpu.dma_semaphore, #tpu.memory_space<semaphore_mem>>)
      %dma_wait3A = arith.constant 0 : i32
      %dma_wait3A_11 = tpu.memref_slice %arg8[%mul3A_0, %dma_wait3A] : memref<50176x8xf32, #tpu.memory_space<vmem_shared>> -> memref<3136x8xf32, #tpu.memory_space<vmem_shared>>
      tpu.wait_dma2 semaphore(%run_scoped3A : memref<!tpu.dma_semaphore, #tpu.memory_space<semaphore_mem>>) src(%arg4 : memref<3136x8xf32, #tpu.memory_space<hbm>>) dst(%dma_wait3A_11 : memref<3136x8xf32, #tpu.memory_space<vmem_shared>>)
      tpu.yield
    }) : () -> ()
    "tpu.region"() ({
      %run_scoped3A = tpu.sem_alloc : memref<!tpu.dma_semaphore, #tpu.memory_space<semaphore_mem>>
      tpu.enqueue_dma source(%arg3 : memref<1024x8xf32, #tpu.memory_space<hbm>>) target(%arg7 : memref<1024x8xf32, #tpu.memory_space<vmem>>) target_semaphore(%run_scoped3A : memref<!tpu.dma_semaphore, #tpu.memory_space<semaphore_mem>>)
      tpu.wait_dma2 semaphore(%run_scoped3A : memref<!tpu.dma_semaphore, #tpu.memory_space<semaphore_mem>>) src(%arg3 : memref<1024x8xf32, #tpu.memory_space<hbm>>) dst(%arg7 : memref<1024x8xf32, #tpu.memory_space<vmem>>)
      tpu.yield
    }) : () -> ()
    %barrier3A = arith.constant 0 : index
    tpu.barrier barrier_id(%barrier3A)
    %scan3A = arith.constant 0 : i32
    %scan3A_1 = arith.constant 0 : i32
    %scan3A_2 = arith.constant 25 : i32
    %scan3A_3 = arith.addi %scan3A_1, %scan3A_2 : i32
    %scan3A_4 = arith.constant 1 : i32
    scf.for %scan3A_10 = %scan3A_1 to %scan3A_3 step %scan3A_4  : i32 {
      %mul3A_11 = arith.constant 409600 : i32
      %mul3A_12 = arith.muli %arg0, %mul3A_11 : i32
      %mul3A_13 = arith.constant 25600 : i32
      %mul3A_14 = arith.muli %arg1, %mul3A_13 : i32
      %add3A = arith.addi %mul3A_12, %mul3A_14 : i32
      %mul3A_15 = arith.constant 1024 : i32
      %mul3A_16 = arith.muli %scan3A_10, %mul3A_15 : i32
      %add3A_17 = arith.addi %add3A, %mul3A_16 : i32
      "tpu.region"() ({
        %run_scoped3A = tpu.sem_alloc : memref<!tpu.dma_semaphore, #tpu.memory_space<semaphore_mem>>
        %dma_start3A = tpu.memref_slice %arg2[%add3A_17] : memref<819200xi32, #tpu.memory_space<hbm>> -> memref<1024xi32, #tpu.memory_space<hbm>>
        %dma_start3A_18 = tpu.memref_slice %arg2[%add3A_17] : memref<819200xi32, #tpu.memory_space<hbm>> -> memref<1024xi32, #tpu.memory_space<hbm>>
        tpu.enqueue_dma source(%dma_start3A_18 : memref<1024xi32, #tpu.memory_space<hbm>>) target(%arg6 : memref<1024xi32, #tpu.memory_space<vmem>>) target_semaphore(%run_scoped3A : memref<!tpu.dma_semaphore, #tpu.memory_space<semaphore_mem>>)
        %dma_wait3A = tpu.memref_slice %arg2[%add3A_17] : memref<819200xi32, #tpu.memory_space<hbm>> -> memref<1024xi32, #tpu.memory_space<hbm>>
        %dma_wait3A_19 = tpu.memref_slice %arg2[%add3A_17] : memref<819200xi32, #tpu.memory_space<hbm>> -> memref<1024xi32, #tpu.memory_space<hbm>>
        tpu.wait_dma2 semaphore(%run_scoped3A : memref<!tpu.dma_semaphore, #tpu.memory_space<semaphore_mem>>) src(%dma_wait3A_19 : memref<1024xi32, #tpu.memory_space<hbm>>) dst(%arg6 : memref<1024xi32, #tpu.memory_space<vmem>>)
        tpu.yield
      }) : () -> ()
      "tpu.region"() ({
        %run_scoped3A = tpu.sem_alloc : memref<!tpu.dma_semaphore, #tpu.memory_space<semaphore_mem>>
        %dma_start3A = arith.constant 0 : i32
        %dma_start3A_18 = arith.constant 0 : i32
        %dma_start3A_19 = tpu.memref_slice %arg8[%dma_start3A, %dma_start3A_18] : memref<50176x8xf32, #tpu.memory_space<vmem_shared>> -> memref<50176x8xf32, #tpu.memory_space<vmem_shared>>
        tpu.enqueue_indirect_dma source(%arg7 : memref<1024x8xf32, #tpu.memory_space<vmem>>) target(%dma_start3A_19 : memref<50176x8xf32, #tpu.memory_space<vmem_shared>>) offsets(%arg6 : memref<1024xi32, #tpu.memory_space<vmem>>) semaphore(%run_scoped3A : memref<!tpu.dma_semaphore, #tpu.memory_space<semaphore_mem>>) {add = true}
        %dma_wait3A = arith.constant 0 : i32
        %dma_wait3A_20 = arith.constant 0 : i32
        %dma_wait3A_21 = tpu.memref_slice %arg8[%dma_wait3A, %dma_wait3A_20] : memref<50176x8xf32, #tpu.memory_space<vmem_shared>> -> memref<50176x8xf32, #tpu.memory_space<vmem_shared>>
        tpu.wait_indirect_dma semaphore(%run_scoped3A : memref<!tpu.dma_semaphore, #tpu.memory_space<semaphore_mem>>) src(%arg7 : memref<1024x8xf32, #tpu.memory_space<vmem>>) dst(%dma_wait3A_21 : memref<50176x8xf32, #tpu.memory_space<vmem_shared>>)
        tpu.yield
      }) : () -> ()
    }
    %scan3A_5 = arith.constant 25 : i32
    %barrier3A_6 = arith.constant 0 : index
    tpu.barrier barrier_id(%barrier3A_6)
    %mul3A_7 = arith.constant 3128 : i32
    %mul3A_8 = arith.muli %arg1, %mul3A_7 : i32
    %min3A = arith.constant 46872 : i32
    %min3A_9 = arith.minsi %mul3A_8, %min3A : i32
    %multiple_of3A = tpu.assume_multiple %min3A_9, 8 : i32
    "tpu.region"() ({
      %run_scoped3A = tpu.sem_alloc : memref<!tpu.dma_semaphore, #tpu.memory_space<semaphore_mem>>
      %dma_start3A = arith.constant 0 : i32
      %dma_start3A_10 = tpu.memref_slice %arg5[%arg0, %multiple_of3A, %dma_start3A] : memref<2x50000x8xf32, #tpu.memory_space<hbm>> -> memref<1x3128x8xf32, #tpu.memory_space<hbm>>
      %dma_start3A_11 = tpu.memref_squeeze %dma_start3A_10 : memref<1x3128x8xf32, #tpu.memory_space<hbm>> -> memref<3128x8xf32, #tpu.memory_space<hbm>>
      %dma_start3A_12 = arith.constant 0 : i32
      %dma_start3A_13 = tpu.memref_slice %arg8[%multiple_of3A, %dma_start3A_12] : memref<50176x8xf32, #tpu.memory_space<vmem_shared>> -> memref<3128x8xf32, #tpu.memory_space<vmem_shared>>
      tpu.enqueue_dma source(%dma_start3A_13 : memref<3128x8xf32, #tpu.memory_space<vmem_shared>>) target(%dma_start3A_11 : memref<3128x8xf32, #tpu.memory_space<hbm>>) target_semaphore(%run_scoped3A : memref<!tpu.dma_semaphore, #tpu.memory_space<semaphore_mem>>)
      %dma_wait3A = arith.constant 0 : i32
      %dma_wait3A_14 = tpu.memref_slice %arg5[%arg0, %multiple_of3A, %dma_wait3A] : memref<2x50000x8xf32, #tpu.memory_space<hbm>> -> memref<1x3128x8xf32, #tpu.memory_space<hbm>>
      %dma_wait3A_15 = tpu.memref_squeeze %dma_wait3A_14 : memref<1x3128x8xf32, #tpu.memory_space<hbm>> -> memref<3128x8xf32, #tpu.memory_space<hbm>>
      %dma_wait3A_16 = arith.constant 0 : i32
      %dma_wait3A_17 = tpu.memref_slice %arg8[%multiple_of3A, %dma_wait3A_16] : memref<50176x8xf32, #tpu.memory_space<vmem_shared>> -> memref<3128x8xf32, #tpu.memory_space<vmem_shared>>
      tpu.wait_dma2 semaphore(%run_scoped3A : memref<!tpu.dma_semaphore, #tpu.memory_space<semaphore_mem>>) src(%dma_wait3A_17 : memref<3128x8xf32, #tpu.memory_space<vmem_shared>>) dst(%dma_wait3A_15 : memref<3128x8xf32, #tpu.memory_space<hbm>>)
      tpu.yield
    }) : () -> ()
    return
  }
}

#map = affine_map<(d0, d1) -> (0, 0)>
#map1 = affine_map<(d0, d1) -> (0)>
#map2 = affine_map<(d0, d1) -> (0, 0, 0)>
module attributes {stable_mosaic.version = 14 : i64} {
  func.func @scatter(%arg0: i32, %arg1: i32, %arg2: memref<100000x32xf32, #tpu.memory_space<hbm>>, %arg3: memref<3276800xi32, #tpu.memory_space<hbm>>, %arg4: memref<3136x32xf32, #tpu.memory_space<hbm>>, %arg5: memref<2x50000x32xf32, #tpu.memory_space<hbm>>, %arg6: memref<2560xi32, #tpu.memory_space<vmem>>, %arg7: memref<2560xi32, #tpu.memory_space<vmem>>, %arg8: memref<320x32xf32, #tpu.memory_space<vmem>>, %arg9: memref<320x32xf32, #tpu.memory_space<vmem>>, %arg10: memref<50176x32xf32, #tpu.memory_space<vmem_shared>>, %arg11: memref<!tpu.dma_semaphore, #tpu.memory_space<semaphore_mem>>, %arg12: memref<!tpu.dma_semaphore, #tpu.memory_space<semaphore_mem>>, %arg13: memref<!tpu.dma_semaphore, #tpu.memory_space<semaphore_mem>>, %arg14: memref<!tpu.dma_semaphore, #tpu.memory_space<semaphore_mem>>) attributes {dimension_semantics = [#tpu.dimension_semantics<core_parallel>, #tpu.dimension_semantics<subcore_parallel>], iteration_bounds = array<i64: 2, 16>, scalar_prefetch = 0 : i64, scratch_operands = 9 : i64, tpu.core_type = #tpu.core_type<sc_vector_subcore>, window_params = [{transform_indices = #map}, {transform_indices = #map1}, {transform_indices = #map}, {transform_indices = #map2}]} {
    %mul3A = arith.constant 1638400 : i32
    %mul3A_0 = arith.muli %arg0, %mul3A : i32
    %mul3A_1 = arith.constant 102400 : i32
    %mul3A_2 = arith.muli %arg1, %mul3A_1 : i32
    %add3A = arith.addi %mul3A_0, %mul3A_2 : i32
    "tpu.region"() ({
      %run_scoped3A = tpu.sem_alloc : memref<!tpu.dma_semaphore, #tpu.memory_space<semaphore_mem>>
      %dma_start3A_18 = tpu.memref_slice %arg3[%add3A] : memref<3276800xi32, #tpu.memory_space<hbm>> -> memref<2560xi32, #tpu.memory_space<hbm>>
      %dma_start3A_19 = tpu.memref_slice %arg3[%add3A] : memref<3276800xi32, #tpu.memory_space<hbm>> -> memref<2560xi32, #tpu.memory_space<hbm>>
      tpu.enqueue_dma source(%dma_start3A_19 : memref<2560xi32, #tpu.memory_space<hbm>>) target(%arg6 : memref<2560xi32, #tpu.memory_space<vmem>>) target_semaphore(%run_scoped3A : memref<!tpu.dma_semaphore, #tpu.memory_space<semaphore_mem>>)
      %dma_wait3A = tpu.memref_slice %arg3[%add3A] : memref<3276800xi32, #tpu.memory_space<hbm>> -> memref<2560xi32, #tpu.memory_space<hbm>>
      %dma_wait3A_20 = tpu.memref_slice %arg3[%add3A] : memref<3276800xi32, #tpu.memory_space<hbm>> -> memref<2560xi32, #tpu.memory_space<hbm>>
      tpu.wait_dma2 semaphore(%run_scoped3A : memref<!tpu.dma_semaphore, #tpu.memory_space<semaphore_mem>>) src(%dma_wait3A_20 : memref<2560xi32, #tpu.memory_space<hbm>>) dst(%arg6 : memref<2560xi32, #tpu.memory_space<vmem>>)
      tpu.yield
    }) : () -> ()
    %dma_start3A = arith.constant 0 : i32
    %dma_start3A_3 = tpu.memref_slice %arg6[%dma_start3A] : memref<2560xi32, #tpu.memory_space<vmem>> -> memref<320xi32, #tpu.memory_space<vmem>>
    %dma_start3A_4 = arith.constant 0 : i32
    %dma_start3A_5 = arith.constant 0 : i32
    %dma_start3A_6 = tpu.memref_slice %arg2[%dma_start3A_4, %dma_start3A_5] : memref<100000x32xf32, #tpu.memory_space<hbm>> -> memref<100000x32xf32, #tpu.memory_space<hbm>>
    tpu.enqueue_indirect_dma source(%dma_start3A_6 : memref<100000x32xf32, #tpu.memory_space<hbm>>) target(%arg8 : memref<320x32xf32, #tpu.memory_space<vmem>>) offsets(%dma_start3A_3 : memref<320xi32, #tpu.memory_space<vmem>>) semaphore(%arg13 : memref<!tpu.dma_semaphore, #tpu.memory_space<semaphore_mem>>)
    %mul3A_7 = arith.constant 3136 : i32
    %mul3A_8 = arith.muli %arg1, %mul3A_7 : i32
    "tpu.region"() ({
      %run_scoped3A = tpu.sem_alloc : memref<!tpu.dma_semaphore, #tpu.memory_space<semaphore_mem>>
      %dma_start3A_18 = arith.constant 0 : i32
      %dma_start3A_19 = tpu.memref_slice %arg10[%mul3A_8, %dma_start3A_18] : memref<50176x32xf32, #tpu.memory_space<vmem_shared>> -> memref<3136x32xf32, #tpu.memory_space<vmem_shared>>
      tpu.enqueue_dma source(%arg4 : memref<3136x32xf32, #tpu.memory_space<hbm>>) target(%dma_start3A_19 : memref<3136x32xf32, #tpu.memory_space<vmem_shared>>) target_semaphore(%run_scoped3A : memref<!tpu.dma_semaphore, #tpu.memory_space<semaphore_mem>>)
      %dma_wait3A = arith.constant 0 : i32
      %dma_wait3A_20 = tpu.memref_slice %arg10[%mul3A_8, %dma_wait3A] : memref<50176x32xf32, #tpu.memory_space<vmem_shared>> -> memref<3136x32xf32, #tpu.memory_space<vmem_shared>>
      tpu.wait_dma2 semaphore(%run_scoped3A : memref<!tpu.dma_semaphore, #tpu.memory_space<semaphore_mem>>) src(%arg4 : memref<3136x32xf32, #tpu.memory_space<hbm>>) dst(%dma_wait3A_20 : memref<3136x32xf32, #tpu.memory_space<vmem_shared>>)
      tpu.yield
    }) : () -> ()
    %barrier3A = arith.constant 0 : index
    tpu.barrier barrier_id(%barrier3A)
    %scan3A = arith.constant 0 : i32
    %scan3A_9 = arith.constant 0 : i32
    %scan3A_10 = arith.constant 20 : i32
    %scan3A_11 = arith.addi %scan3A_9, %scan3A_10 : i32
    %scan3A_12 = arith.constant 1 : i32
    scf.for %scan3A_18 = %scan3A_9 to %scan3A_11 step %scan3A_12  : i32 {
      %mul3A_19 = arith.constant 2 : i32
      %mul3A_20 = arith.muli %scan3A_18, %mul3A_19 : i32
      %mul3A_21 = arith.constant 2560 : i32
      %mul3A_22 = arith.muli %mul3A_20, %mul3A_21 : i32
      %add3A_23 = arith.addi %add3A, %mul3A_22 : i32
      %add3A_24 = arith.constant 2560 : i32
      %add3A_25 = arith.addi %add3A_23, %add3A_24 : i32
      %dma_start3A_26 = tpu.memref_slice %arg3[%add3A_25] : memref<3276800xi32, #tpu.memory_space<hbm>> -> memref<2560xi32, #tpu.memory_space<hbm>>
      %dma_start3A_27 = tpu.memref_slice %arg3[%add3A_25] : memref<3276800xi32, #tpu.memory_space<hbm>> -> memref<2560xi32, #tpu.memory_space<hbm>>
      tpu.enqueue_dma source(%dma_start3A_27 : memref<2560xi32, #tpu.memory_space<hbm>>) target(%arg7 : memref<2560xi32, #tpu.memory_space<vmem>>) target_semaphore(%arg12 : memref<!tpu.dma_semaphore, #tpu.memory_space<semaphore_mem>>)
      %dma_start3A_28 = arith.constant 640 : i32
      %dma_start3A_29 = tpu.memref_slice %arg6[%dma_start3A_28] : memref<2560xi32, #tpu.memory_space<vmem>> -> memref<320xi32, #tpu.memory_space<vmem>>
      %dma_start3A_30 = arith.constant 0 : i32
      %dma_start3A_31 = arith.constant 0 : i32
      %dma_start3A_32 = tpu.memref_slice %arg2[%dma_start3A_30, %dma_start3A_31] : memref<100000x32xf32, #tpu.memory_space<hbm>> -> memref<100000x32xf32, #tpu.memory_space<hbm>>
      tpu.enqueue_indirect_dma source(%dma_start3A_32 : memref<100000x32xf32, #tpu.memory_space<hbm>>) target(%arg9 : memref<320x32xf32, #tpu.memory_space<vmem>>) offsets(%dma_start3A_29 : memref<320xi32, #tpu.memory_space<vmem>>) semaphore(%arg14 : memref<!tpu.dma_semaphore, #tpu.memory_space<semaphore_mem>>)
      %dma_wait3A = arith.constant 0 : i32
      %dma_wait3A_33 = tpu.memref_slice %arg6[%dma_wait3A] : memref<2560xi32, #tpu.memory_space<vmem>> -> memref<320xi32, #tpu.memory_space<vmem>>
      %dma_wait3A_34 = arith.constant 0 : i32
      %dma_wait3A_35 = arith.constant 0 : i32
      %dma_wait3A_36 = tpu.memref_slice %arg2[%dma_wait3A_34, %dma_wait3A_35] : memref<100000x32xf32, #tpu.memory_space<hbm>> -> memref<100000x32xf32, #tpu.memory_space<hbm>>
      tpu.wait_indirect_dma semaphore(%arg13 : memref<!tpu.dma_semaphore, #tpu.memory_space<semaphore_mem>>) src(%dma_wait3A_36 : memref<100000x32xf32, #tpu.memory_space<hbm>>) dst(%arg8 : memref<320x32xf32, #tpu.memory_space<vmem>>)
      "tpu.region"() ({
        %run_scoped3A = tpu.sem_alloc : memref<!tpu.dma_semaphore, #tpu.memory_space<semaphore_mem>>
        %dma_start3A_113 = arith.constant 320 : i32
        %dma_start3A_114 = tpu.memref_slice %arg6[%dma_start3A_113] : memref<2560xi32, #tpu.memory_space<vmem>> -> memref<320xi32, #tpu.memory_space<vmem>>
        %dma_start3A_115 = arith.constant 0 : i32
        %dma_start3A_116 = arith.constant 0 : i32
        %dma_start3A_117 = tpu.memref_slice %arg10[%dma_start3A_115, %dma_start3A_116] : memref<50176x32xf32, #tpu.memory_space<vmem_shared>> -> memref<50176x32xf32, #tpu.memory_space<vmem_shared>>
        tpu.enqueue_indirect_dma source(%arg8 : memref<320x32xf32, #tpu.memory_space<vmem>>) target(%dma_start3A_117 : memref<50176x32xf32, #tpu.memory_space<vmem_shared>>) offsets(%dma_start3A_114 : memref<320xi32, #tpu.memory_space<vmem>>) semaphore(%run_scoped3A : memref<!tpu.dma_semaphore, #tpu.memory_space<semaphore_mem>>) {add = true}
        %dma_wait3A_118 = arith.constant 320 : i32
        %dma_wait3A_119 = tpu.memref_slice %arg6[%dma_wait3A_118] : memref<2560xi32, #tpu.memory_space<vmem>> -> memref<320xi32, #tpu.memory_space<vmem>>
        %dma_wait3A_120 = arith.constant 0 : i32
        %dma_wait3A_121 = arith.constant 0 : i32
        %dma_wait3A_122 = tpu.memref_slice %arg10[%dma_wait3A_120, %dma_wait3A_121] : memref<50176x32xf32, #tpu.memory_space<vmem_shared>> -> memref<50176x32xf32, #tpu.memory_space<vmem_shared>>
        tpu.wait_indirect_dma semaphore(%run_scoped3A : memref<!tpu.dma_semaphore, #tpu.memory_space<semaphore_mem>>) src(%arg8 : memref<320x32xf32, #tpu.memory_space<vmem>>) dst(%dma_wait3A_122 : memref<50176x32xf32, #tpu.memory_space<vmem_shared>>)
        tpu.yield
      }) : () -> ()
      %dma_start3A_37 = arith.constant 1280 : i32
      %dma_start3A_38 = tpu.memref_slice %arg6[%dma_start3A_37] : memref<2560xi32, #tpu.memory_space<vmem>> -> memref<320xi32, #tpu.memory_space<vmem>>
      %dma_start3A_39 = arith.constant 0 : i32
      %dma_start3A_40 = arith.constant 0 : i32
      %dma_start3A_41 = tpu.memref_slice %arg2[%dma_start3A_39, %dma_start3A_40] : memref<100000x32xf32, #tpu.memory_space<hbm>> -> memref<100000x32xf32, #tpu.memory_space<hbm>>
      tpu.enqueue_indirect_dma source(%dma_start3A_41 : memref<100000x32xf32, #tpu.memory_space<hbm>>) target(%arg8 : memref<320x32xf32, #tpu.memory_space<vmem>>) offsets(%dma_start3A_38 : memref<320xi32, #tpu.memory_space<vmem>>) semaphore(%arg13 : memref<!tpu.dma_semaphore, #tpu.memory_space<semaphore_mem>>)
      %dma_wait3A_42 = arith.constant 640 : i32
      %dma_wait3A_43 = tpu.memref_slice %arg6[%dma_wait3A_42] : memref<2560xi32, #tpu.memory_space<vmem>> -> memref<320xi32, #tpu.memory_space<vmem>>
      %dma_wait3A_44 = arith.constant 0 : i32
      %dma_wait3A_45 = arith.constant 0 : i32
      %dma_wait3A_46 = tpu.memref_slice %arg2[%dma_wait3A_44, %dma_wait3A_45] : memref<100000x32xf32, #tpu.memory_space<hbm>> -> memref<100000x32xf32, #tpu.memory_space<hbm>>
      tpu.wait_indirect_dma semaphore(%arg14 : memref<!tpu.dma_semaphore, #tpu.memory_space<semaphore_mem>>) src(%dma_wait3A_46 : memref<100000x32xf32, #tpu.memory_space<hbm>>) dst(%arg9 : memref<320x32xf32, #tpu.memory_space<vmem>>)
      "tpu.region"() ({
        %run_scoped3A = tpu.sem_alloc : memref<!tpu.dma_semaphore, #tpu.memory_space<semaphore_mem>>
        %dma_start3A_113 = arith.constant 960 : i32
        %dma_start3A_114 = tpu.memref_slice %arg6[%dma_start3A_113] : memref<2560xi32, #tpu.memory_space<vmem>> -> memref<320xi32, #tpu.memory_space<vmem>>
        %dma_start3A_115 = arith.constant 0 : i32
        %dma_start3A_116 = arith.constant 0 : i32
        %dma_start3A_117 = tpu.memref_slice %arg10[%dma_start3A_115, %dma_start3A_116] : memref<50176x32xf32, #tpu.memory_space<vmem_shared>> -> memref<50176x32xf32, #tpu.memory_space<vmem_shared>>
        tpu.enqueue_indirect_dma source(%arg9 : memref<320x32xf32, #tpu.memory_space<vmem>>) target(%dma_start3A_117 : memref<50176x32xf32, #tpu.memory_space<vmem_shared>>) offsets(%dma_start3A_114 : memref<320xi32, #tpu.memory_space<vmem>>) semaphore(%run_scoped3A : memref<!tpu.dma_semaphore, #tpu.memory_space<semaphore_mem>>) {add = true}
        %dma_wait3A_118 = arith.constant 960 : i32
        %dma_wait3A_119 = tpu.memref_slice %arg6[%dma_wait3A_118] : memref<2560xi32, #tpu.memory_space<vmem>> -> memref<320xi32, #tpu.memory_space<vmem>>
        %dma_wait3A_120 = arith.constant 0 : i32
        %dma_wait3A_121 = arith.constant 0 : i32
        %dma_wait3A_122 = tpu.memref_slice %arg10[%dma_wait3A_120, %dma_wait3A_121] : memref<50176x32xf32, #tpu.memory_space<vmem_shared>> -> memref<50176x32xf32, #tpu.memory_space<vmem_shared>>
        tpu.wait_indirect_dma semaphore(%run_scoped3A : memref<!tpu.dma_semaphore, #tpu.memory_space<semaphore_mem>>) src(%arg9 : memref<320x32xf32, #tpu.memory_space<vmem>>) dst(%dma_wait3A_122 : memref<50176x32xf32, #tpu.memory_space<vmem_shared>>)
        tpu.yield
      }) : () -> ()
      %dma_start3A_47 = arith.constant 1920 : i32
      %dma_start3A_48 = tpu.memref_slice %arg6[%dma_start3A_47] : memref<2560xi32, #tpu.memory_space<vmem>> -> memref<320xi32, #tpu.memory_space<vmem>>
      %dma_start3A_49 = arith.constant 0 : i32
      %dma_start3A_50 = arith.constant 0 : i32
      %dma_start3A_51 = tpu.memref_slice %arg2[%dma_start3A_49, %dma_start3A_50] : memref<100000x32xf32, #tpu.memory_space<hbm>> -> memref<100000x32xf32, #tpu.memory_space<hbm>>
      tpu.enqueue_indirect_dma source(%dma_start3A_51 : memref<100000x32xf32, #tpu.memory_space<hbm>>) target(%arg9 : memref<320x32xf32, #tpu.memory_space<vmem>>) offsets(%dma_start3A_48 : memref<320xi32, #tpu.memory_space<vmem>>) semaphore(%arg14 : memref<!tpu.dma_semaphore, #tpu.memory_space<semaphore_mem>>)
      %dma_wait3A_52 = arith.constant 1280 : i32
      %dma_wait3A_53 = tpu.memref_slice %arg6[%dma_wait3A_52] : memref<2560xi32, #tpu.memory_space<vmem>> -> memref<320xi32, #tpu.memory_space<vmem>>
      %dma_wait3A_54 = arith.constant 0 : i32
      %dma_wait3A_55 = arith.constant 0 : i32
      %dma_wait3A_56 = tpu.memref_slice %arg2[%dma_wait3A_54, %dma_wait3A_55] : memref<100000x32xf32, #tpu.memory_space<hbm>> -> memref<100000x32xf32, #tpu.memory_space<hbm>>
      tpu.wait_indirect_dma semaphore(%arg13 : memref<!tpu.dma_semaphore, #tpu.memory_space<semaphore_mem>>) src(%dma_wait3A_56 : memref<100000x32xf32, #tpu.memory_space<hbm>>) dst(%arg8 : memref<320x32xf32, #tpu.memory_space<vmem>>)
      "tpu.region"() ({
        %run_scoped3A = tpu.sem_alloc : memref<!tpu.dma_semaphore, #tpu.memory_space<semaphore_mem>>
        %dma_start3A_113 = arith.constant 1600 : i32
        %dma_start3A_114 = tpu.memref_slice %arg6[%dma_start3A_113] : memref<2560xi32, #tpu.memory_space<vmem>> -> memref<320xi32, #tpu.memory_space<vmem>>
        %dma_start3A_115 = arith.constant 0 : i32
        %dma_start3A_116 = arith.constant 0 : i32
        %dma_start3A_117 = tpu.memref_slice %arg10[%dma_start3A_115, %dma_start3A_116] : memref<50176x32xf32, #tpu.memory_space<vmem_shared>> -> memref<50176x32xf32, #tpu.memory_space<vmem_shared>>
        tpu.enqueue_indirect_dma source(%arg8 : memref<320x32xf32, #tpu.memory_space<vmem>>) target(%dma_start3A_117 : memref<50176x32xf32, #tpu.memory_space<vmem_shared>>) offsets(%dma_start3A_114 : memref<320xi32, #tpu.memory_space<vmem>>) semaphore(%run_scoped3A : memref<!tpu.dma_semaphore, #tpu.memory_space<semaphore_mem>>) {add = true}
        %dma_wait3A_118 = arith.constant 1600 : i32
        %dma_wait3A_119 = tpu.memref_slice %arg6[%dma_wait3A_118] : memref<2560xi32, #tpu.memory_space<vmem>> -> memref<320xi32, #tpu.memory_space<vmem>>
        %dma_wait3A_120 = arith.constant 0 : i32
        %dma_wait3A_121 = arith.constant 0 : i32
        %dma_wait3A_122 = tpu.memref_slice %arg10[%dma_wait3A_120, %dma_wait3A_121] : memref<50176x32xf32, #tpu.memory_space<vmem_shared>> -> memref<50176x32xf32, #tpu.memory_space<vmem_shared>>
        tpu.wait_indirect_dma semaphore(%run_scoped3A : memref<!tpu.dma_semaphore, #tpu.memory_space<semaphore_mem>>) src(%arg8 : memref<320x32xf32, #tpu.memory_space<vmem>>) dst(%dma_wait3A_122 : memref<50176x32xf32, #tpu.memory_space<vmem_shared>>)
        tpu.yield
      }) : () -> ()
      %add3A_57 = arith.constant 2560 : i32
      %add3A_58 = arith.addi %add3A_23, %add3A_57 : i32
      %dma_wait3A_59 = tpu.memref_slice %arg3[%add3A_58] : memref<3276800xi32, #tpu.memory_space<hbm>> -> memref<2560xi32, #tpu.memory_space<hbm>>
      %dma_wait3A_60 = tpu.memref_slice %arg3[%add3A_58] : memref<3276800xi32, #tpu.memory_space<hbm>> -> memref<2560xi32, #tpu.memory_space<hbm>>
      tpu.wait_dma2 semaphore(%arg12 : memref<!tpu.dma_semaphore, #tpu.memory_space<semaphore_mem>>) src(%dma_wait3A_60 : memref<2560xi32, #tpu.memory_space<hbm>>) dst(%arg7 : memref<2560xi32, #tpu.memory_space<vmem>>)
      %dma_start3A_61 = arith.constant 0 : i32
      %dma_start3A_62 = tpu.memref_slice %arg7[%dma_start3A_61] : memref<2560xi32, #tpu.memory_space<vmem>> -> memref<320xi32, #tpu.memory_space<vmem>>
      %dma_start3A_63 = arith.constant 0 : i32
      %dma_start3A_64 = arith.constant 0 : i32
      %dma_start3A_65 = tpu.memref_slice %arg2[%dma_start3A_63, %dma_start3A_64] : memref<100000x32xf32, #tpu.memory_space<hbm>> -> memref<100000x32xf32, #tpu.memory_space<hbm>>
      tpu.enqueue_indirect_dma source(%dma_start3A_65 : memref<100000x32xf32, #tpu.memory_space<hbm>>) target(%arg8 : memref<320x32xf32, #tpu.memory_space<vmem>>) offsets(%dma_start3A_62 : memref<320xi32, #tpu.memory_space<vmem>>) semaphore(%arg13 : memref<!tpu.dma_semaphore, #tpu.memory_space<semaphore_mem>>)
      %dma_wait3A_66 = arith.constant 1920 : i32
      %dma_wait3A_67 = tpu.memref_slice %arg6[%dma_wait3A_66] : memref<2560xi32, #tpu.memory_space<vmem>> -> memref<320xi32, #tpu.memory_space<vmem>>
      %dma_wait3A_68 = arith.constant 0 : i32
      %dma_wait3A_69 = arith.constant 0 : i32
      %dma_wait3A_70 = tpu.memref_slice %arg2[%dma_wait3A_68, %dma_wait3A_69] : memref<100000x32xf32, #tpu.memory_space<hbm>> -> memref<100000x32xf32, #tpu.memory_space<hbm>>
      tpu.wait_indirect_dma semaphore(%arg14 : memref<!tpu.dma_semaphore, #tpu.memory_space<semaphore_mem>>) src(%dma_wait3A_70 : memref<100000x32xf32, #tpu.memory_space<hbm>>) dst(%arg9 : memref<320x32xf32, #tpu.memory_space<vmem>>)
      "tpu.region"() ({
        %run_scoped3A = tpu.sem_alloc : memref<!tpu.dma_semaphore, #tpu.memory_space<semaphore_mem>>
        %dma_start3A_113 = arith.constant 2240 : i32
        %dma_start3A_114 = tpu.memref_slice %arg6[%dma_start3A_113] : memref<2560xi32, #tpu.memory_space<vmem>> -> memref<320xi32, #tpu.memory_space<vmem>>
        %dma_start3A_115 = arith.constant 0 : i32
        %dma_start3A_116 = arith.constant 0 : i32
        %dma_start3A_117 = tpu.memref_slice %arg10[%dma_start3A_115, %dma_start3A_116] : memref<50176x32xf32, #tpu.memory_space<vmem_shared>> -> memref<50176x32xf32, #tpu.memory_space<vmem_shared>>
        tpu.enqueue_indirect_dma source(%arg9 : memref<320x32xf32, #tpu.memory_space<vmem>>) target(%dma_start3A_117 : memref<50176x32xf32, #tpu.memory_space<vmem_shared>>) offsets(%dma_start3A_114 : memref<320xi32, #tpu.memory_space<vmem>>) semaphore(%run_scoped3A : memref<!tpu.dma_semaphore, #tpu.memory_space<semaphore_mem>>) {add = true}
        %dma_wait3A_118 = arith.constant 2240 : i32
        %dma_wait3A_119 = tpu.memref_slice %arg6[%dma_wait3A_118] : memref<2560xi32, #tpu.memory_space<vmem>> -> memref<320xi32, #tpu.memory_space<vmem>>
        %dma_wait3A_120 = arith.constant 0 : i32
        %dma_wait3A_121 = arith.constant 0 : i32
        %dma_wait3A_122 = tpu.memref_slice %arg10[%dma_wait3A_120, %dma_wait3A_121] : memref<50176x32xf32, #tpu.memory_space<vmem_shared>> -> memref<50176x32xf32, #tpu.memory_space<vmem_shared>>
        tpu.wait_indirect_dma semaphore(%run_scoped3A : memref<!tpu.dma_semaphore, #tpu.memory_space<semaphore_mem>>) src(%arg9 : memref<320x32xf32, #tpu.memory_space<vmem>>) dst(%dma_wait3A_122 : memref<50176x32xf32, #tpu.memory_space<vmem_shared>>)
        tpu.yield
      }) : () -> ()
      %lt3A = arith.constant 19 : i32
      %lt3A_71 = arith.cmpi slt, %scan3A_18, %lt3A : i32
      %convert_element_type3A = arith.extui %lt3A_71 : i1 to i32
      %cond3A = arith.constant 0 : i32
      %cond3A_72 = arith.cmpi ne, %convert_element_type3A, %cond3A : i32
      scf.if %cond3A_72 {
        %add3A_113 = arith.constant 5120 : i32
        %add3A_114 = arith.addi %add3A_23, %add3A_113 : i32
        %dma_start3A_115 = tpu.memref_slice %arg3[%add3A_114] : memref<3276800xi32, #tpu.memory_space<hbm>> -> memref<2560xi32, #tpu.memory_space<hbm>>
        %dma_start3A_116 = tpu.memref_slice %arg3[%add3A_114] : memref<3276800xi32, #tpu.memory_space<hbm>> -> memref<2560xi32, #tpu.memory_space<hbm>>
        tpu.enqueue_dma source(%dma_start3A_116 : memref<2560xi32, #tpu.memory_space<hbm>>) target(%arg6 : memref<2560xi32, #tpu.memory_space<vmem>>) target_semaphore(%arg11 : memref<!tpu.dma_semaphore, #tpu.memory_space<semaphore_mem>>)
      } else {
      }
      %dma_start3A_73 = arith.constant 640 : i32
      %dma_start3A_74 = tpu.memref_slice %arg7[%dma_start3A_73] : memref<2560xi32, #tpu.memory_space<vmem>> -> memref<320xi32, #tpu.memory_space<vmem>>
      %dma_start3A_75 = arith.constant 0 : i32
      %dma_start3A_76 = arith.constant 0 : i32
      %dma_start3A_77 = tpu.memref_slice %arg2[%dma_start3A_75, %dma_start3A_76] : memref<100000x32xf32, #tpu.memory_space<hbm>> -> memref<100000x32xf32, #tpu.memory_space<hbm>>
      tpu.enqueue_indirect_dma source(%dma_start3A_77 : memref<100000x32xf32, #tpu.memory_space<hbm>>) target(%arg9 : memref<320x32xf32, #tpu.memory_space<vmem>>) offsets(%dma_start3A_74 : memref<320xi32, #tpu.memory_space<vmem>>) semaphore(%arg14 : memref<!tpu.dma_semaphore, #tpu.memory_space<semaphore_mem>>)
      %dma_wait3A_78 = arith.constant 0 : i32
      %dma_wait3A_79 = tpu.memref_slice %arg7[%dma_wait3A_78] : memref<2560xi32, #tpu.memory_space<vmem>> -> memref<320xi32, #tpu.memory_space<vmem>>
      %dma_wait3A_80 = arith.constant 0 : i32
      %dma_wait3A_81 = arith.constant 0 : i32
      %dma_wait3A_82 = tpu.memref_slice %arg2[%dma_wait3A_80, %dma_wait3A_81] : memref<100000x32xf32, #tpu.memory_space<hbm>> -> memref<100000x32xf32, #tpu.memory_space<hbm>>
      tpu.wait_indirect_dma semaphore(%arg13 : memref<!tpu.dma_semaphore, #tpu.memory_space<semaphore_mem>>) src(%dma_wait3A_82 : memref<100000x32xf32, #tpu.memory_space<hbm>>) dst(%arg8 : memref<320x32xf32, #tpu.memory_space<vmem>>)
      "tpu.region"() ({
        %run_scoped3A = tpu.sem_alloc : memref<!tpu.dma_semaphore, #tpu.memory_space<semaphore_mem>>
        %dma_start3A_113 = arith.constant 320 : i32
        %dma_start3A_114 = tpu.memref_slice %arg7[%dma_start3A_113] : memref<2560xi32, #tpu.memory_space<vmem>> -> memref<320xi32, #tpu.memory_space<vmem>>
        %dma_start3A_115 = arith.constant 0 : i32
        %dma_start3A_116 = arith.constant 0 : i32
        %dma_start3A_117 = tpu.memref_slice %arg10[%dma_start3A_115, %dma_start3A_116] : memref<50176x32xf32, #tpu.memory_space<vmem_shared>> -> memref<50176x32xf32, #tpu.memory_space<vmem_shared>>
        tpu.enqueue_indirect_dma source(%arg8 : memref<320x32xf32, #tpu.memory_space<vmem>>) target(%dma_start3A_117 : memref<50176x32xf32, #tpu.memory_space<vmem_shared>>) offsets(%dma_start3A_114 : memref<320xi32, #tpu.memory_space<vmem>>) semaphore(%run_scoped3A : memref<!tpu.dma_semaphore, #tpu.memory_space<semaphore_mem>>) {add = true}
        %dma_wait3A_118 = arith.constant 320 : i32
        %dma_wait3A_119 = tpu.memref_slice %arg7[%dma_wait3A_118] : memref<2560xi32, #tpu.memory_space<vmem>> -> memref<320xi32, #tpu.memory_space<vmem>>
        %dma_wait3A_120 = arith.constant 0 : i32
        %dma_wait3A_121 = arith.constant 0 : i32
        %dma_wait3A_122 = tpu.memref_slice %arg10[%dma_wait3A_120, %dma_wait3A_121] : memref<50176x32xf32, #tpu.memory_space<vmem_shared>> -> memref<50176x32xf32, #tpu.memory_space<vmem_shared>>
        tpu.wait_indirect_dma semaphore(%run_scoped3A : memref<!tpu.dma_semaphore, #tpu.memory_space<semaphore_mem>>) src(%arg8 : memref<320x32xf32, #tpu.memory_space<vmem>>) dst(%dma_wait3A_122 : memref<50176x32xf32, #tpu.memory_space<vmem_shared>>)
        tpu.yield
      }) : () -> ()
      %dma_start3A_83 = arith.constant 1280 : i32
      %dma_start3A_84 = tpu.memref_slice %arg7[%dma_start3A_83] : memref<2560xi32, #tpu.memory_space<vmem>> -> memref<320xi32, #tpu.memory_space<vmem>>
      %dma_start3A_85 = arith.constant 0 : i32
      %dma_start3A_86 = arith.constant 0 : i32
      %dma_start3A_87 = tpu.memref_slice %arg2[%dma_start3A_85, %dma_start3A_86] : memref<100000x32xf32, #tpu.memory_space<hbm>> -> memref<100000x32xf32, #tpu.memory_space<hbm>>
      tpu.enqueue_indirect_dma source(%dma_start3A_87 : memref<100000x32xf32, #tpu.memory_space<hbm>>) target(%arg8 : memref<320x32xf32, #tpu.memory_space<vmem>>) offsets(%dma_start3A_84 : memref<320xi32, #tpu.memory_space<vmem>>) semaphore(%arg13 : memref<!tpu.dma_semaphore, #tpu.memory_space<semaphore_mem>>)
      %dma_wait3A_88 = arith.constant 640 : i32
      %dma_wait3A_89 = tpu.memref_slice %arg7[%dma_wait3A_88] : memref<2560xi32, #tpu.memory_space<vmem>> -> memref<320xi32, #tpu.memory_space<vmem>>
      %dma_wait3A_90 = arith.constant 0 : i32
      %dma_wait3A_91 = arith.constant 0 : i32
      %dma_wait3A_92 = tpu.memref_slice %arg2[%dma_wait3A_90, %dma_wait3A_91] : memref<100000x32xf32, #tpu.memory_space<hbm>> -> memref<100000x32xf32, #tpu.memory_space<hbm>>
      tpu.wait_indirect_dma semaphore(%arg14 : memref<!tpu.dma_semaphore, #tpu.memory_space<semaphore_mem>>) src(%dma_wait3A_92 : memref<100000x32xf32, #tpu.memory_space<hbm>>) dst(%arg9 : memref<320x32xf32, #tpu.memory_space<vmem>>)
      "tpu.region"() ({
        %run_scoped3A = tpu.sem_alloc : memref<!tpu.dma_semaphore, #tpu.memory_space<semaphore_mem>>
        %dma_start3A_113 = arith.constant 960 : i32
        %dma_start3A_114 = tpu.memref_slice %arg7[%dma_start3A_113] : memref<2560xi32, #tpu.memory_space<vmem>> -> memref<320xi32, #tpu.memory_space<vmem>>
        %dma_start3A_115 = arith.constant 0 : i32
        %dma_start3A_116 = arith.constant 0 : i32
        %dma_start3A_117 = tpu.memref_slice %arg10[%dma_start3A_115, %dma_start3A_116] : memref<50176x32xf32, #tpu.memory_space<vmem_shared>> -> memref<50176x32xf32, #tpu.memory_space<vmem_shared>>
        tpu.enqueue_indirect_dma source(%arg9 : memref<320x32xf32, #tpu.memory_space<vmem>>) target(%dma_start3A_117 : memref<50176x32xf32, #tpu.memory_space<vmem_shared>>) offsets(%dma_start3A_114 : memref<320xi32, #tpu.memory_space<vmem>>) semaphore(%run_scoped3A : memref<!tpu.dma_semaphore, #tpu.memory_space<semaphore_mem>>) {add = true}
        %dma_wait3A_118 = arith.constant 960 : i32
        %dma_wait3A_119 = tpu.memref_slice %arg7[%dma_wait3A_118] : memref<2560xi32, #tpu.memory_space<vmem>> -> memref<320xi32, #tpu.memory_space<vmem>>
        %dma_wait3A_120 = arith.constant 0 : i32
        %dma_wait3A_121 = arith.constant 0 : i32
        %dma_wait3A_122 = tpu.memref_slice %arg10[%dma_wait3A_120, %dma_wait3A_121] : memref<50176x32xf32, #tpu.memory_space<vmem_shared>> -> memref<50176x32xf32, #tpu.memory_space<vmem_shared>>
        tpu.wait_indirect_dma semaphore(%run_scoped3A : memref<!tpu.dma_semaphore, #tpu.memory_space<semaphore_mem>>) src(%arg9 : memref<320x32xf32, #tpu.memory_space<vmem>>) dst(%dma_wait3A_122 : memref<50176x32xf32, #tpu.memory_space<vmem_shared>>)
        tpu.yield
      }) : () -> ()
      %dma_start3A_93 = arith.constant 1920 : i32
      %dma_start3A_94 = tpu.memref_slice %arg7[%dma_start3A_93] : memref<2560xi32, #tpu.memory_space<vmem>> -> memref<320xi32, #tpu.memory_space<vmem>>
      %dma_start3A_95 = arith.constant 0 : i32
      %dma_start3A_96 = arith.constant 0 : i32
      %dma_start3A_97 = tpu.memref_slice %arg2[%dma_start3A_95, %dma_start3A_96] : memref<100000x32xf32, #tpu.memory_space<hbm>> -> memref<100000x32xf32, #tpu.memory_space<hbm>>
      tpu.enqueue_indirect_dma source(%dma_start3A_97 : memref<100000x32xf32, #tpu.memory_space<hbm>>) target(%arg9 : memref<320x32xf32, #tpu.memory_space<vmem>>) offsets(%dma_start3A_94 : memref<320xi32, #tpu.memory_space<vmem>>) semaphore(%arg14 : memref<!tpu.dma_semaphore, #tpu.memory_space<semaphore_mem>>)
      %dma_wait3A_98 = arith.constant 1280 : i32
      %dma_wait3A_99 = tpu.memref_slice %arg7[%dma_wait3A_98] : memref<2560xi32, #tpu.memory_space<vmem>> -> memref<320xi32, #tpu.memory_space<vmem>>
      %dma_wait3A_100 = arith.constant 0 : i32
      %dma_wait3A_101 = arith.constant 0 : i32
      %dma_wait3A_102 = tpu.memref_slice %arg2[%dma_wait3A_100, %dma_wait3A_101] : memref<100000x32xf32, #tpu.memory_space<hbm>> -> memref<100000x32xf32, #tpu.memory_space<hbm>>
      tpu.wait_indirect_dma semaphore(%arg13 : memref<!tpu.dma_semaphore, #tpu.memory_space<semaphore_mem>>) src(%dma_wait3A_102 : memref<100000x32xf32, #tpu.memory_space<hbm>>) dst(%arg8 : memref<320x32xf32, #tpu.memory_space<vmem>>)
      "tpu.region"() ({
        %run_scoped3A = tpu.sem_alloc : memref<!tpu.dma_semaphore, #tpu.memory_space<semaphore_mem>>
        %dma_start3A_113 = arith.constant 1600 : i32
        %dma_start3A_114 = tpu.memref_slice %arg7[%dma_start3A_113] : memref<2560xi32, #tpu.memory_space<vmem>> -> memref<320xi32, #tpu.memory_space<vmem>>
        %dma_start3A_115 = arith.constant 0 : i32
        %dma_start3A_116 = arith.constant 0 : i32
        %dma_start3A_117 = tpu.memref_slice %arg10[%dma_start3A_115, %dma_start3A_116] : memref<50176x32xf32, #tpu.memory_space<vmem_shared>> -> memref<50176x32xf32, #tpu.memory_space<vmem_shared>>
        tpu.enqueue_indirect_dma source(%arg8 : memref<320x32xf32, #tpu.memory_space<vmem>>) target(%dma_start3A_117 : memref<50176x32xf32, #tpu.memory_space<vmem_shared>>) offsets(%dma_start3A_114 : memref<320xi32, #tpu.memory_space<vmem>>) semaphore(%run_scoped3A : memref<!tpu.dma_semaphore, #tpu.memory_space<semaphore_mem>>) {add = true}
        %dma_wait3A_118 = arith.constant 1600 : i32
        %dma_wait3A_119 = tpu.memref_slice %arg7[%dma_wait3A_118] : memref<2560xi32, #tpu.memory_space<vmem>> -> memref<320xi32, #tpu.memory_space<vmem>>
        %dma_wait3A_120 = arith.constant 0 : i32
        %dma_wait3A_121 = arith.constant 0 : i32
        %dma_wait3A_122 = tpu.memref_slice %arg10[%dma_wait3A_120, %dma_wait3A_121] : memref<50176x32xf32, #tpu.memory_space<vmem_shared>> -> memref<50176x32xf32, #tpu.memory_space<vmem_shared>>
        tpu.wait_indirect_dma semaphore(%run_scoped3A : memref<!tpu.dma_semaphore, #tpu.memory_space<semaphore_mem>>) src(%arg8 : memref<320x32xf32, #tpu.memory_space<vmem>>) dst(%dma_wait3A_122 : memref<50176x32xf32, #tpu.memory_space<vmem_shared>>)
        tpu.yield
      }) : () -> ()
      %lt3A_103 = arith.constant 19 : i32
      %lt3A_104 = arith.cmpi slt, %scan3A_18, %lt3A_103 : i32
      %convert_element_type3A_105 = arith.extui %lt3A_104 : i1 to i32
      %cond3A_106 = arith.constant 0 : i32
      %cond3A_107 = arith.cmpi ne, %convert_element_type3A_105, %cond3A_106 : i32
      scf.if %cond3A_107 {
        %add3A_113 = arith.constant 5120 : i32
        %add3A_114 = arith.addi %add3A_23, %add3A_113 : i32
        %dma_wait3A_115 = tpu.memref_slice %arg3[%add3A_114] : memref<3276800xi32, #tpu.memory_space<hbm>> -> memref<2560xi32, #tpu.memory_space<hbm>>
        %dma_wait3A_116 = tpu.memref_slice %arg3[%add3A_114] : memref<3276800xi32, #tpu.memory_space<hbm>> -> memref<2560xi32, #tpu.memory_space<hbm>>
        tpu.wait_dma2 semaphore(%arg11 : memref<!tpu.dma_semaphore, #tpu.memory_space<semaphore_mem>>) src(%dma_wait3A_116 : memref<2560xi32, #tpu.memory_space<hbm>>) dst(%arg6 : memref<2560xi32, #tpu.memory_space<vmem>>)
        %dma_start3A_117 = arith.constant 0 : i32
        %dma_start3A_118 = tpu.memref_slice %arg6[%dma_start3A_117] : memref<2560xi32, #tpu.memory_space<vmem>> -> memref<320xi32, #tpu.memory_space<vmem>>
        %dma_start3A_119 = arith.constant 0 : i32
        %dma_start3A_120 = arith.constant 0 : i32
        %dma_start3A_121 = tpu.memref_slice %arg2[%dma_start3A_119, %dma_start3A_120] : memref<100000x32xf32, #tpu.memory_space<hbm>> -> memref<100000x32xf32, #tpu.memory_space<hbm>>
        tpu.enqueue_indirect_dma source(%dma_start3A_121 : memref<100000x32xf32, #tpu.memory_space<hbm>>) target(%arg8 : memref<320x32xf32, #tpu.memory_space<vmem>>) offsets(%dma_start3A_118 : memref<320xi32, #tpu.memory_space<vmem>>) semaphore(%arg13 : memref<!tpu.dma_semaphore, #tpu.memory_space<semaphore_mem>>)
      } else {
      }
      %dma_wait3A_108 = arith.constant 1920 : i32
      %dma_wait3A_109 = tpu.memref_slice %arg7[%dma_wait3A_108] : memref<2560xi32, #tpu.memory_space<vmem>> -> memref<320xi32, #tpu.memory_space<vmem>>
      %dma_wait3A_110 = arith.constant 0 : i32
      %dma_wait3A_111 = arith.constant 0 : i32
      %dma_wait3A_112 = tpu.memref_slice %arg2[%dma_wait3A_110, %dma_wait3A_111] : memref<100000x32xf32, #tpu.memory_space<hbm>> -> memref<100000x32xf32, #tpu.memory_space<hbm>>
      tpu.wait_indirect_dma semaphore(%arg14 : memref<!tpu.dma_semaphore, #tpu.memory_space<semaphore_mem>>) src(%dma_wait3A_112 : memref<100000x32xf32, #tpu.memory_space<hbm>>) dst(%arg9 : memref<320x32xf32, #tpu.memory_space<vmem>>)
      "tpu.region"() ({
        %run_scoped3A = tpu.sem_alloc : memref<!tpu.dma_semaphore, #tpu.memory_space<semaphore_mem>>
        %dma_start3A_113 = arith.constant 2240 : i32
        %dma_start3A_114 = tpu.memref_slice %arg7[%dma_start3A_113] : memref<2560xi32, #tpu.memory_space<vmem>> -> memref<320xi32, #tpu.memory_space<vmem>>
        %dma_start3A_115 = arith.constant 0 : i32
        %dma_start3A_116 = arith.constant 0 : i32
        %dma_start3A_117 = tpu.memref_slice %arg10[%dma_start3A_115, %dma_start3A_116] : memref<50176x32xf32, #tpu.memory_space<vmem_shared>> -> memref<50176x32xf32, #tpu.memory_space<vmem_shared>>
        tpu.enqueue_indirect_dma source(%arg9 : memref<320x32xf32, #tpu.memory_space<vmem>>) target(%dma_start3A_117 : memref<50176x32xf32, #tpu.memory_space<vmem_shared>>) offsets(%dma_start3A_114 : memref<320xi32, #tpu.memory_space<vmem>>) semaphore(%run_scoped3A : memref<!tpu.dma_semaphore, #tpu.memory_space<semaphore_mem>>) {add = true}
        %dma_wait3A_118 = arith.constant 2240 : i32
        %dma_wait3A_119 = tpu.memref_slice %arg7[%dma_wait3A_118] : memref<2560xi32, #tpu.memory_space<vmem>> -> memref<320xi32, #tpu.memory_space<vmem>>
        %dma_wait3A_120 = arith.constant 0 : i32
        %dma_wait3A_121 = arith.constant 0 : i32
        %dma_wait3A_122 = tpu.memref_slice %arg10[%dma_wait3A_120, %dma_wait3A_121] : memref<50176x32xf32, #tpu.memory_space<vmem_shared>> -> memref<50176x32xf32, #tpu.memory_space<vmem_shared>>
        tpu.wait_indirect_dma semaphore(%run_scoped3A : memref<!tpu.dma_semaphore, #tpu.memory_space<semaphore_mem>>) src(%arg9 : memref<320x32xf32, #tpu.memory_space<vmem>>) dst(%dma_wait3A_122 : memref<50176x32xf32, #tpu.memory_space<vmem_shared>>)
        tpu.yield
      }) : () -> ()
    }
    %scan3A_13 = arith.constant 20 : i32
    %barrier3A_14 = arith.constant 0 : index
    tpu.barrier barrier_id(%barrier3A_14)
    %mul3A_15 = arith.constant 3128 : i32
    %mul3A_16 = arith.muli %arg1, %mul3A_15 : i32
    %min3A = arith.constant 46872 : i32
    %min3A_17 = arith.minsi %mul3A_16, %min3A : i32
    %multiple_of3A = tpu.assume_multiple %min3A_17, 8 : i32
    "tpu.region"() ({
      %run_scoped3A = tpu.sem_alloc : memref<!tpu.dma_semaphore, #tpu.memory_space<semaphore_mem>>
      %dma_start3A_18 = arith.constant 0 : i32
      %dma_start3A_19 = tpu.memref_slice %arg5[%arg0, %multiple_of3A, %dma_start3A_18] : memref<2x50000x32xf32, #tpu.memory_space<hbm>> -> memref<1x3128x32xf32, #tpu.memory_space<hbm>>
      %dma_start3A_20 = tpu.memref_squeeze %dma_start3A_19 : memref<1x3128x32xf32, #tpu.memory_space<hbm>> -> memref<3128x32xf32, #tpu.memory_space<hbm>>
      %dma_start3A_21 = arith.constant 0 : i32
      %dma_start3A_22 = tpu.memref_slice %arg10[%multiple_of3A, %dma_start3A_21] : memref<50176x32xf32, #tpu.memory_space<vmem_shared>> -> memref<3128x32xf32, #tpu.memory_space<vmem_shared>>
      tpu.enqueue_dma source(%dma_start3A_22 : memref<3128x32xf32, #tpu.memory_space<vmem_shared>>) target(%dma_start3A_20 : memref<3128x32xf32, #tpu.memory_space<hbm>>) target_semaphore(%run_scoped3A : memref<!tpu.dma_semaphore, #tpu.memory_space<semaphore_mem>>)
      %dma_wait3A = arith.constant 0 : i32
      %dma_wait3A_23 = tpu.memref_slice %arg5[%arg0, %multiple_of3A, %dma_wait3A] : memref<2x50000x32xf32, #tpu.memory_space<hbm>> -> memref<1x3128x32xf32, #tpu.memory_space<hbm>>
      %dma_wait3A_24 = tpu.memref_squeeze %dma_wait3A_23 : memref<1x3128x32xf32, #tpu.memory_space<hbm>> -> memref<3128x32xf32, #tpu.memory_space<hbm>>
      %dma_wait3A_25 = arith.constant 0 : i32
      %dma_wait3A_26 = tpu.memref_slice %arg10[%multiple_of3A, %dma_wait3A_25] : memref<50176x32xf32, #tpu.memory_space<vmem_shared>> -> memref<3128x32xf32, #tpu.memory_space<vmem_shared>>
      tpu.wait_dma2 semaphore(%run_scoped3A : memref<!tpu.dma_semaphore, #tpu.memory_space<semaphore_mem>>) src(%dma_wait3A_26 : memref<3128x32xf32, #tpu.memory_space<vmem_shared>>) dst(%dma_wait3A_24 : memref<3128x32xf32, #tpu.memory_space<hbm>>)
      tpu.yield
    }) : () -> ()
    return
  }
}

#map = affine_map<(d0, d1) -> (0, 0)>
#map1 = affine_map<(d0, d1) -> (0)>
#map2 = affine_map<(d0, d1) -> (0, 0, 0)>
module attributes {stable_mosaic.version = 14 : i64} {
  func.func @scatter(%arg0: i32, %arg1: i32, %arg2: memref<100000x32xf32, #tpu.memory_space<hbm>>, %arg3: memref<3276800xi32, #tpu.memory_space<hbm>>, %arg4: memref<3136x32xf32, #tpu.memory_space<hbm>>, %arg5: memref<2x50000x32xf32, #tpu.memory_space<hbm>>, %arg6: memref<2560xi32, #tpu.memory_space<vmem>>, %arg7: memref<2560xi32, #tpu.memory_space<vmem>>, %arg8: memref<320x32xf32, #tpu.memory_space<vmem>>, %arg9: memref<320x32xf32, #tpu.memory_space<vmem>>, %arg10: memref<50176x32xf32, #tpu.memory_space<vmem_shared>>, %arg11: memref<!tpu.dma_semaphore, #tpu.memory_space<semaphore_mem>>, %arg12: memref<!tpu.dma_semaphore, #tpu.memory_space<semaphore_mem>>, %arg13: memref<!tpu.dma_semaphore, #tpu.memory_space<semaphore_mem>>, %arg14: memref<!tpu.dma_semaphore, #tpu.memory_space<semaphore_mem>>) attributes {dimension_semantics = [#tpu.dimension_semantics<core_parallel>, #tpu.dimension_semantics<subcore_parallel>], iteration_bounds = array<i64: 2, 16>, scalar_prefetch = 0 : i64, scratch_operands = 9 : i64, tpu.core_type = #tpu.core_type<sc_vector_subcore>, window_params = [{transform_indices = #map}, {transform_indices = #map1}, {transform_indices = #map}, {transform_indices = #map2}]} {
    %mul3A = arith.constant 1638400 : i32
    %mul3A_0 = arith.muli %arg0, %mul3A : i32
    %mul3A_1 = arith.constant 102400 : i32
    %mul3A_2 = arith.muli %arg1, %mul3A_1 : i32
    %add3A = arith.addi %mul3A_0, %mul3A_2 : i32
    "tpu.region"() ({
      %run_scoped3A = tpu.sem_alloc : memref<!tpu.dma_semaphore, #tpu.memory_space<semaphore_mem>>
      %dma_start3A_18 = tpu.memref_slice %arg3[%add3A] : memref<3276800xi32, #tpu.memory_space<hbm>> -> memref<2560xi32, #tpu.memory_space<hbm>>
      %dma_start3A_19 = tpu.memref_slice %arg3[%add3A] : memref<3276800xi32, #tpu.memory_space<hbm>> -> memref<2560xi32, #tpu.memory_space<hbm>>
      tpu.enqueue_dma source(%dma_start3A_19 : memref<2560xi32, #tpu.memory_space<hbm>>) target(%arg6 : memref<2560xi32, #tpu.memory_space<vmem>>) target_semaphore(%run_scoped3A : memref<!tpu.dma_semaphore, #tpu.memory_space<semaphore_mem>>)
      %dma_wait3A = tpu.memref_slice %arg3[%add3A] : memref<3276800xi32, #tpu.memory_space<hbm>> -> memref<2560xi32, #tpu.memory_space<hbm>>
      %dma_wait3A_20 = tpu.memref_slice %arg3[%add3A] : memref<3276800xi32, #tpu.memory_space<hbm>> -> memref<2560xi32, #tpu.memory_space<hbm>>
      tpu.wait_dma2 semaphore(%run_scoped3A : memref<!tpu.dma_semaphore, #tpu.memory_space<semaphore_mem>>) src(%dma_wait3A_20 : memref<2560xi32, #tpu.memory_space<hbm>>) dst(%arg6 : memref<2560xi32, #tpu.memory_space<vmem>>)
      tpu.yield
    }) : () -> ()
    %dma_start3A = arith.constant 0 : i32
    %dma_start3A_3 = tpu.memref_slice %arg6[%dma_start3A] : memref<2560xi32, #tpu.memory_space<vmem>> -> memref<320xi32, #tpu.memory_space<vmem>>
    %dma_start3A_4 = arith.constant 0 : i32
    %dma_start3A_5 = arith.constant 0 : i32
    %dma_start3A_6 = tpu.memref_slice %arg2[%dma_start3A_4, %dma_start3A_5] : memref<100000x32xf32, #tpu.memory_space<hbm>> -> memref<100000x32xf32, #tpu.memory_space<hbm>>
    tpu.enqueue_indirect_dma source(%dma_start3A_6 : memref<100000x32xf32, #tpu.memory_space<hbm>>) target(%arg8 : memref<320x32xf32, #tpu.memory_space<vmem>>) offsets(%dma_start3A_3 : memref<320xi32, #tpu.memory_space<vmem>>) semaphore(%arg13 : memref<!tpu.dma_semaphore, #tpu.memory_space<semaphore_mem>>)
    %mul3A_7 = arith.constant 3136 : i32
    %mul3A_8 = arith.muli %arg1, %mul3A_7 : i32
    "tpu.region"() ({
      %run_scoped3A = tpu.sem_alloc : memref<!tpu.dma_semaphore, #tpu.memory_space<semaphore_mem>>
      %dma_start3A_18 = arith.constant 0 : i32
      %dma_start3A_19 = tpu.memref_slice %arg10[%mul3A_8, %dma_start3A_18] : memref<50176x32xf32, #tpu.memory_space<vmem_shared>> -> memref<3136x32xf32, #tpu.memory_space<vmem_shared>>
      tpu.enqueue_dma source(%arg4 : memref<3136x32xf32, #tpu.memory_space<hbm>>) target(%dma_start3A_19 : memref<3136x32xf32, #tpu.memory_space<vmem_shared>>) target_semaphore(%run_scoped3A : memref<!tpu.dma_semaphore, #tpu.memory_space<semaphore_mem>>)
      %dma_wait3A = arith.constant 0 : i32
      %dma_wait3A_20 = tpu.memref_slice %arg10[%mul3A_8, %dma_wait3A] : memref<50176x32xf32, #tpu.memory_space<vmem_shared>> -> memref<3136x32xf32, #tpu.memory_space<vmem_shared>>
      tpu.wait_dma2 semaphore(%run_scoped3A : memref<!tpu.dma_semaphore, #tpu.memory_space<semaphore_mem>>) src(%arg4 : memref<3136x32xf32, #tpu.memory_space<hbm>>) dst(%dma_wait3A_20 : memref<3136x32xf32, #tpu.memory_space<vmem_shared>>)
      tpu.yield
    }) : () -> ()
    %barrier3A = arith.constant 0 : index
    tpu.barrier barrier_id(%barrier3A)
    %scan3A = arith.constant 0 : i32
    %scan3A_9 = arith.constant 0 : i32
    %scan3A_10 = arith.constant 20 : i32
    %scan3A_11 = arith.addi %scan3A_9, %scan3A_10 : i32
    %scan3A_12 = arith.constant 1 : i32
    scf.for %scan3A_18 = %scan3A_9 to %scan3A_11 step %scan3A_12  : i32 {
      %mul3A_19 = arith.constant 2 : i32
      %mul3A_20 = arith.muli %scan3A_18, %mul3A_19 : i32
      %mul3A_21 = arith.constant 2560 : i32
      %mul3A_22 = arith.muli %mul3A_20, %mul3A_21 : i32
      %add3A_23 = arith.addi %add3A, %mul3A_22 : i32
      %add3A_24 = arith.constant 2560 : i32
      %add3A_25 = arith.addi %add3A_23, %add3A_24 : i32
      %dma_start3A_26 = tpu.memref_slice %arg3[%add3A_25] : memref<3276800xi32, #tpu.memory_space<hbm>> -> memref<2560xi32, #tpu.memory_space<hbm>>
      %dma_start3A_27 = tpu.memref_slice %arg3[%add3A_25] : memref<3276800xi32, #tpu.memory_space<hbm>> -> memref<2560xi32, #tpu.memory_space<hbm>>
      tpu.enqueue_dma source(%dma_start3A_27 : memref<2560xi32, #tpu.memory_space<hbm>>) target(%arg7 : memref<2560xi32, #tpu.memory_space<vmem>>) target_semaphore(%arg12 : memref<!tpu.dma_semaphore, #tpu.memory_space<semaphore_mem>>)
      %dma_start3A_28 = arith.constant 640 : i32
      %dma_start3A_29 = tpu.memref_slice %arg6[%dma_start3A_28] : memref<2560xi32, #tpu.memory_space<vmem>> -> memref<320xi32, #tpu.memory_space<vmem>>
      %dma_start3A_30 = arith.constant 0 : i32
      %dma_start3A_31 = arith.constant 0 : i32
      %dma_start3A_32 = tpu.memref_slice %arg2[%dma_start3A_30, %dma_start3A_31] : memref<100000x32xf32, #tpu.memory_space<hbm>> -> memref<100000x32xf32, #tpu.memory_space<hbm>>
      tpu.enqueue_indirect_dma source(%dma_start3A_32 : memref<100000x32xf32, #tpu.memory_space<hbm>>) target(%arg9 : memref<320x32xf32, #tpu.memory_space<vmem>>) offsets(%dma_start3A_29 : memref<320xi32, #tpu.memory_space<vmem>>) semaphore(%arg14 : memref<!tpu.dma_semaphore, #tpu.memory_space<semaphore_mem>>)
      %dma_wait3A = arith.constant 0 : i32
      %dma_wait3A_33 = tpu.memref_slice %arg6[%dma_wait3A] : memref<2560xi32, #tpu.memory_space<vmem>> -> memref<320xi32, #tpu.memory_space<vmem>>
      %dma_wait3A_34 = arith.constant 0 : i32
      %dma_wait3A_35 = arith.constant 0 : i32
      %dma_wait3A_36 = tpu.memref_slice %arg2[%dma_wait3A_34, %dma_wait3A_35] : memref<100000x32xf32, #tpu.memory_space<hbm>> -> memref<100000x32xf32, #tpu.memory_space<hbm>>
      tpu.wait_indirect_dma semaphore(%arg13 : memref<!tpu.dma_semaphore, #tpu.memory_space<semaphore_mem>>) src(%dma_wait3A_36 : memref<100000x32xf32, #tpu.memory_space<hbm>>) dst(%arg8 : memref<320x32xf32, #tpu.memory_space<vmem>>)
      "tpu.region"() ({
        %run_scoped3A = tpu.sem_alloc : memref<!tpu.dma_semaphore, #tpu.memory_space<semaphore_mem>>
        %dma_start3A_113 = arith.constant 320 : i32
        %dma_start3A_114 = tpu.memref_slice %arg6[%dma_start3A_113] : memref<2560xi32, #tpu.memory_space<vmem>> -> memref<320xi32, #tpu.memory_space<vmem>>
        %dma_start3A_115 = arith.constant 0 : i32
        %dma_start3A_116 = arith.constant 0 : i32
        %dma_start3A_117 = tpu.memref_slice %arg10[%dma_start3A_115, %dma_start3A_116] : memref<50176x32xf32, #tpu.memory_space<vmem_shared>> -> memref<50176x32xf32, #tpu.memory_space<vmem_shared>>
        tpu.enqueue_indirect_dma source(%arg8 : memref<320x32xf32, #tpu.memory_space<vmem>>) target(%dma_start3A_117 : memref<50176x32xf32, #tpu.memory_space<vmem_shared>>) offsets(%dma_start3A_114 : memref<320xi32, #tpu.memory_space<vmem>>) semaphore(%run_scoped3A : memref<!tpu.dma_semaphore, #tpu.memory_space<semaphore_mem>>) {add = true}
        %dma_wait3A_118 = arith.constant 320 : i32
        %dma_wait3A_119 = tpu.memref_slice %arg6[%dma_wait3A_118] : memref<2560xi32, #tpu.memory_space<vmem>> -> memref<320xi32, #tpu.memory_space<vmem>>
        %dma_wait3A_120 = arith.constant 0 : i32
        %dma_wait3A_121 = arith.constant 0 : i32
        %dma_wait3A_122 = tpu.memref_slice %arg10[%dma_wait3A_120, %dma_wait3A_121] : memref<50176x32xf32, #tpu.memory_space<vmem_shared>> -> memref<50176x32xf32, #tpu.memory_space<vmem_shared>>
        tpu.wait_indirect_dma semaphore(%run_scoped3A : memref<!tpu.dma_semaphore, #tpu.memory_space<semaphore_mem>>) src(%arg8 : memref<320x32xf32, #tpu.memory_space<vmem>>) dst(%dma_wait3A_122 : memref<50176x32xf32, #tpu.memory_space<vmem_shared>>)
        tpu.yield
      }) : () -> ()
      %dma_start3A_37 = arith.constant 1280 : i32
      %dma_start3A_38 = tpu.memref_slice %arg6[%dma_start3A_37] : memref<2560xi32, #tpu.memory_space<vmem>> -> memref<320xi32, #tpu.memory_space<vmem>>
      %dma_start3A_39 = arith.constant 0 : i32
      %dma_start3A_40 = arith.constant 0 : i32
      %dma_start3A_41 = tpu.memref_slice %arg2[%dma_start3A_39, %dma_start3A_40] : memref<100000x32xf32, #tpu.memory_space<hbm>> -> memref<100000x32xf32, #tpu.memory_space<hbm>>
      tpu.enqueue_indirect_dma source(%dma_start3A_41 : memref<100000x32xf32, #tpu.memory_space<hbm>>) target(%arg8 : memref<320x32xf32, #tpu.memory_space<vmem>>) offsets(%dma_start3A_38 : memref<320xi32, #tpu.memory_space<vmem>>) semaphore(%arg13 : memref<!tpu.dma_semaphore, #tpu.memory_space<semaphore_mem>>)
      %dma_wait3A_42 = arith.constant 640 : i32
      %dma_wait3A_43 = tpu.memref_slice %arg6[%dma_wait3A_42] : memref<2560xi32, #tpu.memory_space<vmem>> -> memref<320xi32, #tpu.memory_space<vmem>>
      %dma_wait3A_44 = arith.constant 0 : i32
      %dma_wait3A_45 = arith.constant 0 : i32
      %dma_wait3A_46 = tpu.memref_slice %arg2[%dma_wait3A_44, %dma_wait3A_45] : memref<100000x32xf32, #tpu.memory_space<hbm>> -> memref<100000x32xf32, #tpu.memory_space<hbm>>
      tpu.wait_indirect_dma semaphore(%arg14 : memref<!tpu.dma_semaphore, #tpu.memory_space<semaphore_mem>>) src(%dma_wait3A_46 : memref<100000x32xf32, #tpu.memory_space<hbm>>) dst(%arg9 : memref<320x32xf32, #tpu.memory_space<vmem>>)
      "tpu.region"() ({
        %run_scoped3A = tpu.sem_alloc : memref<!tpu.dma_semaphore, #tpu.memory_space<semaphore_mem>>
        %dma_start3A_113 = arith.constant 960 : i32
        %dma_start3A_114 = tpu.memref_slice %arg6[%dma_start3A_113] : memref<2560xi32, #tpu.memory_space<vmem>> -> memref<320xi32, #tpu.memory_space<vmem>>
        %dma_start3A_115 = arith.constant 0 : i32
        %dma_start3A_116 = arith.constant 0 : i32
        %dma_start3A_117 = tpu.memref_slice %arg10[%dma_start3A_115, %dma_start3A_116] : memref<50176x32xf32, #tpu.memory_space<vmem_shared>> -> memref<50176x32xf32, #tpu.memory_space<vmem_shared>>
        tpu.enqueue_indirect_dma source(%arg9 : memref<320x32xf32, #tpu.memory_space<vmem>>) target(%dma_start3A_117 : memref<50176x32xf32, #tpu.memory_space<vmem_shared>>) offsets(%dma_start3A_114 : memref<320xi32, #tpu.memory_space<vmem>>) semaphore(%run_scoped3A : memref<!tpu.dma_semaphore, #tpu.memory_space<semaphore_mem>>) {add = true}
        %dma_wait3A_118 = arith.constant 960 : i32
        %dma_wait3A_119 = tpu.memref_slice %arg6[%dma_wait3A_118] : memref<2560xi32, #tpu.memory_space<vmem>> -> memref<320xi32, #tpu.memory_space<vmem>>
        %dma_wait3A_120 = arith.constant 0 : i32
        %dma_wait3A_121 = arith.constant 0 : i32
        %dma_wait3A_122 = tpu.memref_slice %arg10[%dma_wait3A_120, %dma_wait3A_121] : memref<50176x32xf32, #tpu.memory_space<vmem_shared>> -> memref<50176x32xf32, #tpu.memory_space<vmem_shared>>
        tpu.wait_indirect_dma semaphore(%run_scoped3A : memref<!tpu.dma_semaphore, #tpu.memory_space<semaphore_mem>>) src(%arg9 : memref<320x32xf32, #tpu.memory_space<vmem>>) dst(%dma_wait3A_122 : memref<50176x32xf32, #tpu.memory_space<vmem_shared>>)
        tpu.yield
      }) : () -> ()
      %dma_start3A_47 = arith.constant 1920 : i32
      %dma_start3A_48 = tpu.memref_slice %arg6[%dma_start3A_47] : memref<2560xi32, #tpu.memory_space<vmem>> -> memref<320xi32, #tpu.memory_space<vmem>>
      %dma_start3A_49 = arith.constant 0 : i32
      %dma_start3A_50 = arith.constant 0 : i32
      %dma_start3A_51 = tpu.memref_slice %arg2[%dma_start3A_49, %dma_start3A_50] : memref<100000x32xf32, #tpu.memory_space<hbm>> -> memref<100000x32xf32, #tpu.memory_space<hbm>>
      tpu.enqueue_indirect_dma source(%dma_start3A_51 : memref<100000x32xf32, #tpu.memory_space<hbm>>) target(%arg9 : memref<320x32xf32, #tpu.memory_space<vmem>>) offsets(%dma_start3A_48 : memref<320xi32, #tpu.memory_space<vmem>>) semaphore(%arg14 : memref<!tpu.dma_semaphore, #tpu.memory_space<semaphore_mem>>)
      %dma_wait3A_52 = arith.constant 1280 : i32
      %dma_wait3A_53 = tpu.memref_slice %arg6[%dma_wait3A_52] : memref<2560xi32, #tpu.memory_space<vmem>> -> memref<320xi32, #tpu.memory_space<vmem>>
      %dma_wait3A_54 = arith.constant 0 : i32
      %dma_wait3A_55 = arith.constant 0 : i32
      %dma_wait3A_56 = tpu.memref_slice %arg2[%dma_wait3A_54, %dma_wait3A_55] : memref<100000x32xf32, #tpu.memory_space<hbm>> -> memref<100000x32xf32, #tpu.memory_space<hbm>>
      tpu.wait_indirect_dma semaphore(%arg13 : memref<!tpu.dma_semaphore, #tpu.memory_space<semaphore_mem>>) src(%dma_wait3A_56 : memref<100000x32xf32, #tpu.memory_space<hbm>>) dst(%arg8 : memref<320x32xf32, #tpu.memory_space<vmem>>)
      "tpu.region"() ({
        %run_scoped3A = tpu.sem_alloc : memref<!tpu.dma_semaphore, #tpu.memory_space<semaphore_mem>>
        %dma_start3A_113 = arith.constant 1600 : i32
        %dma_start3A_114 = tpu.memref_slice %arg6[%dma_start3A_113] : memref<2560xi32, #tpu.memory_space<vmem>> -> memref<320xi32, #tpu.memory_space<vmem>>
        %dma_start3A_115 = arith.constant 0 : i32
        %dma_start3A_116 = arith.constant 0 : i32
        %dma_start3A_117 = tpu.memref_slice %arg10[%dma_start3A_115, %dma_start3A_116] : memref<50176x32xf32, #tpu.memory_space<vmem_shared>> -> memref<50176x32xf32, #tpu.memory_space<vmem_shared>>
        tpu.enqueue_indirect_dma source(%arg8 : memref<320x32xf32, #tpu.memory_space<vmem>>) target(%dma_start3A_117 : memref<50176x32xf32, #tpu.memory_space<vmem_shared>>) offsets(%dma_start3A_114 : memref<320xi32, #tpu.memory_space<vmem>>) semaphore(%run_scoped3A : memref<!tpu.dma_semaphore, #tpu.memory_space<semaphore_mem>>) {add = true}
        %dma_wait3A_118 = arith.constant 1600 : i32
        %dma_wait3A_119 = tpu.memref_slice %arg6[%dma_wait3A_118] : memref<2560xi32, #tpu.memory_space<vmem>> -> memref<320xi32, #tpu.memory_space<vmem>>
        %dma_wait3A_120 = arith.constant 0 : i32
        %dma_wait3A_121 = arith.constant 0 : i32
        %dma_wait3A_122 = tpu.memref_slice %arg10[%dma_wait3A_120, %dma_wait3A_121] : memref<50176x32xf32, #tpu.memory_space<vmem_shared>> -> memref<50176x32xf32, #tpu.memory_space<vmem_shared>>
        tpu.wait_indirect_dma semaphore(%run_scoped3A : memref<!tpu.dma_semaphore, #tpu.memory_space<semaphore_mem>>) src(%arg8 : memref<320x32xf32, #tpu.memory_space<vmem>>) dst(%dma_wait3A_122 : memref<50176x32xf32, #tpu.memory_space<vmem_shared>>)
        tpu.yield
      }) : () -> ()
      %add3A_57 = arith.constant 2560 : i32
      %add3A_58 = arith.addi %add3A_23, %add3A_57 : i32
      %dma_wait3A_59 = tpu.memref_slice %arg3[%add3A_58] : memref<3276800xi32, #tpu.memory_space<hbm>> -> memref<2560xi32, #tpu.memory_space<hbm>>
      %dma_wait3A_60 = tpu.memref_slice %arg3[%add3A_58] : memref<3276800xi32, #tpu.memory_space<hbm>> -> memref<2560xi32, #tpu.memory_space<hbm>>
      tpu.wait_dma2 semaphore(%arg12 : memref<!tpu.dma_semaphore, #tpu.memory_space<semaphore_mem>>) src(%dma_wait3A_60 : memref<2560xi32, #tpu.memory_space<hbm>>) dst(%arg7 : memref<2560xi32, #tpu.memory_space<vmem>>)
      %dma_start3A_61 = arith.constant 0 : i32
      %dma_start3A_62 = tpu.memref_slice %arg7[%dma_start3A_61] : memref<2560xi32, #tpu.memory_space<vmem>> -> memref<320xi32, #tpu.memory_space<vmem>>
      %dma_start3A_63 = arith.constant 0 : i32
      %dma_start3A_64 = arith.constant 0 : i32
      %dma_start3A_65 = tpu.memref_slice %arg2[%dma_start3A_63, %dma_start3A_64] : memref<100000x32xf32, #tpu.memory_space<hbm>> -> memref<100000x32xf32, #tpu.memory_space<hbm>>
      tpu.enqueue_indirect_dma source(%dma_start3A_65 : memref<100000x32xf32, #tpu.memory_space<hbm>>) target(%arg8 : memref<320x32xf32, #tpu.memory_space<vmem>>) offsets(%dma_start3A_62 : memref<320xi32, #tpu.memory_space<vmem>>) semaphore(%arg13 : memref<!tpu.dma_semaphore, #tpu.memory_space<semaphore_mem>>)
      %dma_wait3A_66 = arith.constant 1920 : i32
      %dma_wait3A_67 = tpu.memref_slice %arg6[%dma_wait3A_66] : memref<2560xi32, #tpu.memory_space<vmem>> -> memref<320xi32, #tpu.memory_space<vmem>>
      %dma_wait3A_68 = arith.constant 0 : i32
      %dma_wait3A_69 = arith.constant 0 : i32
      %dma_wait3A_70 = tpu.memref_slice %arg2[%dma_wait3A_68, %dma_wait3A_69] : memref<100000x32xf32, #tpu.memory_space<hbm>> -> memref<100000x32xf32, #tpu.memory_space<hbm>>
      tpu.wait_indirect_dma semaphore(%arg14 : memref<!tpu.dma_semaphore, #tpu.memory_space<semaphore_mem>>) src(%dma_wait3A_70 : memref<100000x32xf32, #tpu.memory_space<hbm>>) dst(%arg9 : memref<320x32xf32, #tpu.memory_space<vmem>>)
      "tpu.region"() ({
        %run_scoped3A = tpu.sem_alloc : memref<!tpu.dma_semaphore, #tpu.memory_space<semaphore_mem>>
        %dma_start3A_113 = arith.constant 2240 : i32
        %dma_start3A_114 = tpu.memref_slice %arg6[%dma_start3A_113] : memref<2560xi32, #tpu.memory_space<vmem>> -> memref<320xi32, #tpu.memory_space<vmem>>
        %dma_start3A_115 = arith.constant 0 : i32
        %dma_start3A_116 = arith.constant 0 : i32
        %dma_start3A_117 = tpu.memref_slice %arg10[%dma_start3A_115, %dma_start3A_116] : memref<50176x32xf32, #tpu.memory_space<vmem_shared>> -> memref<50176x32xf32, #tpu.memory_space<vmem_shared>>
        tpu.enqueue_indirect_dma source(%arg9 : memref<320x32xf32, #tpu.memory_space<vmem>>) target(%dma_start3A_117 : memref<50176x32xf32, #tpu.memory_space<vmem_shared>>) offsets(%dma_start3A_114 : memref<320xi32, #tpu.memory_space<vmem>>) semaphore(%run_scoped3A : memref<!tpu.dma_semaphore, #tpu.memory_space<semaphore_mem>>) {add = true}
        %dma_wait3A_118 = arith.constant 2240 : i32
        %dma_wait3A_119 = tpu.memref_slice %arg6[%dma_wait3A_118] : memref<2560xi32, #tpu.memory_space<vmem>> -> memref<320xi32, #tpu.memory_space<vmem>>
        %dma_wait3A_120 = arith.constant 0 : i32
        %dma_wait3A_121 = arith.constant 0 : i32
        %dma_wait3A_122 = tpu.memref_slice %arg10[%dma_wait3A_120, %dma_wait3A_121] : memref<50176x32xf32, #tpu.memory_space<vmem_shared>> -> memref<50176x32xf32, #tpu.memory_space<vmem_shared>>
        tpu.wait_indirect_dma semaphore(%run_scoped3A : memref<!tpu.dma_semaphore, #tpu.memory_space<semaphore_mem>>) src(%arg9 : memref<320x32xf32, #tpu.memory_space<vmem>>) dst(%dma_wait3A_122 : memref<50176x32xf32, #tpu.memory_space<vmem_shared>>)
        tpu.yield
      }) : () -> ()
      %lt3A = arith.constant 19 : i32
      %lt3A_71 = arith.cmpi slt, %scan3A_18, %lt3A : i32
      %convert_element_type3A = arith.extui %lt3A_71 : i1 to i32
      %cond3A = arith.constant 0 : i32
      %cond3A_72 = arith.cmpi ne, %convert_element_type3A, %cond3A : i32
      scf.if %cond3A_72 {
        %add3A_113 = arith.constant 5120 : i32
        %add3A_114 = arith.addi %add3A_23, %add3A_113 : i32
        %dma_start3A_115 = tpu.memref_slice %arg3[%add3A_114] : memref<3276800xi32, #tpu.memory_space<hbm>> -> memref<2560xi32, #tpu.memory_space<hbm>>
        %dma_start3A_116 = tpu.memref_slice %arg3[%add3A_114] : memref<3276800xi32, #tpu.memory_space<hbm>> -> memref<2560xi32, #tpu.memory_space<hbm>>
        tpu.enqueue_dma source(%dma_start3A_116 : memref<2560xi32, #tpu.memory_space<hbm>>) target(%arg6 : memref<2560xi32, #tpu.memory_space<vmem>>) target_semaphore(%arg11 : memref<!tpu.dma_semaphore, #tpu.memory_space<semaphore_mem>>)
      } else {
      }
      %dma_start3A_73 = arith.constant 640 : i32
      %dma_start3A_74 = tpu.memref_slice %arg7[%dma_start3A_73] : memref<2560xi32, #tpu.memory_space<vmem>> -> memref<320xi32, #tpu.memory_space<vmem>>
      %dma_start3A_75 = arith.constant 0 : i32
      %dma_start3A_76 = arith.constant 0 : i32
      %dma_start3A_77 = tpu.memref_slice %arg2[%dma_start3A_75, %dma_start3A_76] : memref<100000x32xf32, #tpu.memory_space<hbm>> -> memref<100000x32xf32, #tpu.memory_space<hbm>>
      tpu.enqueue_indirect_dma source(%dma_start3A_77 : memref<100000x32xf32, #tpu.memory_space<hbm>>) target(%arg9 : memref<320x32xf32, #tpu.memory_space<vmem>>) offsets(%dma_start3A_74 : memref<320xi32, #tpu.memory_space<vmem>>) semaphore(%arg14 : memref<!tpu.dma_semaphore, #tpu.memory_space<semaphore_mem>>)
      %dma_wait3A_78 = arith.constant 0 : i32
      %dma_wait3A_79 = tpu.memref_slice %arg7[%dma_wait3A_78] : memref<2560xi32, #tpu.memory_space<vmem>> -> memref<320xi32, #tpu.memory_space<vmem>>
      %dma_wait3A_80 = arith.constant 0 : i32
      %dma_wait3A_81 = arith.constant 0 : i32
      %dma_wait3A_82 = tpu.memref_slice %arg2[%dma_wait3A_80, %dma_wait3A_81] : memref<100000x32xf32, #tpu.memory_space<hbm>> -> memref<100000x32xf32, #tpu.memory_space<hbm>>
      tpu.wait_indirect_dma semaphore(%arg13 : memref<!tpu.dma_semaphore, #tpu.memory_space<semaphore_mem>>) src(%dma_wait3A_82 : memref<100000x32xf32, #tpu.memory_space<hbm>>) dst(%arg8 : memref<320x32xf32, #tpu.memory_space<vmem>>)
      "tpu.region"() ({
        %run_scoped3A = tpu.sem_alloc : memref<!tpu.dma_semaphore, #tpu.memory_space<semaphore_mem>>
        %dma_start3A_113 = arith.constant 320 : i32
        %dma_start3A_114 = tpu.memref_slice %arg7[%dma_start3A_113] : memref<2560xi32, #tpu.memory_space<vmem>> -> memref<320xi32, #tpu.memory_space<vmem>>
        %dma_start3A_115 = arith.constant 0 : i32
        %dma_start3A_116 = arith.constant 0 : i32
        %dma_start3A_117 = tpu.memref_slice %arg10[%dma_start3A_115, %dma_start3A_116] : memref<50176x32xf32, #tpu.memory_space<vmem_shared>> -> memref<50176x32xf32, #tpu.memory_space<vmem_shared>>
        tpu.enqueue_indirect_dma source(%arg8 : memref<320x32xf32, #tpu.memory_space<vmem>>) target(%dma_start3A_117 : memref<50176x32xf32, #tpu.memory_space<vmem_shared>>) offsets(%dma_start3A_114 : memref<320xi32, #tpu.memory_space<vmem>>) semaphore(%run_scoped3A : memref<!tpu.dma_semaphore, #tpu.memory_space<semaphore_mem>>) {add = true}
        %dma_wait3A_118 = arith.constant 320 : i32
        %dma_wait3A_119 = tpu.memref_slice %arg7[%dma_wait3A_118] : memref<2560xi32, #tpu.memory_space<vmem>> -> memref<320xi32, #tpu.memory_space<vmem>>
        %dma_wait3A_120 = arith.constant 0 : i32
        %dma_wait3A_121 = arith.constant 0 : i32
        %dma_wait3A_122 = tpu.memref_slice %arg10[%dma_wait3A_120, %dma_wait3A_121] : memref<50176x32xf32, #tpu.memory_space<vmem_shared>> -> memref<50176x32xf32, #tpu.memory_space<vmem_shared>>
        tpu.wait_indirect_dma semaphore(%run_scoped3A : memref<!tpu.dma_semaphore, #tpu.memory_space<semaphore_mem>>) src(%arg8 : memref<320x32xf32, #tpu.memory_space<vmem>>) dst(%dma_wait3A_122 : memref<50176x32xf32, #tpu.memory_space<vmem_shared>>)
        tpu.yield
      }) : () -> ()
      %dma_start3A_83 = arith.constant 1280 : i32
      %dma_start3A_84 = tpu.memref_slice %arg7[%dma_start3A_83] : memref<2560xi32, #tpu.memory_space<vmem>> -> memref<320xi32, #tpu.memory_space<vmem>>
      %dma_start3A_85 = arith.constant 0 : i32
      %dma_start3A_86 = arith.constant 0 : i32
      %dma_start3A_87 = tpu.memref_slice %arg2[%dma_start3A_85, %dma_start3A_86] : memref<100000x32xf32, #tpu.memory_space<hbm>> -> memref<100000x32xf32, #tpu.memory_space<hbm>>
      tpu.enqueue_indirect_dma source(%dma_start3A_87 : memref<100000x32xf32, #tpu.memory_space<hbm>>) target(%arg8 : memref<320x32xf32, #tpu.memory_space<vmem>>) offsets(%dma_start3A_84 : memref<320xi32, #tpu.memory_space<vmem>>) semaphore(%arg13 : memref<!tpu.dma_semaphore, #tpu.memory_space<semaphore_mem>>)
      %dma_wait3A_88 = arith.constant 640 : i32
      %dma_wait3A_89 = tpu.memref_slice %arg7[%dma_wait3A_88] : memref<2560xi32, #tpu.memory_space<vmem>> -> memref<320xi32, #tpu.memory_space<vmem>>
      %dma_wait3A_90 = arith.constant 0 : i32
      %dma_wait3A_91 = arith.constant 0 : i32
      %dma_wait3A_92 = tpu.memref_slice %arg2[%dma_wait3A_90, %dma_wait3A_91] : memref<100000x32xf32, #tpu.memory_space<hbm>> -> memref<100000x32xf32, #tpu.memory_space<hbm>>
      tpu.wait_indirect_dma semaphore(%arg14 : memref<!tpu.dma_semaphore, #tpu.memory_space<semaphore_mem>>) src(%dma_wait3A_92 : memref<100000x32xf32, #tpu.memory_space<hbm>>) dst(%arg9 : memref<320x32xf32, #tpu.memory_space<vmem>>)
      "tpu.region"() ({
        %run_scoped3A = tpu.sem_alloc : memref<!tpu.dma_semaphore, #tpu.memory_space<semaphore_mem>>
        %dma_start3A_113 = arith.constant 960 : i32
        %dma_start3A_114 = tpu.memref_slice %arg7[%dma_start3A_113] : memref<2560xi32, #tpu.memory_space<vmem>> -> memref<320xi32, #tpu.memory_space<vmem>>
        %dma_start3A_115 = arith.constant 0 : i32
        %dma_start3A_116 = arith.constant 0 : i32
        %dma_start3A_117 = tpu.memref_slice %arg10[%dma_start3A_115, %dma_start3A_116] : memref<50176x32xf32, #tpu.memory_space<vmem_shared>> -> memref<50176x32xf32, #tpu.memory_space<vmem_shared>>
        tpu.enqueue_indirect_dma source(%arg9 : memref<320x32xf32, #tpu.memory_space<vmem>>) target(%dma_start3A_117 : memref<50176x32xf32, #tpu.memory_space<vmem_shared>>) offsets(%dma_start3A_114 : memref<320xi32, #tpu.memory_space<vmem>>) semaphore(%run_scoped3A : memref<!tpu.dma_semaphore, #tpu.memory_space<semaphore_mem>>) {add = true}
        %dma_wait3A_118 = arith.constant 960 : i32
        %dma_wait3A_119 = tpu.memref_slice %arg7[%dma_wait3A_118] : memref<2560xi32, #tpu.memory_space<vmem>> -> memref<320xi32, #tpu.memory_space<vmem>>
        %dma_wait3A_120 = arith.constant 0 : i32
        %dma_wait3A_121 = arith.constant 0 : i32
        %dma_wait3A_122 = tpu.memref_slice %arg10[%dma_wait3A_120, %dma_wait3A_121] : memref<50176x32xf32, #tpu.memory_space<vmem_shared>> -> memref<50176x32xf32, #tpu.memory_space<vmem_shared>>
        tpu.wait_indirect_dma semaphore(%run_scoped3A : memref<!tpu.dma_semaphore, #tpu.memory_space<semaphore_mem>>) src(%arg9 : memref<320x32xf32, #tpu.memory_space<vmem>>) dst(%dma_wait3A_122 : memref<50176x32xf32, #tpu.memory_space<vmem_shared>>)
        tpu.yield
      }) : () -> ()
      %dma_start3A_93 = arith.constant 1920 : i32
      %dma_start3A_94 = tpu.memref_slice %arg7[%dma_start3A_93] : memref<2560xi32, #tpu.memory_space<vmem>> -> memref<320xi32, #tpu.memory_space<vmem>>
      %dma_start3A_95 = arith.constant 0 : i32
      %dma_start3A_96 = arith.constant 0 : i32
      %dma_start3A_97 = tpu.memref_slice %arg2[%dma_start3A_95, %dma_start3A_96] : memref<100000x32xf32, #tpu.memory_space<hbm>> -> memref<100000x32xf32, #tpu.memory_space<hbm>>
      tpu.enqueue_indirect_dma source(%dma_start3A_97 : memref<100000x32xf32, #tpu.memory_space<hbm>>) target(%arg9 : memref<320x32xf32, #tpu.memory_space<vmem>>) offsets(%dma_start3A_94 : memref<320xi32, #tpu.memory_space<vmem>>) semaphore(%arg14 : memref<!tpu.dma_semaphore, #tpu.memory_space<semaphore_mem>>)
      %dma_wait3A_98 = arith.constant 1280 : i32
      %dma_wait3A_99 = tpu.memref_slice %arg7[%dma_wait3A_98] : memref<2560xi32, #tpu.memory_space<vmem>> -> memref<320xi32, #tpu.memory_space<vmem>>
      %dma_wait3A_100 = arith.constant 0 : i32
      %dma_wait3A_101 = arith.constant 0 : i32
      %dma_wait3A_102 = tpu.memref_slice %arg2[%dma_wait3A_100, %dma_wait3A_101] : memref<100000x32xf32, #tpu.memory_space<hbm>> -> memref<100000x32xf32, #tpu.memory_space<hbm>>
      tpu.wait_indirect_dma semaphore(%arg13 : memref<!tpu.dma_semaphore, #tpu.memory_space<semaphore_mem>>) src(%dma_wait3A_102 : memref<100000x32xf32, #tpu.memory_space<hbm>>) dst(%arg8 : memref<320x32xf32, #tpu.memory_space<vmem>>)
      "tpu.region"() ({
        %run_scoped3A = tpu.sem_alloc : memref<!tpu.dma_semaphore, #tpu.memory_space<semaphore_mem>>
        %dma_start3A_113 = arith.constant 1600 : i32
        %dma_start3A_114 = tpu.memref_slice %arg7[%dma_start3A_113] : memref<2560xi32, #tpu.memory_space<vmem>> -> memref<320xi32, #tpu.memory_space<vmem>>
        %dma_start3A_115 = arith.constant 0 : i32
        %dma_start3A_116 = arith.constant 0 : i32
        %dma_start3A_117 = tpu.memref_slice %arg10[%dma_start3A_115, %dma_start3A_116] : memref<50176x32xf32, #tpu.memory_space<vmem_shared>> -> memref<50176x32xf32, #tpu.memory_space<vmem_shared>>
        tpu.enqueue_indirect_dma source(%arg8 : memref<320x32xf32, #tpu.memory_space<vmem>>) target(%dma_start3A_117 : memref<50176x32xf32, #tpu.memory_space<vmem_shared>>) offsets(%dma_start3A_114 : memref<320xi32, #tpu.memory_space<vmem>>) semaphore(%run_scoped3A : memref<!tpu.dma_semaphore, #tpu.memory_space<semaphore_mem>>) {add = true}
        %dma_wait3A_118 = arith.constant 1600 : i32
        %dma_wait3A_119 = tpu.memref_slice %arg7[%dma_wait3A_118] : memref<2560xi32, #tpu.memory_space<vmem>> -> memref<320xi32, #tpu.memory_space<vmem>>
        %dma_wait3A_120 = arith.constant 0 : i32
        %dma_wait3A_121 = arith.constant 0 : i32
        %dma_wait3A_122 = tpu.memref_slice %arg10[%dma_wait3A_120, %dma_wait3A_121] : memref<50176x32xf32, #tpu.memory_space<vmem_shared>> -> memref<50176x32xf32, #tpu.memory_space<vmem_shared>>
        tpu.wait_indirect_dma semaphore(%run_scoped3A : memref<!tpu.dma_semaphore, #tpu.memory_space<semaphore_mem>>) src(%arg8 : memref<320x32xf32, #tpu.memory_space<vmem>>) dst(%dma_wait3A_122 : memref<50176x32xf32, #tpu.memory_space<vmem_shared>>)
        tpu.yield
      }) : () -> ()
      %lt3A_103 = arith.constant 19 : i32
      %lt3A_104 = arith.cmpi slt, %scan3A_18, %lt3A_103 : i32
      %convert_element_type3A_105 = arith.extui %lt3A_104 : i1 to i32
      %cond3A_106 = arith.constant 0 : i32
      %cond3A_107 = arith.cmpi ne, %convert_element_type3A_105, %cond3A_106 : i32
      scf.if %cond3A_107 {
        %add3A_113 = arith.constant 5120 : i32
        %add3A_114 = arith.addi %add3A_23, %add3A_113 : i32
        %dma_wait3A_115 = tpu.memref_slice %arg3[%add3A_114] : memref<3276800xi32, #tpu.memory_space<hbm>> -> memref<2560xi32, #tpu.memory_space<hbm>>
        %dma_wait3A_116 = tpu.memref_slice %arg3[%add3A_114] : memref<3276800xi32, #tpu.memory_space<hbm>> -> memref<2560xi32, #tpu.memory_space<hbm>>
        tpu.wait_dma2 semaphore(%arg11 : memref<!tpu.dma_semaphore, #tpu.memory_space<semaphore_mem>>) src(%dma_wait3A_116 : memref<2560xi32, #tpu.memory_space<hbm>>) dst(%arg6 : memref<2560xi32, #tpu.memory_space<vmem>>)
        %dma_start3A_117 = arith.constant 0 : i32
        %dma_start3A_118 = tpu.memref_slice %arg6[%dma_start3A_117] : memref<2560xi32, #tpu.memory_space<vmem>> -> memref<320xi32, #tpu.memory_space<vmem>>
        %dma_start3A_119 = arith.constant 0 : i32
        %dma_start3A_120 = arith.constant 0 : i32
        %dma_start3A_121 = tpu.memref_slice %arg2[%dma_start3A_119, %dma_start3A_120] : memref<100000x32xf32, #tpu.memory_space<hbm>> -> memref<100000x32xf32, #tpu.memory_space<hbm>>
        tpu.enqueue_indirect_dma source(%dma_start3A_121 : memref<100000x32xf32, #tpu.memory_space<hbm>>) target(%arg8 : memref<320x32xf32, #tpu.memory_space<vmem>>) offsets(%dma_start3A_118 : memref<320xi32, #tpu.memory_space<vmem>>) semaphore(%arg13 : memref<!tpu.dma_semaphore, #tpu.memory_space<semaphore_mem>>)
      } else {
      }
      %dma_wait3A_108 = arith.constant 1920 : i32
      %dma_wait3A_109 = tpu.memref_slice %arg7[%dma_wait3A_108] : memref<2560xi32, #tpu.memory_space<vmem>> -> memref<320xi32, #tpu.memory_space<vmem>>
      %dma_wait3A_110 = arith.constant 0 : i32
      %dma_wait3A_111 = arith.constant 0 : i32
      %dma_wait3A_112 = tpu.memref_slice %arg2[%dma_wait3A_110, %dma_wait3A_111] : memref<100000x32xf32, #tpu.memory_space<hbm>> -> memref<100000x32xf32, #tpu.memory_space<hbm>>
      tpu.wait_indirect_dma semaphore(%arg14 : memref<!tpu.dma_semaphore, #tpu.memory_space<semaphore_mem>>) src(%dma_wait3A_112 : memref<100000x32xf32, #tpu.memory_space<hbm>>) dst(%arg9 : memref<320x32xf32, #tpu.memory_space<vmem>>)
      "tpu.region"() ({
        %run_scoped3A = tpu.sem_alloc : memref<!tpu.dma_semaphore, #tpu.memory_space<semaphore_mem>>
        %dma_start3A_113 = arith.constant 2240 : i32
        %dma_start3A_114 = tpu.memref_slice %arg7[%dma_start3A_113] : memref<2560xi32, #tpu.memory_space<vmem>> -> memref<320xi32, #tpu.memory_space<vmem>>
        %dma_start3A_115 = arith.constant 0 : i32
        %dma_start3A_116 = arith.constant 0 : i32
        %dma_start3A_117 = tpu.memref_slice %arg10[%dma_start3A_115, %dma_start3A_116] : memref<50176x32xf32, #tpu.memory_space<vmem_shared>> -> memref<50176x32xf32, #tpu.memory_space<vmem_shared>>
        tpu.enqueue_indirect_dma source(%arg9 : memref<320x32xf32, #tpu.memory_space<vmem>>) target(%dma_start3A_117 : memref<50176x32xf32, #tpu.memory_space<vmem_shared>>) offsets(%dma_start3A_114 : memref<320xi32, #tpu.memory_space<vmem>>) semaphore(%run_scoped3A : memref<!tpu.dma_semaphore, #tpu.memory_space<semaphore_mem>>) {add = true}
        %dma_wait3A_118 = arith.constant 2240 : i32
        %dma_wait3A_119 = tpu.memref_slice %arg7[%dma_wait3A_118] : memref<2560xi32, #tpu.memory_space<vmem>> -> memref<320xi32, #tpu.memory_space<vmem>>
        %dma_wait3A_120 = arith.constant 0 : i32
        %dma_wait3A_121 = arith.constant 0 : i32
        %dma_wait3A_122 = tpu.memref_slice %arg10[%dma_wait3A_120, %dma_wait3A_121] : memref<50176x32xf32, #tpu.memory_space<vmem_shared>> -> memref<50176x32xf32, #tpu.memory_space<vmem_shared>>
        tpu.wait_indirect_dma semaphore(%run_scoped3A : memref<!tpu.dma_semaphore, #tpu.memory_space<semaphore_mem>>) src(%arg9 : memref<320x32xf32, #tpu.memory_space<vmem>>) dst(%dma_wait3A_122 : memref<50176x32xf32, #tpu.memory_space<vmem_shared>>)
        tpu.yield
      }) : () -> ()
    }
    %scan3A_13 = arith.constant 20 : i32
    %barrier3A_14 = arith.constant 0 : index
    tpu.barrier barrier_id(%barrier3A_14)
    %mul3A_15 = arith.constant 3128 : i32
    %mul3A_16 = arith.muli %arg1, %mul3A_15 : i32
    %min3A = arith.constant 46872 : i32
    %min3A_17 = arith.minsi %mul3A_16, %min3A : i32
    %multiple_of3A = tpu.assume_multiple %min3A_17, 8 : i32
    "tpu.region"() ({
      %run_scoped3A = tpu.sem_alloc : memref<!tpu.dma_semaphore, #tpu.memory_space<semaphore_mem>>
      %dma_start3A_18 = arith.constant 0 : i32
      %dma_start3A_19 = tpu.memref_slice %arg5[%arg0, %multiple_of3A, %dma_start3A_18] : memref<2x50000x32xf32, #tpu.memory_space<hbm>> -> memref<1x3128x32xf32, #tpu.memory_space<hbm>>
      %dma_start3A_20 = tpu.memref_squeeze %dma_start3A_19 : memref<1x3128x32xf32, #tpu.memory_space<hbm>> -> memref<3128x32xf32, #tpu.memory_space<hbm>>
      %dma_start3A_21 = arith.constant 0 : i32
      %dma_start3A_22 = tpu.memref_slice %arg10[%multiple_of3A, %dma_start3A_21] : memref<50176x32xf32, #tpu.memory_space<vmem_shared>> -> memref<3128x32xf32, #tpu.memory_space<vmem_shared>>
      tpu.enqueue_dma source(%dma_start3A_22 : memref<3128x32xf32, #tpu.memory_space<vmem_shared>>) target(%dma_start3A_20 : memref<3128x32xf32, #tpu.memory_space<hbm>>) target_semaphore(%run_scoped3A : memref<!tpu.dma_semaphore, #tpu.memory_space<semaphore_mem>>)
      %dma_wait3A = arith.constant 0 : i32
      %dma_wait3A_23 = tpu.memref_slice %arg5[%arg0, %multiple_of3A, %dma_wait3A] : memref<2x50000x32xf32, #tpu.memory_space<hbm>> -> memref<1x3128x32xf32, #tpu.memory_space<hbm>>
      %dma_wait3A_24 = tpu.memref_squeeze %dma_wait3A_23 : memref<1x3128x32xf32, #tpu.memory_space<hbm>> -> memref<3128x32xf32, #tpu.memory_space<hbm>>
      %dma_wait3A_25 = arith.constant 0 : i32
      %dma_wait3A_26 = tpu.memref_slice %arg10[%multiple_of3A, %dma_wait3A_25] : memref<50176x32xf32, #tpu.memory_space<vmem_shared>> -> memref<3128x32xf32, #tpu.memory_space<vmem_shared>>
      tpu.wait_dma2 semaphore(%run_scoped3A : memref<!tpu.dma_semaphore, #tpu.memory_space<semaphore_mem>>) src(%dma_wait3A_26 : memref<3128x32xf32, #tpu.memory_space<vmem_shared>>) dst(%dma_wait3A_24 : memref<3128x32xf32, #tpu.memory_space<hbm>>)
      tpu.yield
    }) : () -> ()
    return
  }
}

module attributes {stable_mosaic.version = 14 : i64} {
  func.func @_prep_body(%arg0: i32, %arg1: memref<400x128xf32, #tpu.memory_space<vmem>>, %arg2: memref<2x400x8xf32, #tpu.memory_space<vmem>>, %arg3: memref<128x64xf32, #tpu.memory_space<vmem>>, %arg4: memref<1x64xf32, #tpu.memory_space<vmem>>, %arg5: memref<64x64xf32, #tpu.memory_space<vmem>>, %arg6: memref<2x400x32xf32, #tpu.memory_space<vmem>>, %arg7: memref<400x1xf32, #tpu.memory_space<vmem>>) attributes {dimension_semantics = [#tpu.dimension_semantics<arbitrary>], iteration_bounds = array<i64: 125>, scalar_prefetch = 0 : i64, scratch_operands = 0 : i64, tpu.core_type = #tpu.core_type<tc>, window_params = [{transform_indices = @transform_0, window_bounds = array<i64: 400, 128>}, {transform_indices = @transform_1, window_bounds = array<i64: 2, 400, 8>}, {pipeline_mode = #tpu.pipeline_mode<synchronous>, transform_indices = @transform_2, window_bounds = array<i64: 128, 64>}, {pipeline_mode = #tpu.pipeline_mode<synchronous>, transform_indices = @transform_3, window_bounds = array<i64: 1, 64>}, {pipeline_mode = #tpu.pipeline_mode<synchronous>, transform_indices = @transform_4, window_bounds = array<i64: 64, 64>}, {transform_indices = @transform_5, window_bounds = array<i64: 2, 400, 32>}, {transform_indices = @transform_6, window_bounds = array<i64: 400, 1>}]} {
    %get3A = arith.constant 0 : index
    %get3A_0 = arith.constant 0 : index
    %get3A_1 = arith.constant 0 : index
    %get3A_2 = vector.load %arg2[%get3A, %get3A_0, %get3A_1] : memref<2x400x8xf32, #tpu.memory_space<vmem>>, vector<1x400x8xf32>
    %get3A_3 = vector.shape_cast %get3A_2 : vector<1x400x8xf32> to vector<400x8xf32>
    %slice3A = vector.extract_strided_slice %get3A_3 {offsets = [0, 0], sizes = [400, 1], strides = [1, 1]} : vector<400x8xf32> to vector<400x1xf32>
    %add3A = arith.constant 1.000000e+00 : f32
    %add3A_4 = vector.broadcast %add3A : f32 to vector<400x1xf32>
    %add3A_5 = arith.addf %add3A_4, %slice3A : vector<400x1xf32>
    %get3A_6 = arith.constant 1 : index
    %get3A_7 = arith.constant 0 : index
    %get3A_8 = arith.constant 0 : index
    %get3A_9 = vector.load %arg2[%get3A_6, %get3A_7, %get3A_8] : memref<2x400x8xf32, #tpu.memory_space<vmem>>, vector<1x400x8xf32>
    %get3A_10 = vector.shape_cast %get3A_9 : vector<1x400x8xf32> to vector<400x8xf32>
    %slice3A_11 = vector.extract_strided_slice %get3A_10 {offsets = [0, 0], sizes = [400, 1], strides = [1, 1]} : vector<400x8xf32> to vector<400x1xf32>
    %add3A_12 = arith.addf %add3A_5, %slice3A_11 : vector<400x1xf32>
    %rsqrt3A = math.rsqrt %add3A_12 : vector<400x1xf32>
    %get3A_13 = arith.constant 0 : index
    %get3A_14 = arith.constant 0 : index
    %get3A_15 = vector.load %arg1[%get3A_13, %get3A_14] : memref<400x128xf32, #tpu.memory_space<vmem>>, vector<400x128xf32>
    %get3A_16 = arith.constant 0 : index
    %get3A_17 = arith.constant 0 : index
    %get3A_18 = vector.load %arg3[%get3A_16, %get3A_17] : memref<128x64xf32, #tpu.memory_space<vmem>>, vector<128x64xf32>
    %dot_general3A = arith.constant dense<0.000000e+00> : vector<400x64xf32>
    %dot_general3A_19 = tpu.matmul %get3A_15, %get3A_18, %dot_general3A {dimension_numbers = #tpu.dot_dimension_numbers<[1], [0], [0], [1], [0, 0, 1, 1], [], []>, transpose_lhs_hint = false} : vector<400x128xf32>, vector<128x64xf32>, vector<400x64xf32> -> vector<400x64xf32>
    %get3A_20 = arith.constant 0 : index
    %get3A_21 = arith.constant 0 : index
    %get3A_22 = vector.load %arg4[%get3A_20, %get3A_21] : memref<1x64xf32, #tpu.memory_space<vmem>>, vector<1x64xf32>
    %add3A_23 = vector.broadcast %get3A_22 : vector<1x64xf32> to vector<400x64xf32>
    %add3A_24 = arith.addf %dot_general3A_19, %add3A_23 : vector<400x64xf32>
    %max3A = arith.constant 0.000000e+00 : f32
    %max3A_25 = vector.broadcast %max3A : f32 to vector<400x64xf32>
    %max3A_26 = arith.maximumf %add3A_24, %max3A_25 : vector<400x64xf32>
    %get3A_27 = arith.constant 0 : index
    %get3A_28 = arith.constant 0 : index
    %get3A_29 = vector.load %arg5[%get3A_27, %get3A_28] : memref<64x64xf32, #tpu.memory_space<vmem>>, vector<64x64xf32>
    %dot_general3A_30 = arith.constant dense<0.000000e+00> : vector<400x64xf32>
    %dot_general3A_31 = tpu.matmul %max3A_26, %get3A_29, %dot_general3A_30 {dimension_numbers = #tpu.dot_dimension_numbers<[1], [0], [0], [1], [0, 0, 1, 1], [], []>, transpose_lhs_hint = false} : vector<400x64xf32>, vector<64x64xf32>, vector<400x64xf32> -> vector<400x64xf32>
    %mul3A = vector.broadcast %rsqrt3A : vector<400x1xf32> to vector<400x64xf32>
    %mul3A_32 = arith.mulf %mul3A, %dot_general3A_31 : vector<400x64xf32>
    %slice3A_33 = vector.extract_strided_slice %mul3A_32 {offsets = [0, 0], sizes = [400, 32], strides = [1, 1]} : vector<400x64xf32> to vector<400x32xf32>
    %swap3A = arith.constant 0 : index
    %swap3A_34 = arith.constant 0 : index
    %swap3A_35 = arith.constant 0 : index
    %swap3A_36 = vector.load %arg6[%swap3A, %swap3A_34, %swap3A_35] : memref<2x400x32xf32, #tpu.memory_space<vmem>>, vector<1x400x32xf32>
    %swap3A_37 = vector.shape_cast %swap3A_36 : vector<1x400x32xf32> to vector<400x32xf32>
    %swap3A_38 = vector.shape_cast %slice3A_33 : vector<400x32xf32> to vector<1x400x32xf32>
    tpu.vector_store %arg6[%swap3A, %swap3A_34, %swap3A_35], %swap3A_38 {strides = array<i32>} : memref<2x400x32xf32, #tpu.memory_space<vmem>>, vector<1x400x32xf32>,
    %slice3A_39 = vector.extract_strided_slice %mul3A_32 {offsets = [0, 32], sizes = [400, 32], strides = [1, 1]} : vector<400x64xf32> to vector<400x32xf32>
    %swap3A_40 = arith.constant 1 : index
    %swap3A_41 = arith.constant 0 : index
    %swap3A_42 = arith.constant 0 : index
    %swap3A_43 = vector.load %arg6[%swap3A_40, %swap3A_41, %swap3A_42] : memref<2x400x32xf32, #tpu.memory_space<vmem>>, vector<1x400x32xf32>
    %swap3A_44 = vector.shape_cast %swap3A_43 : vector<1x400x32xf32> to vector<400x32xf32>
    %swap3A_45 = vector.shape_cast %slice3A_39 : vector<400x32xf32> to vector<1x400x32xf32>
    tpu.vector_store %arg6[%swap3A_40, %swap3A_41, %swap3A_42], %swap3A_45 {strides = array<i32>} : memref<2x400x32xf32, #tpu.memory_space<vmem>>, vector<1x400x32xf32>,
    %swap3A_46 = arith.constant 0 : index
    %swap3A_47 = arith.constant 0 : index
    %swap3A_48 = vector.load %arg7[%swap3A_46, %swap3A_47] : memref<400x1xf32, #tpu.memory_space<vmem>>, vector<400x1xf32>
    tpu.vector_store %arg7[%swap3A_46, %swap3A_47], %rsqrt3A {strides = array<i32>} : memref<400x1xf32, #tpu.memory_space<vmem>>, vector<400x1xf32>,
    return
  }
  func.func @transform_0(%arg0: i32) -> (i32, i32) {
    %c0_i32 = arith.constant 0 : i32
    %c0_i32_0 = arith.constant 0 : i32
    return %arg0, %c0_i32 : i32, i32
  }
  func.func @transform_1(%arg0: i32) -> (i32, i32, i32) {
    %c0_i32 = arith.constant 0 : i32
    %c0_i32_0 = arith.constant 0 : i32
    %c0_i32_1 = arith.constant 0 : i32
    return %c0_i32, %arg0, %c0_i32_0 : i32, i32, i32
  }
  func.func @transform_2(%arg0: i32) -> (i32, i32) {
    %c0_i32 = arith.constant 0 : i32
    %c0_i32_0 = arith.constant 0 : i32
    %c0_i32_1 = arith.constant 0 : i32
    return %c0_i32, %c0_i32_0 : i32, i32
  }
  func.func @transform_3(%arg0: i32) -> (i32, i32) {
    %c0_i32 = arith.constant 0 : i32
    %c0_i32_0 = arith.constant 0 : i32
    %c0_i32_1 = arith.constant 0 : i32
    return %c0_i32, %c0_i32_0 : i32, i32
  }
  func.func @transform_4(%arg0: i32) -> (i32, i32) {
    %c0_i32 = arith.constant 0 : i32
    %c0_i32_0 = arith.constant 0 : i32
    %c0_i32_1 = arith.constant 0 : i32
    return %c0_i32, %c0_i32_0 : i32, i32
  }
  func.func @transform_5(%arg0: i32) -> (i32, i32, i32) {
    %c0_i32 = arith.constant 0 : i32
    %c0_i32_0 = arith.constant 0 : i32
    %c0_i32_1 = arith.constant 0 : i32
    return %c0_i32, %arg0, %c0_i32_0 : i32, i32, i32
  }
  func.func @transform_6(%arg0: i32) -> (i32, i32) {
    %c0_i32 = arith.constant 0 : i32
    %c0_i32_0 = arith.constant 0 : i32
    return %arg0, %c0_i32 : i32, i32
  }
}

module attributes {stable_mosaic.version = 14 : i64} {
  func.func @_layer_body(%arg0: i32, %arg1: memref<2x400x32xf32, #tpu.memory_space<vmem>>, %arg2: memref<2x400x32xf32, #tpu.memory_space<vmem>>, %arg3: memref<400x1xf32, #tpu.memory_space<vmem>>, %arg4: memref<1x64xf32, #tpu.memory_space<vmem>>, %arg5: memref<64x64xf32, #tpu.memory_space<vmem>>, %arg6: memref<2x400x32xf32, #tpu.memory_space<vmem>>) attributes {dimension_semantics = [#tpu.dimension_semantics<arbitrary>], iteration_bounds = array<i64: 125>, scalar_prefetch = 0 : i64, scratch_operands = 0 : i64, tpu.core_type = #tpu.core_type<tc>, window_params = [{transform_indices = @transform_0, window_bounds = array<i64: 2, 400, 32>}, {transform_indices = @transform_1, window_bounds = array<i64: 2, 400, 32>}, {transform_indices = @transform_2, window_bounds = array<i64: 400, 1>}, {pipeline_mode = #tpu.pipeline_mode<synchronous>, transform_indices = @transform_3, window_bounds = array<i64: 1, 64>}, {pipeline_mode = #tpu.pipeline_mode<synchronous>, transform_indices = @transform_4, window_bounds = array<i64: 64, 64>}, {transform_indices = @transform_5, window_bounds = array<i64: 2, 400, 32>}]} {
    %get3A = arith.constant 0 : index
    %get3A_0 = arith.constant 0 : index
    %get3A_1 = arith.constant 0 : index
    %get3A_2 = vector.load %arg1[%get3A, %get3A_0, %get3A_1] : memref<2x400x32xf32, #tpu.memory_space<vmem>>, vector<1x400x32xf32>
    %get3A_3 = vector.shape_cast %get3A_2 : vector<1x400x32xf32> to vector<400x32xf32>
    %get3A_4 = arith.constant 0 : index
    %get3A_5 = arith.constant 0 : index
    %get3A_6 = arith.constant 0 : index
    %get3A_7 = vector.load %arg2[%get3A_4, %get3A_5, %get3A_6] : memref<2x400x32xf32, #tpu.memory_space<vmem>>, vector<1x400x32xf32>
    %get3A_8 = vector.shape_cast %get3A_7 : vector<1x400x32xf32> to vector<400x32xf32>
    %add3A = arith.addf %get3A_3, %get3A_8 : vector<400x32xf32>
    %get3A_9 = arith.constant 1 : index
    %get3A_10 = arith.constant 0 : index
    %get3A_11 = arith.constant 0 : index
    %get3A_12 = vector.load %arg1[%get3A_9, %get3A_10, %get3A_11] : memref<2x400x32xf32, #tpu.memory_space<vmem>>, vector<1x400x32xf32>
    %get3A_13 = vector.shape_cast %get3A_12 : vector<1x400x32xf32> to vector<400x32xf32>
    %get3A_14 = arith.constant 1 : index
    %get3A_15 = arith.constant 0 : index
    %get3A_16 = arith.constant 0 : index
    %get3A_17 = vector.load %arg2[%get3A_14, %get3A_15, %get3A_16] : memref<2x400x32xf32, #tpu.memory_space<vmem>>, vector<1x400x32xf32>
    %get3A_18 = vector.shape_cast %get3A_17 : vector<1x400x32xf32> to vector<400x32xf32>
    %add3A_19 = arith.addf %get3A_13, %get3A_18 : vector<400x32xf32>
    %concatenate3A = tpu.concatenate %add3A, %add3A_19 in 1 : vector<400x32xf32>, vector<400x32xf32> -> vector<400x64xf32>
    %get3A_20 = arith.constant 0 : index
    %get3A_21 = arith.constant 0 : index
    %get3A_22 = vector.load %arg3[%get3A_20, %get3A_21] : memref<400x1xf32, #tpu.memory_space<vmem>>, vector<400x1xf32>
    %mul3A = vector.broadcast %get3A_22 : vector<400x1xf32> to vector<400x64xf32>
    %mul3A_23 = arith.mulf %mul3A, %concatenate3A : vector<400x64xf32>
    %get3A_24 = arith.constant 0 : index
    %get3A_25 = arith.constant 0 : index
    %get3A_26 = vector.load %arg4[%get3A_24, %get3A_25] : memref<1x64xf32, #tpu.memory_space<vmem>>, vector<1x64xf32>
    %add3A_27 = vector.broadcast %get3A_26 : vector<1x64xf32> to vector<400x64xf32>
    %add3A_28 = arith.addf %mul3A_23, %add3A_27 : vector<400x64xf32>
    %max3A = arith.constant 0.000000e+00 : f32
    %max3A_29 = vector.broadcast %max3A : f32 to vector<400x64xf32>
    %max3A_30 = arith.maximumf %add3A_28, %max3A_29 : vector<400x64xf32>
    %get3A_31 = arith.constant 0 : index
    %get3A_32 = arith.constant 0 : index
    %get3A_33 = vector.load %arg5[%get3A_31, %get3A_32] : memref<64x64xf32, #tpu.memory_space<vmem>>, vector<64x64xf32>
    %dot_general3A = arith.constant dense<0.000000e+00> : vector<400x64xf32>
    %dot_general3A_34 = tpu.matmul %max3A_30, %get3A_33, %dot_general3A {dimension_numbers = #tpu.dot_dimension_numbers<[1], [0], [0], [1], [0, 0, 1, 1], [], []>, transpose_lhs_hint = false} : vector<400x64xf32>, vector<64x64xf32>, vector<400x64xf32> -> vector<400x64xf32>
    %mul3A_35 = vector.broadcast %get3A_22 : vector<400x1xf32> to vector<400x64xf32>
    %mul3A_36 = arith.mulf %mul3A_35, %dot_general3A_34 : vector<400x64xf32>
    %slice3A = vector.extract_strided_slice %mul3A_36 {offsets = [0, 0], sizes = [400, 32], strides = [1, 1]} : vector<400x64xf32> to vector<400x32xf32>
    %swap3A = arith.constant 0 : index
    %swap3A_37 = arith.constant 0 : index
    %swap3A_38 = arith.constant 0 : index
    %swap3A_39 = vector.load %arg6[%swap3A, %swap3A_37, %swap3A_38] : memref<2x400x32xf32, #tpu.memory_space<vmem>>, vector<1x400x32xf32>
    %swap3A_40 = vector.shape_cast %swap3A_39 : vector<1x400x32xf32> to vector<400x32xf32>
    %swap3A_41 = vector.shape_cast %slice3A : vector<400x32xf32> to vector<1x400x32xf32>
    tpu.vector_store %arg6[%swap3A, %swap3A_37, %swap3A_38], %swap3A_41 {strides = array<i32>} : memref<2x400x32xf32, #tpu.memory_space<vmem>>, vector<1x400x32xf32>,
    %slice3A_42 = vector.extract_strided_slice %mul3A_36 {offsets = [0, 32], sizes = [400, 32], strides = [1, 1]} : vector<400x64xf32> to vector<400x32xf32>
    %swap3A_43 = arith.constant 1 : index
    %swap3A_44 = arith.constant 0 : index
    %swap3A_45 = arith.constant 0 : index
    %swap3A_46 = vector.load %arg6[%swap3A_43, %swap3A_44, %swap3A_45] : memref<2x400x32xf32, #tpu.memory_space<vmem>>, vector<1x400x32xf32>
    %swap3A_47 = vector.shape_cast %swap3A_46 : vector<1x400x32xf32> to vector<400x32xf32>
    %swap3A_48 = vector.shape_cast %slice3A_42 : vector<400x32xf32> to vector<1x400x32xf32>
    tpu.vector_store %arg6[%swap3A_43, %swap3A_44, %swap3A_45], %swap3A_48 {strides = array<i32>} : memref<2x400x32xf32, #tpu.memory_space<vmem>>, vector<1x400x32xf32>,
    return
  }
  func.func @transform_0(%arg0: i32) -> (i32, i32, i32) {
    %c0_i32 = arith.constant 0 : i32
    %c0_i32_0 = arith.constant 0 : i32
    %c0_i32_1 = arith.constant 0 : i32
    return %c0_i32, %arg0, %c0_i32_0 : i32, i32, i32
  }
  func.func @transform_1(%arg0: i32) -> (i32, i32, i32) {
    %c0_i32 = arith.constant 0 : i32
    %c0_i32_0 = arith.constant 0 : i32
    %c0_i32_1 = arith.constant 0 : i32
    return %c0_i32, %arg0, %c0_i32_0 : i32, i32, i32
  }
  func.func @transform_2(%arg0: i32) -> (i32, i32) {
    %c0_i32 = arith.constant 0 : i32
    %c0_i32_0 = arith.constant 0 : i32
    return %arg0, %c0_i32 : i32, i32
  }
  func.func @transform_3(%arg0: i32) -> (i32, i32) {
    %c0_i32 = arith.constant 0 : i32
    %c0_i32_0 = arith.constant 0 : i32
    %c0_i32_1 = arith.constant 0 : i32
    return %c0_i32, %c0_i32_0 : i32, i32
  }
  func.func @transform_4(%arg0: i32) -> (i32, i32) {
    %c0_i32 = arith.constant 0 : i32
    %c0_i32_0 = arith.constant 0 : i32
    %c0_i32_1 = arith.constant 0 : i32
    return %c0_i32, %c0_i32_0 : i32, i32
  }
  func.func @transform_5(%arg0: i32) -> (i32, i32, i32) {
    %c0_i32 = arith.constant 0 : i32
    %c0_i32_0 = arith.constant 0 : i32
    %c0_i32_1 = arith.constant 0 : i32
    return %c0_i32, %arg0, %c0_i32_0 : i32, i32, i32
  }
}

module attributes {stable_mosaic.version = 14 : i64} {
  func.func @_final_body(%arg0: i32, %arg1: memref<2x400x32xf32, #tpu.memory_space<vmem>>, %arg2: memref<2x400x32xf32, #tpu.memory_space<vmem>>, %arg3: memref<400x1xf32, #tpu.memory_space<vmem>>, %arg4: memref<1x64xf32, #tpu.memory_space<vmem>>, %arg5: memref<64x6xf32, #tpu.memory_space<vmem>>, %arg6: memref<1x6xf32, #tpu.memory_space<vmem>>, %arg7: memref<400x1xi32, #tpu.memory_space<vmem>>, %arg8: memref<64x64xf32, #tpu.memory_space<vmem>>, %arg9: memref<1x64xf32, #tpu.memory_space<vmem>>, %arg10: memref<64x4xf32, #tpu.memory_space<vmem>>, %arg11: memref<1x4xf32, #tpu.memory_space<vmem>>, %arg12: memref<400x6xf32, #tpu.memory_space<vmem>>, %arg13: memref<16x4xf32, #tpu.memory_space<vmem>>, %arg14: memref<16x64xf32, #tpu.memory_space<vmem>>, %arg15: memref<16x1xf32, #tpu.memory_space<vmem>>) attributes {dimension_semantics = [#tpu.dimension_semantics<arbitrary>], iteration_bounds = array<i64: 125>, scalar_prefetch = 0 : i64, scratch_operands = 2 : i64, tpu.core_type = #tpu.core_type<tc>, window_params = [{transform_indices = @transform_0, window_bounds = array<i64: 2, 400, 32>}, {transform_indices = @transform_1, window_bounds = array<i64: 2, 400, 32>}, {transform_indices = @transform_2, window_bounds = array<i64: 400, 1>}, {pipeline_mode = #tpu.pipeline_mode<synchronous>, transform_indices = @transform_3, window_bounds = array<i64: 1, 64>}, {pipeline_mode = #tpu.pipeline_mode<synchronous>, transform_indices = @transform_4, window_bounds = array<i64: 64, 6>}, {pipeline_mode = #tpu.pipeline_mode<synchronous>, transform_indices = @transform_5, window_bounds = array<i64: 1, 6>}, {transform_indices = @transform_6, window_bounds = array<i64: 400, 1>}, {pipeline_mode = #tpu.pipeline_mode<synchronous>, transform_indices = @transform_7, window_bounds = array<i64: 64, 64>}, {pipeline_mode = #tpu.pipeline_mode<synchronous>, transform_indices = @transform_8, window_bounds = array<i64: 1, 64>}, {pipeline_mode = #tpu.pipeline_mode<synchronous>, transform_indices = @transform_9, window_bounds = array<i64: 64, 4>}, {pipeline_mode = #tpu.pipeline_mode<synchronous>, transform_indices = @transform_10, window_bounds = array<i64: 1, 4>}, {transform_indices = @transform_11, window_bounds = array<i64: 400, 6>}, {pipeline_mode = #tpu.pipeline_mode<synchronous>, transform_indices = @transform_12, window_bounds = array<i64: 16, 4>}]} {
    %get3A = arith.constant 0 : index
    %get3A_0 = arith.constant 0 : index
    %get3A_1 = arith.constant 0 : index
    %get3A_2 = vector.load %arg1[%get3A, %get3A_0, %get3A_1] : memref<2x400x32xf32, #tpu.memory_space<vmem>>, vector<1x400x32xf32>
    %get3A_3 = vector.shape_cast %get3A_2 : vector<1x400x32xf32> to vector<400x32xf32>
    %get3A_4 = arith.constant 0 : index
    %get3A_5 = arith.constant 0 : index
    %get3A_6 = arith.constant 0 : index
    %get3A_7 = vector.load %arg2[%get3A_4, %get3A_5, %get3A_6] : memref<2x400x32xf32, #tpu.memory_space<vmem>>, vector<1x400x32xf32>
    %get3A_8 = vector.shape_cast %get3A_7 : vector<1x400x32xf32> to vector<400x32xf32>
    %add3A = arith.addf %get3A_3, %get3A_8 : vector<400x32xf32>
    %get3A_9 = arith.constant 1 : index
    %get3A_10 = arith.constant 0 : index
    %get3A_11 = arith.constant 0 : index
    %get3A_12 = vector.load %arg1[%get3A_9, %get3A_10, %get3A_11] : memref<2x400x32xf32, #tpu.memory_space<vmem>>, vector<1x400x32xf32>
    %get3A_13 = vector.shape_cast %get3A_12 : vector<1x400x32xf32> to vector<400x32xf32>
    %get3A_14 = arith.constant 1 : index
    %get3A_15 = arith.constant 0 : index
    %get3A_16 = arith.constant 0 : index
    %get3A_17 = vector.load %arg2[%get3A_14, %get3A_15, %get3A_16] : memref<2x400x32xf32, #tpu.memory_space<vmem>>, vector<1x400x32xf32>
    %get3A_18 = vector.shape_cast %get3A_17 : vector<1x400x32xf32> to vector<400x32xf32>
    %add3A_19 = arith.addf %get3A_13, %get3A_18 : vector<400x32xf32>
    %concatenate3A = tpu.concatenate %add3A, %add3A_19 in 1 : vector<400x32xf32>, vector<400x32xf32> -> vector<400x64xf32>
    %get3A_20 = arith.constant 0 : index
    %get3A_21 = arith.constant 0 : index
    %get3A_22 = vector.load %arg3[%get3A_20, %get3A_21] : memref<400x1xf32, #tpu.memory_space<vmem>>, vector<400x1xf32>
    %mul3A = vector.broadcast %get3A_22 : vector<400x1xf32> to vector<400x64xf32>
    %mul3A_23 = arith.mulf %mul3A, %concatenate3A : vector<400x64xf32>
    %get3A_24 = arith.constant 0 : index
    %get3A_25 = arith.constant 0 : index
    %get3A_26 = vector.load %arg4[%get3A_24, %get3A_25] : memref<1x64xf32, #tpu.memory_space<vmem>>, vector<1x64xf32>
    %add3A_27 = vector.broadcast %get3A_26 : vector<1x64xf32> to vector<400x64xf32>
    %add3A_28 = arith.addf %mul3A_23, %add3A_27 : vector<400x64xf32>
    %max3A = arith.constant 0.000000e+00 : f32
    %max3A_29 = vector.broadcast %max3A : f32 to vector<400x64xf32>
    %max3A_30 = arith.maximumf %add3A_28, %max3A_29 : vector<400x64xf32>
    %get3A_31 = arith.constant 0 : index
    %get3A_32 = arith.constant 0 : index
    %get3A_33 = vector.load %arg5[%get3A_31, %get3A_32] : memref<64x6xf32, #tpu.memory_space<vmem>>, vector<64x6xf32>
    %dot_general3A = arith.constant dense<0.000000e+00> : vector<400x6xf32>
    %dot_general3A_34 = tpu.matmul %max3A_30, %get3A_33, %dot_general3A {dimension_numbers = #tpu.dot_dimension_numbers<[1], [0], [0], [1], [0, 0, 1, 1], [], []>, transpose_lhs_hint = false} : vector<400x64xf32>, vector<64x6xf32>, vector<400x6xf32> -> vector<400x6xf32>
    %get3A_35 = arith.constant 0 : index
    %get3A_36 = arith.constant 0 : index
    %get3A_37 = vector.load %arg6[%get3A_35, %get3A_36] : memref<1x6xf32, #tpu.memory_space<vmem>>, vector<1x6xf32>
    %add3A_38 = vector.broadcast %get3A_37 : vector<1x6xf32> to vector<400x6xf32>
    %add3A_39 = arith.addf %dot_general3A_34, %add3A_38 : vector<400x6xf32>
    %swap3A = arith.constant 0 : index
    %swap3A_40 = arith.constant 0 : index
    %swap3A_41 = vector.load %arg12[%swap3A, %swap3A_40] : memref<400x6xf32, #tpu.memory_space<vmem>>, vector<400x6xf32>
    tpu.vector_store %arg12[%swap3A, %swap3A_40], %add3A_39 {strides = array<i32>} : memref<400x6xf32, #tpu.memory_space<vmem>>, vector<400x6xf32>,
    %get3A_42 = arith.constant 0 : index
    %get3A_43 = arith.constant 0 : index
    %get3A_44 = vector.load %arg7[%get3A_42, %get3A_43] : memref<400x1xi32, #tpu.memory_space<vmem>>, vector<400x1xi32>
    %iota3A = tpu.iota {dimensions = array<i32: 1>} : vector<400x16xi32>
    %eq3A = vector.broadcast %get3A_44 : vector<400x1xi32> to vector<400x16xi32>
    %eq3A_45 = arith.cmpi eq, %eq3A, %iota3A : vector<400x16xi32>
    %convert_element_type3A = arith.extui %eq3A_45 : vector<400x16xi1> to vector<400x16xi32>
    %convert_element_type3A_46 = arith.sitofp %convert_element_type3A : vector<400x16xi32> to vector<400x16xf32>
    %dot_general3A_47 = arith.constant dense<0.000000e+00> : vector<16x64xf32>
    %dot_general3A_48 = tpu.matmul %convert_element_type3A_46, %max3A_30, %dot_general3A_47 {dimension_numbers = #tpu.dot_dimension_numbers<[0], [0], [1], [1], [0, 1, 1, 1], [], []>, transpose_lhs_hint = false} : vector<400x16xf32>, vector<400x64xf32>, vector<16x64xf32> -> vector<16x64xf32>
    %broadcast_in_dim3A = arith.constant 1.000000e+00 : f32
    %broadcast_in_dim3A_49 = vector.broadcast %broadcast_in_dim3A : f32 to vector<400x1xf32>
    %dot_general3A_50 = arith.constant dense<0.000000e+00> : vector<16x1xf32>
    %dot_general3A_51 = tpu.matmul %convert_element_type3A_46, %broadcast_in_dim3A_49, %dot_general3A_50 {dimension_numbers = #tpu.dot_dimension_numbers<[0], [0], [1], [1], [0, 1, 1, 1], [], []>, transpose_lhs_hint = false} : vector<400x16xf32>, vector<400x1xf32>, vector<16x1xf32> -> vector<16x1xf32>
    %eq3A_52 = arith.constant 0 : i32
    %eq3A_53 = arith.cmpi eq, %arg0, %eq3A_52 : i32
    %convert_element_type3A_54 = arith.extui %eq3A_53 : i1 to i32
    %cond3A = arith.constant 0 : i32
    %cond3A_55 = arith.cmpi ne, %convert_element_type3A_54, %cond3A : i32
    scf.if %cond3A_55 {
      %broadcast_in_dim3A_75 = arith.constant 0.000000e+00 : f32
      %broadcast_in_dim3A_76 = vector.broadcast %broadcast_in_dim3A_75 : f32 to vector<16x64xf32>
      %swap3A_77 = arith.constant 0 : index
      %swap3A_78 = arith.constant 0 : index
      %swap3A_79 = vector.load %arg14[%swap3A_77, %swap3A_78] : memref<16x64xf32, #tpu.memory_space<vmem>>, vector<16x64xf32>
      tpu.vector_store %arg14[%swap3A_77, %swap3A_78], %broadcast_in_dim3A_76 {strides = array<i32>} : memref<16x64xf32, #tpu.memory_space<vmem>>, vector<16x64xf32>,
      %broadcast_in_dim3A_80 = arith.constant 0.000000e+00 : f32
      %broadcast_in_dim3A_81 = vector.broadcast %broadcast_in_dim3A_80 : f32 to vector<16x1xf32>
      %swap3A_82 = arith.constant 0 : index
      %swap3A_83 = arith.constant 0 : index
      %swap3A_84 = vector.load %arg15[%swap3A_82, %swap3A_83] : memref<16x1xf32, #tpu.memory_space<vmem>>, vector<16x1xf32>
      tpu.vector_store %arg15[%swap3A_82, %swap3A_83], %broadcast_in_dim3A_81 {strides = array<i32>} : memref<16x1xf32, #tpu.memory_space<vmem>>, vector<16x1xf32>,
    } else {
    }
    %get3A_56 = arith.constant 0 : index
    %get3A_57 = arith.constant 0 : index
    %get3A_58 = vector.load %arg14[%get3A_56, %get3A_57] : memref<16x64xf32, #tpu.memory_space<vmem>>, vector<16x64xf32>
    %add3A_59 = arith.addf %get3A_58, %dot_general3A_48 : vector<16x64xf32>
    %swap3A_60 = arith.constant 0 : index
    %swap3A_61 = arith.constant 0 : index
    %swap3A_62 = vector.load %arg14[%swap3A_60, %swap3A_61] : memref<16x64xf32, #tpu.memory_space<vmem>>, vector<16x64xf32>
    tpu.vector_store %arg14[%swap3A_60, %swap3A_61], %add3A_59 {strides = array<i32>} : memref<16x64xf32, #tpu.memory_space<vmem>>, vector<16x64xf32>,
    %get3A_63 = arith.constant 0 : index
    %get3A_64 = arith.constant 0 : index
    %get3A_65 = vector.load %arg15[%get3A_63, %get3A_64] : memref<16x1xf32, #tpu.memory_space<vmem>>, vector<16x1xf32>
    %add3A_66 = arith.addf %get3A_65, %dot_general3A_51 : vector<16x1xf32>
    %swap3A_67 = arith.constant 0 : index
    %swap3A_68 = arith.constant 0 : index
    %swap3A_69 = vector.load %arg15[%swap3A_67, %swap3A_68] : memref<16x1xf32, #tpu.memory_space<vmem>>, vector<16x1xf32>
    tpu.vector_store %arg15[%swap3A_67, %swap3A_68], %add3A_66 {strides = array<i32>} : memref<16x1xf32, #tpu.memory_space<vmem>>, vector<16x1xf32>,
    %eq3A_70 = arith.constant 124 : i32
    %eq3A_71 = arith.cmpi eq, %arg0, %eq3A_70 : i32
    %convert_element_type3A_72 = arith.extui %eq3A_71 : i1 to i32
    %cond3A_73 = arith.constant 0 : i32
    %cond3A_74 = arith.cmpi ne, %convert_element_type3A_72, %cond3A_73 : i32
    scf.if %cond3A_74 {
      %get3A_75 = arith.constant 0 : index
      %get3A_76 = arith.constant 0 : index
      %get3A_77 = vector.load %arg14[%get3A_75, %get3A_76] : memref<16x64xf32, #tpu.memory_space<vmem>>, vector<16x64xf32>
      %get3A_78 = arith.constant 0 : index
      %get3A_79 = arith.constant 0 : index
      %get3A_80 = vector.load %arg15[%get3A_78, %get3A_79] : memref<16x1xf32, #tpu.memory_space<vmem>>, vector<16x1xf32>
      %max3A_81 = arith.constant 1.000000e+00 : f32
      %max3A_82 = vector.broadcast %max3A_81 : f32 to vector<16x1xf32>
      %max3A_83 = arith.maximumf %get3A_80, %max3A_82 : vector<16x1xf32>
      %div3A = vector.broadcast %max3A_83 : vector<16x1xf32> to vector<16x64xf32>
      %div3A_84 = arith.divf %get3A_77, %div3A : vector<16x64xf32>
      %get3A_85 = arith.constant 0 : index
      %get3A_86 = arith.constant 0 : index
      %get3A_87 = vector.load %arg8[%get3A_85, %get3A_86] : memref<64x64xf32, #tpu.memory_space<vmem>>, vector<64x64xf32>
      %dot_general3A_88 = arith.constant dense<0.000000e+00> : vector<16x64xf32>
      %dot_general3A_89 = tpu.matmul %div3A_84, %get3A_87, %dot_general3A_88 {dimension_numbers = #tpu.dot_dimension_numbers<[1], [0], [0], [1], [0, 0, 1, 1], [], []>, transpose_lhs_hint = false} : vector<16x64xf32>, vector<64x64xf32>, vector<16x64xf32> -> vector<16x64xf32>
      %get3A_90 = arith.constant 0 : index
      %get3A_91 = arith.constant 0 : index
      %get3A_92 = vector.load %arg9[%get3A_90, %get3A_91] : memref<1x64xf32, #tpu.memory_space<vmem>>, vector<1x64xf32>
      %add3A_93 = vector.broadcast %get3A_92 : vector<1x64xf32> to vector<16x64xf32>
      %add3A_94 = arith.addf %dot_general3A_89, %add3A_93 : vector<16x64xf32>
      %max3A_95 = arith.constant 0.000000e+00 : f32
      %max3A_96 = vector.broadcast %max3A_95 : f32 to vector<16x64xf32>
      %max3A_97 = arith.maximumf %add3A_94, %max3A_96 : vector<16x64xf32>
      %get3A_98 = arith.constant 0 : index
      %get3A_99 = arith.constant 0 : index
      %get3A_100 = vector.load %arg10[%get3A_98, %get3A_99] : memref<64x4xf32, #tpu.memory_space<vmem>>, vector<64x4xf32>
      %dot_general3A_101 = arith.constant dense<0.000000e+00> : vector<16x4xf32>
      %dot_general3A_102 = tpu.matmul %max3A_97, %get3A_100, %dot_general3A_101 {dimension_numbers = #tpu.dot_dimension_numbers<[1], [0], [0], [1], [0, 0, 1, 1], [], []>, transpose_lhs_hint = false} : vector<16x64xf32>, vector<64x4xf32>, vector<16x4xf32> -> vector<16x4xf32>
      %get3A_103 = arith.constant 0 : index
      %get3A_104 = arith.constant 0 : index
      %get3A_105 = vector.load %arg11[%get3A_103, %get3A_104] : memref<1x4xf32, #tpu.memory_space<vmem>>, vector<1x4xf32>
      %add3A_106 = vector.broadcast %get3A_105 : vector<1x4xf32> to vector<16x4xf32>
      %add3A_107 = arith.addf %dot_general3A_102, %add3A_106 : vector<16x4xf32>
      %swap3A_108 = arith.constant 0 : index
      %swap3A_109 = arith.constant 0 : index
      %swap3A_110 = vector.load %arg13[%swap3A_108, %swap3A_109] : memref<16x4xf32, #tpu.memory_space<vmem>>, vector<16x4xf32>
      tpu.vector_store %arg13[%swap3A_108, %swap3A_109], %add3A_107 {strides = array<i32>} : memref<16x4xf32, #tpu.memory_space<vmem>>, vector<16x4xf32>,
    } else {
    }
    return
  }
  func.func @transform_0(%arg0: i32) -> (i32, i32, i32) {
    %c0_i32 = arith.constant 0 : i32
    %c0_i32_0 = arith.constant 0 : i32
    %c0_i32_1 = arith.constant 0 : i32
    return %c0_i32, %arg0, %c0_i32_0 : i32, i32, i32
  }
  func.func @transform_1(%arg0: i32) -> (i32, i32, i32) {
    %c0_i32 = arith.constant 0 : i32
    %c0_i32_0 = arith.constant 0 : i32
    %c0_i32_1 = arith.constant 0 : i32
    return %c0_i32, %arg0, %c0_i32_0 : i32, i32, i32
  }
  func.func @transform_2(%arg0: i32) -> (i32, i32) {
    %c0_i32 = arith.constant 0 : i32
    %c0_i32_0 = arith.constant 0 : i32
    return %arg0, %c0_i32 : i32, i32
  }
  func.func @transform_3(%arg0: i32) -> (i32, i32) {
    %c0_i32 = arith.constant 0 : i32
    %c0_i32_0 = arith.constant 0 : i32
    %c0_i32_1 = arith.constant 0 : i32
    return %c0_i32, %c0_i32_0 : i32, i32
  }
  func.func @transform_4(%arg0: i32) -> (i32, i32) {
    %c0_i32 = arith.constant 0 : i32
    %c0_i32_0 = arith.constant 0 : i32
    %c0_i32_1 = arith.constant 0 : i32
    return %c0_i32, %c0_i32_0 : i32, i32
  }
  func.func @transform_5(%arg0: i32) -> (i32, i32) {
    %c0_i32 = arith.constant 0 : i32
    %c0_i32_0 = arith.constant 0 : i32
    %c0_i32_1 = arith.constant 0 : i32
    return %c0_i32, %c0_i32_0 : i32, i32
  }
  func.func @transform_6(%arg0: i32) -> (i32, i32) {
    %c0_i32 = arith.constant 0 : i32
    %c0_i32_0 = arith.constant 0 : i32
    return %arg0, %c0_i32 : i32, i32
  }
  func.func @transform_7(%arg0: i32) -> (i32, i32) {
    %c0_i32 = arith.constant 0 : i32
    %c0_i32_0 = arith.constant 0 : i32
    %c0_i32_1 = arith.constant 0 : i32
    return %c0_i32, %c0_i32_0 : i32, i32
  }
  func.func @transform_8(%arg0: i32) -> (i32, i32) {
    %c0_i32 = arith.constant 0 : i32
    %c0_i32_0 = arith.constant 0 : i32
    %c0_i32_1 = arith.constant 0 : i32
    return %c0_i32, %c0_i32_0 : i32, i32
  }
  func.func @transform_9(%arg0: i32) -> (i32, i32) {
    %c0_i32 = arith.constant 0 : i32
    %c0_i32_0 = arith.constant 0 : i32
    %c0_i32_1 = arith.constant 0 : i32
    return %c0_i32, %c0_i32_0 : i32, i32
  }
  func.func @transform_10(%arg0: i32) -> (i32, i32) {
    %c0_i32 = arith.constant 0 : i32
    %c0_i32_0 = arith.constant 0 : i32
    %c0_i32_1 = arith.constant 0 : i32
    return %c0_i32, %c0_i32_0 : i32, i32
  }
  func.func @transform_11(%arg0: i32) -> (i32, i32) {
    %c0_i32 = arith.constant 0 : i32
    %c0_i32_0 = arith.constant 0 : i32
    return %arg0, %c0_i32 : i32, i32
  }
  func.func @transform_12(%arg0: i32) -> (i32, i32) {
    %c0_i32 = arith.constant 0 : i32
    %c0_i32_0 = arith.constant 0 : i32
    %c0_i32_1 = arith.constant 0 : i32
    return %c0_i32, %c0_i32_0 : i32, i32
  }
}

</mosaic_0001>

<sc_bundles>
// kernel: kernel.12.cloned.1.call-start
scs
__scs_entry_jumppad:
0x0: {  	(pc) =	sbr.rel $0x88, $3  }
0x1: {  	(tag) =	ssettag $0x0;
	lr =	simm.s32 $0x1  }
0x2: {  	[smem:$0x3F8E] =	sst lr;
	_ =	strace $0xD0000000  }
0x3: {  	_ = 	snop  }
0x4: {  	_ = 	snop  }
0x5: {  	_ = 	snop  }
0x6: {  	_ = 	snop  }
0x7: {  	_ = 	snop  }
__scs_overlays_trampoline_lowered:
0x8: {  	[smem:$0x3F9D] =	sst s0  }
0x9: {  	[smem:$0x3F9E] =	sst s1  }
0xa: {  	[smem:$0x3F9F] =	sst s2  }
0xb: {  	[smem:$0x3FA0] =	sst s3  }
0xc: {  	[smem:$0x3FA1] =	sst s4  }
0xd: {  	[smem:$0x3FA2] =	sst s5  }
0xe: {  	[smem:$0x3FA3] =	sst s6  }
0xf: {  	[smem:$0x3FA4] =	sst s7  }
0x10: {  	[smem:$0x3FA5] =	sst s8  }
0x11: {  	[smem:$0x3FA6] =	sst s9;
	s0 =	simm.s32 @!p0 $0x0  }
0x12: {  	s1 =	sld [smem:$0x3F8C];
	s0 =	simm.s32 @p0 $0x1  }
0x13: {  	[smem:$0x3FA7] =	sst s0;
	s0 =	simm.s32 @!p1 $0x0  }
0x14: {  	s2 =	sld [smem:$0x3F8B];
	s0 =	simm.s32 @p1 $0x1  }
0x15: {  	[smem:$0x3FA8] =	sst s0;
	s0 =	simm.s32 @!p2 $0x0  }
0x16: {  	s3 =	sld [smem:$0x3FDB];
	s0 =	simm.s32 @p2 $0x1  }
0x17: {  	s4 =	simm.s32 $0x1BF5;
	[smem:$0x3FAA] =	sst s0  }
0x18: {  	s0 =	sld [smem:$0x3F8D];
	_ =	swait.ge [sflag:s4], $0x0  }
0x19: {  	s7 =	sld [smem:$0x3F8E]  }
0x1a: {  	s8 =	sadd.s32 $0xFFFFE003, lr  }
0x1b: {  	s9 =	sadd.s32 $0xFFFFFEF7, lr;
	s5 =	simm.s32 $0xFFFFFFFF;
	p2 =	slt.u32 s8, $0xFFFFF086  }
0x1c: {  	p1 =	slt.u32 s9, $0xF7A;
	s5 =	simm.s32 @!p2 $0x0  }
0x1d: {  	s5 =	simm.s32 @p1 $0x1;
	p0 =	seq.s32 s7, s2  }
0x1e: {  	s7 =	smul.u32 @!p0 $0xF7A, s2;
	p2 =	seq.s32 @!p0 s5, $0x0  }
0x1f: {  	s9 =	smul.u32 $0xF7A, s1;
	s8 =	simm.s32 @!p0 $0x1BF5;
	p2 =	por !p2, p0  }
0x20: {  	[sflag:s8] =	ssyncset.s32 @!p0 $0xFFFFF086;
	s6 =	sadd.s32 @!p0 s3, s7;
	s7 =	simm.s32 @!p0 $0x108  }
0x21: {  	s3 =	sadd.s32 s3, s9;
	s6 =	sadd.s32 @!p0 $0x88, s6;
	s7 =	simm.s32 @p2 $0x1082  }
0x22: {  	[simem:s7], [sflag:s8] =	dma.local @!p0 [hbm:s6], $0xF7A  }
0x23: {  	s9 =	sor.u32 $0xD0000000, s2;
	s6 =	simm.s32 $0x108;
	_ =	swait.ge @!p0 [sflag:s8], $0x0  }
0x24: {  	s3 =	sadd.s32 $0x88, s3;
	s6 =	simm.s32 @!p1 $0x1082;
	[sflag:s4] =	ssyncset.s32 $0xFFFFF086  }
0x25: {  	[simem:s6], [sflag:s4] =	dma.local [hbm:s3], $0xF7A  }
0x26: {  	[smem:$0x3F8E] =	sst s1;
	(tag) =	ssettag s2;
	_ =	strace s9  }
0x27: {  	s1 =	sld [smem:$0x3F9E]  }
0x28: {  	s2 =	sld [smem:$0x3F9F]  }
0x29: {  	s4 =	sld [smem:$0x3FA1]  }
0x2a: {  	p0 =	seq.s32 s5, $0x0;
	s5 =	sld [smem:$0x3FA2]  }
0x2b: {  	s6 =	sld [smem:$0x3FA3]  }
0x2c: {  	s7 =	sld [smem:$0x3FA4]  }
0x2d: {  	s3 =	simm.s32 $0x108;
	s8 =	sld [smem:$0x3FA5]  }
0x2e: {  	s3 =	simm.s32 @!p0 $0x1082;
	s9 =	sld [smem:$0x3FA6]  }
0x2f: {  	lr =	sadd.s32 s0, s3;
	s0 =	sld [smem:$0x3F9D]  }
0x30: {  	s3 =	sld [smem:$0x3FA0]  }
0x31: {  	[smem:$0x3FA9] =	sst s10  }
0x32: {  	s10 =	sld [smem:$0x3FA7];
	_ =	sdelay $0x3  }
0x33: {  	p0 =	seq.s32 s10, $0x1;
	s10 =	sld [smem:$0x3FA9];
	_ =	sdelay $0x3  }
0x34: {  	[smem:$0x3FA9] =	sst s10  }
0x35: {  	s10 =	sld [smem:$0x3FA8];
	_ =	sdelay $0x3  }
0x36: {  	p1 =	seq.s32 s10, $0x1;
	s10 =	sld [smem:$0x3FA9];
	_ =	sdelay $0x3  }
0x37: {  	[smem:$0x3FA9] =	sst s10  }
0x38: {  	s10 =	sld [smem:$0x3FAA]  }
0x39: {  	_ = 	snop;
	(pc) =	sbr.ind lr, $3  }
0x3a: {  	_ = 	snop  }
0x3b: {  	_ = 	snop  }
0x3c: {  	p2 =	seq.s32 s10, $0x1;
	s10 =	sld [smem:$0x3FA9]  }
0x3d: {  	_ =	shalt  }
0x3e: {  	_ =	shalt  }
0x3f: {  	_ =	shalt  }
0x40: {  	_ =	shalt  }
0x41: {  	_ =	shalt  }
0x42: {  	_ =	shalt  }
0x43: {  	_ =	shalt  }
0x44: {  	_ =	shalt  }
0x45: {  	_ =	shalt  }
0x46: {  	_ =	shalt  }
0x47: {  	_ =	shalt  }
0x48: {  	_ =	shalt  }
0x49: {  	_ =	shalt  }
0x4a: {  	_ =	shalt  }
0x4b: {  	_ =	shalt  }
0x4c: {  	_ =	shalt  }
0x4d: {  	_ =	shalt  }
0x4e: {  	_ =	shalt  }
0x4f: {  	_ =	shalt  }
0x50: {  	_ =	shalt  }
0x51: {  	_ =	shalt  }
0x52: {  	_ =	shalt  }
0x53: {  	_ =	shalt  }
0x54: {  	_ =	shalt  }
0x55: {  	_ =	shalt  }
0x56: {  	_ =	shalt  }
0x57: {  	_ =	shalt  }
0x58: {  	_ =	shalt  }
0x59: {  	_ =	shalt  }
0x5a: {  	_ =	shalt  }
0x5b: {  	_ =	shalt  }
0x5c: {  	_ =	shalt  }
0x5d: {  	_ =	shalt  }
0x5e: {  	_ =	shalt  }
0x5f: {  	_ =	shalt  }
0x60: {  	_ =	shalt  }
0x61: {  	_ =	shalt  }
0x62: {  	_ =	shalt  }
0x63: {  	_ =	shalt  }
0x64: {  	_ =	shalt  }
0x65: {  	_ =	shalt  }
0x66: {  	_ =	shalt  }
0x67: {  	_ =	shalt  }
0x68: {  	_ =	shalt  }
0x69: {  	_ =	shalt  }
0x6a: {  	_ =	shalt  }
0x6b: {  	_ =	shalt  }
0x6c: {  	_ =	shalt  }
0x6d: {  	_ =	shalt  }
0x6e: {  	_ =	shalt  }
0x6f: {  	_ =	shalt  }
0x70: {  	_ =	shalt  }
0x71: {  	_ =	shalt  }
0x72: {  	_ =	shalt  }
0x73: {  	_ =	shalt  }
0x74: {  	_ =	shalt  }
0x75: {  	_ =	shalt  }
0x76: {  	_ =	shalt  }
0x77: {  	_ =	shalt  }
0x78: {  	_ =	shalt  }
0x79: {  	_ =	shalt  }
0x7a: {  	_ =	shalt  }
0x7b: {  	_ =	shalt  }
0x7c: {  	_ =	shalt  }
0x7d: {  	_ =	shalt  }
0x7e: {  	_ =	shalt  }
0x7f: {  	_ =	shalt  }
0x80: {  	_ =	shalt  }
0x81: {  	_ =	shalt  }
0x82: {  	_ =	shalt  }
0x83: {  	_ =	shalt  }
0x84: {  	_ =	shalt  }
0x85: {  	_ =	shalt  }
0x86: {  	_ =	shalt  }
0x87: {  	_ =	shalt  }
.Lfunc_end0:
.L_simem_size_0:
called_computation_lowered:
.L_overlay_start_0:
0x88: {  	s2 =	sld [smem:$0x3FD9]  }
0x89: {  	s3 =	sld [smem:$0x3FFE];
	_ =	sdelay $0x1  }
0x8a: {  	s1 =	srdreg.scid  }
0x8b: {  	s0 =	sand.u32 $0x1, s1  }
0x8c: {  	s14 =	sshll.u32 s0, $0xA;
	s2 =	sadd.s32 s3, s2  }
0x8d: {  	s2 =	sadd.s32 s2, s14  }
0x8e: {  	[smem:$0x3FB5] =	sst s2  }
0x8f: {  	_ = 	snop  }
0x90: {  	s2 =	sld [smem:$0x3FD0];
	_ =	sdelay $0x2  }
0x91: {  	s15 =	simm.s32 $0xA;
	s4 =	simm.s32 $0x10  }
0x92: {  	[smem:s4], [sflag:s15] =	dma.local [hbm:s2], $0x1  }
0x93: {  	_ =	swait.eq [sflag:s15], $0x1  }
0x94: {  	[sflag:s15] =	ssyncset.done $0x0  }
0x95: {  	[sflag:s15] =	ssyncadd.s32 $0xFFFFFFFF  }
0x96: {  	s16 =	sld [smem:$0x10];
	(tm) =	ssettm $0x1  }
0x97: {  	s17 =	sld [smem:$0x3FFB];
	_ =	sdelay $0x3  }
0x98: {  	_ =	strace s17  }
0x99: {  	s3 =	sld [smem:$0x3FFC];
	_ =	sdelay $0x3  }
0x9a: {  	_ =	strace s3  }
0x9b: {  	s3 =	sld [smem:$0x3FFD];
	_ =	sdelay $0x3  }
0x9c: {  	_ =	strace s3  }
0x9d: {  	_ =	strace $0x8FFFFFFF  }
0x9e: {  	s18 =	sld [smem:$0x3FDB];
	_ =	sdelay $0x1  }
0x9f: {  	s19 =	simm.s32 $_scs_section_size  }
0xa0: {  	s5 =	simm.s32 $_size__tile_overlayer_lowered;
	s6 =	simm.s32 $_tile_overlayer_lowered  }
0xa1: {  	s22 =	simm.s32 $0x1BFF;
	s21 =	sshll.u32 s6, $0x1;
	s3 =	sadd.s32 s19, s18  }
0xa2: {  	s7 =	simm.s32 $0x0;
	s20 =	sshll.u32 s5, $0x1;
	s5 =	sadd.s32 s21, s3  }
0xa3: {  	[timem:s7], [sflag:s22] =	dma.local [hbm:s5], s20  }
0xa4: {  	_ =	swait.ge [sflag:s22], s20  }
0xa5: {  	s4 =	ssub.s32 $0x0, s20;
	[sflag:s22] =	ssyncset.done $0x0  }
0xa6: {  	[sflag:s22] =	ssyncadd.s32 s4;
	_ =	sdelay $0x1  }
0xa7: {  	s23 =	simm.s32 $0x1B8B  }
0xa8: {  	_ =	swait.ge [sflag:s23], $0x1  }
0xa9: {  	[sflag:s23] =	ssyncset.done $0x0  }
0xaa: {  	s25 =	simm.s32 $0x1B8E;
	s24 =	sld [smem:$0x3FFE];
	[sflag:s23] =	ssyncadd.s32 $0xFFFFFFFF  }
0xab: {  	s26 =	simm.s32 $execute0_lowered;
	[smem:$0x3FD2] =	sst s25  }
0xac: {  	s5 =	sshll.u32 s26, $0x1;
	_ =	strace $0x80000046;
	[dreg:$0x1] =	wrdreg $0xFFFFFFFF  }
0xad: {  	s28 =	simm.s32 $_size_execute0_lowered;
	s3 =	sadd.s32 s3, s5;
	[dreg:$0x0] =	wrdreg $0x0  }
0xae: {  	s5 =	sshll.u32 s28, $0x1;
	[dreg:$0x2] =	wrdreg s3  }
0xaf: {  	[dreg:$0x3] =	wrdreg s5  }
0xb0: {  	[dreg:$0x4] =	wrdreg $0xC0  }
0xb1: {  	_ =	task [dreg:s7], $0x5FFFF  }
0xb2: {  	[dreg:$0x1] =	wrdreg $0xFFFFFFFF  }
0xb3: {  	[dreg:$0x0] =	wrdreg $0x60  }
0xb4: {  	[dreg:$0x2] =	wrdreg s24  }
0xb5: {  	[dreg:$0x3] =	wrdreg s16  }
0xb6: {  	[dreg:$0x4] =	wrdreg $0x24000  }
0xb7: {  	[dreg:$0x5] =	wrdreg $0x9  }
0xb8: {  	_ =	task.clear_ibuf [dreg:s7], $0x6FFFF;
	_ =	strace $0x90000046  }
0xb9: {  	s29 =	simm.s32 $0x9;
	_ =	strace $0x80000048  }
0xba: {  	_ =	swait.ge [sflag:s29], $0x1  }
0xbb: {  	[sflag:s29] =	ssyncadd.s32 $0xFFFFFFFF  }
0xbc: {  	_ =	strace $0x90000048  }
0xbd: {  	_ =	sfence  }
0xbe: {  	s30 =	sld [smem:$0x0];
	_ =	sdelay $0x2  }
0xbf: {  	s31 =	sshll.u32 s1, $0xD;
	s1 =	sshrl.u32 s1, $0x2  }
0xc0: {  	s3 =	sand.u32 $0x4000, s31;
	s1 =	sadd.s32 s1, s30  }
0xc1: {  	s0 =	sor.u32 s3, s0;
	s1 =	sshll.u32 s1, $0x11  }
0xc2: {  	s0 =	sor.u32 s1, s0  }
0xc3: {  	s0 =	sadd.s32 $0x8F2B, s0  }
0xc4: {  	[sflag:s0] =	ssyncadd.remote.s32 $0x1  }
0xc5: {  	_ =	sfence.sel $0xFFFF  }
0xc6: {  	[dreg:$0x0] =	wrdreg $0xFFFFFFFF;
	(pc) =	sbr.abs _section_cstart, $3  }
0xc7: {  	[dreg:$0x1] =	wrdreg $0xFFFFFFFF  }
0xc8: {  	_ =	task.clear_ibuf [dreg:s7], $0x2FFFF;
	_ =	strace $0x9FFFFFFF  }
0xc9: {  	(tm) =	ssettm $0x7FFFFFFF  }
tec
execute0_lowered:
.L_overlay_start_1:
0x0: {  	(tag) =	ssettag $0x1  }
0x1: {  	s6 =	rddreg [dreg:$0x0]  }
0x2: {  	s0 =	srdreg.scid;
	s2 =	rddreg [dreg:$0x1]  }
0x3: {  	s3 =	rddreg [dreg:$0x2];
	s5 =	sand.u32 $0x1, s0  }
0x4: {  	s0 =	stileid.u32;
	s7 =	smul.u32 $0x64000, s5  }
0x5: {  	s1 =	rddreg [dreg:$0x3];
	s4 =	simm.s32 $0x0;
	s8 =	smul.u32 $0x6400, s0  }
0x6: {  	[smem:$0x7FF] =	sst s4;
	s26 =	smul.u32 $0xC350, s5  }
0x7: {  	s14 =	simm.s32 $0x0;
	_ =	strace $0x80000047;
	s10 =	smul.u32 $0x18800, s0  }
0x8: {  	s28 =	ssub.s32 $0x2, s5;
	s5 =	sadd.s32 $0x1C600, s6;
	s12 =	smul.u32 $0xC38, s0  }
0x9: {  	s30 =	sshll.u32 s0, $0x6;
	s11 =	sshrl.u32 s28, $0x1;
	s7 =	sadd.s32 s8, s7  }
0xa: {  	s8 =	sadd.s32 s26, s6;
	s11 =	ssub.s32 s28, s11;
	s29 =	sshrl.u32 s10, $0x2  }
0xb: {  	s31 =	smin.u32 s12, $0xB718;
	s7 =	sshrl.u32 s7, $0x3;
	s10 =	sadd.s32 s29, s3  }
0xc: {  	s8 =	sadd.s32 s31, s8;
	s12 =	sshll.u32 s31, $0x3;
	s9 =	sadd.s32 s7, s6  }
0xd: {  	s6 =	sor.u32 $0x1C01, s30;
	s7 =	sadd.s32 $0x1CA00, s8;
	s13 =	sadd.s32 s12, s3  }
0xe: {  	s8 =	smax.u32 s11, $0x1;
	s10 =	sshrl.u32 s10, $0x3;
	s11 =	simm.s32 $0x1  }
0xf: {  	s12 =	simm.s32 $0x400;
	s9 =	sadd.s32 $0x3600, s9;
	s13 =	sshrl.u32 s13, $0x3  }
.LBB2_1:
0x10: {  	[spmem:s10], [sflag:s6] =	dma.local [hbm:s2], $0xC40  }
0x11: {  	_ =	swait.ge [sflag:s11], $0xC40  }
0x12: {  	[sflag:s11] =	ssyncset.done $0x0  }
0x13: {  	[sflag:s11] =	ssyncadd.s32 $0xFFFFF3C0  }
0x14: {  	[tilespmem:s12], [sflag:$0x1] =	stream.linear.gather [hbm4b:s5+s4], $0x2000, $0x38;
	[tilespmem:$0x8600] =	vst v63  }
0x15: {  	_ =	swait.ge [sflag:s11], $0x2000  }
0x16: {  	[sflag:s11] =	ssyncset.done $0x0  }
0x17: {  	[sflag:s11] =	ssyncadd.s32 $0xFFFFE000  }
0x18: {  	s15 =	sadd.s32 $0x0, s9;
	[bflag:$0x0] =	sbarrier.arrive $0xFFFF  }
0x19: {  	[tilespmem:s4], [sflag:$0x1] =	stream.linear.gather [hbm4b:s15+s4], $0x400, $0x38;
	[tilespmem:$0x8600] =	vst v63  }
0x1a: {  	_ =	swait.ge [sflag:s11], $0x400  }
0x1b: {  	[sflag:s11] =	ssyncset.done $0x0  }
0x1c: {  	[sflag:s11] =	ssyncadd.s32 $0xFFFFFC00  }
0x1d: {  	[spmem:s3] =	stream.indirect.scatter.add.f32 [tilespmem:s12], [sflag:$0x1], $0x8, s4, s12, $0xb8;
	[tilespmem:$0x8600] =	vst v63  }
0x1e: {  	_ =	swait.ge [sflag:s11], $0x2000  }
0x1f: {  	s16 =	simm.s32 $0x100;
	s15 =	simm.s32 $0x80;
	[sflag:s11] =	ssyncset.done $0x0  }
.LBB2_2:
0x20: {  	s17 =	sadd.s32 s15, s9  }
0x21: {  	[sflag:s11] =	ssyncadd.s32 $0xFFFFE000;
	s15 =	smov.u32 s16;
	s18 =	sadd.s32 $0x80, s16  }
0x22: {  	[tilespmem:s4], [sflag:$0x1] =	stream.linear.gather [hbm4b:s17+s4], $0x400, $0x38;
	[tilespmem:$0x8600] =	vst v63  }
0x23: {  	p0 =	sne.s32 s16, $0xC00;
	_ =	swait.ge [sflag:s11], $0x400  }
.Ltmp0:
0x24: {  	[sflag:s11] =	ssyncset.done $0x0;
	(pc) =	sbr.rel @p0 .LBB2_2-.Ltmp0, $4  }
0x25: {  	[sflag:s11] =	ssyncadd.s32 $0xFFFFFC00  }
0x26: {  	[spmem:s3] =	stream.indirect.scatter.add.f32 [tilespmem:s12], [sflag:$0x1], $0x8, s4, s12, $0xb8;
	[tilespmem:$0x8600] =	vst v63  }
0x27: {  	_ =	swait.ge [sflag:s11], $0x2000  }
0x28: {  	s16 =	smov.u32 s18;
	[sflag:s11] =	ssyncset.done $0x0  }
0x29: {  	s15 =	sadd.s32 s15, s9;
	[sflag:s11] =	ssyncadd.s32 $0xFFFFE000  }
0x2a: {  	[tilespmem:s4], [sflag:$0x1] =	stream.linear.gather [hbm4b:s15+s4], $0x400, $0x38;
	[tilespmem:$0x8600] =	vst v63  }
0x2b: {  	_ =	swait.ge [sflag:s11], $0x400  }
0x2c: {  	[sflag:s11] =	ssyncset.done $0x0  }
0x2d: {  	[sflag:s11] =	ssyncadd.s32 $0xFFFFFC00  }
0x2e: {  	[spmem:s3] =	stream.indirect.scatter.add.f32 [tilespmem:s12], [sflag:$0x1], $0x8, s4, s12, $0xb8;
	[tilespmem:$0x8600] =	vst v63  }
0x2f: {  	_ =	swait.ge [sflag:s11], $0x2000  }
0x30: {  	s14 =	sadd.s32 $0x1, s14;
	[sflag:s11] =	ssyncset.done $0x0  }
0x31: {  	p0 =	sne.s32 s14, s8;
	[sflag:s11] =	ssyncadd.s32 $0xFFFFE000  }
.Ltmp1:
0x32: {  	[bflag:$0x0] =	sbarrier.arrive $0xFFFF;
	(pc) =	sbr.rel @p0 .LBB2_1-.Ltmp1, $4  }
0x33: {  	[hbm:s7], [sflag:s6] =	dma.local [spmem:s13], $0xC38  }
0x34: {  	_ =	swait.ge [sflag:s11], $0xC38  }
0x35: {  	[sflag:s11] =	ssyncset.done $0x0  }
0x36: {  	[sflag:s11] =	ssyncadd.s32 $0xFFFFF3C8  }
0x37: {  	_ =	sfence.sel $0x180000  }
0x38: {  	[bflag:$0x0] =	sbarrier.arrive $0xFFFF  }
0x39: {  	p0 =	sne.s32 s0, $0x0;
	_ =	strace $0x90000047  }
0x3a: {  	s0 =	sadd.s32 @!p0 $0x100000, s1;
	[bflag:$0x2] =	sbarrier.arrive $0xFFFF  }
0x3b: {  	[sflag:s0] =	ssyncadd.tile.s32 @!p0 $0x1;
	_ =	shalt  }
.Lfunc_end2:
_tile_overlayer_lowered:
.L_overlay_start_2:
0x3c: {  	(tag) =	ssettag $0x2  }
0x3d: {  	s0 =	rddreg [dreg:$0x0];
	s2 =	stileid.u32  }
0x3e: {  	s1 =	rddreg [dreg:$0x1];
	p0 =	sne.s32 s2, $0x0  }
0x3f: {  	s3 =	rddreg [dreg:$0x2];
	[bflag:$0x3] =	sbarrier.arrive $0xFFFF;
	s2 =	simm.s32 @!p0 $0x1C01  }
0x40: {  	[timem:s3], [sflag:s2] =	dma.local @!p0 [hbm:s0], s1  }
0x41: {  	s0 =	simm.s32 @!p0 $0x1  }
0x42: {  	_ =	swait.ge @!p0 [sflag:s0], s1  }
0x43: {  	s1 =	ssub.s32 @!p0 $0x0, s1;
	[sflag:s0] =	ssyncset.done @!p0 $0x0  }
0x44: {  	[sflag:s0] =	ssyncadd.s32 @!p0 s1  }
0x45: {  	[bflag:$0x3] =	sbarrier.arrive $0xFFFF  }
0x46: {  	_ =	shalt  }

// kernel: kernel.15.cloned.1.call-start
scs
__scs_entry_jumppad:
0x0: {  	(pc) =	sbr.rel $0x88, $3  }
0x1: {  	(tag) =	ssettag $0x0;
	lr =	simm.s32 $0x1  }
0x2: {  	[smem:$0x3F8E] =	sst lr;
	_ =	strace $0xD0000000  }
0x3: {  	_ = 	snop  }
0x4: {  	_ = 	snop  }
0x5: {  	_ = 	snop  }
0x6: {  	_ = 	snop  }
0x7: {  	_ = 	snop  }
__scs_overlays_trampoline_lowered:
0x8: {  	[smem:$0x3F9D] =	sst s0  }
0x9: {  	[smem:$0x3F9E] =	sst s1  }
0xa: {  	[smem:$0x3F9F] =	sst s2  }
0xb: {  	[smem:$0x3FA0] =	sst s3  }
0xc: {  	[smem:$0x3FA1] =	sst s4  }
0xd: {  	[smem:$0x3FA2] =	sst s5  }
0xe: {  	[smem:$0x3FA3] =	sst s6  }
0xf: {  	[smem:$0x3FA4] =	sst s7  }
0x10: {  	[smem:$0x3FA5] =	sst s8  }
0x11: {  	[smem:$0x3FA6] =	sst s9;
	s0 =	simm.s32 @!p0 $0x0  }
0x12: {  	s1 =	sld [smem:$0x3F8C];
	s0 =	simm.s32 @p0 $0x1  }
0x13: {  	[smem:$0x3FA7] =	sst s0;
	s0 =	simm.s32 @!p1 $0x0  }
0x14: {  	s2 =	sld [smem:$0x3F8B];
	s0 =	simm.s32 @p1 $0x1  }
0x15: {  	[smem:$0x3FA8] =	sst s0;
	s0 =	simm.s32 @!p2 $0x0  }
0x16: {  	s3 =	sld [smem:$0x3FDB];
	s0 =	simm.s32 @p2 $0x1  }
0x17: {  	s4 =	simm.s32 $0x1BF5;
	[smem:$0x3FAA] =	sst s0  }
0x18: {  	s0 =	sld [smem:$0x3F8D];
	_ =	swait.ge [sflag:s4], $0x0  }
0x19: {  	s7 =	sld [smem:$0x3F8E]  }
0x1a: {  	s8 =	sadd.s32 $0xFFFFE003, lr  }
0x1b: {  	s9 =	sadd.s32 $0xFFFFFEF7, lr;
	s5 =	simm.s32 $0xFFFFFFFF;
	p2 =	slt.u32 s8, $0xFFFFF086  }
0x1c: {  	p1 =	slt.u32 s9, $0xF7A;
	s5 =	simm.s32 @!p2 $0x0  }
0x1d: {  	s5 =	simm.s32 @p1 $0x1;
	p0 =	seq.s32 s7, s2  }
0x1e: {  	s7 =	smul.u32 @!p0 $0xF7A, s2;
	p2 =	seq.s32 @!p0 s5, $0x0  }
0x1f: {  	s9 =	smul.u32 $0xF7A, s1;
	s8 =	simm.s32 @!p0 $0x1BF5;
	p2 =	por !p2, p0  }
0x20: {  	[sflag:s8] =	ssyncset.s32 @!p0 $0xFFFFF086;
	s6 =	sadd.s32 @!p0 s3, s7;
	s7 =	simm.s32 @!p0 $0x108  }
0x21: {  	s3 =	sadd.s32 s3, s9;
	s6 =	sadd.s32 @!p0 $0x88, s6;
	s7 =	simm.s32 @p2 $0x1082  }
0x22: {  	[simem:s7], [sflag:s8] =	dma.local @!p0 [hbm:s6], $0xF7A  }
0x23: {  	s9 =	sor.u32 $0xD0000000, s2;
	s6 =	simm.s32 $0x108;
	_ =	swait.ge @!p0 [sflag:s8], $0x0  }
0x24: {  	s3 =	sadd.s32 $0x88, s3;
	s6 =	simm.s32 @!p1 $0x1082;
	[sflag:s4] =	ssyncset.s32 $0xFFFFF086  }
0x25: {  	[simem:s6], [sflag:s4] =	dma.local [hbm:s3], $0xF7A  }
0x26: {  	[smem:$0x3F8E] =	sst s1;
	(tag) =	ssettag s2;
	_ =	strace s9  }
0x27: {  	s1 =	sld [smem:$0x3F9E]  }
0x28: {  	s2 =	sld [smem:$0x3F9F]  }
0x29: {  	s4 =	sld [smem:$0x3FA1]  }
0x2a: {  	p0 =	seq.s32 s5, $0x0;
	s5 =	sld [smem:$0x3FA2]  }
0x2b: {  	s6 =	sld [smem:$0x3FA3]  }
0x2c: {  	s7 =	sld [smem:$0x3FA4]  }
0x2d: {  	s3 =	simm.s32 $0x108;
	s8 =	sld [smem:$0x3FA5]  }
0x2e: {  	s3 =	simm.s32 @!p0 $0x1082;
	s9 =	sld [smem:$0x3FA6]  }
0x2f: {  	lr =	sadd.s32 s0, s3;
	s0 =	sld [smem:$0x3F9D]  }
0x30: {  	s3 =	sld [smem:$0x3FA0]  }
0x31: {  	[smem:$0x3FA9] =	sst s10  }
0x32: {  	s10 =	sld [smem:$0x3FA7];
	_ =	sdelay $0x3  }
0x33: {  	p0 =	seq.s32 s10, $0x1;
	s10 =	sld [smem:$0x3FA9];
	_ =	sdelay $0x3  }
0x34: {  	[smem:$0x3FA9] =	sst s10  }
0x35: {  	s10 =	sld [smem:$0x3FA8];
	_ =	sdelay $0x3  }
0x36: {  	p1 =	seq.s32 s10, $0x1;
	s10 =	sld [smem:$0x3FA9];
	_ =	sdelay $0x3  }
0x37: {  	[smem:$0x3FA9] =	sst s10  }
0x38: {  	s10 =	sld [smem:$0x3FAA]  }
0x39: {  	_ = 	snop;
	(pc) =	sbr.ind lr, $3  }
0x3a: {  	_ = 	snop  }
0x3b: {  	_ = 	snop  }
0x3c: {  	p2 =	seq.s32 s10, $0x1;
	s10 =	sld [smem:$0x3FA9]  }
0x3d: {  	_ =	shalt  }
0x3e: {  	_ =	shalt  }
0x3f: {  	_ =	shalt  }
0x40: {  	_ =	shalt  }
0x41: {  	_ =	shalt  }
0x42: {  	_ =	shalt  }
0x43: {  	_ =	shalt  }
0x44: {  	_ =	shalt  }
0x45: {  	_ =	shalt  }
0x46: {  	_ =	shalt  }
0x47: {  	_ =	shalt  }
0x48: {  	_ =	shalt  }
0x49: {  	_ =	shalt  }
0x4a: {  	_ =	shalt  }
0x4b: {  	_ =	shalt  }
0x4c: {  	_ =	shalt  }
0x4d: {  	_ =	shalt  }
0x4e: {  	_ =	shalt  }
0x4f: {  	_ =	shalt  }
0x50: {  	_ =	shalt  }
0x51: {  	_ =	shalt  }
0x52: {  	_ =	shalt  }
0x53: {  	_ =	shalt  }
0x54: {  	_ =	shalt  }
0x55: {  	_ =	shalt  }
0x56: {  	_ =	shalt  }
0x57: {  	_ =	shalt  }
0x58: {  	_ =	shalt  }
0x59: {  	_ =	shalt  }
0x5a: {  	_ =	shalt  }
0x5b: {  	_ =	shalt  }
0x5c: {  	_ =	shalt  }
0x5d: {  	_ =	shalt  }
0x5e: {  	_ =	shalt  }
0x5f: {  	_ =	shalt  }
0x60: {  	_ =	shalt  }
0x61: {  	_ =	shalt  }
0x62: {  	_ =	shalt  }
0x63: {  	_ =	shalt  }
0x64: {  	_ =	shalt  }
0x65: {  	_ =	shalt  }
0x66: {  	_ =	shalt  }
0x67: {  	_ =	shalt  }
0x68: {  	_ =	shalt  }
0x69: {  	_ =	shalt  }
0x6a: {  	_ =	shalt  }
0x6b: {  	_ =	shalt  }
0x6c: {  	_ =	shalt  }
0x6d: {  	_ =	shalt  }
0x6e: {  	_ =	shalt  }
0x6f: {  	_ =	shalt  }
0x70: {  	_ =	shalt  }
0x71: {  	_ =	shalt  }
0x72: {  	_ =	shalt  }
0x73: {  	_ =	shalt  }
0x74: {  	_ =	shalt  }
0x75: {  	_ =	shalt  }
0x76: {  	_ =	shalt  }
0x77: {  	_ =	shalt  }
0x78: {  	_ =	shalt  }
0x79: {  	_ =	shalt  }
0x7a: {  	_ =	shalt  }
0x7b: {  	_ =	shalt  }
0x7c: {  	_ =	shalt  }
0x7d: {  	_ =	shalt  }
0x7e: {  	_ =	shalt  }
0x7f: {  	_ =	shalt  }
0x80: {  	_ =	shalt  }
0x81: {  	_ =	shalt  }
0x82: {  	_ =	shalt  }
0x83: {  	_ =	shalt  }
0x84: {  	_ =	shalt  }
0x85: {  	_ =	shalt  }
0x86: {  	_ =	shalt  }
0x87: {  	_ =	shalt  }
.Lfunc_end0:
.L_simem_size_0:
called_computation.1_lowered:
.L_overlay_start_0:
0x88: {  	s2 =	sld [smem:$0x3FD9]  }
0x89: {  	s3 =	sld [smem:$0x3FFE];
	_ =	sdelay $0x1  }
0x8a: {  	s1 =	srdreg.scid  }
0x8b: {  	s0 =	sand.u32 $0x1, s1  }
0x8c: {  	s14 =	sshll.u32 s0, $0xA;
	s2 =	sadd.s32 s3, s2  }
0x8d: {  	s2 =	sadd.s32 s2, s14  }
0x8e: {  	[smem:$0x3FB5] =	sst s2  }
0x8f: {  	_ = 	snop  }
0x90: {  	s2 =	sld [smem:$0x3FD0];
	_ =	sdelay $0x2  }
0x91: {  	s15 =	simm.s32 $0xA;
	s4 =	simm.s32 $0x10  }
0x92: {  	[smem:s4], [sflag:s15] =	dma.local [hbm:s2], $0x1  }
0x93: {  	_ =	swait.eq [sflag:s15], $0x1  }
0x94: {  	[sflag:s15] =	ssyncset.done $0x0  }
0x95: {  	[sflag:s15] =	ssyncadd.s32 $0xFFFFFFFF  }
0x96: {  	s16 =	sld [smem:$0x10];
	(tm) =	ssettm $0x1  }
0x97: {  	s17 =	sld [smem:$0x3FFB];
	_ =	sdelay $0x3  }
0x98: {  	_ =	strace s17  }
0x99: {  	s3 =	sld [smem:$0x3FFC];
	_ =	sdelay $0x3  }
0x9a: {  	_ =	strace s3  }
0x9b: {  	s3 =	sld [smem:$0x3FFD];
	_ =	sdelay $0x3  }
0x9c: {  	_ =	strace s3  }
0x9d: {  	_ =	strace $0x8FFFFFFF  }
0x9e: {  	s18 =	sld [smem:$0x3FDB];
	_ =	sdelay $0x1  }
0x9f: {  	s19 =	simm.s32 $_scs_section_size  }
0xa0: {  	s5 =	simm.s32 $_size__tile_overlayer_lowered;
	s6 =	simm.s32 $_tile_overlayer_lowered  }
0xa1: {  	s22 =	simm.s32 $0x1BFF;
	s21 =	sshll.u32 s6, $0x1;
	s3 =	sadd.s32 s19, s18  }
0xa2: {  	s7 =	simm.s32 $0x0;
	s20 =	sshll.u32 s5, $0x1;
	s5 =	sadd.s32 s21, s3  }
0xa3: {  	[timem:s7], [sflag:s22] =	dma.local [hbm:s5], s20  }
0xa4: {  	_ =	swait.ge [sflag:s22], s20  }
0xa5: {  	s4 =	ssub.s32 $0x0, s20;
	[sflag:s22] =	ssyncset.done $0x0  }
0xa6: {  	[sflag:s22] =	ssyncadd.s32 s4;
	_ =	sdelay $0x1  }
0xa7: {  	s23 =	simm.s32 $0x1B8B  }
0xa8: {  	_ =	swait.ge [sflag:s23], $0x1  }
0xa9: {  	[sflag:s23] =	ssyncset.done $0x0  }
0xaa: {  	s25 =	simm.s32 $0x1B8E;
	s24 =	sld [smem:$0x3FFE];
	[sflag:s23] =	ssyncadd.s32 $0xFFFFFFFF  }
0xab: {  	s26 =	simm.s32 $execute0_lowered;
	[smem:$0x3FD2] =	sst s25  }
0xac: {  	s5 =	sshll.u32 s26, $0x1;
	_ =	strace $0x80000049;
	[dreg:$0x1] =	wrdreg $0xFFFFFFFF  }
0xad: {  	s28 =	simm.s32 $_size_execute0_lowered;
	s3 =	sadd.s32 s3, s5;
	[dreg:$0x0] =	wrdreg $0x0  }
0xae: {  	s5 =	sshll.u32 s28, $0x1;
	[dreg:$0x2] =	wrdreg s3  }
0xaf: {  	[dreg:$0x3] =	wrdreg s5  }
0xb0: {  	[dreg:$0x4] =	wrdreg $0xC0  }
0xb1: {  	_ =	task [dreg:s7], $0x5FFFF  }
0xb2: {  	[dreg:$0x1] =	wrdreg $0xFFFFFFFF  }
0xb3: {  	[dreg:$0x0] =	wrdreg $0x60  }
0xb4: {  	[dreg:$0x2] =	wrdreg s24  }
0xb5: {  	[dreg:$0x3] =	wrdreg s16  }
0xb6: {  	[dreg:$0x4] =	wrdreg $0x64000  }
0xb7: {  	[dreg:$0x5] =	wrdreg $0x9  }
0xb8: {  	_ =	task.clear_ibuf [dreg:s7], $0x6FFFF;
	_ =	strace $0x90000049  }
0xb9: {  	s29 =	simm.s32 $0x9;
	_ =	strace $0x8000004B  }
0xba: {  	_ =	swait.ge [sflag:s29], $0x1  }
0xbb: {  	[sflag:s29] =	ssyncadd.s32 $0xFFFFFFFF  }
0xbc: {  	_ =	strace $0x9000004B  }
0xbd: {  	_ =	sfence  }
0xbe: {  	s30 =	sld [smem:$0x0];
	_ =	sdelay $0x2  }
0xbf: {  	s31 =	sshll.u32 s1, $0xD;
	s1 =	sshrl.u32 s1, $0x2  }
0xc0: {  	s3 =	sand.u32 $0x4000, s31;
	s1 =	sadd.s32 s1, s30  }
0xc1: {  	s0 =	sor.u32 s3, s0;
	s1 =	sshll.u32 s1, $0x11  }
0xc2: {  	s0 =	sor.u32 s1, s0  }
0xc3: {  	s0 =	sadd.s32 $0x8F2B, s0  }
0xc4: {  	[sflag:s0] =	ssyncadd.remote.s32 $0x1  }
0xc5: {  	_ =	sfence.sel $0xFFFF  }
0xc6: {  	[dreg:$0x0] =	wrdreg $0xFFFFFFFF;
	(pc) =	sbr.abs _section_cstart, $3  }
0xc7: {  	[dreg:$0x1] =	wrdreg $0xFFFFFFFF  }
0xc8: {  	_ =	task.clear_ibuf [dreg:s7], $0x2FFFF;
	_ =	strace $0x9FFFFFFF  }
0xc9: {  	(tm) =	ssettm $0x7FFFFFFF  }
tec
execute0_lowered:
.L_overlay_start_1:
0x0: {  	(tag) =	ssettag $0x1  }
0x1: {  	s0 =	rddreg [dreg:$0x0]  }
0x2: {  	s3 =	rddreg [dreg:$0x2];
	s4 =	simm.s32 $0x0  }
0x3: {  	s13 =	stileid.u32;
	s1 =	srdreg.scid;
	s12 =	simm.s32 $0x140  }
0x4: {  	s23 =	simm.s32 $0x280;
	s16 =	simm.s32 $0xA00;
	s17 =	simm.s32 $0x3C00  }
0x5: {  	s18 =	simm.s32 $0x3;
	s20 =	simm.s32 $0x640;
	s28 =	simm.s32 $0xDC0  }
0x6: {  	s29 =	simm.s32 $0x1180;
	s30 =	simm.s32 $0x1040;
	s31 =	simm.s32 $0x12C0  }
0x7: {  	[smem:$0x7FF] =	sst s4;
	s2 =	smul.u32 $0xC38, s13;
	s1 =	sand.u32 $0x1, s1  }
0x8: {  	s5 =	sadd.s32 $0x99200, s0;
	s6 =	sadd.s32 $0x35200, s0;
	s9 =	smul.u32 $0x19000, s13  }
0x9: {  	s11 =	smul.u32 $0x62000, s13;
	s22 =	sshll.u32 s13, $0x6;
	s13 =	simm.s32 $0x1400  }
0xa: {  	s19 =	simm.s32 $0x4;
	_ =	strace $0x8000004A;
	s7 =	smul.u32 $0x186A00, s1  }
0xb: {  	s8 =	smul.u32 $0x190000, s1;
	s1 =	ssub.s32 $0x2, s1;
	s14 =	sor.u32 $0x1C05, s22  }
0xc: {  	[dreg:$0x5] =	wrdreg s23;
	s22 =	simm.s32 $0x8C0;
	s23 =	simm.s32 $0xC80  }
0xd: {  	s2 =	smin.u32 s2, $0xB718;
	s10 =	sshrl.u32 s1, $0x1;
	s25 =	sshrl.u32 s11, $0x2  }
0xe: {  	s11 =	simm.s32 $0x5;
	s2 =	sshll.u32 s2, $0x5;
	s1 =	ssub.s32 s1, s10  }
0xf: {  	s24 =	sadd.s32 s9, s8;
	s15 =	sadd.s32 s25, s3;
	s25 =	simm.s32 $0x3C0  }
0x10: {  	s7 =	sadd.s32 s7, s2;
	s8 =	sshrl.u32 s24, $0x3;
	s26 =	sor.u32 $0xA00, s24  }
0x11: {  	s10 =	sadd.s32 s2, s3;
	s1 =	smax.u32 s1, $0x1;
	s15 =	sshrl.u32 s15, $0x3  }
0x12: {  	[dreg:$0x7] =	wrdreg s25;
	s7 =	sshrl.u32 s7, $0x3;
	s8 =	sadd.s32 s6, s8  }
0x13: {  	[dreg:$0xb] =	wrdreg s1;
	s1 =	sadd.s32 $0x1400, s24;
	s24 =	simm.s32 $0x500  }
0x14: {  	s25 =	sshrl.u32 s10, $0x3;
	s0 =	sadd.s32 s7, s0;
	[dreg:$0x9] =	wrdreg s8  }
0x15: {  	s8 =	sshrl.u32 s26, $0x3;
	[dreg:$0x6] =	wrdreg s24;
	s26 =	simm.s32 $0x780  }
0x16: {  	s24 =	simm.s32 $0xB40;
	s0 =	sadd.s32 $0xFAE00, s0;
	[dreg:$0x8] =	wrdreg s26  }
0x17: {  	s21 =	sadd.s32 s8, s6;
	s26 =	simm.s32 $0xF00;
	[dreg:$0xa] =	wrdreg s0  }
0x18: {  	[dreg:$0x4] =	wrdreg s21;
	s21 =	simm.s32 $0x2;
	s0 =	simm.s32 $0x0  }
.LBB2_1:
0x19: {  	s2 =	rddreg [dreg:$0x9]  }
0x1a: {  	[tilespmem:s4], [sflag:$0x5] =	stream.linear.gather [hbm4b:s2+s4], $0xA00, $0x38;
	[tilespmem:$0x1EC00] =	vst v63  }
0x1b: {  	_ =	swait.ge [sflag:s11], $0xA00  }
0x1c: {  	[sflag:s11] =	ssyncset.done $0x0  }
0x1d: {  	[sflag:s11] =	ssyncadd.s32 $0xFFFFF600  }
0x1e: {  	[tilespmem:s13], [sflag:$0x3] =	stream.indirect.gather [hbm4b:s5+s12], $0x20, s4, s12, $0xb8;
	[tilespmem:$0x1EC00] =	vst v63  }
0x1f: {  	s10 =	rddreg [dreg:$0x1]  }
0x20: {  	[spmem:s15], [sflag:s14] =	dma.local [hbm:s10], $0x3100  }
0x21: {  	_ =	swait.ge [sflag:s11], $0x3100  }
0x22: {  	[sflag:s11] =	ssyncset.done $0x0  }
0x23: {  	[sflag:s11] =	ssyncadd.s32 $0xFFFFCF00  }
0x24: {  	[bflag:$0x0] =	sbarrier.arrive $0xFFFF  }
0x25: {  	s7 =	rddreg [dreg:$0x4]  }
0x26: {  	s2 =	sadd.s32 $0x0, s7  }
0x27: {  	[tilespmem:s16], [sflag:$0x2] =	stream.linear.gather [hbm4b:s2+s4], $0xA00, $0x38;
	[tilespmem:$0x1EC00] =	vst v63  }
0x28: {  	s7 =	rddreg [dreg:$0x5]  }
0x29: {  	[tilespmem:s17], [sflag:$0x4] =	stream.indirect.gather [hbm4b:s5+s12], $0x20, s7, s12, $0xb8;
	[tilespmem:$0x1EC00] =	vst v63  }
0x2a: {  	_ =	swait.ge [sflag:s18], $0x2800  }
0x2b: {  	[sflag:s18] =	ssyncset.done $0x0  }
0x2c: {  	[sflag:s18] =	ssyncadd.s32 $0xFFFFD800  }
0x2d: {  	[spmem:s3] =	stream.indirect.scatter.add.f32 [tilespmem:s13], [sflag:$0x5], $0x20, s12, s12, $0xb8;
	[tilespmem:$0x1EC00] =	vst v63  }
0x2e: {  	_ =	swait.ge [sflag:s11], $0x2800  }
0x2f: {  	[sflag:s11] =	ssyncset.done $0x0  }
0x30: {  	s8 =	rddreg [dreg:$0x6];
	[sflag:s11] =	ssyncadd.s32 $0xFFFFD800  }
0x31: {  	[tilespmem:s13], [sflag:$0x3] =	stream.indirect.gather [hbm4b:s5+s12], $0x20, s8, s12, $0xb8;
	[tilespmem:$0x1EC00] =	vst v63  }
0x32: {  	_ =	swait.ge [sflag:s19], $0x2800  }
0x33: {  	[sflag:s19] =	ssyncset.done $0x0  }
0x34: {  	s9 =	rddreg [dreg:$0x7];
	[sflag:s19] =	ssyncadd.s32 $0xFFFFD800  }
0x35: {  	[spmem:s3] =	stream.indirect.scatter.add.f32 [tilespmem:s17], [sflag:$0x5], $0x20, s9, s12, $0xb8;
	[tilespmem:$0x1EC00] =	vst v63  }
0x36: {  	_ =	swait.ge [sflag:s11], $0x2800  }
0x37: {  	[sflag:s11] =	ssyncset.done $0x0  }
0x38: {  	s10 =	rddreg [dreg:$0x8];
	[sflag:s11] =	ssyncadd.s32 $0xFFFFD800  }
0x39: {  	[tilespmem:s17], [sflag:$0x4] =	stream.indirect.gather [hbm4b:s5+s12], $0x20, s10, s12, $0xb8;
	[tilespmem:$0x1EC00] =	vst v63  }
0x3a: {  	_ =	swait.ge [sflag:s18], $0x2800  }
0x3b: {  	[sflag:s18] =	ssyncset.done $0x0  }
0x3c: {  	[sflag:s18] =	ssyncadd.s32 $0xFFFFD800  }
0x3d: {  	[spmem:s3] =	stream.indirect.scatter.add.f32 [tilespmem:s13], [sflag:$0x5], $0x20, s20, s12, $0xb8;
	[tilespmem:$0x1EC00] =	vst v63  }
0x3e: {  	_ =	swait.ge [sflag:s11], $0x2800  }
0x3f: {  	[sflag:s11] =	ssyncset.done $0x0  }
0x40: {  	[sflag:s11] =	ssyncadd.s32 $0xFFFFD800  }
0x41: {  	_ =	swait.ge [sflag:s21], $0xA00  }
0x42: {  	[sflag:s21] =	ssyncset.done $0x0  }
0x43: {  	[sflag:s21] =	ssyncadd.s32 $0xFFFFF600  }
0x44: {  	[tilespmem:s13], [sflag:$0x3] =	stream.indirect.gather [hbm4b:s5+s12], $0x20, s16, s12, $0xb8;
	[tilespmem:$0x1EC00] =	vst v63  }
0x45: {  	_ =	swait.ge [sflag:s19], $0x2800  }
0x46: {  	[sflag:s19] =	ssyncset.done $0x0  }
0x47: {  	[sflag:s19] =	ssyncadd.s32 $0xFFFFD800  }
0x48: {  	[spmem:s3] =	stream.indirect.scatter.add.f32 [tilespmem:s17], [sflag:$0x5], $0x20, s22, s12, $0xb8;
	[tilespmem:$0x1EC00] =	vst v63  }
0x49: {  	p0 =	por $0x0, $0x0;
	_ =	swait.ge [sflag:s11], $0x2800  }
0x4a: {  	s2 =	sshrl.u32 @!p0 s1, $0x3;
	[sflag:s11] =	ssyncset.done $0x0  }
0x4b: {  	s2 =	sadd.s32 @!p0 s6, s2;
	s7 =	simm.s32 @!p0 $0x0;
	[sflag:s11] =	ssyncadd.s32 $0xFFFFD800  }
0x4c: {  	[tilespmem:s7], [sflag:$0x1] =	stream.linear.gather @!p0 [hbm4b:s2+s7], $0xA00, $0x38;
	[tilespmem:$0x1EC00] =	vst v63  }
0x4d: {  	_ = 	snop  }
0x4e: {  	[tilespmem:s17], [sflag:$0x4] =	stream.indirect.gather [hbm4b:s5+s12], $0x20, s23, s12, $0xb8;
	[tilespmem:$0x1EC00] =	vst v63  }
0x4f: {  	_ =	swait.ge [sflag:s18], $0x2800  }
0x50: {  	[sflag:s18] =	ssyncset.done $0x0  }
0x51: {  	[sflag:s18] =	ssyncadd.s32 $0xFFFFD800  }
0x52: {  	[spmem:s3] =	stream.indirect.scatter.add.f32 [tilespmem:s13], [sflag:$0x5], $0x20, s24, s12, $0xb8;
	[tilespmem:$0x1EC00] =	vst v63  }
0x53: {  	_ =	swait.ge [sflag:s11], $0x2800  }
0x54: {  	[sflag:s11] =	ssyncset.done $0x0  }
0x55: {  	[sflag:s11] =	ssyncadd.s32 $0xFFFFD800  }
0x56: {  	[tilespmem:s13], [sflag:$0x3] =	stream.indirect.gather [hbm4b:s5+s12], $0x20, s26, s12, $0xb8;
	[tilespmem:$0x1EC00] =	vst v63  }
0x57: {  	_ =	swait.ge [sflag:s19], $0x2800  }
0x58: {  	[sflag:s19] =	ssyncset.done $0x0  }
0x59: {  	[sflag:s19] =	ssyncadd.s32 $0xFFFFD800  }
0x5a: {  	[spmem:s3] =	stream.indirect.scatter.add.f32 [tilespmem:s17], [sflag:$0x5], $0x20, s28, s12, $0xb8;
	[tilespmem:$0x1EC00] =	vst v63  }
0x5b: {  	_ =	swait.ge [sflag:s11], $0x2800  }
0x5c: {  	[sflag:s11] =	ssyncset.done $0x0  }
0x5d: {  	[sflag:s11] =	ssyncadd.s32 $0xFFFFD800  }
0x5e: {  	[tilespmem:s17], [sflag:$0x4] =	stream.indirect.gather [hbm4b:s5+s12], $0x20, s29, s12, $0xb8;
	[tilespmem:$0x1EC00] =	vst v63  }
0x5f: {  	_ =	swait.ge [sflag:s18], $0x2800  }
0x60: {  	[sflag:s18] =	ssyncset.done $0x0  }
0x61: {  	[sflag:s18] =	ssyncadd.s32 $0xFFFFD800  }
0x62: {  	[spmem:s3] =	stream.indirect.scatter.add.f32 [tilespmem:s13], [sflag:$0x5], $0x20, s30, s12, $0xb8;
	[tilespmem:$0x1EC00] =	vst v63  }
0x63: {  	_ =	swait.ge [sflag:s11], $0x2800  }
0x64: {  	[sflag:s11] =	ssyncset.done $0x0  }
0x65: {  	s2 =	simm.s32 @!p0 $0x1;
	[sflag:s11] =	ssyncadd.s32 $0xFFFFD800  }
0x66: {  	_ =	swait.ge @!p0 [sflag:s2], $0xA00  }
0x67: {  	[sflag:s2] =	ssyncset.done @!p0 $0x0  }
0x68: {  	s10 =	simm.s32 @!p0 $0x1400;
	[sflag:s2] =	ssyncadd.s32 @!p0 $0xFFFFF600;
	s2 =	simm.s32 @!p0 $0x140  }
0x69: {  	[tilespmem:s10], [sflag:$0x3] =	stream.indirect.gather @!p0 [hbm4b:s5+s2], $0x20, s7, s2, $0xb8;
	[tilespmem:$0x1EC00] =	vst v63  }
0x6a: {  	_ =	swait.ge [sflag:s19], $0x2800  }
0x6b: {  	[sflag:s19] =	ssyncset.done $0x0  }
0x6c: {  	[sflag:s19] =	ssyncadd.s32 $0xFFFFD800  }
0x6d: {  	[spmem:s3] =	stream.indirect.scatter.add.f32 [tilespmem:s17], [sflag:$0x5], $0x20, s31, s12, $0xb8;
	[tilespmem:$0x1EC00] =	vst v63  }
0x6e: {  	s2 =	simm.s32 $0x280;
	s10 =	smov.u32 s1;
	_ =	swait.ge [sflag:s11], $0x2800  }
.LBB2_2:
0x6f: {  	s8 =	rddreg [dreg:$0x4];
	s7 =	smov.u32 s2;
	[sflag:s11] =	ssyncset.done $0x0  }
0x70: {  	s8 =	sadd.s32 s7, s8;
	[sflag:s11] =	ssyncadd.s32 $0xFFFFD800  }
0x71: {  	[tilespmem:s16], [sflag:$0x2] =	stream.linear.gather [hbm4b:s8+s4], $0xA00, $0x38;
	[tilespmem:$0x1EC00] =	vst v63  }
0x72: {  	s9 =	rddreg [dreg:$0x5]  }
0x73: {  	[tilespmem:s17], [sflag:$0x4] =	stream.indirect.gather [hbm4b:s5+s12], $0x20, s9, s12, $0xb8;
	[tilespmem:$0x1EC00] =	vst v63  }
0x74: {  	_ =	swait.ge [sflag:s18], $0x2800  }
0x75: {  	[sflag:s18] =	ssyncset.done $0x0  }
0x76: {  	[sflag:s18] =	ssyncadd.s32 $0xFFFFD800  }
0x77: {  	[spmem:s3] =	stream.indirect.scatter.add.f32 [tilespmem:s13], [sflag:$0x5], $0x20, s12, s12, $0xb8;
	[tilespmem:$0x1EC00] =	vst v63  }
0x78: {  	_ =	swait.ge [sflag:s11], $0x2800  }
0x79: {  	[sflag:s11] =	ssyncset.done $0x0  }
0x7a: {  	s9 =	rddreg [dreg:$0x6];
	[sflag:s11] =	ssyncadd.s32 $0xFFFFD800  }
0x7b: {  	[tilespmem:s13], [sflag:$0x3] =	stream.indirect.gather [hbm4b:s5+s12], $0x20, s9, s12, $0xb8;
	[tilespmem:$0x1EC00] =	vst v63  }
0x7c: {  	_ =	swait.ge [sflag:s19], $0x2800  }
0x7d: {  	[sflag:s19] =	ssyncset.done $0x0  }
0x7e: {  	s9 =	rddreg [dreg:$0x7];
	[sflag:s19] =	ssyncadd.s32 $0xFFFFD800  }
0x7f: {  	[spmem:s3] =	stream.indirect.scatter.add.f32 [tilespmem:s17], [sflag:$0x5], $0x20, s9, s12, $0xb8;
	[tilespmem:$0x1EC00] =	vst v63  }
0x80: {  	_ =	swait.ge [sflag:s11], $0x2800  }
0x81: {  	[sflag:s11] =	ssyncset.done $0x0  }
0x82: {  	s9 =	rddreg [dreg:$0x8];
	[sflag:s11] =	ssyncadd.s32 $0xFFFFD800  }
0x83: {  	[tilespmem:s17], [sflag:$0x4] =	stream.indirect.gather [hbm4b:s5+s12], $0x20, s9, s12, $0xb8;
	[tilespmem:$0x1EC00] =	vst v63  }
0x84: {  	_ =	swait.ge [sflag:s18], $0x2800  }
0x85: {  	[sflag:s18] =	ssyncset.done $0x0  }
0x86: {  	[sflag:s18] =	ssyncadd.s32 $0xFFFFD800  }
0x87: {  	[spmem:s3] =	stream.indirect.scatter.add.f32 [tilespmem:s13], [sflag:$0x5], $0x20, s20, s12, $0xb8;
	[tilespmem:$0x1EC00] =	vst v63  }
0x88: {  	_ =	swait.ge [sflag:s11], $0x2800  }
0x89: {  	[sflag:s11] =	ssyncset.done $0x0  }
0x8a: {  	[sflag:s11] =	ssyncadd.s32 $0xFFFFD800  }
0x8b: {  	_ =	swait.ge [sflag:s21], $0xA00  }
0x8c: {  	[sflag:s21] =	ssyncset.done $0x0  }
0x8d: {  	[sflag:s21] =	ssyncadd.s32 $0xFFFFF600  }
0x8e: {  	[tilespmem:s13], [sflag:$0x3] =	stream.indirect.gather [hbm4b:s5+s12], $0x20, s16, s12, $0xb8;
	[tilespmem:$0x1EC00] =	vst v63  }
0x8f: {  	_ =	swait.ge [sflag:s19], $0x2800  }
0x90: {  	[sflag:s19] =	ssyncset.done $0x0  }
0x91: {  	[sflag:s19] =	ssyncadd.s32 $0xFFFFD800  }
0x92: {  	[spmem:s3] =	stream.indirect.scatter.add.f32 [tilespmem:s17], [sflag:$0x5], $0x20, s22, s12, $0xb8;
	[tilespmem:$0x1EC00] =	vst v63  }
0x93: {  	s10 =	sadd.s32 $0x1400, s10;
	p1 =	seq.s32 s7, $0x2F80;
	_ =	swait.ge [sflag:s11], $0x2800  }
0x94: {  	s7 =	sshrl.u32 @!p1 s10, $0x3;
	[sflag:s11] =	ssyncset.done $0x0  }
0x95: {  	s8 =	simm.s32 @!p1 $0x0;
	s7 =	sadd.s32 @!p1 s6, s7;
	[sflag:s11] =	ssyncadd.s32 $0xFFFFD800  }
0x96: {  	[tilespmem:s8], [sflag:$0x1] =	stream.linear.gather @!p1 [hbm4b:s7+s8], $0xA00, $0x38;
	[tilespmem:$0x1EC00] =	vst v63  }
0x97: {  	_ = 	snop  }
0x98: {  	[tilespmem:s17], [sflag:$0x4] =	stream.indirect.gather [hbm4b:s5+s12], $0x20, s23, s12, $0xb8;
	[tilespmem:$0x1EC00] =	vst v63  }
0x99: {  	_ =	swait.ge [sflag:s18], $0x2800  }
0x9a: {  	[sflag:s18] =	ssyncset.done $0x0  }
0x9b: {  	[sflag:s18] =	ssyncadd.s32 $0xFFFFD800  }
0x9c: {  	[spmem:s3] =	stream.indirect.scatter.add.f32 [tilespmem:s13], [sflag:$0x5], $0x20, s24, s12, $0xb8;
	[tilespmem:$0x1EC00] =	vst v63  }
0x9d: {  	_ =	swait.ge [sflag:s11], $0x2800  }
0x9e: {  	[sflag:s11] =	ssyncset.done $0x0  }
0x9f: {  	[sflag:s11] =	ssyncadd.s32 $0xFFFFD800  }
0xa0: {  	[tilespmem:s13], [sflag:$0x3] =	stream.indirect.gather [hbm4b:s5+s12], $0x20, s26, s12, $0xb8;
	[tilespmem:$0x1EC00] =	vst v63  }
0xa1: {  	_ =	swait.ge [sflag:s19], $0x2800  }
0xa2: {  	[sflag:s19] =	ssyncset.done $0x0  }
0xa3: {  	[sflag:s19] =	ssyncadd.s32 $0xFFFFD800  }
0xa4: {  	[spmem:s3] =	stream.indirect.scatter.add.f32 [tilespmem:s17], [sflag:$0x5], $0x20, s28, s12, $0xb8;
	[tilespmem:$0x1EC00] =	vst v63  }
0xa5: {  	_ =	swait.ge [sflag:s11], $0x2800  }
0xa6: {  	[sflag:s11] =	ssyncset.done $0x0  }
0xa7: {  	[sflag:s11] =	ssyncadd.s32 $0xFFFFD800  }
0xa8: {  	[tilespmem:s17], [sflag:$0x4] =	stream.indirect.gather [hbm4b:s5+s12], $0x20, s29, s12, $0xb8;
	[tilespmem:$0x1EC00] =	vst v63  }
0xa9: {  	_ =	swait.ge [sflag:s18], $0x2800  }
0xaa: {  	[sflag:s18] =	ssyncset.done $0x0  }
0xab: {  	[sflag:s18] =	ssyncadd.s32 $0xFFFFD800  }
0xac: {  	[spmem:s3] =	stream.indirect.scatter.add.f32 [tilespmem:s13], [sflag:$0x5], $0x20, s30, s12, $0xb8;
	[tilespmem:$0x1EC00] =	vst v63  }
0xad: {  	_ =	swait.ge [sflag:s11], $0x2800  }
0xae: {  	[sflag:s11] =	ssyncset.done $0x0  }
0xaf: {  	s7 =	simm.s32 @!p1 $0x1;
	[sflag:s11] =	ssyncadd.s32 $0xFFFFD800  }
0xb0: {  	s2 =	sadd.s32 $0x280, s2;
	_ =	swait.ge @!p1 [sflag:s7], $0xA00  }
0xb1: {  	p0 =	sne.s32 s2, $0x3200;
	[sflag:s7] =	ssyncset.done @!p1 $0x0  }
0xb2: {  	s9 =	simm.s32 @!p1 $0x1400;
	[sflag:s7] =	ssyncadd.s32 @!p1 $0xFFFFF600;
	s7 =	simm.s32 @!p1 $0x140  }
0xb3: {  	[tilespmem:s9], [sflag:$0x3] =	stream.indirect.gather @!p1 [hbm4b:s5+s7], $0x20, s8, s7, $0xb8;
	[tilespmem:$0x1EC00] =	vst v63  }
.Ltmp0:
0xb4: {  	_ =	swait.ge [sflag:s19], $0x2800;
	(pc) =	sbr.rel @p0 .LBB2_2-.Ltmp0, $4  }
0xb5: {  	[sflag:s19] =	ssyncset.done $0x0  }
0xb6: {  	[sflag:s19] =	ssyncadd.s32 $0xFFFFD800  }
0xb7: {  	[spmem:s3] =	stream.indirect.scatter.add.f32 [tilespmem:s17], [sflag:$0x5], $0x20, s31, s12, $0xb8;
	[tilespmem:$0x1EC00] =	vst v63  }
0xb8: {  	_ =	swait.ge [sflag:s11], $0x2800  }
0xb9: {  	[sflag:s11] =	ssyncset.done $0x0  }
0xba: {  	[sflag:s11] =	ssyncadd.s32 $0xFFFFD800  }
0xbb: {  	[bflag:$0x0] =	sbarrier.arrive $0xFFFF  }
0xbc: {  	s2 =	rddreg [dreg:$0xa]  }
0xbd: {  	[hbm:s2], [sflag:s14] =	dma.local [spmem:s25], $0x30E0  }
0xbe: {  	_ =	swait.ge [sflag:s11], $0x30E0  }
0xbf: {  	s0 =	sadd.s32 $0x1, s0;
	s10 =	rddreg [dreg:$0xb]  }
0xc0: {  	p0 =	sne.s32 s0, s10  }
.Ltmp1:
0xc1: {  	_ = 	snop;
	(pc) =	sbr.rel @p0 .LBB2_1-.Ltmp1, $3  }
0xc2: {  	_ =	sdelay $0x1  }
0xc3: {  	[sflag:s11] =	ssyncset.done $0x0  }
0xc4: {  	[sflag:s11] =	ssyncadd.s32 $0xFFFFCF20  }
0xc5: {  	_ =	sfence.sel $0x180000  }
0xc6: {  	[bflag:$0x0] =	sbarrier.arrive $0xFFFF  }
0xc7: {  	_ =	strace $0x9000004A  }
0xc8: {  	s0 =	stileid.u32;
	[bflag:$0x2] =	sbarrier.arrive $0xFFFF  }
0xc9: {  	p0 =	sne.s32 s0, $0x0;
	s0 =	rddreg [dreg:$0x3]  }
0xca: {  	s0 =	sadd.s32 @!p0 $0x100000, s0  }
0xcb: {  	[sflag:s0] =	ssyncadd.tile.s32 @!p0 $0x1;
	_ =	shalt  }
.Lfunc_end2:
_tile_overlayer_lowered:
.L_overlay_start_2:
0xcc: {  	(tag) =	ssettag $0x2  }
0xcd: {  	s0 =	rddreg [dreg:$0x0];
	s2 =	stileid.u32  }
0xce: {  	s1 =	rddreg [dreg:$0x1];
	p0 =	sne.s32 s2, $0x0  }
0xcf: {  	s3 =	rddreg [dreg:$0x2];
	[bflag:$0x3] =	sbarrier.arrive $0xFFFF;
	s2 =	simm.s32 @!p0 $0x1C05  }
0xd0: {  	[timem:s3], [sflag:s2] =	dma.local @!p0 [hbm:s0], s1  }
0xd1: {  	s0 =	simm.s32 @!p0 $0x5  }
0xd2: {  	_ =	swait.ge @!p0 [sflag:s0], s1  }
0xd3: {  	s1 =	ssub.s32 @!p0 $0x0, s1;
	[sflag:s0] =	ssyncset.done @!p0 $0x0  }
0xd4: {  	[sflag:s0] =	ssyncadd.s32 @!p0 s1  }
0xd5: {  	[bflag:$0x3] =	sbarrier.arrive $0xFFFF  }
0xd6: {  	_ =	shalt  }

// kernel: kernel.18.cloned.1.call-start
scs
__scs_entry_jumppad:
0x0: {  	(pc) =	sbr.rel $0x88, $3  }
0x1: {  	(tag) =	ssettag $0x0;
	lr =	simm.s32 $0x1  }
0x2: {  	[smem:$0x3F8E] =	sst lr;
	_ =	strace $0xD0000000  }
0x3: {  	_ = 	snop  }
0x4: {  	_ = 	snop  }
0x5: {  	_ = 	snop  }
0x6: {  	_ = 	snop  }
0x7: {  	_ = 	snop  }
__scs_overlays_trampoline_lowered:
0x8: {  	[smem:$0x3F9D] =	sst s0  }
0x9: {  	[smem:$0x3F9E] =	sst s1  }
0xa: {  	[smem:$0x3F9F] =	sst s2  }
0xb: {  	[smem:$0x3FA0] =	sst s3  }
0xc: {  	[smem:$0x3FA1] =	sst s4  }
0xd: {  	[smem:$0x3FA2] =	sst s5  }
0xe: {  	[smem:$0x3FA3] =	sst s6  }
0xf: {  	[smem:$0x3FA4] =	sst s7  }
0x10: {  	[smem:$0x3FA5] =	sst s8  }
0x11: {  	[smem:$0x3FA6] =	sst s9;
	s0 =	simm.s32 @!p0 $0x0  }
0x12: {  	s1 =	sld [smem:$0x3F8C];
	s0 =	simm.s32 @p0 $0x1  }
0x13: {  	[smem:$0x3FA7] =	sst s0;
	s0 =	simm.s32 @!p1 $0x0  }
0x14: {  	s2 =	sld [smem:$0x3F8B];
	s0 =	simm.s32 @p1 $0x1  }
0x15: {  	[smem:$0x3FA8] =	sst s0;
	s0 =	simm.s32 @!p2 $0x0  }
0x16: {  	s3 =	sld [smem:$0x3FDB];
	s0 =	simm.s32 @p2 $0x1  }
0x17: {  	s4 =	simm.s32 $0x1BF5;
	[smem:$0x3FAA] =	sst s0  }
0x18: {  	s0 =	sld [smem:$0x3F8D];
	_ =	swait.ge [sflag:s4], $0x0  }
0x19: {  	s7 =	sld [smem:$0x3F8E]  }
0x1a: {  	s8 =	sadd.s32 $0xFFFFE003, lr  }
0x1b: {  	s9 =	sadd.s32 $0xFFFFFEF7, lr;
	s5 =	simm.s32 $0xFFFFFFFF;
	p2 =	slt.u32 s8, $0xFFFFF086  }
0x1c: {  	p1 =	slt.u32 s9, $0xF7A;
	s5 =	simm.s32 @!p2 $0x0  }
0x1d: {  	s5 =	simm.s32 @p1 $0x1;
	p0 =	seq.s32 s7, s2  }
0x1e: {  	s7 =	smul.u32 @!p0 $0xF7A, s2;
	p2 =	seq.s32 @!p0 s5, $0x0  }
0x1f: {  	s9 =	smul.u32 $0xF7A, s1;
	s8 =	simm.s32 @!p0 $0x1BF5;
	p2 =	por !p2, p0  }
0x20: {  	[sflag:s8] =	ssyncset.s32 @!p0 $0xFFFFF086;
	s6 =	sadd.s32 @!p0 s3, s7;
	s7 =	simm.s32 @!p0 $0x108  }
0x21: {  	s3 =	sadd.s32 s3, s9;
	s6 =	sadd.s32 @!p0 $0x88, s6;
	s7 =	simm.s32 @p2 $0x1082  }
0x22: {  	[simem:s7], [sflag:s8] =	dma.local @!p0 [hbm:s6], $0xF7A  }
0x23: {  	s9 =	sor.u32 $0xD0000000, s2;
	s6 =	simm.s32 $0x108;
	_ =	swait.ge @!p0 [sflag:s8], $0x0  }
0x24: {  	s3 =	sadd.s32 $0x88, s3;
	s6 =	simm.s32 @!p1 $0x1082;
	[sflag:s4] =	ssyncset.s32 $0xFFFFF086  }
0x25: {  	[simem:s6], [sflag:s4] =	dma.local [hbm:s3], $0xF7A  }
0x26: {  	[smem:$0x3F8E] =	sst s1;
	(tag) =	ssettag s2;
	_ =	strace s9  }
0x27: {  	s1 =	sld [smem:$0x3F9E]  }
0x28: {  	s2 =	sld [smem:$0x3F9F]  }
0x29: {  	s4 =	sld [smem:$0x3FA1]  }
0x2a: {  	p0 =	seq.s32 s5, $0x0;
	s5 =	sld [smem:$0x3FA2]  }
0x2b: {  	s6 =	sld [smem:$0x3FA3]  }
0x2c: {  	s7 =	sld [smem:$0x3FA4]  }
0x2d: {  	s3 =	simm.s32 $0x108;
	s8 =	sld [smem:$0x3FA5]  }
0x2e: {  	s3 =	simm.s32 @!p0 $0x1082;
	s9 =	sld [smem:$0x3FA6]  }
0x2f: {  	lr =	sadd.s32 s0, s3;
	s0 =	sld [smem:$0x3F9D]  }
0x30: {  	s3 =	sld [smem:$0x3FA0]  }
0x31: {  	[smem:$0x3FA9] =	sst s10  }
0x32: {  	s10 =	sld [smem:$0x3FA7];
	_ =	sdelay $0x3  }
0x33: {  	p0 =	seq.s32 s10, $0x1;
	s10 =	sld [smem:$0x3FA9];
	_ =	sdelay $0x3  }
0x34: {  	[smem:$0x3FA9] =	sst s10  }
0x35: {  	s10 =	sld [smem:$0x3FA8];
	_ =	sdelay $0x3  }
0x36: {  	p1 =	seq.s32 s10, $0x1;
	s10 =	sld [smem:$0x3FA9];
	_ =	sdelay $0x3  }
0x37: {  	[smem:$0x3FA9] =	sst s10  }
0x38: {  	s10 =	sld [smem:$0x3FAA]  }
0x39: {  	_ = 	snop;
	(pc) =	sbr.ind lr, $3  }
0x3a: {  	_ = 	snop  }
0x3b: {  	_ = 	snop  }
0x3c: {  	p2 =	seq.s32 s10, $0x1;
	s10 =	sld [smem:$0x3FA9]  }
0x3d: {  	_ =	shalt  }
0x3e: {  	_ =	shalt  }
0x3f: {  	_ =	shalt  }
0x40: {  	_ =	shalt  }
0x41: {  	_ =	shalt  }
0x42: {  	_ =	shalt  }
0x43: {  	_ =	shalt  }
0x44: {  	_ =	shalt  }
0x45: {  	_ =	shalt  }
0x46: {  	_ =	shalt  }
0x47: {  	_ =	shalt  }
0x48: {  	_ =	shalt  }
0x49: {  	_ =	shalt  }
0x4a: {  	_ =	shalt  }
0x4b: {  	_ =	shalt  }
0x4c: {  	_ =	shalt  }
0x4d: {  	_ =	shalt  }
0x4e: {  	_ =	shalt  }
0x4f: {  	_ =	shalt  }
0x50: {  	_ =	shalt  }
0x51: {  	_ =	shalt  }
0x52: {  	_ =	shalt  }
0x53: {  	_ =	shalt  }
0x54: {  	_ =	shalt  }
0x55: {  	_ =	shalt  }
0x56: {  	_ =	shalt  }
0x57: {  	_ =	shalt  }
0x58: {  	_ =	shalt  }
0x59: {  	_ =	shalt  }
0x5a: {  	_ =	shalt  }
0x5b: {  	_ =	shalt  }
0x5c: {  	_ =	shalt  }
0x5d: {  	_ =	shalt  }
0x5e: {  	_ =	shalt  }
0x5f: {  	_ =	shalt  }
0x60: {  	_ =	shalt  }
0x61: {  	_ =	shalt  }
0x62: {  	_ =	shalt  }
0x63: {  	_ =	shalt  }
0x64: {  	_ =	shalt  }
0x65: {  	_ =	shalt  }
0x66: {  	_ =	shalt  }
0x67: {  	_ =	shalt  }
0x68: {  	_ =	shalt  }
0x69: {  	_ =	shalt  }
0x6a: {  	_ =	shalt  }
0x6b: {  	_ =	shalt  }
0x6c: {  	_ =	shalt  }
0x6d: {  	_ =	shalt  }
0x6e: {  	_ =	shalt  }
0x6f: {  	_ =	shalt  }
0x70: {  	_ =	shalt  }
0x71: {  	_ =	shalt  }
0x72: {  	_ =	shalt  }
0x73: {  	_ =	shalt  }
0x74: {  	_ =	shalt  }
0x75: {  	_ =	shalt  }
0x76: {  	_ =	shalt  }
0x77: {  	_ =	shalt  }
0x78: {  	_ =	shalt  }
0x79: {  	_ =	shalt  }
0x7a: {  	_ =	shalt  }
0x7b: {  	_ =	shalt  }
0x7c: {  	_ =	shalt  }
0x7d: {  	_ =	shalt  }
0x7e: {  	_ =	shalt  }
0x7f: {  	_ =	shalt  }
0x80: {  	_ =	shalt  }
0x81: {  	_ =	shalt  }
0x82: {  	_ =	shalt  }
0x83: {  	_ =	shalt  }
0x84: {  	_ =	shalt  }
0x85: {  	_ =	shalt  }
0x86: {  	_ =	shalt  }
0x87: {  	_ =	shalt  }
.Lfunc_end0:
.L_simem_size_0:
called_computation.2_lowered:
.L_overlay_start_0:
0x88: {  	s2 =	sld [smem:$0x3FD9]  }
0x89: {  	s3 =	sld [smem:$0x3FFE];
	_ =	sdelay $0x1  }
0x8a: {  	s1 =	srdreg.scid  }
0x8b: {  	s0 =	sand.u32 $0x1, s1  }
0x8c: {  	s14 =	sshll.u32 s0, $0xA;
	s2 =	sadd.s32 s3, s2  }
0x8d: {  	s2 =	sadd.s32 s2, s14  }
0x8e: {  	[smem:$0x3FB5] =	sst s2  }
0x8f: {  	_ = 	snop  }
0x90: {  	s2 =	sld [smem:$0x3FD0];
	_ =	sdelay $0x2  }
0x91: {  	s15 =	simm.s32 $0xA;
	s4 =	simm.s32 $0x10  }
0x92: {  	[smem:s4], [sflag:s15] =	dma.local [hbm:s2], $0x1  }
0x93: {  	_ =	swait.eq [sflag:s15], $0x1  }
0x94: {  	[sflag:s15] =	ssyncset.done $0x0  }
0x95: {  	[sflag:s15] =	ssyncadd.s32 $0xFFFFFFFF  }
0x96: {  	s16 =	sld [smem:$0x10];
	(tm) =	ssettm $0x1  }
0x97: {  	s17 =	sld [smem:$0x3FFB];
	_ =	sdelay $0x3  }
0x98: {  	_ =	strace s17  }
0x99: {  	s3 =	sld [smem:$0x3FFC];
	_ =	sdelay $0x3  }
0x9a: {  	_ =	strace s3  }
0x9b: {  	s3 =	sld [smem:$0x3FFD];
	_ =	sdelay $0x3  }
0x9c: {  	_ =	strace s3  }
0x9d: {  	_ =	strace $0x8FFFFFFF  }
0x9e: {  	s18 =	sld [smem:$0x3FDB];
	_ =	sdelay $0x1  }
0x9f: {  	s19 =	simm.s32 $_scs_section_size  }
0xa0: {  	s5 =	simm.s32 $_size__tile_overlayer_lowered;
	s6 =	simm.s32 $_tile_overlayer_lowered  }
0xa1: {  	s22 =	simm.s32 $0x1BFF;
	s21 =	sshll.u32 s6, $0x1;
	s3 =	sadd.s32 s19, s18  }
0xa2: {  	s7 =	simm.s32 $0x0;
	s20 =	sshll.u32 s5, $0x1;
	s5 =	sadd.s32 s21, s3  }
0xa3: {  	[timem:s7], [sflag:s22] =	dma.local [hbm:s5], s20  }
0xa4: {  	_ =	swait.ge [sflag:s22], s20  }
0xa5: {  	s4 =	ssub.s32 $0x0, s20;
	[sflag:s22] =	ssyncset.done $0x0  }
0xa6: {  	[sflag:s22] =	ssyncadd.s32 s4;
	_ =	sdelay $0x1  }
0xa7: {  	s23 =	simm.s32 $0x1B8B  }
0xa8: {  	_ =	swait.ge [sflag:s23], $0x1  }
0xa9: {  	[sflag:s23] =	ssyncset.done $0x0  }
0xaa: {  	s25 =	simm.s32 $0x1B8E;
	s24 =	sld [smem:$0x3FFE];
	[sflag:s23] =	ssyncadd.s32 $0xFFFFFFFF  }
0xab: {  	s26 =	simm.s32 $execute0_lowered;
	[smem:$0x3FD2] =	sst s25  }
0xac: {  	s5 =	sshll.u32 s26, $0x1;
	_ =	strace $0x8000004C;
	[dreg:$0x1] =	wrdreg $0xFFFFFFFF  }
0xad: {  	s28 =	simm.s32 $_size_execute0_lowered;
	s3 =	sadd.s32 s3, s5;
	[dreg:$0x0] =	wrdreg $0x0  }
0xae: {  	s5 =	sshll.u32 s28, $0x1;
	[dreg:$0x2] =	wrdreg s3  }
0xaf: {  	[dreg:$0x3] =	wrdreg s5  }
0xb0: {  	[dreg:$0x4] =	wrdreg $0xC0  }
0xb1: {  	_ =	task [dreg:s7], $0x5FFFF  }
0xb2: {  	[dreg:$0x1] =	wrdreg $0xFFFFFFFF  }
0xb3: {  	[dreg:$0x0] =	wrdreg $0x60  }
0xb4: {  	[dreg:$0x2] =	wrdreg s24  }
0xb5: {  	[dreg:$0x3] =	wrdreg s16  }
0xb6: {  	[dreg:$0x4] =	wrdreg $0x64000  }
0xb7: {  	[dreg:$0x5] =	wrdreg $0x9  }
0xb8: {  	_ =	task.clear_ibuf [dreg:s7], $0x6FFFF;
	_ =	strace $0x9000004C  }
0xb9: {  	s29 =	simm.s32 $0x9;
	_ =	strace $0x8000004E  }
0xba: {  	_ =	swait.ge [sflag:s29], $0x1  }
0xbb: {  	[sflag:s29] =	ssyncadd.s32 $0xFFFFFFFF  }
0xbc: {  	_ =	strace $0x9000004E  }
0xbd: {  	_ =	sfence  }
0xbe: {  	s30 =	sld [smem:$0x0];
	_ =	sdelay $0x2  }
0xbf: {  	s31 =	sshll.u32 s1, $0xD;
	s1 =	sshrl.u32 s1, $0x2  }
0xc0: {  	s3 =	sand.u32 $0x4000, s31;
	s1 =	sadd.s32 s1, s30  }
0xc1: {  	s0 =	sor.u32 s3, s0;
	s1 =	sshll.u32 s1, $0x11  }
0xc2: {  	s0 =	sor.u32 s1, s0  }
0xc3: {  	s0 =	sadd.s32 $0x8F2B, s0  }
0xc4: {  	[sflag:s0] =	ssyncadd.remote.s32 $0x1  }
0xc5: {  	_ =	sfence.sel $0xFFFF  }
0xc6: {  	[dreg:$0x0] =	wrdreg $0xFFFFFFFF;
	(pc) =	sbr.abs _section_cstart, $3  }
0xc7: {  	[dreg:$0x1] =	wrdreg $0xFFFFFFFF  }
0xc8: {  	_ =	task.clear_ibuf [dreg:s7], $0x2FFFF;
	_ =	strace $0x9FFFFFFF  }
0xc9: {  	(tm) =	ssettm $0x7FFFFFFF  }
tec
execute0_lowered:
.L_overlay_start_1:
0x0: {  	(tag) =	ssettag $0x1  }
0x1: {  	s0 =	rddreg [dreg:$0x0]  }
0x2: {  	s3 =	rddreg [dreg:$0x2];
	s4 =	simm.s32 $0x0  }
0x3: {  	s13 =	stileid.u32;
	s1 =	srdreg.scid;
	s12 =	simm.s32 $0x140  }
0x4: {  	s23 =	simm.s32 $0x280;
	s16 =	simm.s32 $0xA00;
	s17 =	simm.s32 $0x3C00  }
0x5: {  	s18 =	simm.s32 $0x3;
	s20 =	simm.s32 $0x640;
	s28 =	simm.s32 $0xDC0  }
0x6: {  	s29 =	simm.s32 $0x1180;
	s30 =	simm.s32 $0x1040;
	s31 =	simm.s32 $0x12C0  }
0x7: {  	[smem:$0x7FF] =	sst s4;
	s2 =	smul.u32 $0xC38, s13;
	s5 =	sadd.s32 $0x21FC00, s0  }
0x8: {  	s1 =	sand.u32 $0x1, s1;
	s6 =	sadd.s32 $0x35200, s0;
	s9 =	smul.u32 $0x19000, s13  }
0x9: {  	s11 =	smul.u32 $0x62000, s13;
	s22 =	sshll.u32 s13, $0x6;
	s13 =	simm.s32 $0x1400  }
0xa: {  	s19 =	simm.s32 $0x4;
	_ =	strace $0x8000004D;
	s7 =	smul.u32 $0x186A00, s1  }
0xb: {  	s8 =	smul.u32 $0x190000, s1;
	s1 =	ssub.s32 $0x2, s1;
	s14 =	sor.u32 $0x1C05, s22  }
0xc: {  	[dreg:$0x5] =	wrdreg s23;
	s22 =	simm.s32 $0x8C0;
	s23 =	simm.s32 $0xC80  }
0xd: {  	s2 =	smin.u32 s2, $0xB718;
	s10 =	sshrl.u32 s1, $0x1;
	s25 =	sshrl.u32 s11, $0x2  }
0xe: {  	s11 =	simm.s32 $0x5;
	s2 =	sshll.u32 s2, $0x5;
	s1 =	ssub.s32 s1, s10  }
0xf: {  	s24 =	sadd.s32 s9, s8;
	s15 =	sadd.s32 s25, s3;
	s25 =	simm.s32 $0x3C0  }
0x10: {  	s7 =	sadd.s32 s7, s2;
	s8 =	sshrl.u32 s24, $0x3;
	s26 =	sor.u32 $0xA00, s24  }
0x11: {  	s10 =	sadd.s32 s2, s3;
	s1 =	smax.u32 s1, $0x1;
	s15 =	sshrl.u32 s15, $0x3  }
0x12: {  	[dreg:$0x7] =	wrdreg s25;
	s7 =	sshrl.u32 s7, $0x3;
	s8 =	sadd.s32 s6, s8  }
0x13: {  	[dreg:$0xb] =	wrdreg s1;
	s1 =	sadd.s32 $0x1400, s24;
	s24 =	simm.s32 $0x500  }
0x14: {  	s25 =	sshrl.u32 s10, $0x3;
	s0 =	sadd.s32 s7, s0;
	[dreg:$0x9] =	wrdreg s8  }
0x15: {  	s8 =	sshrl.u32 s26, $0x3;
	[dreg:$0x6] =	wrdreg s24;
	s26 =	simm.s32 $0x780  }
0x16: {  	s24 =	simm.s32 $0xB40;
	s0 =	sadd.s32 $0x281800, s0;
	[dreg:$0x8] =	wrdreg s26  }
0x17: {  	s21 =	sadd.s32 s8, s6;
	s26 =	simm.s32 $0xF00;
	[dreg:$0xa] =	wrdreg s0  }
0x18: {  	[dreg:$0x4] =	wrdreg s21;
	s21 =	simm.s32 $0x2;
	s0 =	simm.s32 $0x0  }
.LBB2_1:
0x19: {  	s2 =	rddreg [dreg:$0x9]  }
0x1a: {  	[tilespmem:s4], [sflag:$0x5] =	stream.linear.gather [hbm4b:s2+s4], $0xA00, $0x38;
	[tilespmem:$0x1EC00] =	vst v63  }
0x1b: {  	_ =	swait.ge [sflag:s11], $0xA00  }
0x1c: {  	[sflag:s11] =	ssyncset.done $0x0  }
0x1d: {  	[sflag:s11] =	ssyncadd.s32 $0xFFFFF600  }
0x1e: {  	[tilespmem:s13], [sflag:$0x3] =	stream.indirect.gather [hbm4b:s5+s12], $0x20, s4, s12, $0xb8;
	[tilespmem:$0x1EC00] =	vst v63  }
0x1f: {  	s10 =	rddreg [dreg:$0x1]  }
0x20: {  	[spmem:s15], [sflag:s14] =	dma.local [hbm:s10], $0x3100  }
0x21: {  	_ =	swait.ge [sflag:s11], $0x3100  }
0x22: {  	[sflag:s11] =	ssyncset.done $0x0  }
0x23: {  	[sflag:s11] =	ssyncadd.s32 $0xFFFFCF00  }
0x24: {  	[bflag:$0x0] =	sbarrier.arrive $0xFFFF  }
0x25: {  	s7 =	rddreg [dreg:$0x4]  }
0x26: {  	s2 =	sadd.s32 $0x0, s7  }
0x27: {  	[tilespmem:s16], [sflag:$0x2] =	stream.linear.gather [hbm4b:s2+s4], $0xA00, $0x38;
	[tilespmem:$0x1EC00] =	vst v63  }
0x28: {  	s7 =	rddreg [dreg:$0x5]  }
0x29: {  	[tilespmem:s17], [sflag:$0x4] =	stream.indirect.gather [hbm4b:s5+s12], $0x20, s7, s12, $0xb8;
	[tilespmem:$0x1EC00] =	vst v63  }
0x2a: {  	_ =	swait.ge [sflag:s18], $0x2800  }
0x2b: {  	[sflag:s18] =	ssyncset.done $0x0  }
0x2c: {  	[sflag:s18] =	ssyncadd.s32 $0xFFFFD800  }
0x2d: {  	[spmem:s3] =	stream.indirect.scatter.add.f32 [tilespmem:s13], [sflag:$0x5], $0x20, s12, s12, $0xb8;
	[tilespmem:$0x1EC00] =	vst v63  }
0x2e: {  	_ =	swait.ge [sflag:s11], $0x2800  }
0x2f: {  	[sflag:s11] =	ssyncset.done $0x0  }
0x30: {  	s8 =	rddreg [dreg:$0x6];
	[sflag:s11] =	ssyncadd.s32 $0xFFFFD800  }
0x31: {  	[tilespmem:s13], [sflag:$0x3] =	stream.indirect.gather [hbm4b:s5+s12], $0x20, s8, s12, $0xb8;
	[tilespmem:$0x1EC00] =	vst v63  }
0x32: {  	_ =	swait.ge [sflag:s19], $0x2800  }
0x33: {  	[sflag:s19] =	ssyncset.done $0x0  }
0x34: {  	s9 =	rddreg [dreg:$0x7];
	[sflag:s19] =	ssyncadd.s32 $0xFFFFD800  }
0x35: {  	[spmem:s3] =	stream.indirect.scatter.add.f32 [tilespmem:s17], [sflag:$0x5], $0x20, s9, s12, $0xb8;
	[tilespmem:$0x1EC00] =	vst v63  }
0x36: {  	_ =	swait.ge [sflag:s11], $0x2800  }
0x37: {  	[sflag:s11] =	ssyncset.done $0x0  }
0x38: {  	s10 =	rddreg [dreg:$0x8];
	[sflag:s11] =	ssyncadd.s32 $0xFFFFD800  }
0x39: {  	[tilespmem:s17], [sflag:$0x4] =	stream.indirect.gather [hbm4b:s5+s12], $0x20, s10, s12, $0xb8;
	[tilespmem:$0x1EC00] =	vst v63  }
0x3a: {  	_ =	swait.ge [sflag:s18], $0x2800  }
0x3b: {  	[sflag:s18] =	ssyncset.done $0x0  }
0x3c: {  	[sflag:s18] =	ssyncadd.s32 $0xFFFFD800  }
0x3d: {  	[spmem:s3] =	stream.indirect.scatter.add.f32 [tilespmem:s13], [sflag:$0x5], $0x20, s20, s12, $0xb8;
	[tilespmem:$0x1EC00] =	vst v63  }
0x3e: {  	_ =	swait.ge [sflag:s11], $0x2800  }
0x3f: {  	[sflag:s11] =	ssyncset.done $0x0  }
0x40: {  	[sflag:s11] =	ssyncadd.s32 $0xFFFFD800  }
0x41: {  	_ =	swait.ge [sflag:s21], $0xA00  }
0x42: {  	[sflag:s21] =	ssyncset.done $0x0  }
0x43: {  	[sflag:s21] =	ssyncadd.s32 $0xFFFFF600  }
0x44: {  	[tilespmem:s13], [sflag:$0x3] =	stream.indirect.gather [hbm4b:s5+s12], $0x20, s16, s12, $0xb8;
	[tilespmem:$0x1EC00] =	vst v63  }
0x45: {  	_ =	swait.ge [sflag:s19], $0x2800  }
0x46: {  	[sflag:s19] =	ssyncset.done $0x0  }
0x47: {  	[sflag:s19] =	ssyncadd.s32 $0xFFFFD800  }
0x48: {  	[spmem:s3] =	stream.indirect.scatter.add.f32 [tilespmem:s17], [sflag:$0x5], $0x20, s22, s12, $0xb8;
	[tilespmem:$0x1EC00] =	vst v63  }
0x49: {  	p0 =	por $0x0, $0x0;
	_ =	swait.ge [sflag:s11], $0x2800  }
0x4a: {  	s2 =	sshrl.u32 @!p0 s1, $0x3;
	[sflag:s11] =	ssyncset.done $0x0  }
0x4b: {  	s2 =	sadd.s32 @!p0 s6, s2;
	s7 =	simm.s32 @!p0 $0x0;
	[sflag:s11] =	ssyncadd.s32 $0xFFFFD800  }
0x4c: {  	[tilespmem:s7], [sflag:$0x1] =	stream.linear.gather @!p0 [hbm4b:s2+s7], $0xA00, $0x38;
	[tilespmem:$0x1EC00] =	vst v63  }
0x4d: {  	_ = 	snop  }
0x4e: {  	[tilespmem:s17], [sflag:$0x4] =	stream.indirect.gather [hbm4b:s5+s12], $0x20, s23, s12, $0xb8;
	[tilespmem:$0x1EC00] =	vst v63  }
0x4f: {  	_ =	swait.ge [sflag:s18], $0x2800  }
0x50: {  	[sflag:s18] =	ssyncset.done $0x0  }
0x51: {  	[sflag:s18] =	ssyncadd.s32 $0xFFFFD800  }
0x52: {  	[spmem:s3] =	stream.indirect.scatter.add.f32 [tilespmem:s13], [sflag:$0x5], $0x20, s24, s12, $0xb8;
	[tilespmem:$0x1EC00] =	vst v63  }
0x53: {  	_ =	swait.ge [sflag:s11], $0x2800  }
0x54: {  	[sflag:s11] =	ssyncset.done $0x0  }
0x55: {  	[sflag:s11] =	ssyncadd.s32 $0xFFFFD800  }
0x56: {  	[tilespmem:s13], [sflag:$0x3] =	stream.indirect.gather [hbm4b:s5+s12], $0x20, s26, s12, $0xb8;
	[tilespmem:$0x1EC00] =	vst v63  }
0x57: {  	_ =	swait.ge [sflag:s19], $0x2800  }
0x58: {  	[sflag:s19] =	ssyncset.done $0x0  }
0x59: {  	[sflag:s19] =	ssyncadd.s32 $0xFFFFD800  }
0x5a: {  	[spmem:s3] =	stream.indirect.scatter.add.f32 [tilespmem:s17], [sflag:$0x5], $0x20, s28, s12, $0xb8;
	[tilespmem:$0x1EC00] =	vst v63  }
0x5b: {  	_ =	swait.ge [sflag:s11], $0x2800  }
0x5c: {  	[sflag:s11] =	ssyncset.done $0x0  }
0x5d: {  	[sflag:s11] =	ssyncadd.s32 $0xFFFFD800  }
0x5e: {  	[tilespmem:s17], [sflag:$0x4] =	stream.indirect.gather [hbm4b:s5+s12], $0x20, s29, s12, $0xb8;
	[tilespmem:$0x1EC00] =	vst v63  }
0x5f: {  	_ =	swait.ge [sflag:s18], $0x2800  }
0x60: {  	[sflag:s18] =	ssyncset.done $0x0  }
0x61: {  	[sflag:s18] =	ssyncadd.s32 $0xFFFFD800  }
0x62: {  	[spmem:s3] =	stream.indirect.scatter.add.f32 [tilespmem:s13], [sflag:$0x5], $0x20, s30, s12, $0xb8;
	[tilespmem:$0x1EC00] =	vst v63  }
0x63: {  	_ =	swait.ge [sflag:s11], $0x2800  }
0x64: {  	[sflag:s11] =	ssyncset.done $0x0  }
0x65: {  	s2 =	simm.s32 @!p0 $0x1;
	[sflag:s11] =	ssyncadd.s32 $0xFFFFD800  }
0x66: {  	_ =	swait.ge @!p0 [sflag:s2], $0xA00  }
0x67: {  	[sflag:s2] =	ssyncset.done @!p0 $0x0  }
0x68: {  	s10 =	simm.s32 @!p0 $0x1400;
	[sflag:s2] =	ssyncadd.s32 @!p0 $0xFFFFF600;
	s2 =	simm.s32 @!p0 $0x140  }
0x69: {  	[tilespmem:s10], [sflag:$0x3] =	stream.indirect.gather @!p0 [hbm4b:s5+s2], $0x20, s7, s2, $0xb8;
	[tilespmem:$0x1EC00] =	vst v63  }
0x6a: {  	_ =	swait.ge [sflag:s19], $0x2800  }
0x6b: {  	[sflag:s19] =	ssyncset.done $0x0  }
0x6c: {  	[sflag:s19] =	ssyncadd.s32 $0xFFFFD800  }
0x6d: {  	[spmem:s3] =	stream.indirect.scatter.add.f32 [tilespmem:s17], [sflag:$0x5], $0x20, s31, s12, $0xb8;
	[tilespmem:$0x1EC00] =	vst v63  }
0x6e: {  	s2 =	simm.s32 $0x280;
	s10 =	smov.u32 s1;
	_ =	swait.ge [sflag:s11], $0x2800  }
.LBB2_2:
0x6f: {  	s8 =	rddreg [dreg:$0x4];
	s7 =	smov.u32 s2;
	[sflag:s11] =	ssyncset.done $0x0  }
0x70: {  	s8 =	sadd.s32 s7, s8;
	[sflag:s11] =	ssyncadd.s32 $0xFFFFD800  }
0x71: {  	[tilespmem:s16], [sflag:$0x2] =	stream.linear.gather [hbm4b:s8+s4], $0xA00, $0x38;
	[tilespmem:$0x1EC00] =	vst v63  }
0x72: {  	s9 =	rddreg [dreg:$0x5]  }
0x73: {  	[tilespmem:s17], [sflag:$0x4] =	stream.indirect.gather [hbm4b:s5+s12], $0x20, s9, s12, $0xb8;
	[tilespmem:$0x1EC00] =	vst v63  }
0x74: {  	_ =	swait.ge [sflag:s18], $0x2800  }
0x75: {  	[sflag:s18] =	ssyncset.done $0x0  }
0x76: {  	[sflag:s18] =	ssyncadd.s32 $0xFFFFD800  }
0x77: {  	[spmem:s3] =	stream.indirect.scatter.add.f32 [tilespmem:s13], [sflag:$0x5], $0x20, s12, s12, $0xb8;
	[tilespmem:$0x1EC00] =	vst v63  }
0x78: {  	_ =	swait.ge [sflag:s11], $0x2800  }
0x79: {  	[sflag:s11] =	ssyncset.done $0x0  }
0x7a: {  	s9 =	rddreg [dreg:$0x6];
	[sflag:s11] =	ssyncadd.s32 $0xFFFFD800  }
0x7b: {  	[tilespmem:s13], [sflag:$0x3] =	stream.indirect.gather [hbm4b:s5+s12], $0x20, s9, s12, $0xb8;
	[tilespmem:$0x1EC00] =	vst v63  }
0x7c: {  	_ =	swait.ge [sflag:s19], $0x2800  }
0x7d: {  	[sflag:s19] =	ssyncset.done $0x0  }
0x7e: {  	s9 =	rddreg [dreg:$0x7];
	[sflag:s19] =	ssyncadd.s32 $0xFFFFD800  }
0x7f: {  	[spmem:s3] =	stream.indirect.scatter.add.f32 [tilespmem:s17], [sflag:$0x5], $0x20, s9, s12, $0xb8;
	[tilespmem:$0x1EC00] =	vst v63  }
0x80: {  	_ =	swait.ge [sflag:s11], $0x2800  }
0x81: {  	[sflag:s11] =	ssyncset.done $0x0  }
0x82: {  	s9 =	rddreg [dreg:$0x8];
	[sflag:s11] =	ssyncadd.s32 $0xFFFFD800  }
0x83: {  	[tilespmem:s17], [sflag:$0x4] =	stream.indirect.gather [hbm4b:s5+s12], $0x20, s9, s12, $0xb8;
	[tilespmem:$0x1EC00] =	vst v63  }
0x84: {  	_ =	swait.ge [sflag:s18], $0x2800  }
0x85: {  	[sflag:s18] =	ssyncset.done $0x0  }
0x86: {  	[sflag:s18] =	ssyncadd.s32 $0xFFFFD800  }
0x87: {  	[spmem:s3] =	stream.indirect.scatter.add.f32 [tilespmem:s13], [sflag:$0x5], $0x20, s20, s12, $0xb8;
	[tilespmem:$0x1EC00] =	vst v63  }
0x88: {  	_ =	swait.ge [sflag:s11], $0x2800  }
0x89: {  	[sflag:s11] =	ssyncset.done $0x0  }
0x8a: {  	[sflag:s11] =	ssyncadd.s32 $0xFFFFD800  }
0x8b: {  	_ =	swait.ge [sflag:s21], $0xA00  }
0x8c: {  	[sflag:s21] =	ssyncset.done $0x0  }
0x8d: {  	[sflag:s21] =	ssyncadd.s32 $0xFFFFF600  }
0x8e: {  	[tilespmem:s13], [sflag:$0x3] =	stream.indirect.gather [hbm4b:s5+s12], $0x20, s16, s12, $0xb8;
	[tilespmem:$0x1EC00] =	vst v63  }
0x8f: {  	_ =	swait.ge [sflag:s19], $0x2800  }
0x90: {  	[sflag:s19] =	ssyncset.done $0x0  }
0x91: {  	[sflag:s19] =	ssyncadd.s32 $0xFFFFD800  }
0x92: {  	[spmem:s3] =	stream.indirect.scatter.add.f32 [tilespmem:s17], [sflag:$0x5], $0x20, s22, s12, $0xb8;
	[tilespmem:$0x1EC00] =	vst v63  }
0x93: {  	s10 =	sadd.s32 $0x1400, s10;
	p1 =	seq.s32 s7, $0x2F80;
	_ =	swait.ge [sflag:s11], $0x2800  }
0x94: {  	s7 =	sshrl.u32 @!p1 s10, $0x3;
	[sflag:s11] =	ssyncset.done $0x0  }
0x95: {  	s8 =	simm.s32 @!p1 $0x0;
	s7 =	sadd.s32 @!p1 s6, s7;
	[sflag:s11] =	ssyncadd.s32 $0xFFFFD800  }
0x96: {  	[tilespmem:s8], [sflag:$0x1] =	stream.linear.gather @!p1 [hbm4b:s7+s8], $0xA00, $0x38;
	[tilespmem:$0x1EC00] =	vst v63  }
0x97: {  	_ = 	snop  }
0x98: {  	[tilespmem:s17], [sflag:$0x4] =	stream.indirect.gather [hbm4b:s5+s12], $0x20, s23, s12, $0xb8;
	[tilespmem:$0x1EC00] =	vst v63  }
0x99: {  	_ =	swait.ge [sflag:s18], $0x2800  }
0x9a: {  	[sflag:s18] =	ssyncset.done $0x0  }
0x9b: {  	[sflag:s18] =	ssyncadd.s32 $0xFFFFD800  }
0x9c: {  	[spmem:s3] =	stream.indirect.scatter.add.f32 [tilespmem:s13], [sflag:$0x5], $0x20, s24, s12, $0xb8;
	[tilespmem:$0x1EC00] =	vst v63  }
0x9d: {  	_ =	swait.ge [sflag:s11], $0x2800  }
0x9e: {  	[sflag:s11] =	ssyncset.done $0x0  }
0x9f: {  	[sflag:s11] =	ssyncadd.s32 $0xFFFFD800  }
0xa0: {  	[tilespmem:s13], [sflag:$0x3] =	stream.indirect.gather [hbm4b:s5+s12], $0x20, s26, s12, $0xb8;
	[tilespmem:$0x1EC00] =	vst v63  }
0xa1: {  	_ =	swait.ge [sflag:s19], $0x2800  }
0xa2: {  	[sflag:s19] =	ssyncset.done $0x0  }
0xa3: {  	[sflag:s19] =	ssyncadd.s32 $0xFFFFD800  }
0xa4: {  	[spmem:s3] =	stream.indirect.scatter.add.f32 [tilespmem:s17], [sflag:$0x5], $0x20, s28, s12, $0xb8;
	[tilespmem:$0x1EC00] =	vst v63  }
0xa5: {  	_ =	swait.ge [sflag:s11], $0x2800  }
0xa6: {  	[sflag:s11] =	ssyncset.done $0x0  }
0xa7: {  	[sflag:s11] =	ssyncadd.s32 $0xFFFFD800  }
0xa8: {  	[tilespmem:s17], [sflag:$0x4] =	stream.indirect.gather [hbm4b:s5+s12], $0x20, s29, s12, $0xb8;
	[tilespmem:$0x1EC00] =	vst v63  }
0xa9: {  	_ =	swait.ge [sflag:s18], $0x2800  }
0xaa: {  	[sflag:s18] =	ssyncset.done $0x0  }
0xab: {  	[sflag:s18] =	ssyncadd.s32 $0xFFFFD800  }
0xac: {  	[spmem:s3] =	stream.indirect.scatter.add.f32 [tilespmem:s13], [sflag:$0x5], $0x20, s30, s12, $0xb8;
	[tilespmem:$0x1EC00] =	vst v63  }
0xad: {  	_ =	swait.ge [sflag:s11], $0x2800  }
0xae: {  	[sflag:s11] =	ssyncset.done $0x0  }
0xaf: {  	s7 =	simm.s32 @!p1 $0x1;
	[sflag:s11] =	ssyncadd.s32 $0xFFFFD800  }
0xb0: {  	s2 =	sadd.s32 $0x280, s2;
	_ =	swait.ge @!p1 [sflag:s7], $0xA00  }
0xb1: {  	p0 =	sne.s32 s2, $0x3200;
	[sflag:s7] =	ssyncset.done @!p1 $0x0  }
0xb2: {  	s9 =	simm.s32 @!p1 $0x1400;
	[sflag:s7] =	ssyncadd.s32 @!p1 $0xFFFFF600;
	s7 =	simm.s32 @!p1 $0x140  }
0xb3: {  	[tilespmem:s9], [sflag:$0x3] =	stream.indirect.gather @!p1 [hbm4b:s5+s7], $0x20, s8, s7, $0xb8;
	[tilespmem:$0x1EC00] =	vst v63  }
.Ltmp0:
0xb4: {  	_ =	swait.ge [sflag:s19], $0x2800;
	(pc) =	sbr.rel @p0 .LBB2_2-.Ltmp0, $4  }
0xb5: {  	[sflag:s19] =	ssyncset.done $0x0  }
0xb6: {  	[sflag:s19] =	ssyncadd.s32 $0xFFFFD800  }
0xb7: {  	[spmem:s3] =	stream.indirect.scatter.add.f32 [tilespmem:s17], [sflag:$0x5], $0x20, s31, s12, $0xb8;
	[tilespmem:$0x1EC00] =	vst v63  }
0xb8: {  	_ =	swait.ge [sflag:s11], $0x2800  }
0xb9: {  	[sflag:s11] =	ssyncset.done $0x0  }
0xba: {  	[sflag:s11] =	ssyncadd.s32 $0xFFFFD800  }
0xbb: {  	[bflag:$0x0] =	sbarrier.arrive $0xFFFF  }
0xbc: {  	s2 =	rddreg [dreg:$0xa]  }
0xbd: {  	[hbm:s2], [sflag:s14] =	dma.local [spmem:s25], $0x30E0  }
0xbe: {  	_ =	swait.ge [sflag:s11], $0x30E0  }
0xbf: {  	s0 =	sadd.s32 $0x1, s0;
	s10 =	rddreg [dreg:$0xb]  }
0xc0: {  	p0 =	sne.s32 s0, s10  }
.Ltmp1:
0xc1: {  	_ = 	snop;
	(pc) =	sbr.rel @p0 .LBB2_1-.Ltmp1, $3  }
0xc2: {  	_ =	sdelay $0x1  }
0xc3: {  	[sflag:s11] =	ssyncset.done $0x0  }
0xc4: {  	[sflag:s11] =	ssyncadd.s32 $0xFFFFCF20  }
0xc5: {  	_ =	sfence.sel $0x180000  }
0xc6: {  	[bflag:$0x0] =	sbarrier.arrive $0xFFFF  }
0xc7: {  	_ =	strace $0x9000004D  }
0xc8: {  	s0 =	stileid.u32;
	[bflag:$0x2] =	sbarrier.arrive $0xFFFF  }
0xc9: {  	p0 =	sne.s32 s0, $0x0;
	s0 =	rddreg [dreg:$0x3]  }
0xca: {  	s0 =	sadd.s32 @!p0 $0x100000, s0  }
0xcb: {  	[sflag:s0] =	ssyncadd.tile.s32 @!p0 $0x1;
	_ =	shalt  }
.Lfunc_end2:
_tile_overlayer_lowered:
.L_overlay_start_2:
0xcc: {  	(tag) =	ssettag $0x2  }
0xcd: {  	s0 =	rddreg [dreg:$0x0];
	s2 =	stileid.u32  }
0xce: {  	s1 =	rddreg [dreg:$0x1];
	p0 =	sne.s32 s2, $0x0  }
0xcf: {  	s3 =	rddreg [dreg:$0x2];
	[bflag:$0x3] =	sbarrier.arrive $0xFFFF;
	s2 =	simm.s32 @!p0 $0x1C05  }
0xd0: {  	[timem:s3], [sflag:s2] =	dma.local @!p0 [hbm:s0], s1  }
0xd1: {  	s0 =	simm.s32 @!p0 $0x5  }
0xd2: {  	_ =	swait.ge @!p0 [sflag:s0], s1  }
0xd3: {  	s1 =	ssub.s32 @!p0 $0x0, s1;
	[sflag:s0] =	ssyncset.done @!p0 $0x0  }
0xd4: {  	[sflag:s0] =	ssyncadd.s32 @!p0 s1  }
0xd5: {  	[bflag:$0x3] =	sbarrier.arrive $0xFFFF  }
0xd6: {  	_ =	shalt  }

// kernel: kernel.21.cloned.1.call-start
scs
__scs_entry_jumppad:
0x0: {  	(pc) =	sbr.rel $0x88, $3  }
0x1: {  	(tag) =	ssettag $0x0;
	lr =	simm.s32 $0x1  }
0x2: {  	[smem:$0x3F8E] =	sst lr;
	_ =	strace $0xD0000000  }
0x3: {  	_ = 	snop  }
0x4: {  	_ = 	snop  }
0x5: {  	_ = 	snop  }
0x6: {  	_ = 	snop  }
0x7: {  	_ = 	snop  }
__scs_overlays_trampoline_lowered:
0x8: {  	[smem:$0x3F9D] =	sst s0  }
0x9: {  	[smem:$0x3F9E] =	sst s1  }
0xa: {  	[smem:$0x3F9F] =	sst s2  }
0xb: {  	[smem:$0x3FA0] =	sst s3  }
0xc: {  	[smem:$0x3FA1] =	sst s4  }
0xd: {  	[smem:$0x3FA2] =	sst s5  }
0xe: {  	[smem:$0x3FA3] =	sst s6  }
0xf: {  	[smem:$0x3FA4] =	sst s7  }
0x10: {  	[smem:$0x3FA5] =	sst s8  }
0x11: {  	[smem:$0x3FA6] =	sst s9;
	s0 =	simm.s32 @!p0 $0x0  }
0x12: {  	s1 =	sld [smem:$0x3F8C];
	s0 =	simm.s32 @p0 $0x1  }
0x13: {  	[smem:$0x3FA7] =	sst s0;
	s0 =	simm.s32 @!p1 $0x0  }
0x14: {  	s2 =	sld [smem:$0x3F8B];
	s0 =	simm.s32 @p1 $0x1  }
0x15: {  	[smem:$0x3FA8] =	sst s0;
	s0 =	simm.s32 @!p2 $0x0  }
0x16: {  	s3 =	sld [smem:$0x3FDB];
	s0 =	simm.s32 @p2 $0x1  }
0x17: {  	s4 =	simm.s32 $0x1BF5;
	[smem:$0x3FAA] =	sst s0  }
0x18: {  	s0 =	sld [smem:$0x3F8D];
	_ =	swait.ge [sflag:s4], $0x0  }
0x19: {  	s7 =	sld [smem:$0x3F8E]  }
0x1a: {  	s8 =	sadd.s32 $0xFFFFE003, lr  }
0x1b: {  	s9 =	sadd.s32 $0xFFFFFEF7, lr;
	s5 =	simm.s32 $0xFFFFFFFF;
	p2 =	slt.u32 s8, $0xFFFFF086  }
0x1c: {  	p1 =	slt.u32 s9, $0xF7A;
	s5 =	simm.s32 @!p2 $0x0  }
0x1d: {  	s5 =	simm.s32 @p1 $0x1;
	p0 =	seq.s32 s7, s2  }
0x1e: {  	s7 =	smul.u32 @!p0 $0xF7A, s2;
	p2 =	seq.s32 @!p0 s5, $0x0  }
0x1f: {  	s9 =	smul.u32 $0xF7A, s1;
	s8 =	simm.s32 @!p0 $0x1BF5;
	p2 =	por !p2, p0  }
0x20: {  	[sflag:s8] =	ssyncset.s32 @!p0 $0xFFFFF086;
	s6 =	sadd.s32 @!p0 s3, s7;
	s7 =	simm.s32 @!p0 $0x108  }
0x21: {  	s3 =	sadd.s32 s3, s9;
	s6 =	sadd.s32 @!p0 $0x88, s6;
	s7 =	simm.s32 @p2 $0x1082  }
0x22: {  	[simem:s7], [sflag:s8] =	dma.local @!p0 [hbm:s6], $0xF7A  }
0x23: {  	s9 =	sor.u32 $0xD0000000, s2;
	s6 =	simm.s32 $0x108;
	_ =	swait.ge @!p0 [sflag:s8], $0x0  }
0x24: {  	s3 =	sadd.s32 $0x88, s3;
	s6 =	simm.s32 @!p1 $0x1082;
	[sflag:s4] =	ssyncset.s32 $0xFFFFF086  }
0x25: {  	[simem:s6], [sflag:s4] =	dma.local [hbm:s3], $0xF7A  }
0x26: {  	[smem:$0x3F8E] =	sst s1;
	(tag) =	ssettag s2;
	_ =	strace s9  }
0x27: {  	s1 =	sld [smem:$0x3F9E]  }
0x28: {  	s2 =	sld [smem:$0x3F9F]  }
0x29: {  	s4 =	sld [smem:$0x3FA1]  }
0x2a: {  	p0 =	seq.s32 s5, $0x0;
	s5 =	sld [smem:$0x3FA2]  }
0x2b: {  	s6 =	sld [smem:$0x3FA3]  }
0x2c: {  	s7 =	sld [smem:$0x3FA4]  }
0x2d: {  	s3 =	simm.s32 $0x108;
	s8 =	sld [smem:$0x3FA5]  }
0x2e: {  	s3 =	simm.s32 @!p0 $0x1082;
	s9 =	sld [smem:$0x3FA6]  }
0x2f: {  	lr =	sadd.s32 s0, s3;
	s0 =	sld [smem:$0x3F9D]  }
0x30: {  	s3 =	sld [smem:$0x3FA0]  }
0x31: {  	[smem:$0x3FA9] =	sst s10  }
0x32: {  	s10 =	sld [smem:$0x3FA7];
	_ =	sdelay $0x3  }
0x33: {  	p0 =	seq.s32 s10, $0x1;
	s10 =	sld [smem:$0x3FA9];
	_ =	sdelay $0x3  }
0x34: {  	[smem:$0x3FA9] =	sst s10  }
0x35: {  	s10 =	sld [smem:$0x3FA8];
	_ =	sdelay $0x3  }
0x36: {  	p1 =	seq.s32 s10, $0x1;
	s10 =	sld [smem:$0x3FA9];
	_ =	sdelay $0x3  }
0x37: {  	[smem:$0x3FA9] =	sst s10  }
0x38: {  	s10 =	sld [smem:$0x3FAA]  }
0x39: {  	_ = 	snop;
	(pc) =	sbr.ind lr, $3  }
0x3a: {  	_ = 	snop  }
0x3b: {  	_ = 	snop  }
0x3c: {  	p2 =	seq.s32 s10, $0x1;
	s10 =	sld [smem:$0x3FA9]  }
0x3d: {  	_ =	shalt  }
0x3e: {  	_ =	shalt  }
0x3f: {  	_ =	shalt  }
0x40: {  	_ =	shalt  }
0x41: {  	_ =	shalt  }
0x42: {  	_ =	shalt  }
0x43: {  	_ =	shalt  }
0x44: {  	_ =	shalt  }
0x45: {  	_ =	shalt  }
0x46: {  	_ =	shalt  }
0x47: {  	_ =	shalt  }
0x48: {  	_ =	shalt  }
0x49: {  	_ =	shalt  }
0x4a: {  	_ =	shalt  }
0x4b: {  	_ =	shalt  }
0x4c: {  	_ =	shalt  }
0x4d: {  	_ =	shalt  }
0x4e: {  	_ =	shalt  }
0x4f: {  	_ =	shalt  }
0x50: {  	_ =	shalt  }
0x51: {  	_ =	shalt  }
0x52: {  	_ =	shalt  }
0x53: {  	_ =	shalt  }
0x54: {  	_ =	shalt  }
0x55: {  	_ =	shalt  }
0x56: {  	_ =	shalt  }
0x57: {  	_ =	shalt  }
0x58: {  	_ =	shalt  }
0x59: {  	_ =	shalt  }
0x5a: {  	_ =	shalt  }
0x5b: {  	_ =	shalt  }
0x5c: {  	_ =	shalt  }
0x5d: {  	_ =	shalt  }
0x5e: {  	_ =	shalt  }
0x5f: {  	_ =	shalt  }
0x60: {  	_ =	shalt  }
0x61: {  	_ =	shalt  }
0x62: {  	_ =	shalt  }
0x63: {  	_ =	shalt  }
0x64: {  	_ =	shalt  }
0x65: {  	_ =	shalt  }
0x66: {  	_ =	shalt  }
0x67: {  	_ =	shalt  }
0x68: {  	_ =	shalt  }
0x69: {  	_ =	shalt  }
0x6a: {  	_ =	shalt  }
0x6b: {  	_ =	shalt  }
0x6c: {  	_ =	shalt  }
0x6d: {  	_ =	shalt  }
0x6e: {  	_ =	shalt  }
0x6f: {  	_ =	shalt  }
0x70: {  	_ =	shalt  }
0x71: {  	_ =	shalt  }
0x72: {  	_ =	shalt  }
0x73: {  	_ =	shalt  }
0x74: {  	_ =	shalt  }
0x75: {  	_ =	shalt  }
0x76: {  	_ =	shalt  }
0x77: {  	_ =	shalt  }
0x78: {  	_ =	shalt  }
0x79: {  	_ =	shalt  }
0x7a: {  	_ =	shalt  }
0x7b: {  	_ =	shalt  }
0x7c: {  	_ =	shalt  }
0x7d: {  	_ =	shalt  }
0x7e: {  	_ =	shalt  }
0x7f: {  	_ =	shalt  }
0x80: {  	_ =	shalt  }
0x81: {  	_ =	shalt  }
0x82: {  	_ =	shalt  }
0x83: {  	_ =	shalt  }
0x84: {  	_ =	shalt  }
0x85: {  	_ =	shalt  }
0x86: {  	_ =	shalt  }
0x87: {  	_ =	shalt  }
.Lfunc_end0:
.L_simem_size_0:
called_computation.3_lowered:
.L_overlay_start_0:
0x88: {  	s2 =	sld [smem:$0x3FD9]  }
0x89: {  	s3 =	sld [smem:$0x3FFE];
	_ =	sdelay $0x1  }
0x8a: {  	s1 =	srdreg.scid  }
0x8b: {  	s0 =	sand.u32 $0x1, s1  }
0x8c: {  	s14 =	sshll.u32 s0, $0xA;
	s2 =	sadd.s32 s3, s2  }
0x8d: {  	s2 =	sadd.s32 s2, s14  }
0x8e: {  	[smem:$0x3FB5] =	sst s2  }
0x8f: {  	_ = 	snop  }
0x90: {  	s2 =	sld [smem:$0x3FD0];
	_ =	sdelay $0x2  }
0x91: {  	s15 =	simm.s32 $0xA;
	s4 =	simm.s32 $0x10  }
0x92: {  	[smem:s4], [sflag:s15] =	dma.local [hbm:s2], $0x1  }
0x93: {  	_ =	swait.eq [sflag:s15], $0x1  }
0x94: {  	[sflag:s15] =	ssyncset.done $0x0  }
0x95: {  	[sflag:s15] =	ssyncadd.s32 $0xFFFFFFFF  }
0x96: {  	s16 =	sld [smem:$0x10];
	(tm) =	ssettm $0x1  }
0x97: {  	s17 =	sld [smem:$0x3FFB];
	_ =	sdelay $0x3  }
0x98: {  	_ =	strace s17  }
0x99: {  	s3 =	sld [smem:$0x3FFC];
	_ =	sdelay $0x3  }
0x9a: {  	_ =	strace s3  }
0x9b: {  	s3 =	sld [smem:$0x3FFD];
	_ =	sdelay $0x3  }
0x9c: {  	_ =	strace s3  }
0x9d: {  	_ =	strace $0x8FFFFFFF  }
0x9e: {  	s18 =	sld [smem:$0x3FDB];
	_ =	sdelay $0x1  }
0x9f: {  	s19 =	simm.s32 $_scs_section_size  }
0xa0: {  	s5 =	simm.s32 $_size__tile_overlayer_lowered;
	s6 =	simm.s32 $_tile_overlayer_lowered  }
0xa1: {  	s22 =	simm.s32 $0x1BFF;
	s21 =	sshll.u32 s6, $0x1;
	s3 =	sadd.s32 s19, s18  }
0xa2: {  	s7 =	simm.s32 $0x0;
	s20 =	sshll.u32 s5, $0x1;
	s5 =	sadd.s32 s21, s3  }
0xa3: {  	[timem:s7], [sflag:s22] =	dma.local [hbm:s5], s20  }
0xa4: {  	_ =	swait.ge [sflag:s22], s20  }
0xa5: {  	s4 =	ssub.s32 $0x0, s20;
	[sflag:s22] =	ssyncset.done $0x0  }
0xa6: {  	[sflag:s22] =	ssyncadd.s32 s4;
	_ =	sdelay $0x1  }
0xa7: {  	s23 =	simm.s32 $0x1B8B  }
0xa8: {  	_ =	swait.ge [sflag:s23], $0x1  }
0xa9: {  	[sflag:s23] =	ssyncset.done $0x0  }
0xaa: {  	s25 =	simm.s32 $0x1B8E;
	s24 =	sld [smem:$0x3FFE];
	[sflag:s23] =	ssyncadd.s32 $0xFFFFFFFF  }
0xab: {  	s26 =	simm.s32 $execute0_lowered;
	[smem:$0x3FD2] =	sst s25  }
0xac: {  	s5 =	sshll.u32 s26, $0x1;
	_ =	strace $0x8000004F;
	[dreg:$0x1] =	wrdreg $0xFFFFFFFF  }
0xad: {  	s28 =	simm.s32 $_size_execute0_lowered;
	s3 =	sadd.s32 s3, s5;
	[dreg:$0x0] =	wrdreg $0x0  }
0xae: {  	s5 =	sshll.u32 s28, $0x1;
	[dreg:$0x2] =	wrdreg s3  }
0xaf: {  	[dreg:$0x3] =	wrdreg s5  }
0xb0: {  	[dreg:$0x4] =	wrdreg $0xC0  }
0xb1: {  	_ =	task [dreg:s7], $0x5FFFF  }
0xb2: {  	[dreg:$0x1] =	wrdreg $0xFFFFFFFF  }
0xb3: {  	[dreg:$0x0] =	wrdreg $0x60  }
0xb4: {  	[dreg:$0x2] =	wrdreg s24  }
0xb5: {  	[dreg:$0x3] =	wrdreg s16  }
0xb6: {  	[dreg:$0x4] =	wrdreg $0x64000  }
0xb7: {  	[dreg:$0x5] =	wrdreg $0x9  }
0xb8: {  	_ =	task.clear_ibuf [dreg:s7], $0x6FFFF;
	_ =	strace $0x9000004F  }
0xb9: {  	s29 =	simm.s32 $0x9;
	_ =	strace $0x80000051  }
0xba: {  	_ =	swait.ge [sflag:s29], $0x1  }
0xbb: {  	[sflag:s29] =	ssyncadd.s32 $0xFFFFFFFF  }
0xbc: {  	_ =	strace $0x90000051  }
0xbd: {  	_ =	sfence  }
0xbe: {  	s30 =	sld [smem:$0x0];
	_ =	sdelay $0x2  }
0xbf: {  	s31 =	sshll.u32 s1, $0xD;
	s1 =	sshrl.u32 s1, $0x2  }
0xc0: {  	s3 =	sand.u32 $0x4000, s31;
	s1 =	sadd.s32 s1, s30  }
0xc1: {  	s0 =	sor.u32 s3, s0;
	s1 =	sshll.u32 s1, $0x11  }
0xc2: {  	s0 =	sor.u32 s1, s0  }
0xc3: {  	s0 =	sadd.s32 $0x8F2B, s0  }
0xc4: {  	[sflag:s0] =	ssyncadd.remote.s32 $0x1  }
0xc5: {  	_ =	sfence.sel $0xFFFF  }
0xc6: {  	[dreg:$0x0] =	wrdreg $0xFFFFFFFF;
	(pc) =	sbr.abs _section_cstart, $3  }
0xc7: {  	[dreg:$0x1] =	wrdreg $0xFFFFFFFF  }
0xc8: {  	_ =	task.clear_ibuf [dreg:s7], $0x2FFFF;
	_ =	strace $0x9FFFFFFF  }
0xc9: {  	(tm) =	ssettm $0x7FFFFFFF  }
tec
execute0_lowered:
.L_overlay_start_1:
0x0: {  	(tag) =	ssettag $0x1  }
0x1: {  	s0 =	rddreg [dreg:$0x0]  }
0x2: {  	s3 =	rddreg [dreg:$0x2];
	s4 =	simm.s32 $0x0  }
0x3: {  	s13 =	stileid.u32;
	s1 =	srdreg.scid;
	s12 =	simm.s32 $0x140  }
0x4: {  	s23 =	simm.s32 $0x280;
	s16 =	simm.s32 $0xA00;
	s17 =	simm.s32 $0x3C00  }
0x5: {  	s18 =	simm.s32 $0x3;
	s20 =	simm.s32 $0x640;
	s28 =	simm.s32 $0xDC0  }
0x6: {  	s29 =	simm.s32 $0x1180;
	s30 =	simm.s32 $0x1040;
	s31 =	simm.s32 $0x12C0  }
0x7: {  	[smem:$0x7FF] =	sst s4;
	s2 =	smul.u32 $0xC38, s13;
	s1 =	sand.u32 $0x1, s1  }
0x8: {  	s5 =	sadd.s32 $0x99200, s0;
	s6 =	sadd.s32 $0x35200, s0;
	s9 =	smul.u32 $0x19000, s13  }
0x9: {  	s11 =	smul.u32 $0x62000, s13;
	s22 =	sshll.u32 s13, $0x6;
	s13 =	simm.s32 $0x1400  }
0xa: {  	s19 =	simm.s32 $0x4;
	_ =	strace $0x80000050;
	s7 =	smul.u32 $0x186A00, s1  }
0xb: {  	s8 =	smul.u32 $0x190000, s1;
	s1 =	ssub.s32 $0x2, s1;
	s14 =	sor.u32 $0x1C05, s22  }
0xc: {  	[dreg:$0x5] =	wrdreg s23;
	s22 =	simm.s32 $0x8C0;
	s23 =	simm.s32 $0xC80  }
0xd: {  	s2 =	smin.u32 s2, $0xB718;
	s10 =	sshrl.u32 s1, $0x1;
	s25 =	sshrl.u32 s11, $0x2  }
0xe: {  	s11 =	simm.s32 $0x5;
	s2 =	sshll.u32 s2, $0x5;
	s1 =	ssub.s32 s1, s10  }
0xf: {  	s24 =	sadd.s32 s9, s8;
	s15 =	sadd.s32 s25, s3;
	s25 =	simm.s32 $0x3C0  }
0x10: {  	s7 =	sadd.s32 s7, s2;
	s8 =	sshrl.u32 s24, $0x3;
	s26 =	sor.u32 $0xA00, s24  }
0x11: {  	s10 =	sadd.s32 s2, s3;
	s1 =	smax.u32 s1, $0x1;
	s15 =	sshrl.u32 s15, $0x3  }
0x12: {  	[dreg:$0x7] =	wrdreg s25;
	s7 =	sshrl.u32 s7, $0x3;
	s8 =	sadd.s32 s6, s8  }
0x13: {  	[dreg:$0xb] =	wrdreg s1;
	s1 =	sadd.s32 $0x1400, s24;
	s24 =	simm.s32 $0x500  }
0x14: {  	s25 =	sshrl.u32 s10, $0x3;
	s0 =	sadd.s32 s7, s0;
	[dreg:$0x9] =	wrdreg s8  }
0x15: {  	s8 =	sshrl.u32 s26, $0x3;
	[dreg:$0x6] =	wrdreg s24;
	s26 =	simm.s32 $0x780  }
0x16: {  	s24 =	simm.s32 $0xB40;
	s0 =	sadd.s32 $0xFAE00, s0;
	[dreg:$0x8] =	wrdreg s26  }
0x17: {  	s21 =	sadd.s32 s8, s6;
	s26 =	simm.s32 $0xF00;
	[dreg:$0xa] =	wrdreg s0  }
0x18: {  	[dreg:$0x4] =	wrdreg s21;
	s21 =	simm.s32 $0x2;
	s0 =	simm.s32 $0x0  }
.LBB2_1:
0x19: {  	s2 =	rddreg [dreg:$0x9]  }
0x1a: {  	[tilespmem:s4], [sflag:$0x5] =	stream.linear.gather [hbm4b:s2+s4], $0xA00, $0x38;
	[tilespmem:$0x1EC00] =	vst v63  }
0x1b: {  	_ =	swait.ge [sflag:s11], $0xA00  }
0x1c: {  	[sflag:s11] =	ssyncset.done $0x0  }
0x1d: {  	[sflag:s11] =	ssyncadd.s32 $0xFFFFF600  }
0x1e: {  	[tilespmem:s13], [sflag:$0x3] =	stream.indirect.gather [hbm4b:s5+s12], $0x20, s4, s12, $0xb8;
	[tilespmem:$0x1EC00] =	vst v63  }
0x1f: {  	s10 =	rddreg [dreg:$0x1]  }
0x20: {  	[spmem:s15], [sflag:s14] =	dma.local [hbm:s10], $0x3100  }
0x21: {  	_ =	swait.ge [sflag:s11], $0x3100  }
0x22: {  	[sflag:s11] =	ssyncset.done $0x0  }
0x23: {  	[sflag:s11] =	ssyncadd.s32 $0xFFFFCF00  }
0x24: {  	[bflag:$0x0] =	sbarrier.arrive $0xFFFF  }
0x25: {  	s7 =	rddreg [dreg:$0x4]  }
0x26: {  	s2 =	sadd.s32 $0x0, s7  }
0x27: {  	[tilespmem:s16], [sflag:$0x2] =	stream.linear.gather [hbm4b:s2+s4], $0xA00, $0x38;
	[tilespmem:$0x1EC00] =	vst v63  }
0x28: {  	s7 =	rddreg [dreg:$0x5]  }
0x29: {  	[tilespmem:s17], [sflag:$0x4] =	stream.indirect.gather [hbm4b:s5+s12], $0x20, s7, s12, $0xb8;
	[tilespmem:$0x1EC00] =	vst v63  }
0x2a: {  	_ =	swait.ge [sflag:s18], $0x2800  }
0x2b: {  	[sflag:s18] =	ssyncset.done $0x0  }
0x2c: {  	[sflag:s18] =	ssyncadd.s32 $0xFFFFD800  }
0x2d: {  	[spmem:s3] =	stream.indirect.scatter.add.f32 [tilespmem:s13], [sflag:$0x5], $0x20, s12, s12, $0xb8;
	[tilespmem:$0x1EC00] =	vst v63  }
0x2e: {  	_ =	swait.ge [sflag:s11], $0x2800  }
0x2f: {  	[sflag:s11] =	ssyncset.done $0x0  }
0x30: {  	s8 =	rddreg [dreg:$0x6];
	[sflag:s11] =	ssyncadd.s32 $0xFFFFD800  }
0x31: {  	[tilespmem:s13], [sflag:$0x3] =	stream.indirect.gather [hbm4b:s5+s12], $0x20, s8, s12, $0xb8;
	[tilespmem:$0x1EC00] =	vst v63  }
0x32: {  	_ =	swait.ge [sflag:s19], $0x2800  }
0x33: {  	[sflag:s19] =	ssyncset.done $0x0  }
0x34: {  	s9 =	rddreg [dreg:$0x7];
	[sflag:s19] =	ssyncadd.s32 $0xFFFFD800  }
0x35: {  	[spmem:s3] =	stream.indirect.scatter.add.f32 [tilespmem:s17], [sflag:$0x5], $0x20, s9, s12, $0xb8;
	[tilespmem:$0x1EC00] =	vst v63  }
0x36: {  	_ =	swait.ge [sflag:s11], $0x2800  }
0x37: {  	[sflag:s11] =	ssyncset.done $0x0  }
0x38: {  	s10 =	rddreg [dreg:$0x8];
	[sflag:s11] =	ssyncadd.s32 $0xFFFFD800  }
0x39: {  	[tilespmem:s17], [sflag:$0x4] =	stream.indirect.gather [hbm4b:s5+s12], $0x20, s10, s12, $0xb8;
	[tilespmem:$0x1EC00] =	vst v63  }
0x3a: {  	_ =	swait.ge [sflag:s18], $0x2800  }
0x3b: {  	[sflag:s18] =	ssyncset.done $0x0  }
0x3c: {  	[sflag:s18] =	ssyncadd.s32 $0xFFFFD800  }
0x3d: {  	[spmem:s3] =	stream.indirect.scatter.add.f32 [tilespmem:s13], [sflag:$0x5], $0x20, s20, s12, $0xb8;
	[tilespmem:$0x1EC00] =	vst v63  }
0x3e: {  	_ =	swait.ge [sflag:s11], $0x2800  }
0x3f: {  	[sflag:s11] =	ssyncset.done $0x0  }
0x40: {  	[sflag:s11] =	ssyncadd.s32 $0xFFFFD800  }
0x41: {  	_ =	swait.ge [sflag:s21], $0xA00  }
0x42: {  	[sflag:s21] =	ssyncset.done $0x0  }
0x43: {  	[sflag:s21] =	ssyncadd.s32 $0xFFFFF600  }
0x44: {  	[tilespmem:s13], [sflag:$0x3] =	stream.indirect.gather [hbm4b:s5+s12], $0x20, s16, s12, $0xb8;
	[tilespmem:$0x1EC00] =	vst v63  }
0x45: {  	_ =	swait.ge [sflag:s19], $0x2800  }
0x46: {  	[sflag:s19] =	ssyncset.done $0x0  }
0x47: {  	[sflag:s19] =	ssyncadd.s32 $0xFFFFD800  }
0x48: {  	[spmem:s3] =	stream.indirect.scatter.add.f32 [tilespmem:s17], [sflag:$0x5], $0x20, s22, s12, $0xb8;
	[tilespmem:$0x1EC00] =	vst v63  }
0x49: {  	p0 =	por $0x0, $0x0;
	_ =	swait.ge [sflag:s11], $0x2800  }
0x4a: {  	s2 =	sshrl.u32 @!p0 s1, $0x3;
	[sflag:s11] =	ssyncset.done $0x0  }
0x4b: {  	s2 =	sadd.s32 @!p0 s6, s2;
	s7 =	simm.s32 @!p0 $0x0;
	[sflag:s11] =	ssyncadd.s32 $0xFFFFD800  }
0x4c: {  	[tilespmem:s7], [sflag:$0x1] =	stream.linear.gather @!p0 [hbm4b:s2+s7], $0xA00, $0x38;
	[tilespmem:$0x1EC00] =	vst v63  }
0x4d: {  	_ = 	snop  }
0x4e: {  	[tilespmem:s17], [sflag:$0x4] =	stream.indirect.gather [hbm4b:s5+s12], $0x20, s23, s12, $0xb8;
	[tilespmem:$0x1EC00] =	vst v63  }
0x4f: {  	_ =	swait.ge [sflag:s18], $0x2800  }
0x50: {  	[sflag:s18] =	ssyncset.done $0x0  }
0x51: {  	[sflag:s18] =	ssyncadd.s32 $0xFFFFD800  }
0x52: {  	[spmem:s3] =	stream.indirect.scatter.add.f32 [tilespmem:s13], [sflag:$0x5], $0x20, s24, s12, $0xb8;
	[tilespmem:$0x1EC00] =	vst v63  }
0x53: {  	_ =	swait.ge [sflag:s11], $0x2800  }
0x54: {  	[sflag:s11] =	ssyncset.done $0x0  }
0x55: {  	[sflag:s11] =	ssyncadd.s32 $0xFFFFD800  }
0x56: {  	[tilespmem:s13], [sflag:$0x3] =	stream.indirect.gather [hbm4b:s5+s12], $0x20, s26, s12, $0xb8;
	[tilespmem:$0x1EC00] =	vst v63  }
0x57: {  	_ =	swait.ge [sflag:s19], $0x2800  }
0x58: {  	[sflag:s19] =	ssyncset.done $0x0  }
0x59: {  	[sflag:s19] =	ssyncadd.s32 $0xFFFFD800  }
0x5a: {  	[spmem:s3] =	stream.indirect.scatter.add.f32 [tilespmem:s17], [sflag:$0x5], $0x20, s28, s12, $0xb8;
	[tilespmem:$0x1EC00] =	vst v63  }
0x5b: {  	_ =	swait.ge [sflag:s11], $0x2800  }
0x5c: {  	[sflag:s11] =	ssyncset.done $0x0  }
0x5d: {  	[sflag:s11] =	ssyncadd.s32 $0xFFFFD800  }
0x5e: {  	[tilespmem:s17], [sflag:$0x4] =	stream.indirect.gather [hbm4b:s5+s12], $0x20, s29, s12, $0xb8;
	[tilespmem:$0x1EC00] =	vst v63  }
0x5f: {  	_ =	swait.ge [sflag:s18], $0x2800  }
0x60: {  	[sflag:s18] =	ssyncset.done $0x0  }
0x61: {  	[sflag:s18] =	ssyncadd.s32 $0xFFFFD800  }
0x62: {  	[spmem:s3] =	stream.indirect.scatter.add.f32 [tilespmem:s13], [sflag:$0x5], $0x20, s30, s12, $0xb8;
	[tilespmem:$0x1EC00] =	vst v63  }
0x63: {  	_ =	swait.ge [sflag:s11], $0x2800  }
0x64: {  	[sflag:s11] =	ssyncset.done $0x0  }
0x65: {  	s2 =	simm.s32 @!p0 $0x1;
	[sflag:s11] =	ssyncadd.s32 $0xFFFFD800  }
0x66: {  	_ =	swait.ge @!p0 [sflag:s2], $0xA00  }
0x67: {  	[sflag:s2] =	ssyncset.done @!p0 $0x0  }
0x68: {  	s10 =	simm.s32 @!p0 $0x1400;
	[sflag:s2] =	ssyncadd.s32 @!p0 $0xFFFFF600;
	s2 =	simm.s32 @!p0 $0x140  }
0x69: {  	[tilespmem:s10], [sflag:$0x3] =	stream.indirect.gather @!p0 [hbm4b:s5+s2], $0x20, s7, s2, $0xb8;
	[tilespmem:$0x1EC00] =	vst v63  }
0x6a: {  	_ =	swait.ge [sflag:s19], $0x2800  }
0x6b: {  	[sflag:s19] =	ssyncset.done $0x0  }
0x6c: {  	[sflag:s19] =	ssyncadd.s32 $0xFFFFD800  }
0x6d: {  	[spmem:s3] =	stream.indirect.scatter.add.f32 [tilespmem:s17], [sflag:$0x5], $0x20, s31, s12, $0xb8;
	[tilespmem:$0x1EC00] =	vst v63  }
0x6e: {  	s2 =	simm.s32 $0x280;
	s10 =	smov.u32 s1;
	_ =	swait.ge [sflag:s11], $0x2800  }
.LBB2_2:
0x6f: {  	s8 =	rddreg [dreg:$0x4];
	s7 =	smov.u32 s2;
	[sflag:s11] =	ssyncset.done $0x0  }
0x70: {  	s8 =	sadd.s32 s7, s8;
	[sflag:s11] =	ssyncadd.s32 $0xFFFFD800  }
0x71: {  	[tilespmem:s16], [sflag:$0x2] =	stream.linear.gather [hbm4b:s8+s4], $0xA00, $0x38;
	[tilespmem:$0x1EC00] =	vst v63  }
0x72: {  	s9 =	rddreg [dreg:$0x5]  }
0x73: {  	[tilespmem:s17], [sflag:$0x4] =	stream.indirect.gather [hbm4b:s5+s12], $0x20, s9, s12, $0xb8;
	[tilespmem:$0x1EC00] =	vst v63  }
0x74: {  	_ =	swait.ge [sflag:s18], $0x2800  }
0x75: {  	[sflag:s18] =	ssyncset.done $0x0  }
0x76: {  	[sflag:s18] =	ssyncadd.s32 $0xFFFFD800  }
0x77: {  	[spmem:s3] =	stream.indirect.scatter.add.f32 [tilespmem:s13], [sflag:$0x5], $0x20, s12, s12, $0xb8;
	[tilespmem:$0x1EC00] =	vst v63  }
0x78: {  	_ =	swait.ge [sflag:s11], $0x2800  }
0x79: {  	[sflag:s11] =	ssyncset.done $0x0  }
0x7a: {  	s9 =	rddreg [dreg:$0x6];
	[sflag:s11] =	ssyncadd.s32 $0xFFFFD800  }
0x7b: {  	[tilespmem:s13], [sflag:$0x3] =	stream.indirect.gather [hbm4b:s5+s12], $0x20, s9, s12, $0xb8;
	[tilespmem:$0x1EC00] =	vst v63  }
0x7c: {  	_ =	swait.ge [sflag:s19], $0x2800  }
0x7d: {  	[sflag:s19] =	ssyncset.done $0x0  }
0x7e: {  	s9 =	rddreg [dreg:$0x7];
	[sflag:s19] =	ssyncadd.s32 $0xFFFFD800  }
0x7f: {  	[spmem:s3] =	stream.indirect.scatter.add.f32 [tilespmem:s17], [sflag:$0x5], $0x20, s9, s12, $0xb8;
	[tilespmem:$0x1EC00] =	vst v63  }
0x80: {  	_ =	swait.ge [sflag:s11], $0x2800  }
0x81: {  	[sflag:s11] =	ssyncset.done $0x0  }
0x82: {  	s9 =	rddreg [dreg:$0x8];
	[sflag:s11] =	ssyncadd.s32 $0xFFFFD800  }
0x83: {  	[tilespmem:s17], [sflag:$0x4] =	stream.indirect.gather [hbm4b:s5+s12], $0x20, s9, s12, $0xb8;
	[tilespmem:$0x1EC00] =	vst v63  }
0x84: {  	_ =	swait.ge [sflag:s18], $0x2800  }
0x85: {  	[sflag:s18] =	ssyncset.done $0x0  }
0x86: {  	[sflag:s18] =	ssyncadd.s32 $0xFFFFD800  }
0x87: {  	[spmem:s3] =	stream.indirect.scatter.add.f32 [tilespmem:s13], [sflag:$0x5], $0x20, s20, s12, $0xb8;
	[tilespmem:$0x1EC00] =	vst v63  }
0x88: {  	_ =	swait.ge [sflag:s11], $0x2800  }
0x89: {  	[sflag:s11] =	ssyncset.done $0x0  }
0x8a: {  	[sflag:s11] =	ssyncadd.s32 $0xFFFFD800  }
0x8b: {  	_ =	swait.ge [sflag:s21], $0xA00  }
0x8c: {  	[sflag:s21] =	ssyncset.done $0x0  }
0x8d: {  	[sflag:s21] =	ssyncadd.s32 $0xFFFFF600  }
0x8e: {  	[tilespmem:s13], [sflag:$0x3] =	stream.indirect.gather [hbm4b:s5+s12], $0x20, s16, s12, $0xb8;
	[tilespmem:$0x1EC00] =	vst v63  }
0x8f: {  	_ =	swait.ge [sflag:s19], $0x2800  }
0x90: {  	[sflag:s19] =	ssyncset.done $0x0  }
0x91: {  	[sflag:s19] =	ssyncadd.s32 $0xFFFFD800  }
0x92: {  	[spmem:s3] =	stream.indirect.scatter.add.f32 [tilespmem:s17], [sflag:$0x5], $0x20, s22, s12, $0xb8;
	[tilespmem:$0x1EC00] =	vst v63  }
0x93: {  	s10 =	sadd.s32 $0x1400, s10;
	p1 =	seq.s32 s7, $0x2F80;
	_ =	swait.ge [sflag:s11], $0x2800  }
0x94: {  	s7 =	sshrl.u32 @!p1 s10, $0x3;
	[sflag:s11] =	ssyncset.done $0x0  }
0x95: {  	s8 =	simm.s32 @!p1 $0x0;
	s7 =	sadd.s32 @!p1 s6, s7;
	[sflag:s11] =	ssyncadd.s32 $0xFFFFD800  }
0x96: {  	[tilespmem:s8], [sflag:$0x1] =	stream.linear.gather @!p1 [hbm4b:s7+s8], $0xA00, $0x38;
	[tilespmem:$0x1EC00] =	vst v63  }
0x97: {  	_ = 	snop  }
0x98: {  	[tilespmem:s17], [sflag:$0x4] =	stream.indirect.gather [hbm4b:s5+s12], $0x20, s23, s12, $0xb8;
	[tilespmem:$0x1EC00] =	vst v63  }
0x99: {  	_ =	swait.ge [sflag:s18], $0x2800  }
0x9a: {  	[sflag:s18] =	ssyncset.done $0x0  }
0x9b: {  	[sflag:s18] =	ssyncadd.s32 $0xFFFFD800  }
0x9c: {  	[spmem:s3] =	stream.indirect.scatter.add.f32 [tilespmem:s13], [sflag:$0x5], $0x20, s24, s12, $0xb8;
	[tilespmem:$0x1EC00] =	vst v63  }
0x9d: {  	_ =	swait.ge [sflag:s11], $0x2800  }
0x9e: {  	[sflag:s11] =	ssyncset.done $0x0  }
0x9f: {  	[sflag:s11] =	ssyncadd.s32 $0xFFFFD800  }
0xa0: {  	[tilespmem:s13], [sflag:$0x3] =	stream.indirect.gather [hbm4b:s5+s12], $0x20, s26, s12, $0xb8;
	[tilespmem:$0x1EC00] =	vst v63  }
0xa1: {  	_ =	swait.ge [sflag:s19], $0x2800  }
0xa2: {  	[sflag:s19] =	ssyncset.done $0x0  }
0xa3: {  	[sflag:s19] =	ssyncadd.s32 $0xFFFFD800  }
0xa4: {  	[spmem:s3] =	stream.indirect.scatter.add.f32 [tilespmem:s17], [sflag:$0x5], $0x20, s28, s12, $0xb8;
	[tilespmem:$0x1EC00] =	vst v63  }
0xa5: {  	_ =	swait.ge [sflag:s11], $0x2800  }
0xa6: {  	[sflag:s11] =	ssyncset.done $0x0  }
0xa7: {  	[sflag:s11] =	ssyncadd.s32 $0xFFFFD800  }
0xa8: {  	[tilespmem:s17], [sflag:$0x4] =	stream.indirect.gather [hbm4b:s5+s12], $0x20, s29, s12, $0xb8;
	[tilespmem:$0x1EC00] =	vst v63  }
0xa9: {  	_ =	swait.ge [sflag:s18], $0x2800  }
0xaa: {  	[sflag:s18] =	ssyncset.done $0x0  }
0xab: {  	[sflag:s18] =	ssyncadd.s32 $0xFFFFD800  }
0xac: {  	[spmem:s3] =	stream.indirect.scatter.add.f32 [tilespmem:s13], [sflag:$0x5], $0x20, s30, s12, $0xb8;
	[tilespmem:$0x1EC00] =	vst v63  }
0xad: {  	_ =	swait.ge [sflag:s11], $0x2800  }
0xae: {  	[sflag:s11] =	ssyncset.done $0x0  }
0xaf: {  	s7 =	simm.s32 @!p1 $0x1;
	[sflag:s11] =	ssyncadd.s32 $0xFFFFD800  }
0xb0: {  	s2 =	sadd.s32 $0x280, s2;
	_ =	swait.ge @!p1 [sflag:s7], $0xA00  }
0xb1: {  	p0 =	sne.s32 s2, $0x3200;
	[sflag:s7] =	ssyncset.done @!p1 $0x0  }
0xb2: {  	s9 =	simm.s32 @!p1 $0x1400;
	[sflag:s7] =	ssyncadd.s32 @!p1 $0xFFFFF600;
	s7 =	simm.s32 @!p1 $0x140  }
0xb3: {  	[tilespmem:s9], [sflag:$0x3] =	stream.indirect.gather @!p1 [hbm4b:s5+s7], $0x20, s8, s7, $0xb8;
	[tilespmem:$0x1EC00] =	vst v63  }
.Ltmp0:
0xb4: {  	_ =	swait.ge [sflag:s19], $0x2800;
	(pc) =	sbr.rel @p0 .LBB2_2-.Ltmp0, $4  }
0xb5: {  	[sflag:s19] =	ssyncset.done $0x0  }
0xb6: {  	[sflag:s19] =	ssyncadd.s32 $0xFFFFD800  }
0xb7: {  	[spmem:s3] =	stream.indirect.scatter.add.f32 [tilespmem:s17], [sflag:$0x5], $0x20, s31, s12, $0xb8;
	[tilespmem:$0x1EC00] =	vst v63  }
0xb8: {  	_ =	swait.ge [sflag:s11], $0x2800  }
0xb9: {  	[sflag:s11] =	ssyncset.done $0x0  }
0xba: {  	[sflag:s11] =	ssyncadd.s32 $0xFFFFD800  }
0xbb: {  	[bflag:$0x0] =	sbarrier.arrive $0xFFFF  }
0xbc: {  	s2 =	rddreg [dreg:$0xa]  }
0xbd: {  	[hbm:s2], [sflag:s14] =	dma.local [spmem:s25], $0x30E0  }
0xbe: {  	_ =	swait.ge [sflag:s11], $0x30E0  }
0xbf: {  	s0 =	sadd.s32 $0x1, s0;
	s10 =	rddreg [dreg:$0xb]  }
0xc0: {  	p0 =	sne.s32 s0, s10  }
.Ltmp1:
0xc1: {  	_ = 	snop;
	(pc) =	sbr.rel @p0 .LBB2_1-.Ltmp1, $3  }
0xc2: {  	_ =	sdelay $0x1  }
0xc3: {  	[sflag:s11] =	ssyncset.done $0x0  }
0xc4: {  	[sflag:s11] =	ssyncadd.s32 $0xFFFFCF20  }
0xc5: {  	_ =	sfence.sel $0x180000  }
0xc6: {  	[bflag:$0x0] =	sbarrier.arrive $0xFFFF  }
0xc7: {  	_ =	strace $0x90000050  }
0xc8: {  	s0 =	stileid.u32;
	[bflag:$0x2] =	sbarrier.arrive $0xFFFF  }
0xc9: {  	p0 =	sne.s32 s0, $0x0;
	s0 =	rddreg [dreg:$0x3]  }
0xca: {  	s0 =	sadd.s32 @!p0 $0x100000, s0  }
0xcb: {  	[sflag:s0] =	ssyncadd.tile.s32 @!p0 $0x1;
	_ =	shalt  }
.Lfunc_end2:
_tile_overlayer_lowered:
.L_overlay_start_2:
0xcc: {  	(tag) =	ssettag $0x2  }
0xcd: {  	s0 =	rddreg [dreg:$0x0];
	s2 =	stileid.u32  }
0xce: {  	s1 =	rddreg [dreg:$0x1];
	p0 =	sne.s32 s2, $0x0  }
0xcf: {  	s3 =	rddreg [dreg:$0x2];
	[bflag:$0x3] =	sbarrier.arrive $0xFFFF;
	s2 =	simm.s32 @!p0 $0x1C05  }
0xd0: {  	[timem:s3], [sflag:s2] =	dma.local @!p0 [hbm:s0], s1  }
0xd1: {  	s0 =	simm.s32 @!p0 $0x5  }
0xd2: {  	_ =	swait.ge @!p0 [sflag:s0], s1  }
0xd3: {  	s1 =	ssub.s32 @!p0 $0x0, s1;
	[sflag:s0] =	ssyncset.done @!p0 $0x0  }
0xd4: {  	[sflag:s0] =	ssyncadd.s32 @!p0 s1  }
0xd5: {  	[bflag:$0x3] =	sbarrier.arrive $0xFFFF  }
0xd6: {  	_ =	shalt  }

// kernel: kernel.24.cloned.1.call-start
scs
__scs_entry_jumppad:
0x0: {  	(pc) =	sbr.rel $0x88, $3  }
0x1: {  	(tag) =	ssettag $0x0;
	lr =	simm.s32 $0x1  }
0x2: {  	[smem:$0x3F8E] =	sst lr;
	_ =	strace $0xD0000000  }
0x3: {  	_ = 	snop  }
0x4: {  	_ = 	snop  }
0x5: {  	_ = 	snop  }
0x6: {  	_ = 	snop  }
0x7: {  	_ = 	snop  }
__scs_overlays_trampoline_lowered:
0x8: {  	[smem:$0x3F9D] =	sst s0  }
0x9: {  	[smem:$0x3F9E] =	sst s1  }
0xa: {  	[smem:$0x3F9F] =	sst s2  }
0xb: {  	[smem:$0x3FA0] =	sst s3  }
0xc: {  	[smem:$0x3FA1] =	sst s4  }
0xd: {  	[smem:$0x3FA2] =	sst s5  }
0xe: {  	[smem:$0x3FA3] =	sst s6  }
0xf: {  	[smem:$0x3FA4] =	sst s7  }
0x10: {  	[smem:$0x3FA5] =	sst s8  }
0x11: {  	[smem:$0x3FA6] =	sst s9;
	s0 =	simm.s32 @!p0 $0x0  }
0x12: {  	s1 =	sld [smem:$0x3F8C];
	s0 =	simm.s32 @p0 $0x1  }
0x13: {  	[smem:$0x3FA7] =	sst s0;
	s0 =	simm.s32 @!p1 $0x0  }
0x14: {  	s2 =	sld [smem:$0x3F8B];
	s0 =	simm.s32 @p1 $0x1  }
0x15: {  	[smem:$0x3FA8] =	sst s0;
	s0 =	simm.s32 @!p2 $0x0  }
0x16: {  	s3 =	sld [smem:$0x3FDB];
	s0 =	simm.s32 @p2 $0x1  }
0x17: {  	s4 =	simm.s32 $0x1BF5;
	[smem:$0x3FAA] =	sst s0  }
0x18: {  	s0 =	sld [smem:$0x3F8D];
	_ =	swait.ge [sflag:s4], $0x0  }
0x19: {  	s7 =	sld [smem:$0x3F8E]  }
0x1a: {  	s8 =	sadd.s32 $0xFFFFE003, lr  }
0x1b: {  	s9 =	sadd.s32 $0xFFFFFEF7, lr;
	s5 =	simm.s32 $0xFFFFFFFF;
	p2 =	slt.u32 s8, $0xFFFFF086  }
0x1c: {  	p1 =	slt.u32 s9, $0xF7A;
	s5 =	simm.s32 @!p2 $0x0  }
0x1d: {  	s5 =	simm.s32 @p1 $0x1;
	p0 =	seq.s32 s7, s2  }
0x1e: {  	s7 =	smul.u32 @!p0 $0xF7A, s2;
	p2 =	seq.s32 @!p0 s5, $0x0  }
0x1f: {  	s9 =	smul.u32 $0xF7A, s1;
	s8 =	simm.s32 @!p0 $0x1BF5;
	p2 =	por !p2, p0  }
0x20: {  	[sflag:s8] =	ssyncset.s32 @!p0 $0xFFFFF086;
	s6 =	sadd.s32 @!p0 s3, s7;
	s7 =	simm.s32 @!p0 $0x108  }
0x21: {  	s3 =	sadd.s32 s3, s9;
	s6 =	sadd.s32 @!p0 $0x88, s6;
	s7 =	simm.s32 @p2 $0x1082  }
0x22: {  	[simem:s7], [sflag:s8] =	dma.local @!p0 [hbm:s6], $0xF7A  }
0x23: {  	s9 =	sor.u32 $0xD0000000, s2;
	s6 =	simm.s32 $0x108;
	_ =	swait.ge @!p0 [sflag:s8], $0x0  }
0x24: {  	s3 =	sadd.s32 $0x88, s3;
	s6 =	simm.s32 @!p1 $0x1082;
	[sflag:s4] =	ssyncset.s32 $0xFFFFF086  }
0x25: {  	[simem:s6], [sflag:s4] =	dma.local [hbm:s3], $0xF7A  }
0x26: {  	[smem:$0x3F8E] =	sst s1;
	(tag) =	ssettag s2;
	_ =	strace s9  }
0x27: {  	s1 =	sld [smem:$0x3F9E]  }
0x28: {  	s2 =	sld [smem:$0x3F9F]  }
0x29: {  	s4 =	sld [smem:$0x3FA1]  }
0x2a: {  	p0 =	seq.s32 s5, $0x0;
	s5 =	sld [smem:$0x3FA2]  }
0x2b: {  	s6 =	sld [smem:$0x3FA3]  }
0x2c: {  	s7 =	sld [smem:$0x3FA4]  }
0x2d: {  	s3 =	simm.s32 $0x108;
	s8 =	sld [smem:$0x3FA5]  }
0x2e: {  	s3 =	simm.s32 @!p0 $0x1082;
	s9 =	sld [smem:$0x3FA6]  }
0x2f: {  	lr =	sadd.s32 s0, s3;
	s0 =	sld [smem:$0x3F9D]  }
0x30: {  	s3 =	sld [smem:$0x3FA0]  }
0x31: {  	[smem:$0x3FA9] =	sst s10  }
0x32: {  	s10 =	sld [smem:$0x3FA7];
	_ =	sdelay $0x3  }
0x33: {  	p0 =	seq.s32 s10, $0x1;
	s10 =	sld [smem:$0x3FA9];
	_ =	sdelay $0x3  }
0x34: {  	[smem:$0x3FA9] =	sst s10  }
0x35: {  	s10 =	sld [smem:$0x3FA8];
	_ =	sdelay $0x3  }
0x36: {  	p1 =	seq.s32 s10, $0x1;
	s10 =	sld [smem:$0x3FA9];
	_ =	sdelay $0x3  }
0x37: {  	[smem:$0x3FA9] =	sst s10  }
0x38: {  	s10 =	sld [smem:$0x3FAA]  }
0x39: {  	_ = 	snop;
	(pc) =	sbr.ind lr, $3  }
0x3a: {  	_ = 	snop  }
0x3b: {  	_ = 	snop  }
0x3c: {  	p2 =	seq.s32 s10, $0x1;
	s10 =	sld [smem:$0x3FA9]  }
0x3d: {  	_ =	shalt  }
0x3e: {  	_ =	shalt  }
0x3f: {  	_ =	shalt  }
0x40: {  	_ =	shalt  }
0x41: {  	_ =	shalt  }
0x42: {  	_ =	shalt  }
0x43: {  	_ =	shalt  }
0x44: {  	_ =	shalt  }
0x45: {  	_ =	shalt  }
0x46: {  	_ =	shalt  }
0x47: {  	_ =	shalt  }
0x48: {  	_ =	shalt  }
0x49: {  	_ =	shalt  }
0x4a: {  	_ =	shalt  }
0x4b: {  	_ =	shalt  }
0x4c: {  	_ =	shalt  }
0x4d: {  	_ =	shalt  }
0x4e: {  	_ =	shalt  }
0x4f: {  	_ =	shalt  }
0x50: {  	_ =	shalt  }
0x51: {  	_ =	shalt  }
0x52: {  	_ =	shalt  }
0x53: {  	_ =	shalt  }
0x54: {  	_ =	shalt  }
0x55: {  	_ =	shalt  }
0x56: {  	_ =	shalt  }
0x57: {  	_ =	shalt  }
0x58: {  	_ =	shalt  }
0x59: {  	_ =	shalt  }
0x5a: {  	_ =	shalt  }
0x5b: {  	_ =	shalt  }
0x5c: {  	_ =	shalt  }
0x5d: {  	_ =	shalt  }
0x5e: {  	_ =	shalt  }
0x5f: {  	_ =	shalt  }
0x60: {  	_ =	shalt  }
0x61: {  	_ =	shalt  }
0x62: {  	_ =	shalt  }
0x63: {  	_ =	shalt  }
0x64: {  	_ =	shalt  }
0x65: {  	_ =	shalt  }
0x66: {  	_ =	shalt  }
0x67: {  	_ =	shalt  }
0x68: {  	_ =	shalt  }
0x69: {  	_ =	shalt  }
0x6a: {  	_ =	shalt  }
0x6b: {  	_ =	shalt  }
0x6c: {  	_ =	shalt  }
0x6d: {  	_ =	shalt  }
0x6e: {  	_ =	shalt  }
0x6f: {  	_ =	shalt  }
0x70: {  	_ =	shalt  }
0x71: {  	_ =	shalt  }
0x72: {  	_ =	shalt  }
0x73: {  	_ =	shalt  }
0x74: {  	_ =	shalt  }
0x75: {  	_ =	shalt  }
0x76: {  	_ =	shalt  }
0x77: {  	_ =	shalt  }
0x78: {  	_ =	shalt  }
0x79: {  	_ =	shalt  }
0x7a: {  	_ =	shalt  }
0x7b: {  	_ =	shalt  }
0x7c: {  	_ =	shalt  }
0x7d: {  	_ =	shalt  }
0x7e: {  	_ =	shalt  }
0x7f: {  	_ =	shalt  }
0x80: {  	_ =	shalt  }
0x81: {  	_ =	shalt  }
0x82: {  	_ =	shalt  }
0x83: {  	_ =	shalt  }
0x84: {  	_ =	shalt  }
0x85: {  	_ =	shalt  }
0x86: {  	_ =	shalt  }
0x87: {  	_ =	shalt  }
.Lfunc_end0:
.L_simem_size_0:
called_computation.4_lowered:
.L_overlay_start_0:
0x88: {  	s2 =	sld [smem:$0x3FD9]  }
0x89: {  	s3 =	sld [smem:$0x3FFE];
	_ =	sdelay $0x1  }
0x8a: {  	s1 =	srdreg.scid  }
0x8b: {  	s0 =	sand.u32 $0x1, s1  }
0x8c: {  	s14 =	sshll.u32 s0, $0xA;
	s2 =	sadd.s32 s3, s2  }
0x8d: {  	s2 =	sadd.s32 s2, s14  }
0x8e: {  	[smem:$0x3FB5] =	sst s2  }
0x8f: {  	_ = 	snop  }
0x90: {  	s2 =	sld [smem:$0x3FD0];
	_ =	sdelay $0x2  }
0x91: {  	s15 =	simm.s32 $0xA;
	s4 =	simm.s32 $0x10  }
0x92: {  	[smem:s4], [sflag:s15] =	dma.local [hbm:s2], $0x1  }
0x93: {  	_ =	swait.eq [sflag:s15], $0x1  }
0x94: {  	[sflag:s15] =	ssyncset.done $0x0  }
0x95: {  	[sflag:s15] =	ssyncadd.s32 $0xFFFFFFFF  }
0x96: {  	s16 =	sld [smem:$0x10];
	(tm) =	ssettm $0x1  }
0x97: {  	s17 =	sld [smem:$0x3FFB];
	_ =	sdelay $0x3  }
0x98: {  	_ =	strace s17  }
0x99: {  	s3 =	sld [smem:$0x3FFC];
	_ =	sdelay $0x3  }
0x9a: {  	_ =	strace s3  }
0x9b: {  	s3 =	sld [smem:$0x3FFD];
	_ =	sdelay $0x3  }
0x9c: {  	_ =	strace s3  }
0x9d: {  	_ =	strace $0x8FFFFFFF  }
0x9e: {  	s18 =	sld [smem:$0x3FDB];
	_ =	sdelay $0x1  }
0x9f: {  	s19 =	simm.s32 $_scs_section_size  }
0xa0: {  	s5 =	simm.s32 $_size__tile_overlayer_lowered;
	s6 =	simm.s32 $_tile_overlayer_lowered  }
0xa1: {  	s22 =	simm.s32 $0x1BFF;
	s21 =	sshll.u32 s6, $0x1;
	s3 =	sadd.s32 s19, s18  }
0xa2: {  	s7 =	simm.s32 $0x0;
	s20 =	sshll.u32 s5, $0x1;
	s5 =	sadd.s32 s21, s3  }
0xa3: {  	[timem:s7], [sflag:s22] =	dma.local [hbm:s5], s20  }
0xa4: {  	_ =	swait.ge [sflag:s22], s20  }
0xa5: {  	s4 =	ssub.s32 $0x0, s20;
	[sflag:s22] =	ssyncset.done $0x0  }
0xa6: {  	[sflag:s22] =	ssyncadd.s32 s4;
	_ =	sdelay $0x1  }
0xa7: {  	s23 =	simm.s32 $0x1B8B  }
0xa8: {  	_ =	swait.ge [sflag:s23], $0x1  }
0xa9: {  	[sflag:s23] =	ssyncset.done $0x0  }
0xaa: {  	s25 =	simm.s32 $0x1B8E;
	s24 =	sld [smem:$0x3FFE];
	[sflag:s23] =	ssyncadd.s32 $0xFFFFFFFF  }
0xab: {  	s26 =	simm.s32 $execute0_lowered;
	[smem:$0x3FD2] =	sst s25  }
0xac: {  	s5 =	sshll.u32 s26, $0x1;
	_ =	strace $0x80000052;
	[dreg:$0x1] =	wrdreg $0xFFFFFFFF  }
0xad: {  	s28 =	simm.s32 $_size_execute0_lowered;
	s3 =	sadd.s32 s3, s5;
	[dreg:$0x0] =	wrdreg $0x0  }
0xae: {  	s5 =	sshll.u32 s28, $0x1;
	[dreg:$0x2] =	wrdreg s3  }
0xaf: {  	[dreg:$0x3] =	wrdreg s5  }
0xb0: {  	[dreg:$0x4] =	wrdreg $0xC0  }
0xb1: {  	_ =	task [dreg:s7], $0x5FFFF  }
0xb2: {  	[dreg:$0x1] =	wrdreg $0xFFFFFFFF  }
0xb3: {  	[dreg:$0x0] =	wrdreg $0x60  }
0xb4: {  	[dreg:$0x2] =	wrdreg s24  }
0xb5: {  	[dreg:$0x3] =	wrdreg s16  }
0xb6: {  	[dreg:$0x4] =	wrdreg $0x64000  }
0xb7: {  	[dreg:$0x5] =	wrdreg $0x9  }
0xb8: {  	_ =	task.clear_ibuf [dreg:s7], $0x6FFFF;
	_ =	strace $0x90000052  }
0xb9: {  	s29 =	simm.s32 $0x9;
	_ =	strace $0x80000054  }
0xba: {  	_ =	swait.ge [sflag:s29], $0x1  }
0xbb: {  	[sflag:s29] =	ssyncadd.s32 $0xFFFFFFFF  }
0xbc: {  	_ =	strace $0x90000054  }
0xbd: {  	_ =	sfence  }
0xbe: {  	s30 =	sld [smem:$0x0];
	_ =	sdelay $0x2  }
0xbf: {  	s31 =	sshll.u32 s1, $0xD;
	s1 =	sshrl.u32 s1, $0x2  }
0xc0: {  	s3 =	sand.u32 $0x4000, s31;
	s1 =	sadd.s32 s1, s30  }
0xc1: {  	s0 =	sor.u32 s3, s0;
	s1 =	sshll.u32 s1, $0x11  }
0xc2: {  	s0 =	sor.u32 s1, s0  }
0xc3: {  	s0 =	sadd.s32 $0x8F2B, s0  }
0xc4: {  	[sflag:s0] =	ssyncadd.remote.s32 $0x1  }
0xc5: {  	_ =	sfence.sel $0xFFFF  }
0xc6: {  	[dreg:$0x0] =	wrdreg $0xFFFFFFFF;
	(pc) =	sbr.abs _section_cstart, $3  }
0xc7: {  	[dreg:$0x1] =	wrdreg $0xFFFFFFFF  }
0xc8: {  	_ =	task.clear_ibuf [dreg:s7], $0x2FFFF;
	_ =	strace $0x9FFFFFFF  }
0xc9: {  	(tm) =	ssettm $0x7FFFFFFF  }
tec
execute0_lowered:
.L_overlay_start_1:
0x0: {  	(tag) =	ssettag $0x1  }
0x1: {  	s0 =	rddreg [dreg:$0x0]  }
0x2: {  	s3 =	rddreg [dreg:$0x2];
	s4 =	simm.s32 $0x0  }
0x3: {  	s13 =	stileid.u32;
	s1 =	srdreg.scid;
	s12 =	simm.s32 $0x140  }
0x4: {  	s23 =	simm.s32 $0x280;
	s16 =	simm.s32 $0xA00;
	s17 =	simm.s32 $0x3C00  }
0x5: {  	s18 =	simm.s32 $0x3;
	s20 =	simm.s32 $0x640;
	s28 =	simm.s32 $0xDC0  }
0x6: {  	s29 =	simm.s32 $0x1180;
	s30 =	simm.s32 $0x1040;
	s31 =	simm.s32 $0x12C0  }
0x7: {  	[smem:$0x7FF] =	sst s4;
	s2 =	smul.u32 $0xC38, s13;
	s5 =	sadd.s32 $0x21FC00, s0  }
0x8: {  	s1 =	sand.u32 $0x1, s1;
	s6 =	sadd.s32 $0x35200, s0;
	s9 =	smul.u32 $0x19000, s13  }
0x9: {  	s11 =	smul.u32 $0x62000, s13;
	s22 =	sshll.u32 s13, $0x6;
	s13 =	simm.s32 $0x1400  }
0xa: {  	s19 =	simm.s32 $0x4;
	_ =	strace $0x80000053;
	s7 =	smul.u32 $0x186A00, s1  }
0xb: {  	s8 =	smul.u32 $0x190000, s1;
	s1 =	ssub.s32 $0x2, s1;
	s14 =	sor.u32 $0x1C05, s22  }
0xc: {  	[dreg:$0x5] =	wrdreg s23;
	s22 =	simm.s32 $0x8C0;
	s23 =	simm.s32 $0xC80  }
0xd: {  	s2 =	smin.u32 s2, $0xB718;
	s10 =	sshrl.u32 s1, $0x1;
	s25 =	sshrl.u32 s11, $0x2  }
0xe: {  	s11 =	simm.s32 $0x5;
	s2 =	sshll.u32 s2, $0x5;
	s1 =	ssub.s32 s1, s10  }
0xf: {  	s24 =	sadd.s32 s9, s8;
	s15 =	sadd.s32 s25, s3;
	s25 =	simm.s32 $0x3C0  }
0x10: {  	s7 =	sadd.s32 s7, s2;
	s8 =	sshrl.u32 s24, $0x3;
	s26 =	sor.u32 $0xA00, s24  }
0x11: {  	s10 =	sadd.s32 s2, s3;
	s1 =	smax.u32 s1, $0x1;
	s15 =	sshrl.u32 s15, $0x3  }
0x12: {  	[dreg:$0x7] =	wrdreg s25;
	s7 =	sshrl.u32 s7, $0x3;
	s8 =	sadd.s32 s6, s8  }
0x13: {  	[dreg:$0xb] =	wrdreg s1;
	s1 =	sadd.s32 $0x1400, s24;
	s24 =	simm.s32 $0x500  }
0x14: {  	s25 =	sshrl.u32 s10, $0x3;
	s0 =	sadd.s32 s7, s0;
	[dreg:$0x9] =	wrdreg s8  }
0x15: {  	s8 =	sshrl.u32 s26, $0x3;
	[dreg:$0x6] =	wrdreg s24;
	s26 =	simm.s32 $0x780  }
0x16: {  	s24 =	simm.s32 $0xB40;
	s0 =	sadd.s32 $0x281800, s0;
	[dreg:$0x8] =	wrdreg s26  }
0x17: {  	s21 =	sadd.s32 s8, s6;
	s26 =	simm.s32 $0xF00;
	[dreg:$0xa] =	wrdreg s0  }
0x18: {  	[dreg:$0x4] =	wrdreg s21;
	s21 =	simm.s32 $0x2;
	s0 =	simm.s32 $0x0  }
.LBB2_1:
0x19: {  	s2 =	rddreg [dreg:$0x9]  }
0x1a: {  	[tilespmem:s4], [sflag:$0x5] =	stream.linear.gather [hbm4b:s2+s4], $0xA00, $0x38;
	[tilespmem:$0x1EC00] =	vst v63  }
0x1b: {  	_ =	swait.ge [sflag:s11], $0xA00  }
0x1c: {  	[sflag:s11] =	ssyncset.done $0x0  }
0x1d: {  	[sflag:s11] =	ssyncadd.s32 $0xFFFFF600  }
0x1e: {  	[tilespmem:s13], [sflag:$0x3] =	stream.indirect.gather [hbm4b:s5+s12], $0x20, s4, s12, $0xb8;
	[tilespmem:$0x1EC00] =	vst v63  }
0x1f: {  	s10 =	rddreg [dreg:$0x1]  }
0x20: {  	[spmem:s15], [sflag:s14] =	dma.local [hbm:s10], $0x3100  }
0x21: {  	_ =	swait.ge [sflag:s11], $0x3100  }
0x22: {  	[sflag:s11] =	ssyncset.done $0x0  }
0x23: {  	[sflag:s11] =	ssyncadd.s32 $0xFFFFCF00  }
0x24: {  	[bflag:$0x0] =	sbarrier.arrive $0xFFFF  }
0x25: {  	s7 =	rddreg [dreg:$0x4]  }
0x26: {  	s2 =	sadd.s32 $0x0, s7  }
0x27: {  	[tilespmem:s16], [sflag:$0x2] =	stream.linear.gather [hbm4b:s2+s4], $0xA00, $0x38;
	[tilespmem:$0x1EC00] =	vst v63  }
0x28: {  	s7 =	rddreg [dreg:$0x5]  }
0x29: {  	[tilespmem:s17], [sflag:$0x4] =	stream.indirect.gather [hbm4b:s5+s12], $0x20, s7, s12, $0xb8;
	[tilespmem:$0x1EC00] =	vst v63  }
0x2a: {  	_ =	swait.ge [sflag:s18], $0x2800  }
0x2b: {  	[sflag:s18] =	ssyncset.done $0x0  }
0x2c: {  	[sflag:s18] =	ssyncadd.s32 $0xFFFFD800  }
0x2d: {  	[spmem:s3] =	stream.indirect.scatter.add.f32 [tilespmem:s13], [sflag:$0x5], $0x20, s12, s12, $0xb8;
	[tilespmem:$0x1EC00] =	vst v63  }
0x2e: {  	_ =	swait.ge [sflag:s11], $0x2800  }
0x2f: {  	[sflag:s11] =	ssyncset.done $0x0  }
0x30: {  	s8 =	rddreg [dreg:$0x6];
	[sflag:s11] =	ssyncadd.s32 $0xFFFFD800  }
0x31: {  	[tilespmem:s13], [sflag:$0x3] =	stream.indirect.gather [hbm4b:s5+s12], $0x20, s8, s12, $0xb8;
	[tilespmem:$0x1EC00] =	vst v63  }
0x32: {  	_ =	swait.ge [sflag:s19], $0x2800  }
0x33: {  	[sflag:s19] =	ssyncset.done $0x0  }
0x34: {  	s9 =	rddreg [dreg:$0x7];
	[sflag:s19] =	ssyncadd.s32 $0xFFFFD800  }
0x35: {  	[spmem:s3] =	stream.indirect.scatter.add.f32 [tilespmem:s17], [sflag:$0x5], $0x20, s9, s12, $0xb8;
	[tilespmem:$0x1EC00] =	vst v63  }
0x36: {  	_ =	swait.ge [sflag:s11], $0x2800  }
0x37: {  	[sflag:s11] =	ssyncset.done $0x0  }
0x38: {  	s10 =	rddreg [dreg:$0x8];
	[sflag:s11] =	ssyncadd.s32 $0xFFFFD800  }
0x39: {  	[tilespmem:s17], [sflag:$0x4] =	stream.indirect.gather [hbm4b:s5+s12], $0x20, s10, s12, $0xb8;
	[tilespmem:$0x1EC00] =	vst v63  }
0x3a: {  	_ =	swait.ge [sflag:s18], $0x2800  }
0x3b: {  	[sflag:s18] =	ssyncset.done $0x0  }
0x3c: {  	[sflag:s18] =	ssyncadd.s32 $0xFFFFD800  }
0x3d: {  	[spmem:s3] =	stream.indirect.scatter.add.f32 [tilespmem:s13], [sflag:$0x5], $0x20, s20, s12, $0xb8;
	[tilespmem:$0x1EC00] =	vst v63  }
0x3e: {  	_ =	swait.ge [sflag:s11], $0x2800  }
0x3f: {  	[sflag:s11] =	ssyncset.done $0x0  }
0x40: {  	[sflag:s11] =	ssyncadd.s32 $0xFFFFD800  }
0x41: {  	_ =	swait.ge [sflag:s21], $0xA00  }
0x42: {  	[sflag:s21] =	ssyncset.done $0x0  }
0x43: {  	[sflag:s21] =	ssyncadd.s32 $0xFFFFF600  }
0x44: {  	[tilespmem:s13], [sflag:$0x3] =	stream.indirect.gather [hbm4b:s5+s12], $0x20, s16, s12, $0xb8;
	[tilespmem:$0x1EC00] =	vst v63  }
0x45: {  	_ =	swait.ge [sflag:s19], $0x2800  }
0x46: {  	[sflag:s19] =	ssyncset.done $0x0  }
0x47: {  	[sflag:s19] =	ssyncadd.s32 $0xFFFFD800  }
0x48: {  	[spmem:s3] =	stream.indirect.scatter.add.f32 [tilespmem:s17], [sflag:$0x5], $0x20, s22, s12, $0xb8;
	[tilespmem:$0x1EC00] =	vst v63  }
0x49: {  	p0 =	por $0x0, $0x0;
	_ =	swait.ge [sflag:s11], $0x2800  }
0x4a: {  	s2 =	sshrl.u32 @!p0 s1, $0x3;
	[sflag:s11] =	ssyncset.done $0x0  }
0x4b: {  	s2 =	sadd.s32 @!p0 s6, s2;
	s7 =	simm.s32 @!p0 $0x0;
	[sflag:s11] =	ssyncadd.s32 $0xFFFFD800  }
0x4c: {  	[tilespmem:s7], [sflag:$0x1] =	stream.linear.gather @!p0 [hbm4b:s2+s7], $0xA00, $0x38;
	[tilespmem:$0x1EC00] =	vst v63  }
0x4d: {  	_ = 	snop  }
0x4e: {  	[tilespmem:s17], [sflag:$0x4] =	stream.indirect.gather [hbm4b:s5+s12], $0x20, s23, s12, $0xb8;
	[tilespmem:$0x1EC00] =	vst v63  }
0x4f: {  	_ =	swait.ge [sflag:s18], $0x2800  }
0x50: {  	[sflag:s18] =	ssyncset.done $0x0  }
0x51: {  	[sflag:s18] =	ssyncadd.s32 $0xFFFFD800  }
0x52: {  	[spmem:s3] =	stream.indirect.scatter.add.f32 [tilespmem:s13], [sflag:$0x5], $0x20, s24, s12, $0xb8;
	[tilespmem:$0x1EC00] =	vst v63  }
0x53: {  	_ =	swait.ge [sflag:s11], $0x2800  }
0x54: {  	[sflag:s11] =	ssyncset.done $0x0  }
0x55: {  	[sflag:s11] =	ssyncadd.s32 $0xFFFFD800  }
0x56: {  	[tilespmem:s13], [sflag:$0x3] =	stream.indirect.gather [hbm4b:s5+s12], $0x20, s26, s12, $0xb8;
	[tilespmem:$0x1EC00] =	vst v63  }
0x57: {  	_ =	swait.ge [sflag:s19], $0x2800  }
0x58: {  	[sflag:s19] =	ssyncset.done $0x0  }
0x59: {  	[sflag:s19] =	ssyncadd.s32 $0xFFFFD800  }
0x5a: {  	[spmem:s3] =	stream.indirect.scatter.add.f32 [tilespmem:s17], [sflag:$0x5], $0x20, s28, s12, $0xb8;
	[tilespmem:$0x1EC00] =	vst v63  }
0x5b: {  	_ =	swait.ge [sflag:s11], $0x2800  }
0x5c: {  	[sflag:s11] =	ssyncset.done $0x0  }
0x5d: {  	[sflag:s11] =	ssyncadd.s32 $0xFFFFD800  }
0x5e: {  	[tilespmem:s17], [sflag:$0x4] =	stream.indirect.gather [hbm4b:s5+s12], $0x20, s29, s12, $0xb8;
	[tilespmem:$0x1EC00] =	vst v63  }
0x5f: {  	_ =	swait.ge [sflag:s18], $0x2800  }
0x60: {  	[sflag:s18] =	ssyncset.done $0x0  }
0x61: {  	[sflag:s18] =	ssyncadd.s32 $0xFFFFD800  }
0x62: {  	[spmem:s3] =	stream.indirect.scatter.add.f32 [tilespmem:s13], [sflag:$0x5], $0x20, s30, s12, $0xb8;
	[tilespmem:$0x1EC00] =	vst v63  }
0x63: {  	_ =	swait.ge [sflag:s11], $0x2800  }
0x64: {  	[sflag:s11] =	ssyncset.done $0x0  }
0x65: {  	s2 =	simm.s32 @!p0 $0x1;
	[sflag:s11] =	ssyncadd.s32 $0xFFFFD800  }
0x66: {  	_ =	swait.ge @!p0 [sflag:s2], $0xA00  }
0x67: {  	[sflag:s2] =	ssyncset.done @!p0 $0x0  }
0x68: {  	s10 =	simm.s32 @!p0 $0x1400;
	[sflag:s2] =	ssyncadd.s32 @!p0 $0xFFFFF600;
	s2 =	simm.s32 @!p0 $0x140  }
0x69: {  	[tilespmem:s10], [sflag:$0x3] =	stream.indirect.gather @!p0 [hbm4b:s5+s2], $0x20, s7, s2, $0xb8;
	[tilespmem:$0x1EC00] =	vst v63  }
0x6a: {  	_ =	swait.ge [sflag:s19], $0x2800  }
0x6b: {  	[sflag:s19] =	ssyncset.done $0x0  }
0x6c: {  	[sflag:s19] =	ssyncadd.s32 $0xFFFFD800  }
0x6d: {  	[spmem:s3] =	stream.indirect.scatter.add.f32 [tilespmem:s17], [sflag:$0x5], $0x20, s31, s12, $0xb8;
	[tilespmem:$0x1EC00] =	vst v63  }
0x6e: {  	s2 =	simm.s32 $0x280;
	s10 =	smov.u32 s1;
	_ =	swait.ge [sflag:s11], $0x2800  }
.LBB2_2:
0x6f: {  	s8 =	rddreg [dreg:$0x4];
	s7 =	smov.u32 s2;
	[sflag:s11] =	ssyncset.done $0x0  }
0x70: {  	s8 =	sadd.s32 s7, s8;
	[sflag:s11] =	ssyncadd.s32 $0xFFFFD800  }
0x71: {  	[tilespmem:s16], [sflag:$0x2] =	stream.linear.gather [hbm4b:s8+s4], $0xA00, $0x38;
	[tilespmem:$0x1EC00] =	vst v63  }
0x72: {  	s9 =	rddreg [dreg:$0x5]  }
0x73: {  	[tilespmem:s17], [sflag:$0x4] =	stream.indirect.gather [hbm4b:s5+s12], $0x20, s9, s12, $0xb8;
	[tilespmem:$0x1EC00] =	vst v63  }
0x74: {  	_ =	swait.ge [sflag:s18], $0x2800  }
0x75: {  	[sflag:s18] =	ssyncset.done $0x0  }
0x76: {  	[sflag:s18] =	ssyncadd.s32 $0xFFFFD800  }
0x77: {  	[spmem:s3] =	stream.indirect.scatter.add.f32 [tilespmem:s13], [sflag:$0x5], $0x20, s12, s12, $0xb8;
	[tilespmem:$0x1EC00] =	vst v63  }
0x78: {  	_ =	swait.ge [sflag:s11], $0x2800  }
0x79: {  	[sflag:s11] =	ssyncset.done $0x0  }
0x7a: {  	s9 =	rddreg [dreg:$0x6];
	[sflag:s11] =	ssyncadd.s32 $0xFFFFD800  }
0x7b: {  	[tilespmem:s13], [sflag:$0x3] =	stream.indirect.gather [hbm4b:s5+s12], $0x20, s9, s12, $0xb8;
	[tilespmem:$0x1EC00] =	vst v63  }
0x7c: {  	_ =	swait.ge [sflag:s19], $0x2800  }
0x7d: {  	[sflag:s19] =	ssyncset.done $0x0  }
0x7e: {  	s9 =	rddreg [dreg:$0x7];
	[sflag:s19] =	ssyncadd.s32 $0xFFFFD800  }
0x7f: {  	[spmem:s3] =	stream.indirect.scatter.add.f32 [tilespmem:s17], [sflag:$0x5], $0x20, s9, s12, $0xb8;
	[tilespmem:$0x1EC00] =	vst v63  }
0x80: {  	_ =	swait.ge [sflag:s11], $0x2800  }
0x81: {  	[sflag:s11] =	ssyncset.done $0x0  }
0x82: {  	s9 =	rddreg [dreg:$0x8];
	[sflag:s11] =	ssyncadd.s32 $0xFFFFD800  }
0x83: {  	[tilespmem:s17], [sflag:$0x4] =	stream.indirect.gather [hbm4b:s5+s12], $0x20, s9, s12, $0xb8;
	[tilespmem:$0x1EC00] =	vst v63  }
0x84: {  	_ =	swait.ge [sflag:s18], $0x2800  }
0x85: {  	[sflag:s18] =	ssyncset.done $0x0  }
0x86: {  	[sflag:s18] =	ssyncadd.s32 $0xFFFFD800  }
0x87: {  	[spmem:s3] =	stream.indirect.scatter.add.f32 [tilespmem:s13], [sflag:$0x5], $0x20, s20, s12, $0xb8;
	[tilespmem:$0x1EC00] =	vst v63  }
0x88: {  	_ =	swait.ge [sflag:s11], $0x2800  }
0x89: {  	[sflag:s11] =	ssyncset.done $0x0  }
0x8a: {  	[sflag:s11] =	ssyncadd.s32 $0xFFFFD800  }
0x8b: {  	_ =	swait.ge [sflag:s21], $0xA00  }
0x8c: {  	[sflag:s21] =	ssyncset.done $0x0  }
0x8d: {  	[sflag:s21] =	ssyncadd.s32 $0xFFFFF600  }
0x8e: {  	[tilespmem:s13], [sflag:$0x3] =	stream.indirect.gather [hbm4b:s5+s12], $0x20, s16, s12, $0xb8;
	[tilespmem:$0x1EC00] =	vst v63  }
0x8f: {  	_ =	swait.ge [sflag:s19], $0x2800  }
0x90: {  	[sflag:s19] =	ssyncset.done $0x0  }
0x91: {  	[sflag:s19] =	ssyncadd.s32 $0xFFFFD800  }
0x92: {  	[spmem:s3] =	stream.indirect.scatter.add.f32 [tilespmem:s17], [sflag:$0x5], $0x20, s22, s12, $0xb8;
	[tilespmem:$0x1EC00] =	vst v63  }
0x93: {  	s10 =	sadd.s32 $0x1400, s10;
	p1 =	seq.s32 s7, $0x2F80;
	_ =	swait.ge [sflag:s11], $0x2800  }
0x94: {  	s7 =	sshrl.u32 @!p1 s10, $0x3;
	[sflag:s11] =	ssyncset.done $0x0  }
0x95: {  	s8 =	simm.s32 @!p1 $0x0;
	s7 =	sadd.s32 @!p1 s6, s7;
	[sflag:s11] =	ssyncadd.s32 $0xFFFFD800  }
0x96: {  	[tilespmem:s8], [sflag:$0x1] =	stream.linear.gather @!p1 [hbm4b:s7+s8], $0xA00, $0x38;
	[tilespmem:$0x1EC00] =	vst v63  }
0x97: {  	_ = 	snop  }
0x98: {  	[tilespmem:s17], [sflag:$0x4] =	stream.indirect.gather [hbm4b:s5+s12], $0x20, s23, s12, $0xb8;
	[tilespmem:$0x1EC00] =	vst v63  }
0x99: {  	_ =	swait.ge [sflag:s18], $0x2800  }
0x9a: {  	[sflag:s18] =	ssyncset.done $0x0  }
0x9b: {  	[sflag:s18] =	ssyncadd.s32 $0xFFFFD800  }
0x9c: {  	[spmem:s3] =	stream.indirect.scatter.add.f32 [tilespmem:s13], [sflag:$0x5], $0x20, s24, s12, $0xb8;
	[tilespmem:$0x1EC00] =	vst v63  }
0x9d: {  	_ =	swait.ge [sflag:s11], $0x2800  }
0x9e: {  	[sflag:s11] =	ssyncset.done $0x0  }
0x9f: {  	[sflag:s11] =	ssyncadd.s32 $0xFFFFD800  }
0xa0: {  	[tilespmem:s13], [sflag:$0x3] =	stream.indirect.gather [hbm4b:s5+s12], $0x20, s26, s12, $0xb8;
	[tilespmem:$0x1EC00] =	vst v63  }
0xa1: {  	_ =	swait.ge [sflag:s19], $0x2800  }
0xa2: {  	[sflag:s19] =	ssyncset.done $0x0  }
0xa3: {  	[sflag:s19] =	ssyncadd.s32 $0xFFFFD800  }
0xa4: {  	[spmem:s3] =	stream.indirect.scatter.add.f32 [tilespmem:s17], [sflag:$0x5], $0x20, s28, s12, $0xb8;
	[tilespmem:$0x1EC00] =	vst v63  }
0xa5: {  	_ =	swait.ge [sflag:s11], $0x2800  }
0xa6: {  	[sflag:s11] =	ssyncset.done $0x0  }
0xa7: {  	[sflag:s11] =	ssyncadd.s32 $0xFFFFD800  }
0xa8: {  	[tilespmem:s17], [sflag:$0x4] =	stream.indirect.gather [hbm4b:s5+s12], $0x20, s29, s12, $0xb8;
	[tilespmem:$0x1EC00] =	vst v63  }
0xa9: {  	_ =	swait.ge [sflag:s18], $0x2800  }
0xaa: {  	[sflag:s18] =	ssyncset.done $0x0  }
0xab: {  	[sflag:s18] =	ssyncadd.s32 $0xFFFFD800  }
0xac: {  	[spmem:s3] =	stream.indirect.scatter.add.f32 [tilespmem:s13], [sflag:$0x5], $0x20, s30, s12, $0xb8;
	[tilespmem:$0x1EC00] =	vst v63  }
0xad: {  	_ =	swait.ge [sflag:s11], $0x2800  }
0xae: {  	[sflag:s11] =	ssyncset.done $0x0  }
0xaf: {  	s7 =	simm.s32 @!p1 $0x1;
	[sflag:s11] =	ssyncadd.s32 $0xFFFFD800  }
0xb0: {  	s2 =	sadd.s32 $0x280, s2;
	_ =	swait.ge @!p1 [sflag:s7], $0xA00  }
0xb1: {  	p0 =	sne.s32 s2, $0x3200;
	[sflag:s7] =	ssyncset.done @!p1 $0x0  }
0xb2: {  	s9 =	simm.s32 @!p1 $0x1400;
	[sflag:s7] =	ssyncadd.s32 @!p1 $0xFFFFF600;
	s7 =	simm.s32 @!p1 $0x140  }
0xb3: {  	[tilespmem:s9], [sflag:$0x3] =	stream.indirect.gather @!p1 [hbm4b:s5+s7], $0x20, s8, s7, $0xb8;
	[tilespmem:$0x1EC00] =	vst v63  }
.Ltmp0:
0xb4: {  	_ =	swait.ge [sflag:s19], $0x2800;
	(pc) =	sbr.rel @p0 .LBB2_2-.Ltmp0, $4  }
0xb5: {  	[sflag:s19] =	ssyncset.done $0x0  }
0xb6: {  	[sflag:s19] =	ssyncadd.s32 $0xFFFFD800  }
0xb7: {  	[spmem:s3] =	stream.indirect.scatter.add.f32 [tilespmem:s17], [sflag:$0x5], $0x20, s31, s12, $0xb8;
	[tilespmem:$0x1EC00] =	vst v63  }
0xb8: {  	_ =	swait.ge [sflag:s11], $0x2800  }
0xb9: {  	[sflag:s11] =	ssyncset.done $0x0  }
0xba: {  	[sflag:s11] =	ssyncadd.s32 $0xFFFFD800  }
0xbb: {  	[bflag:$0x0] =	sbarrier.arrive $0xFFFF  }
0xbc: {  	s2 =	rddreg [dreg:$0xa]  }
0xbd: {  	[hbm:s2], [sflag:s14] =	dma.local [spmem:s25], $0x30E0  }
0xbe: {  	_ =	swait.ge [sflag:s11], $0x30E0  }
0xbf: {  	s0 =	sadd.s32 $0x1, s0;
	s10 =	rddreg [dreg:$0xb]  }
0xc0: {  	p0 =	sne.s32 s0, s10  }
.Ltmp1:
0xc1: {  	_ = 	snop;
	(pc) =	sbr.rel @p0 .LBB2_1-.Ltmp1, $3  }
0xc2: {  	_ =	sdelay $0x1  }
0xc3: {  	[sflag:s11] =	ssyncset.done $0x0  }
0xc4: {  	[sflag:s11] =	ssyncadd.s32 $0xFFFFCF20  }
0xc5: {  	_ =	sfence.sel $0x180000  }
0xc6: {  	[bflag:$0x0] =	sbarrier.arrive $0xFFFF  }
0xc7: {  	_ =	strace $0x90000053  }
0xc8: {  	s0 =	stileid.u32;
	[bflag:$0x2] =	sbarrier.arrive $0xFFFF  }
0xc9: {  	p0 =	sne.s32 s0, $0x0;
	s0 =	rddreg [dreg:$0x3]  }
0xca: {  	s0 =	sadd.s32 @!p0 $0x100000, s0  }
0xcb: {  	[sflag:s0] =	ssyncadd.tile.s32 @!p0 $0x1;
	_ =	shalt  }
.Lfunc_end2:
_tile_overlayer_lowered:
.L_overlay_start_2:
0xcc: {  	(tag) =	ssettag $0x2  }
0xcd: {  	s0 =	rddreg [dreg:$0x0];
	s2 =	stileid.u32  }
0xce: {  	s1 =	rddreg [dreg:$0x1];
	p0 =	sne.s32 s2, $0x0  }
0xcf: {  	s3 =	rddreg [dreg:$0x2];
	[bflag:$0x3] =	sbarrier.arrive $0xFFFF;
	s2 =	simm.s32 @!p0 $0x1C05  }
0xd0: {  	[timem:s3], [sflag:s2] =	dma.local @!p0 [hbm:s0], s1  }
0xd1: {  	s0 =	simm.s32 @!p0 $0x5  }
0xd2: {  	_ =	swait.ge @!p0 [sflag:s0], s1  }
0xd3: {  	s1 =	ssub.s32 @!p0 $0x0, s1;
	[sflag:s0] =	ssyncset.done @!p0 $0x0  }
0xd4: {  	[sflag:s0] =	ssyncadd.s32 @!p0 s1  }
0xd5: {  	[bflag:$0x3] =	sbarrier.arrive $0xFFFF  }
0xd6: {  	_ =	shalt  }

</sc_bundles>
